<compile_context>
chip_gen: v7x
topology: tpu7x:2x2x1
jax: 0.10.2.dev20260603
libtpu: 0.0.44.dev20260713+nightly
codegen_flags: <defaults>
</compile_context>

<pallas_src>
import functools

import jax
import jax.numpy as jnp
from jax import lax
from jax.experimental import pallas as pl
from jax.experimental.pallas import tpu as pltpu
from jax.experimental.pallas import tpu_sc as plsc

B = 64
D = 128
N = 10000
E = 320000
NC = 2
NS = 16
NW = NC * NS
NBUF = 3

SUB = 128
NSUB = 2
CHUNK = SUB * NSUB
N_ECHUNKS = 39
E_PER_W = CHUNK * N_ECHUNKS
EREM_BASE = NW * E_PER_W
EREM_BLOCKS = (E - EREM_BASE) // SUB
N_NBLOCKS = N // SUB
NREM_BASE = N_NBLOCKS * SUB
NREM = N - NREM_BASE


def _histo_update(cnt_ref, seg_vec):
    r, m = plsc.scan_count(seg_vec)
    plsc.addupdate_scatter(cnt_ref, [seg_vec], r.astype(jnp.float32), mask=m)


def _sc_body(ei_hbm, x_hbm, batch_hbm, eattr_hbm,
             nacc_out, ncnt_out, eacc_out, ecnt_out,
             batch_v, ei_v0, ei_v1, ei_v2, attr_v0, attr_v1, attr_v2,
             xstage_v, sg00, sg01, sg10, sg11, sg20, sg21, nrem_v,
             ncnt_v, ecnt_v, nacc_s, eacc_s,
             gsem0, gsem1, gsem2, ssem0, ssem1, ssem2,
             eisem0, eisem1, eisem2):
    c = lax.axis_index("c")
    s = lax.axis_index("s")
    w = s * NC + c

    ei_v = (ei_v0, ei_v1, ei_v2)
    attr_v = (attr_v0, attr_v1, attr_v2)
    seg_v = ((sg00, sg01), (sg10, sg11), (sg20, sg21))
    nseg_v = (sg00, sg01, sg10)
    nstage = (attr_v1.at[pl.ds(0, SUB)], attr_v1.at[pl.ds(SUB, SUB)],
              attr_v2.at[pl.ds(0, SUB)])
    gsem = (gsem0, gsem1, gsem2)
    ssem = (ssem0, ssem1, ssem2)
    eisem = (eisem0, eisem1, eisem2)
    ebase = w * E_PER_W
    RPT = B // NS

    def start_gather(k, b):
        cb = ebase + k * CHUNK
        pltpu.async_copy(ei_hbm.at[pl.ds(E + cb, CHUNK)], ei_v[b], eisem[b])
        pltpu.async_copy(eattr_hbm.at[pl.ds(cb, CHUNK)], attr_v[b], gsem[b])

    def wait_gather_ei(k, b):
        cb = ebase + k * CHUNK
        pltpu.make_async_copy(ei_hbm.at[pl.ds(E + cb, CHUNK)], ei_v[b],
                              eisem[b]).wait()

    def wait_gather_attr(k, b):
        cb = ebase + k * CHUNK
        pltpu.make_async_copy(eattr_hbm.at[pl.ds(cb, CHUNK)], attr_v[b],
                              gsem[b]).wait()

    start_gather(0, 0)

    NB_IT = (N_NBLOCKS + NW - 1) // NW

    for it in range(NB_IT):
        @pl.when(w + it * NW < N_NBLOCKS)
        def _(it=it):
            base = (w + it * NW) * SUB
            pltpu.async_copy(batch_hbm.at[pl.ds(base, SUB)], nseg_v[it],
                             gsem1)
            pltpu.async_copy(x_hbm.at[pl.ds(base, SUB)], nstage[it], gsem1)

    @pl.when(w == NW - 1)
    def _():
        pltpu.async_copy(batch_hbm.at[pl.ds(NREM_BASE, NREM)], nrem_v, gsem1)
        pltpu.async_copy(x_hbm.at[pl.ds(NREM_BASE, NREM)],
                         xstage_v.at[pl.ds(0, NREM)], gsem1)

    zero16 = jnp.zeros((16,), jnp.float32)
    for t in range(B // 16):
        ncnt_v[pl.ds(t * 16, 16)] = zero16
        ecnt_v[pl.ds(t * 16, 16)] = zero16
    zstage = xstage_v.at[pl.ds(NREM, RPT)]
    for i in range(RPT):
        for j in range(D // 16):
            xstage_v[NREM + i, pl.ds(j * 16, 16)] = zero16

    pltpu.sync_copy(batch_hbm, batch_v)

    pltpu.sync_copy(zstage, nacc_s.at[pl.ds(s * RPT, RPT)])
    pltpu.sync_copy(zstage, eacc_s.at[pl.ds(s * RPT, RPT)])

    plsc.subcore_barrier()

    for it in range(NB_IT):
        @pl.when(w + it * NW < N_NBLOCKS)
        def _(it=it):
            base = (w + it * NW) * SUB
            pltpu.make_async_copy(batch_hbm.at[pl.ds(base, SUB)], nseg_v[it],
                                  gsem1).wait()
            pltpu.make_async_copy(x_hbm.at[pl.ds(base, SUB)], nstage[it],
                                  gsem1).wait()
            pltpu.async_copy(nstage[it], nacc_s.at[nseg_v[it]], ssem0,
                             add=True)
            for t in range(SUB // 16):
                _histo_update(ncnt_v, nseg_v[it][pl.ds(t * 16, 16)])

    @pl.when(w == NW - 1)
    def _():
        pltpu.make_async_copy(batch_hbm.at[pl.ds(NREM_BASE, NREM)], nrem_v,
                              gsem1).wait()
        pltpu.make_async_copy(x_hbm.at[pl.ds(NREM_BASE, NREM)],
                              xstage_v.at[pl.ds(0, NREM)], gsem1).wait()
        pltpu.async_copy(xstage_v.at[pl.ds(0, NREM)], nacc_s.at[nrem_v],
                         ssem0, add=True)
        _histo_update(ncnt_v, nrem_v[pl.ds(0, 16)])
        pltpu.make_async_copy(xstage_v.at[pl.ds(0, NREM)], nacc_s.at[nrem_v],
                              ssem0).wait()

    for it in range(NB_IT):
        @pl.when(w + it * NW < N_NBLOCKS)
        def _(it=it):
            pltpu.make_async_copy(nstage[it], nacc_s.at[nseg_v[it]],
                                  ssem0).wait()

    start_gather(1, 1)
    start_gather(2, 2)

    def compute_segs(b):
        for j in range(NSUB):
            for t in range(SUB // 16):
                idx = ei_v[b][pl.ds(j * SUB + t * 16, 16)]
                seg = plsc.load_gather(batch_v, [idx])
                seg_v[b][j][pl.ds(t * 16, 16)] = seg
                _histo_update(ecnt_v, seg)

    def issue_scatter(b):
        for j in range(NSUB):
            pltpu.async_copy(attr_v[b].at[pl.ds(j * SUB, SUB)],
                             eacc_s.at[seg_v[b][j]], ssem[b], add=True)

    def drain_scatter(b):
        for j in range(NSUB):
            pltpu.make_async_copy(attr_v[b].at[pl.ds(j * SUB, SUB)],
                                  eacc_s.at[seg_v[b][j]], ssem[b]).wait()

    def estep(k, b, drain_b, prefetch):
        wait_gather_ei(k, b)
        compute_segs(b)
        wait_gather_attr(k, b)
        issue_scatter(b)
        if drain_b is not None:
            drain_scatter(drain_b)
        if prefetch:
            start_gather(k + 2, drain_b)

    estep(0, 0, None, False)

    NTRI = (N_ECHUNKS - 3) // NBUF

    def etri(i, _):
        k = 3 * i + 1
        estep(k, 1, 0, True)
        estep(k + 1, 2, 1, True)
        estep(k + 2, 0, 2, True)
        return 0

    lax.fori_loop(0, NTRI, etri, 0)

    estep(N_ECHUNKS - 2, 1, 0, False)
    estep(N_ECHUNKS - 1, 2, 1, False)
    drain_scatter(2)

    @pl.when(w < EREM_BLOCKS)
    def _():
        base = EREM_BASE + w * SUB
        pltpu.sync_copy(ei_hbm.at[pl.ds(E + base, SUB)],
                        ei_v0.at[pl.ds(0, SUB)])
        pltpu.sync_copy(eattr_hbm.at[pl.ds(base, SUB)],
                        attr_v0.at[pl.ds(0, SUB)])
        for t in range(SUB // 16):
            idx = ei_v0[pl.ds(t * 16, 16)]
            seg = plsc.load_gather(batch_v, [idx])
            sg00[pl.ds(t * 16, 16)] = seg
            _histo_update(ecnt_v, seg)
        pltpu.sync_copy(attr_v0.at[pl.ds(0, SUB)], eacc_s.at[sg00], add=True)

    pltpu.sync_copy(ncnt_v, ncnt_out.at[c, s])
    pltpu.sync_copy(ecnt_v, ecnt_out.at[c, s])

    plsc.subcore_barrier()

    pltpu.sync_copy(nacc_s.at[pl.ds(s * RPT, RPT)],
                    nacc_out.at[c, pl.ds(s * RPT, RPT)])
    pltpu.sync_copy(eacc_s.at[pl.ds(s * RPT, RPT)],
                    eacc_out.at[c, pl.ds(s * RPT, RPT)])


_sc_segment_sums = functools.partial(
    pl.kernel,
    out_type=(
        jax.ShapeDtypeStruct((NC, B, D), jnp.float32),
        jax.ShapeDtypeStruct((NC, NS, B), jnp.float32),
        jax.ShapeDtypeStruct((NC, B, D), jnp.float32),
        jax.ShapeDtypeStruct((NC, NS, B), jnp.float32),
    ),
    mesh=plsc.VectorSubcoreMesh(core_axis_name="c", subcore_axis_name="s"),
    compiler_params=pltpu.CompilerParams(needs_layout_passes=False),
    scratch_types=[
        pltpu.VMEM((N,), jnp.int32),
        pltpu.VMEM((CHUNK,), jnp.int32),
        pltpu.VMEM((CHUNK,), jnp.int32),
        pltpu.VMEM((CHUNK,), jnp.int32),
        pltpu.VMEM((CHUNK, D), jnp.float32),
        pltpu.VMEM((CHUNK, D), jnp.float32),
        pltpu.VMEM((CHUNK, D), jnp.float32),
        pltpu.VMEM((NREM + B // NS, D), jnp.float32),
    ] + [pltpu.VMEM((SUB,), jnp.int32)] * 6
    + [
        pltpu.VMEM((NREM,), jnp.int32),
        pltpu.VMEM((B,), jnp.float32),
        pltpu.VMEM((B,), jnp.float32),
        pltpu.VMEM_SHARED((B, D), jnp.float32),
        pltpu.VMEM_SHARED((B, D), jnp.float32),
        pltpu.SemaphoreType.DMA,
        pltpu.SemaphoreType.DMA,
        pltpu.SemaphoreType.DMA,
        pltpu.SemaphoreType.DMA,
        pltpu.SemaphoreType.DMA,
        pltpu.SemaphoreType.DMA,
        pltpu.SemaphoreType.DMA,
        pltpu.SemaphoreType.DMA,
        pltpu.SemaphoreType.DMA,
    ],
)(_sc_body)


def _mlp_body(nacc, ncnt, eacc, ecnt, u, w1, b1, w2, b2, out):
    nsum = nacc[0] + nacc[1]
    esum = eacc[0] + eacc[1]
    ncount = jnp.sum(ncnt[...], axis=(0, 1)).reshape(B, 1)
    ecount = jnp.sum(ecnt[...], axis=(0, 1)).reshape(B, 1)
    nmean = nsum / jnp.maximum(ncount, 1.0)
    emean = esum / jnp.maximum(ecount, 1.0)
    U = w1.shape[0] - 2 * D
    h = (jnp.dot(u[...], w1[0:U], preferred_element_type=jnp.float32)
         + jnp.dot(nmean, w1[U:U + D], preferred_element_type=jnp.float32)
         + jnp.dot(emean, w1[U + D:], preferred_element_type=jnp.float32)
         + b1[...])
    h = jnp.maximum(h, 0.0)
    out[...] = jnp.dot(h, w2[...], preferred_element_type=jnp.float32) + b2[...]


def kernel(x, edge_index, edge_attr, u, batch, W1, b1, W2, b2):
    ei = edge_index if edge_index.dtype == jnp.int32 else edge_index.astype(jnp.int32)
    ei = ei.reshape(-1)
    batch_i = batch if batch.dtype == jnp.int32 else batch.astype(jnp.int32)
    nacc, ncnt, eacc, ecnt = _sc_segment_sums(ei, x, batch_i, edge_attr)

    out = pl.pallas_call(
        _mlp_body,
        out_shape=jax.ShapeDtypeStruct((B, D), jnp.float32),
    )(nacc, ncnt, eacc, ecnt, u, W1,
      b1.reshape(1, D), W2, b2.reshape(1, D))
    return out

# --- scband reference (transcript-rebuilt; emitter-appended) ---
"""Pipeline reference for scband-global-model-20203526160534 (READ-ONLY COPY).

The authoritative reference and input builder live on the scoring server;
editing this copy changes nothing except your own understanding.
"""

import jax, jax.numpy as jnp
import numpy as np

NUM_SEGMENTS = 64

def segment_mean(data, seg, num_segments):
    sums = jax.ops.segment_sum(data, seg, num_segments=num_segments)
    counts = jax.ops.segment_sum(jnp.ones((data.shape[0], 1), data.dtype), seg, num_segments=num_segments)
    return sums / jnp.maximum(counts, 1.0)

def setup_inputs(seed: int = 0):
    key = jax.random.key(seed)
    ks = jax.random.split(key, 9)
    N, E, D, U, B = 10000, 320000, 128, 16, NUM_SEGMENTS
    x = jax.random.normal(ks[0], (N, D), dtype=jnp.float32)
    edge_index = jax.random.randint(ks[1], (2, E), 0, N)
    edge_attr = jax.random.normal(ks[2], (E, D), dtype=jnp.float32)
    u = jax.random.normal(ks[3], (B, U), dtype=jnp.float32)
    batch = jnp.sort(jax.random.randint(ks[4], (N,), 0, B))
    W1 = jax.random.normal(ks[5], (D + D + U, D), dtype=jnp.float32) * 0.05
    b1 = jnp.zeros((D,), dtype=jnp.float32)
    W2 = jax.random.normal(ks[6], (D, D), dtype=jnp.float32) * 0.05
    b2 = jnp.zeros((D,), dtype=jnp.float32)
    return {"x": x, "edge_index": edge_index, "edge_attr": edge_attr, "u": u, "batch": batch, "W1": W1, "b1": b1, "W2": W2, "b2": b2}

def reference(x, edge_index, edge_attr, u, batch, W1, b1, W2, b2):
    node_aggregate = segment_mean(x, batch, NUM_SEGMENTS)
    edge_seg = batch[edge_index[1]]
    edge_aggregate = segment_mean(edge_attr, edge_seg, NUM_SEGMENTS)
    out = jnp.concatenate([u, node_aggregate, edge_aggregate], axis=1)
    h = jnp.maximum(out @ W1 + b1, 0.0)
    return h @ W2 + b2

if __name__ == "__main__":
    import jax
    _d = setup_inputs()
    print(jax.jit(kernel)(*tuple(_d.values())))

</pallas_src>

<mosaic_0001>
#map = affine_map<(d0, d1) -> (0)>
#map1 = affine_map<(d0, d1) -> (0, 0)>
#map2 = affine_map<(d0, d1) -> (0, 0, 0)>
module attributes {stable_mosaic.version = 14 : i64} {
  func.func @_sc_body(%arg0: i32, %arg1: i32, %arg2: memref<640000xi32, #tpu.memory_space<hbm>>, %arg3: memref<10000x128xf32, #tpu.memory_space<hbm>>, %arg4: memref<10000xi32, #tpu.memory_space<hbm>>, %arg5: memref<320000x128xf32, #tpu.memory_space<hbm>>, %arg6: memref<2x64x128xf32, #tpu.memory_space<hbm>>, %arg7: memref<2x16x64xf32, #tpu.memory_space<hbm>>, %arg8: memref<2x64x128xf32, #tpu.memory_space<hbm>>, %arg9: memref<2x16x64xf32, #tpu.memory_space<hbm>>, %arg10: memref<10000xi32, #tpu.memory_space<vmem>>, %arg11: memref<256xi32, #tpu.memory_space<vmem>>, %arg12: memref<256xi32, #tpu.memory_space<vmem>>, %arg13: memref<256xi32, #tpu.memory_space<vmem>>, %arg14: memref<256x128xf32, #tpu.memory_space<vmem>>, %arg15: memref<256x128xf32, #tpu.memory_space<vmem>>, %arg16: memref<256x128xf32, #tpu.memory_space<vmem>>, %arg17: memref<20x128xf32, #tpu.memory_space<vmem>>, %arg18: memref<128xi32, #tpu.memory_space<vmem>>, %arg19: memref<128xi32, #tpu.memory_space<vmem>>, %arg20: memref<128xi32, #tpu.memory_space<vmem>>, %arg21: memref<128xi32, #tpu.memory_space<vmem>>, %arg22: memref<128xi32, #tpu.memory_space<vmem>>, %arg23: memref<128xi32, #tpu.memory_space<vmem>>, %arg24: memref<16xi32, #tpu.memory_space<vmem>>, %arg25: memref<64xf32, #tpu.memory_space<vmem>>, %arg26: memref<64xf32, #tpu.memory_space<vmem>>, %arg27: memref<64x128xf32, #tpu.memory_space<vmem_shared>>, %arg28: memref<64x128xf32, #tpu.memory_space<vmem_shared>>, %arg29: memref<!tpu.dma_semaphore, #tpu.memory_space<semaphore_mem>>, %arg30: memref<!tpu.dma_semaphore, #tpu.memory_space<semaphore_mem>>, %arg31: memref<!tpu.dma_semaphore, #tpu.memory_space<semaphore_mem>>, %arg32: memref<!tpu.dma_semaphore, #tpu.memory_space<semaphore_mem>>, %arg33: memref<!tpu.dma_semaphore, #tpu.memory_space<semaphore_mem>>, %arg34: memref<!tpu.dma_semaphore, #tpu.memory_space<semaphore_mem>>, %arg35: memref<!tpu.dma_semaphore, #tpu.memory_space<semaphore_mem>>, %arg36: memref<!tpu.dma_semaphore, #tpu.memory_space<semaphore_mem>>, %arg37: memref<!tpu.dma_semaphore, #tpu.memory_space<semaphore_mem>>) attributes {dimension_semantics = [#tpu.dimension_semantics<core_parallel>, #tpu.dimension_semantics<subcore_parallel>], iteration_bounds = array<i64: 2, 16>, scalar_prefetch = 0 : i64, scratch_operands = 28 : i64, tpu.core_type = #tpu.core_type<sc_vector_subcore>, window_params = [{transform_indices = #map}, {transform_indices = #map1}, {transform_indices = #map}, {transform_indices = #map1}, {transform_indices = #map2}, {transform_indices = #map2}, {transform_indices = #map2}, {transform_indices = #map2}]} {
    %mul3A = arith.constant 2 : i32
    %mul3A_0 = arith.muli %arg1, %mul3A : i32
    %add3A = arith.addi %mul3A_0, %arg0 : i32
    %mul3A_1 = arith.constant 9984 : i32
    %mul3A_2 = arith.muli %add3A, %mul3A_1 : i32
    %add3A_3 = arith.constant 0 : i32
    %add3A_4 = arith.addi %mul3A_2, %add3A_3 : i32
    %add3A_5 = arith.constant 320000 : i32
    %add3A_6 = arith.addi %add3A_5, %add3A_4 : i32
    %dma_start3A = tpu.memref_slice %arg2[%add3A_6] : memref<640000xi32, #tpu.memory_space<hbm>> -> memref<256xi32, #tpu.memory_space<hbm>>
    %dma_start3A_7 = tpu.memref_slice %arg2[%add3A_6] : memref<640000xi32, #tpu.memory_space<hbm>> -> memref<256xi32, #tpu.memory_space<hbm>>
    tpu.enqueue_dma source(%dma_start3A_7 : memref<256xi32, #tpu.memory_space<hbm>>) target(%arg11 : memref<256xi32, #tpu.memory_space<vmem>>) target_semaphore(%arg35 : memref<!tpu.dma_semaphore, #tpu.memory_space<semaphore_mem>>)
    %dma_start3A_8 = arith.constant 0 : i32
    %dma_start3A_9 = tpu.memref_slice %arg5[%add3A_4, %dma_start3A_8] : memref<320000x128xf32, #tpu.memory_space<hbm>> -> memref<256x128xf32, #tpu.memory_space<hbm>>
    %dma_start3A_10 = arith.constant 0 : i32
    %dma_start3A_11 = tpu.memref_slice %arg5[%add3A_4, %dma_start3A_10] : memref<320000x128xf32, #tpu.memory_space<hbm>> -> memref<256x128xf32, #tpu.memory_space<hbm>>
    tpu.enqueue_dma source(%dma_start3A_11 : memref<256x128xf32, #tpu.memory_space<hbm>>) target(%arg14 : memref<256x128xf32, #tpu.memory_space<vmem>>) target_semaphore(%arg29 : memref<!tpu.dma_semaphore, #tpu.memory_space<semaphore_mem>>)
    %add3A_12 = arith.constant 0 : i32
    %add3A_13 = arith.addi %add3A, %add3A_12 : i32
    %lt3A = arith.constant 78 : i32
    %lt3A_14 = arith.cmpi slt, %add3A_13, %lt3A : i32
    %convert_element_type3A = arith.extui %lt3A_14 : i1 to i32
    %cond3A = arith.constant 0 : i32
    %cond3A_15 = arith.cmpi ne, %convert_element_type3A, %cond3A : i32
    scf.if %cond3A_15 {
      %add3A_853 = arith.constant 0 : i32
      %add3A_854 = arith.addi %add3A, %add3A_853 : i32
      %mul3A_855 = arith.constant 128 : i32
      %mul3A_856 = arith.muli %add3A_854, %mul3A_855 : i32
      %dma_start3A_857 = tpu.memref_slice %arg4[%mul3A_856] : memref<10000xi32, #tpu.memory_space<hbm>> -> memref<128xi32, #tpu.memory_space<hbm>>
      %dma_start3A_858 = tpu.memref_slice %arg4[%mul3A_856] : memref<10000xi32, #tpu.memory_space<hbm>> -> memref<128xi32, #tpu.memory_space<hbm>>
      tpu.enqueue_dma source(%dma_start3A_858 : memref<128xi32, #tpu.memory_space<hbm>>) target(%arg18 : memref<128xi32, #tpu.memory_space<vmem>>) target_semaphore(%arg30 : memref<!tpu.dma_semaphore, #tpu.memory_space<semaphore_mem>>)
      %dma_start3A_859 = arith.constant 0 : i32
      %dma_start3A_860 = arith.constant 0 : i32
      %dma_start3A_861 = tpu.memref_slice %arg15[%dma_start3A_859, %dma_start3A_860] : memref<256x128xf32, #tpu.memory_space<vmem>> -> memref<128x128xf32, #tpu.memory_space<vmem>>
      %dma_start3A_862 = arith.constant 0 : i32
      %dma_start3A_863 = tpu.memref_slice %arg3[%mul3A_856, %dma_start3A_862] : memref<10000x128xf32, #tpu.memory_space<hbm>> -> memref<128x128xf32, #tpu.memory_space<hbm>>
      %dma_start3A_864 = arith.constant 0 : i32
      %dma_start3A_865 = arith.constant 0 : i32
      %dma_start3A_866 = tpu.memref_slice %arg15[%dma_start3A_864, %dma_start3A_865] : memref<256x128xf32, #tpu.memory_space<vmem>> -> memref<128x128xf32, #tpu.memory_space<vmem>>
      %dma_start3A_867 = arith.constant 0 : i32
      %dma_start3A_868 = tpu.memref_slice %arg3[%mul3A_856, %dma_start3A_867] : memref<10000x128xf32, #tpu.memory_space<hbm>> -> memref<128x128xf32, #tpu.memory_space<hbm>>
      tpu.enqueue_dma source(%dma_start3A_868 : memref<128x128xf32, #tpu.memory_space<hbm>>) target(%dma_start3A_866 : memref<128x128xf32, #tpu.memory_space<vmem>>) target_semaphore(%arg30 : memref<!tpu.dma_semaphore, #tpu.memory_space<semaphore_mem>>)
    } else {
    }
    %add3A_16 = arith.constant 32 : i32
    %add3A_17 = arith.addi %add3A, %add3A_16 : i32
    %lt3A_18 = arith.constant 78 : i32
    %lt3A_19 = arith.cmpi slt, %add3A_17, %lt3A_18 : i32
    %convert_element_type3A_20 = arith.extui %lt3A_19 : i1 to i32
    %cond3A_21 = arith.constant 0 : i32
    %cond3A_22 = arith.cmpi ne, %convert_element_type3A_20, %cond3A_21 : i32
    scf.if %cond3A_22 {
      %add3A_853 = arith.constant 32 : i32
      %add3A_854 = arith.addi %add3A, %add3A_853 : i32
      %mul3A_855 = arith.constant 128 : i32
      %mul3A_856 = arith.muli %add3A_854, %mul3A_855 : i32
      %dma_start3A_857 = tpu.memref_slice %arg4[%mul3A_856] : memref<10000xi32, #tpu.memory_space<hbm>> -> memref<128xi32, #tpu.memory_space<hbm>>
      %dma_start3A_858 = tpu.memref_slice %arg4[%mul3A_856] : memref<10000xi32, #tpu.memory_space<hbm>> -> memref<128xi32, #tpu.memory_space<hbm>>
      tpu.enqueue_dma source(%dma_start3A_858 : memref<128xi32, #tpu.memory_space<hbm>>) target(%arg19 : memref<128xi32, #tpu.memory_space<vmem>>) target_semaphore(%arg30 : memref<!tpu.dma_semaphore, #tpu.memory_space<semaphore_mem>>)
      %dma_start3A_859 = arith.constant 128 : i32
      %dma_start3A_860 = arith.constant 0 : i32
      %dma_start3A_861 = tpu.memref_slice %arg15[%dma_start3A_859, %dma_start3A_860] : memref<256x128xf32, #tpu.memory_space<vmem>> -> memref<128x128xf32, #tpu.memory_space<vmem>>
      %dma_start3A_862 = arith.constant 0 : i32
      %dma_start3A_863 = tpu.memref_slice %arg3[%mul3A_856, %dma_start3A_862] : memref<10000x128xf32, #tpu.memory_space<hbm>> -> memref<128x128xf32, #tpu.memory_space<hbm>>
      %dma_start3A_864 = arith.constant 128 : i32
      %dma_start3A_865 = arith.constant 0 : i32
      %dma_start3A_866 = tpu.memref_slice %arg15[%dma_start3A_864, %dma_start3A_865] : memref<256x128xf32, #tpu.memory_space<vmem>> -> memref<128x128xf32, #tpu.memory_space<vmem>>
      %dma_start3A_867 = arith.constant 0 : i32
      %dma_start3A_868 = tpu.memref_slice %arg3[%mul3A_856, %dma_start3A_867] : memref<10000x128xf32, #tpu.memory_space<hbm>> -> memref<128x128xf32, #tpu.memory_space<hbm>>
      tpu.enqueue_dma source(%dma_start3A_868 : memref<128x128xf32, #tpu.memory_space<hbm>>) target(%dma_start3A_866 : memref<128x128xf32, #tpu.memory_space<vmem>>) target_semaphore(%arg30 : memref<!tpu.dma_semaphore, #tpu.memory_space<semaphore_mem>>)
    } else {
    }
    %add3A_23 = arith.constant 64 : i32
    %add3A_24 = arith.addi %add3A, %add3A_23 : i32
    %lt3A_25 = arith.constant 78 : i32
    %lt3A_26 = arith.cmpi slt, %add3A_24, %lt3A_25 : i32
    %convert_element_type3A_27 = arith.extui %lt3A_26 : i1 to i32
    %cond3A_28 = arith.constant 0 : i32
    %cond3A_29 = arith.cmpi ne, %convert_element_type3A_27, %cond3A_28 : i32
    scf.if %cond3A_29 {
      %add3A_853 = arith.constant 64 : i32
      %add3A_854 = arith.addi %add3A, %add3A_853 : i32
      %mul3A_855 = arith.constant 128 : i32
      %mul3A_856 = arith.muli %add3A_854, %mul3A_855 : i32
      %dma_start3A_857 = tpu.memref_slice %arg4[%mul3A_856] : memref<10000xi32, #tpu.memory_space<hbm>> -> memref<128xi32, #tpu.memory_space<hbm>>
      %dma_start3A_858 = tpu.memref_slice %arg4[%mul3A_856] : memref<10000xi32, #tpu.memory_space<hbm>> -> memref<128xi32, #tpu.memory_space<hbm>>
      tpu.enqueue_dma source(%dma_start3A_858 : memref<128xi32, #tpu.memory_space<hbm>>) target(%arg20 : memref<128xi32, #tpu.memory_space<vmem>>) target_semaphore(%arg30 : memref<!tpu.dma_semaphore, #tpu.memory_space<semaphore_mem>>)
      %dma_start3A_859 = arith.constant 0 : i32
      %dma_start3A_860 = arith.constant 0 : i32
      %dma_start3A_861 = tpu.memref_slice %arg16[%dma_start3A_859, %dma_start3A_860] : memref<256x128xf32, #tpu.memory_space<vmem>> -> memref<128x128xf32, #tpu.memory_space<vmem>>
      %dma_start3A_862 = arith.constant 0 : i32
      %dma_start3A_863 = tpu.memref_slice %arg3[%mul3A_856, %dma_start3A_862] : memref<10000x128xf32, #tpu.memory_space<hbm>> -> memref<128x128xf32, #tpu.memory_space<hbm>>
      %dma_start3A_864 = arith.constant 0 : i32
      %dma_start3A_865 = arith.constant 0 : i32
      %dma_start3A_866 = tpu.memref_slice %arg16[%dma_start3A_864, %dma_start3A_865] : memref<256x128xf32, #tpu.memory_space<vmem>> -> memref<128x128xf32, #tpu.memory_space<vmem>>
      %dma_start3A_867 = arith.constant 0 : i32
      %dma_start3A_868 = tpu.memref_slice %arg3[%mul3A_856, %dma_start3A_867] : memref<10000x128xf32, #tpu.memory_space<hbm>> -> memref<128x128xf32, #tpu.memory_space<hbm>>
      tpu.enqueue_dma source(%dma_start3A_868 : memref<128x128xf32, #tpu.memory_space<hbm>>) target(%dma_start3A_866 : memref<128x128xf32, #tpu.memory_space<vmem>>) target_semaphore(%arg30 : memref<!tpu.dma_semaphore, #tpu.memory_space<semaphore_mem>>)
    } else {
    }
    %eq3A = arith.constant 31 : i32
    %eq3A_30 = arith.cmpi eq, %add3A, %eq3A : i32
    %convert_element_type3A_31 = arith.extui %eq3A_30 : i1 to i32
    %cond3A_32 = arith.constant 0 : i32
    %cond3A_33 = arith.cmpi ne, %convert_element_type3A_31, %cond3A_32 : i32
    scf.if %cond3A_33 {
      %dma_start3A_853 = arith.constant 9984 : i32
      %dma_start3A_854 = tpu.memref_slice %arg4[%dma_start3A_853] : memref<10000xi32, #tpu.memory_space<hbm>> -> memref<16xi32, #tpu.memory_space<hbm>>
      %dma_start3A_855 = arith.constant 9984 : i32
      %dma_start3A_856 = tpu.memref_slice %arg4[%dma_start3A_855] : memref<10000xi32, #tpu.memory_space<hbm>> -> memref<16xi32, #tpu.memory_space<hbm>>
      tpu.enqueue_dma source(%dma_start3A_856 : memref<16xi32, #tpu.memory_space<hbm>>) target(%arg24 : memref<16xi32, #tpu.memory_space<vmem>>) target_semaphore(%arg30 : memref<!tpu.dma_semaphore, #tpu.memory_space<semaphore_mem>>)
      %dma_start3A_857 = arith.constant 0 : i32
      %dma_start3A_858 = arith.constant 0 : i32
      %dma_start3A_859 = tpu.memref_slice %arg17[%dma_start3A_857, %dma_start3A_858] : memref<20x128xf32, #tpu.memory_space<vmem>> -> memref<16x128xf32, #tpu.memory_space<vmem>>
      %dma_start3A_860 = arith.constant 9984 : i32
      %dma_start3A_861 = arith.constant 0 : i32
      %dma_start3A_862 = tpu.memref_slice %arg3[%dma_start3A_860, %dma_start3A_861] : memref<10000x128xf32, #tpu.memory_space<hbm>> -> memref<16x128xf32, #tpu.memory_space<hbm>>
      %dma_start3A_863 = arith.constant 0 : i32
      %dma_start3A_864 = arith.constant 0 : i32
      %dma_start3A_865 = tpu.memref_slice %arg17[%dma_start3A_863, %dma_start3A_864] : memref<20x128xf32, #tpu.memory_space<vmem>> -> memref<16x128xf32, #tpu.memory_space<vmem>>
      %dma_start3A_866 = arith.constant 9984 : i32
      %dma_start3A_867 = arith.constant 0 : i32
      %dma_start3A_868 = tpu.memref_slice %arg3[%dma_start3A_866, %dma_start3A_867] : memref<10000x128xf32, #tpu.memory_space<hbm>> -> memref<16x128xf32, #tpu.memory_space<hbm>>
      tpu.enqueue_dma source(%dma_start3A_868 : memref<16x128xf32, #tpu.memory_space<hbm>>) target(%dma_start3A_865 : memref<16x128xf32, #tpu.memory_space<vmem>>) target_semaphore(%arg30 : memref<!tpu.dma_semaphore, #tpu.memory_space<semaphore_mem>>)
    } else {
    }
    %broadcast_in_dim3A = arith.constant 0.000000e+00 : f32
    %broadcast_in_dim3A_34 = vector.broadcast %broadcast_in_dim3A : f32 to vector<16xf32>
    %swap3A = arith.constant 0 : index
    %swap3A_35 = tpu.vector_load %arg25[%swap3A] {strides = array<i32>} : memref<64xf32, #tpu.memory_space<vmem>>, vector<16xf32>,
    tpu.vector_store %arg25[%swap3A], %broadcast_in_dim3A_34 {strides = array<i32>} : memref<64xf32, #tpu.memory_space<vmem>>, vector<16xf32>,
    %swap3A_36 = arith.constant 0 : index
    %swap3A_37 = tpu.vector_load %arg26[%swap3A_36] {strides = array<i32>} : memref<64xf32, #tpu.memory_space<vmem>>, vector<16xf32>,
    tpu.vector_store %arg26[%swap3A_36], %broadcast_in_dim3A_34 {strides = array<i32>} : memref<64xf32, #tpu.memory_space<vmem>>, vector<16xf32>,
    %swap3A_38 = arith.constant 16 : index
    %swap3A_39 = tpu.vector_load %arg25[%swap3A_38] {strides = array<i32>} : memref<64xf32, #tpu.memory_space<vmem>>, vector<16xf32>,
    tpu.vector_store %arg25[%swap3A_38], %broadcast_in_dim3A_34 {strides = array<i32>} : memref<64xf32, #tpu.memory_space<vmem>>, vector<16xf32>,
    %swap3A_40 = arith.constant 16 : index
    %swap3A_41 = tpu.vector_load %arg26[%swap3A_40] {strides = array<i32>} : memref<64xf32, #tpu.memory_space<vmem>>, vector<16xf32>,
    tpu.vector_store %arg26[%swap3A_40], %broadcast_in_dim3A_34 {strides = array<i32>} : memref<64xf32, #tpu.memory_space<vmem>>, vector<16xf32>,
    %swap3A_42 = arith.constant 32 : index
    %swap3A_43 = tpu.vector_load %arg25[%swap3A_42] {strides = array<i32>} : memref<64xf32, #tpu.memory_space<vmem>>, vector<16xf32>,
    tpu.vector_store %arg25[%swap3A_42], %broadcast_in_dim3A_34 {strides = array<i32>} : memref<64xf32, #tpu.memory_space<vmem>>, vector<16xf32>,
    %swap3A_44 = arith.constant 32 : index
    %swap3A_45 = tpu.vector_load %arg26[%swap3A_44] {strides = array<i32>} : memref<64xf32, #tpu.memory_space<vmem>>, vector<16xf32>,
    tpu.vector_store %arg26[%swap3A_44], %broadcast_in_dim3A_34 {strides = array<i32>} : memref<64xf32, #tpu.memory_space<vmem>>, vector<16xf32>,
    %swap3A_46 = arith.constant 48 : index
    %swap3A_47 = tpu.vector_load %arg25[%swap3A_46] {strides = array<i32>} : memref<64xf32, #tpu.memory_space<vmem>>, vector<16xf32>,
    tpu.vector_store %arg25[%swap3A_46], %broadcast_in_dim3A_34 {strides = array<i32>} : memref<64xf32, #tpu.memory_space<vmem>>, vector<16xf32>,
    %swap3A_48 = arith.constant 48 : index
    %swap3A_49 = tpu.vector_load %arg26[%swap3A_48] {strides = array<i32>} : memref<64xf32, #tpu.memory_space<vmem>>, vector<16xf32>,
    tpu.vector_store %arg26[%swap3A_48], %broadcast_in_dim3A_34 {strides = array<i32>} : memref<64xf32, #tpu.memory_space<vmem>>, vector<16xf32>,
    %swap3A_50 = arith.constant 16 : i32
    %swap3A_51 = arith.index_cast %swap3A_50 : i32 to index
    %swap3A_52 = arith.constant 0 : index
    %swap3A_53 = tpu.vector_load %arg17[%swap3A_51, %swap3A_52] {strides = array<i32>} : memref<20x128xf32, #tpu.memory_space<vmem>>, vector<16xf32>,
    tpu.vector_store %arg17[%swap3A_51, %swap3A_52], %broadcast_in_dim3A_34 {strides = array<i32>} : memref<20x128xf32, #tpu.memory_space<vmem>>, vector<16xf32>,
    %swap3A_54 = arith.constant 16 : i32
    %swap3A_55 = arith.index_cast %swap3A_54 : i32 to index
    %swap3A_56 = arith.constant 16 : index
    %swap3A_57 = tpu.vector_load %arg17[%swap3A_55, %swap3A_56] {strides = array<i32>} : memref<20x128xf32, #tpu.memory_space<vmem>>, vector<16xf32>,
    tpu.vector_store %arg17[%swap3A_55, %swap3A_56], %broadcast_in_dim3A_34 {strides = array<i32>} : memref<20x128xf32, #tpu.memory_space<vmem>>, vector<16xf32>,
    %swap3A_58 = arith.constant 16 : i32
    %swap3A_59 = arith.index_cast %swap3A_58 : i32 to index
    %swap3A_60 = arith.constant 32 : index
    %swap3A_61 = tpu.vector_load %arg17[%swap3A_59, %swap3A_60] {strides = array<i32>} : memref<20x128xf32, #tpu.memory_space<vmem>>, vector<16xf32>,
    tpu.vector_store %arg17[%swap3A_59, %swap3A_60], %broadcast_in_dim3A_34 {strides = array<i32>} : memref<20x128xf32, #tpu.memory_space<vmem>>, vector<16xf32>,
    %swap3A_62 = arith.constant 16 : i32
    %swap3A_63 = arith.index_cast %swap3A_62 : i32 to index
    %swap3A_64 = arith.constant 48 : index
    %swap3A_65 = tpu.vector_load %arg17[%swap3A_63, %swap3A_64] {strides = array<i32>} : memref<20x128xf32, #tpu.memory_space<vmem>>, vector<16xf32>,
    tpu.vector_store %arg17[%swap3A_63, %swap3A_64], %broadcast_in_dim3A_34 {strides = array<i32>} : memref<20x128xf32, #tpu.memory_space<vmem>>, vector<16xf32>,
    %swap3A_66 = arith.constant 16 : i32
    %swap3A_67 = arith.index_cast %swap3A_66 : i32 to index
    %swap3A_68 = arith.constant 64 : index
    %swap3A_69 = tpu.vector_load %arg17[%swap3A_67, %swap3A_68] {strides = array<i32>} : memref<20x128xf32, #tpu.memory_space<vmem>>, vector<16xf32>,
    tpu.vector_store %arg17[%swap3A_67, %swap3A_68], %broadcast_in_dim3A_34 {strides = array<i32>} : memref<20x128xf32, #tpu.memory_space<vmem>>, vector<16xf32>,
    %swap3A_70 = arith.constant 16 : i32
    %swap3A_71 = arith.index_cast %swap3A_70 : i32 to index
    %swap3A_72 = arith.constant 80 : index
    %swap3A_73 = tpu.vector_load %arg17[%swap3A_71, %swap3A_72] {strides = array<i32>} : memref<20x128xf32, #tpu.memory_space<vmem>>, vector<16xf32>,
    tpu.vector_store %arg17[%swap3A_71, %swap3A_72], %broadcast_in_dim3A_34 {strides = array<i32>} : memref<20x128xf32, #tpu.memory_space<vmem>>, vector<16xf32>,
    %swap3A_74 = arith.constant 16 : i32
    %swap3A_75 = arith.index_cast %swap3A_74 : i32 to index
    %swap3A_76 = arith.constant 96 : index
    %swap3A_77 = tpu.vector_load %arg17[%swap3A_75, %swap3A_76] {strides = array<i32>} : memref<20x128xf32, #tpu.memory_space<vmem>>, vector<16xf32>,
    tpu.vector_store %arg17[%swap3A_75, %swap3A_76], %broadcast_in_dim3A_34 {strides = array<i32>} : memref<20x128xf32, #tpu.memory_space<vmem>>, vector<16xf32>,
    %swap3A_78 = arith.constant 16 : i32
    %swap3A_79 = arith.index_cast %swap3A_78 : i32 to index
    %swap3A_80 = arith.constant 112 : index
    %swap3A_81 = tpu.vector_load %arg17[%swap3A_79, %swap3A_80] {strides = array<i32>} : memref<20x128xf32, #tpu.memory_space<vmem>>, vector<16xf32>,
    tpu.vector_store %arg17[%swap3A_79, %swap3A_80], %broadcast_in_dim3A_34 {strides = array<i32>} : memref<20x128xf32, #tpu.memory_space<vmem>>, vector<16xf32>,
    %swap3A_82 = arith.constant 17 : i32
    %swap3A_83 = arith.index_cast %swap3A_82 : i32 to index
    %swap3A_84 = arith.constant 0 : index
    %swap3A_85 = tpu.vector_load %arg17[%swap3A_83, %swap3A_84] {strides = array<i32>} : memref<20x128xf32, #tpu.memory_space<vmem>>, vector<16xf32>,
    tpu.vector_store %arg17[%swap3A_83, %swap3A_84], %broadcast_in_dim3A_34 {strides = array<i32>} : memref<20x128xf32, #tpu.memory_space<vmem>>, vector<16xf32>,
    %swap3A_86 = arith.constant 17 : i32
    %swap3A_87 = arith.index_cast %swap3A_86 : i32 to index
    %swap3A_88 = arith.constant 16 : index
    %swap3A_89 = tpu.vector_load %arg17[%swap3A_87, %swap3A_88] {strides = array<i32>} : memref<20x128xf32, #tpu.memory_space<vmem>>, vector<16xf32>,
    tpu.vector_store %arg17[%swap3A_87, %swap3A_88], %broadcast_in_dim3A_34 {strides = array<i32>} : memref<20x128xf32, #tpu.memory_space<vmem>>, vector<16xf32>,
    %swap3A_90 = arith.constant 17 : i32
    %swap3A_91 = arith.index_cast %swap3A_90 : i32 to index
    %swap3A_92 = arith.constant 32 : index
    %swap3A_93 = tpu.vector_load %arg17[%swap3A_91, %swap3A_92] {strides = array<i32>} : memref<20x128xf32, #tpu.memory_space<vmem>>, vector<16xf32>,
    tpu.vector_store %arg17[%swap3A_91, %swap3A_92], %broadcast_in_dim3A_34 {strides = array<i32>} : memref<20x128xf32, #tpu.memory_space<vmem>>, vector<16xf32>,
    %swap3A_94 = arith.constant 17 : i32
    %swap3A_95 = arith.index_cast %swap3A_94 : i32 to index
    %swap3A_96 = arith.constant 48 : index
    %swap3A_97 = tpu.vector_load %arg17[%swap3A_95, %swap3A_96] {strides = array<i32>} : memref<20x128xf32, #tpu.memory_space<vmem>>, vector<16xf32>,
    tpu.vector_store %arg17[%swap3A_95, %swap3A_96], %broadcast_in_dim3A_34 {strides = array<i32>} : memref<20x128xf32, #tpu.memory_space<vmem>>, vector<16xf32>,
    %swap3A_98 = arith.constant 17 : i32
    %swap3A_99 = arith.index_cast %swap3A_98 : i32 to index
    %swap3A_100 = arith.constant 64 : index
    %swap3A_101 = tpu.vector_load %arg17[%swap3A_99, %swap3A_100] {strides = array<i32>} : memref<20x128xf32, #tpu.memory_space<vmem>>, vector<16xf32>,
    tpu.vector_store %arg17[%swap3A_99, %swap3A_100], %broadcast_in_dim3A_34 {strides = array<i32>} : memref<20x128xf32, #tpu.memory_space<vmem>>, vector<16xf32>,
    %swap3A_102 = arith.constant 17 : i32
    %swap3A_103 = arith.index_cast %swap3A_102 : i32 to index
    %swap3A_104 = arith.constant 80 : index
    %swap3A_105 = tpu.vector_load %arg17[%swap3A_103, %swap3A_104] {strides = array<i32>} : memref<20x128xf32, #tpu.memory_space<vmem>>, vector<16xf32>,
    tpu.vector_store %arg17[%swap3A_103, %swap3A_104], %broadcast_in_dim3A_34 {strides = array<i32>} : memref<20x128xf32, #tpu.memory_space<vmem>>, vector<16xf32>,
    %swap3A_106 = arith.constant 17 : i32
    %swap3A_107 = arith.index_cast %swap3A_106 : i32 to index
    %swap3A_108 = arith.constant 96 : index
    %swap3A_109 = tpu.vector_load %arg17[%swap3A_107, %swap3A_108] {strides = array<i32>} : memref<20x128xf32, #tpu.memory_space<vmem>>, vector<16xf32>,
    tpu.vector_store %arg17[%swap3A_107, %swap3A_108], %broadcast_in_dim3A_34 {strides = array<i32>} : memref<20x128xf32, #tpu.memory_space<vmem>>, vector<16xf32>,
    %swap3A_110 = arith.constant 17 : i32
    %swap3A_111 = arith.index_cast %swap3A_110 : i32 to index
    %swap3A_112 = arith.constant 112 : index
    %swap3A_113 = tpu.vector_load %arg17[%swap3A_111, %swap3A_112] {strides = array<i32>} : memref<20x128xf32, #tpu.memory_space<vmem>>, vector<16xf32>,
    tpu.vector_store %arg17[%swap3A_111, %swap3A_112], %broadcast_in_dim3A_34 {strides = array<i32>} : memref<20x128xf32, #tpu.memory_space<vmem>>, vector<16xf32>,
    %swap3A_114 = arith.constant 18 : i32
    %swap3A_115 = arith.index_cast %swap3A_114 : i32 to index
    %swap3A_116 = arith.constant 0 : index
    %swap3A_117 = tpu.vector_load %arg17[%swap3A_115, %swap3A_116] {strides = array<i32>} : memref<20x128xf32, #tpu.memory_space<vmem>>, vector<16xf32>,
    tpu.vector_store %arg17[%swap3A_115, %swap3A_116], %broadcast_in_dim3A_34 {strides = array<i32>} : memref<20x128xf32, #tpu.memory_space<vmem>>, vector<16xf32>,
    %swap3A_118 = arith.constant 18 : i32
    %swap3A_119 = arith.index_cast %swap3A_118 : i32 to index
    %swap3A_120 = arith.constant 16 : index
    %swap3A_121 = tpu.vector_load %arg17[%swap3A_119, %swap3A_120] {strides = array<i32>} : memref<20x128xf32, #tpu.memory_space<vmem>>, vector<16xf32>,
    tpu.vector_store %arg17[%swap3A_119, %swap3A_120], %broadcast_in_dim3A_34 {strides = array<i32>} : memref<20x128xf32, #tpu.memory_space<vmem>>, vector<16xf32>,
    %swap3A_122 = arith.constant 18 : i32
    %swap3A_123 = arith.index_cast %swap3A_122 : i32 to index
    %swap3A_124 = arith.constant 32 : index
    %swap3A_125 = tpu.vector_load %arg17[%swap3A_123, %swap3A_124] {strides = array<i32>} : memref<20x128xf32, #tpu.memory_space<vmem>>, vector<16xf32>,
    tpu.vector_store %arg17[%swap3A_123, %swap3A_124], %broadcast_in_dim3A_34 {strides = array<i32>} : memref<20x128xf32, #tpu.memory_space<vmem>>, vector<16xf32>,
    %swap3A_126 = arith.constant 18 : i32
    %swap3A_127 = arith.index_cast %swap3A_126 : i32 to index
    %swap3A_128 = arith.constant 48 : index
    %swap3A_129 = tpu.vector_load %arg17[%swap3A_127, %swap3A_128] {strides = array<i32>} : memref<20x128xf32, #tpu.memory_space<vmem>>, vector<16xf32>,
    tpu.vector_store %arg17[%swap3A_127, %swap3A_128], %broadcast_in_dim3A_34 {strides = array<i32>} : memref<20x128xf32, #tpu.memory_space<vmem>>, vector<16xf32>,
    %swap3A_130 = arith.constant 18 : i32
    %swap3A_131 = arith.index_cast %swap3A_130 : i32 to index
    %swap3A_132 = arith.constant 64 : index
    %swap3A_133 = tpu.vector_load %arg17[%swap3A_131, %swap3A_132] {strides = array<i32>} : memref<20x128xf32, #tpu.memory_space<vmem>>, vector<16xf32>,
    tpu.vector_store %arg17[%swap3A_131, %swap3A_132], %broadcast_in_dim3A_34 {strides = array<i32>} : memref<20x128xf32, #tpu.memory_space<vmem>>, vector<16xf32>,
    %swap3A_134 = arith.constant 18 : i32
    %swap3A_135 = arith.index_cast %swap3A_134 : i32 to index
    %swap3A_136 = arith.constant 80 : index
    %swap3A_137 = tpu.vector_load %arg17[%swap3A_135, %swap3A_136] {strides = array<i32>} : memref<20x128xf32, #tpu.memory_space<vmem>>, vector<16xf32>,
    tpu.vector_store %arg17[%swap3A_135, %swap3A_136], %broadcast_in_dim3A_34 {strides = array<i32>} : memref<20x128xf32, #tpu.memory_space<vmem>>, vector<16xf32>,
    %swap3A_138 = arith.constant 18 : i32
    %swap3A_139 = arith.index_cast %swap3A_138 : i32 to index
    %swap3A_140 = arith.constant 96 : index
    %swap3A_141 = tpu.vector_load %arg17[%swap3A_139, %swap3A_140] {strides = array<i32>} : memref<20x128xf32, #tpu.memory_space<vmem>>, vector<16xf32>,
    tpu.vector_store %arg17[%swap3A_139, %swap3A_140], %broadcast_in_dim3A_34 {strides = array<i32>} : memref<20x128xf32, #tpu.memory_space<vmem>>, vector<16xf32>,
    %swap3A_142 = arith.constant 18 : i32
    %swap3A_143 = arith.index_cast %swap3A_142 : i32 to index
    %swap3A_144 = arith.constant 112 : index
    %swap3A_145 = tpu.vector_load %arg17[%swap3A_143, %swap3A_144] {strides = array<i32>} : memref<20x128xf32, #tpu.memory_space<vmem>>, vector<16xf32>,
    tpu.vector_store %arg17[%swap3A_143, %swap3A_144], %broadcast_in_dim3A_34 {strides = array<i32>} : memref<20x128xf32, #tpu.memory_space<vmem>>, vector<16xf32>,
    %swap3A_146 = arith.constant 19 : i32
    %swap3A_147 = arith.index_cast %swap3A_146 : i32 to index
    %swap3A_148 = arith.constant 0 : index
    %swap3A_149 = tpu.vector_load %arg17[%swap3A_147, %swap3A_148] {strides = array<i32>} : memref<20x128xf32, #tpu.memory_space<vmem>>, vector<16xf32>,
    tpu.vector_store %arg17[%swap3A_147, %swap3A_148], %broadcast_in_dim3A_34 {strides = array<i32>} : memref<20x128xf32, #tpu.memory_space<vmem>>, vector<16xf32>,
    %swap3A_150 = arith.constant 19 : i32
    %swap3A_151 = arith.index_cast %swap3A_150 : i32 to index
    %swap3A_152 = arith.constant 16 : index
    %swap3A_153 = tpu.vector_load %arg17[%swap3A_151, %swap3A_152] {strides = array<i32>} : memref<20x128xf32, #tpu.memory_space<vmem>>, vector<16xf32>,
    tpu.vector_store %arg17[%swap3A_151, %swap3A_152], %broadcast_in_dim3A_34 {strides = array<i32>} : memref<20x128xf32, #tpu.memory_space<vmem>>, vector<16xf32>,
    %swap3A_154 = arith.constant 19 : i32
    %swap3A_155 = arith.index_cast %swap3A_154 : i32 to index
    %swap3A_156 = arith.constant 32 : index
    %swap3A_157 = tpu.vector_load %arg17[%swap3A_155, %swap3A_156] {strides = array<i32>} : memref<20x128xf32, #tpu.memory_space<vmem>>, vector<16xf32>,
    tpu.vector_store %arg17[%swap3A_155, %swap3A_156], %broadcast_in_dim3A_34 {strides = array<i32>} : memref<20x128xf32, #tpu.memory_space<vmem>>, vector<16xf32>,
    %swap3A_158 = arith.constant 19 : i32
    %swap3A_159 = arith.index_cast %swap3A_158 : i32 to index
    %swap3A_160 = arith.constant 48 : index
    %swap3A_161 = tpu.vector_load %arg17[%swap3A_159, %swap3A_160] {strides = array<i32>} : memref<20x128xf32, #tpu.memory_space<vmem>>, vector<16xf32>,
    tpu.vector_store %arg17[%swap3A_159, %swap3A_160], %broadcast_in_dim3A_34 {strides = array<i32>} : memref<20x128xf32, #tpu.memory_space<vmem>>, vector<16xf32>,
    %swap3A_162 = arith.constant 19 : i32
    %swap3A_163 = arith.index_cast %swap3A_162 : i32 to index
    %swap3A_164 = arith.constant 64 : index
    %swap3A_165 = tpu.vector_load %arg17[%swap3A_163, %swap3A_164] {strides = array<i32>} : memref<20x128xf32, #tpu.memory_space<vmem>>, vector<16xf32>,
    tpu.vector_store %arg17[%swap3A_163, %swap3A_164], %broadcast_in_dim3A_34 {strides = array<i32>} : memref<20x128xf32, #tpu.memory_space<vmem>>, vector<16xf32>,
    %swap3A_166 = arith.constant 19 : i32
    %swap3A_167 = arith.index_cast %swap3A_166 : i32 to index
    %swap3A_168 = arith.constant 80 : index
    %swap3A_169 = tpu.vector_load %arg17[%swap3A_167, %swap3A_168] {strides = array<i32>} : memref<20x128xf32, #tpu.memory_space<vmem>>, vector<16xf32>,
    tpu.vector_store %arg17[%swap3A_167, %swap3A_168], %broadcast_in_dim3A_34 {strides = array<i32>} : memref<20x128xf32, #tpu.memory_space<vmem>>, vector<16xf32>,
    %swap3A_170 = arith.constant 19 : i32
    %swap3A_171 = arith.index_cast %swap3A_170 : i32 to index
    %swap3A_172 = arith.constant 96 : index
    %swap3A_173 = tpu.vector_load %arg17[%swap3A_171, %swap3A_172] {strides = array<i32>} : memref<20x128xf32, #tpu.memory_space<vmem>>, vector<16xf32>,
    tpu.vector_store %arg17[%swap3A_171, %swap3A_172], %broadcast_in_dim3A_34 {strides = array<i32>} : memref<20x128xf32, #tpu.memory_space<vmem>>, vector<16xf32>,
    %swap3A_174 = arith.constant 19 : i32
    %swap3A_175 = arith.index_cast %swap3A_174 : i32 to index
    %swap3A_176 = arith.constant 112 : index
    %swap3A_177 = tpu.vector_load %arg17[%swap3A_175, %swap3A_176] {strides = array<i32>} : memref<20x128xf32, #tpu.memory_space<vmem>>, vector<16xf32>,
    tpu.vector_store %arg17[%swap3A_175, %swap3A_176], %broadcast_in_dim3A_34 {strides = array<i32>} : memref<20x128xf32, #tpu.memory_space<vmem>>, vector<16xf32>,
    "tpu.region"() ({
      %run_scoped3A = tpu.sem_alloc : memref<!tpu.dma_semaphore, #tpu.memory_space<semaphore_mem>>
      tpu.enqueue_dma source(%arg4 : memref<10000xi32, #tpu.memory_space<hbm>>) target(%arg10 : memref<10000xi32, #tpu.memory_space<vmem>>) target_semaphore(%run_scoped3A : memref<!tpu.dma_semaphore, #tpu.memory_space<semaphore_mem>>)
      tpu.wait_dma2 semaphore(%run_scoped3A : memref<!tpu.dma_semaphore, #tpu.memory_space<semaphore_mem>>) src(%arg4 : memref<10000xi32, #tpu.memory_space<hbm>>) dst(%arg10 : memref<10000xi32, #tpu.memory_space<vmem>>)
      tpu.yield
    }) : () -> ()
    %mul3A_178 = arith.constant 4 : i32
    %mul3A_179 = arith.muli %arg1, %mul3A_178 : i32
    "tpu.region"() ({
      %run_scoped3A = tpu.sem_alloc : memref<!tpu.dma_semaphore, #tpu.memory_space<semaphore_mem>>
      %dma_start3A_853 = arith.constant 16 : i32
      %dma_start3A_854 = arith.constant 0 : i32
      %dma_start3A_855 = tpu.memref_slice %arg17[%dma_start3A_853, %dma_start3A_854] : memref<20x128xf32, #tpu.memory_space<vmem>> -> memref<4x128xf32, #tpu.memory_space<vmem>>
      %dma_start3A_856 = arith.constant 0 : i32
      %dma_start3A_857 = tpu.memref_slice %arg27[%mul3A_179, %dma_start3A_856] : memref<64x128xf32, #tpu.memory_space<vmem_shared>> -> memref<4x128xf32, #tpu.memory_space<vmem_shared>>
      %dma_start3A_858 = arith.constant 0 : i32
      %dma_start3A_859 = tpu.memref_slice %arg27[%mul3A_179, %dma_start3A_858] : memref<64x128xf32, #tpu.memory_space<vmem_shared>> -> memref<4x128xf32, #tpu.memory_space<vmem_shared>>
      %dma_start3A_860 = arith.constant 16 : i32
      %dma_start3A_861 = arith.constant 0 : i32
      %dma_start3A_862 = tpu.memref_slice %arg17[%dma_start3A_860, %dma_start3A_861] : memref<20x128xf32, #tpu.memory_space<vmem>> -> memref<4x128xf32, #tpu.memory_space<vmem>>
      tpu.enqueue_dma source(%dma_start3A_862 : memref<4x128xf32, #tpu.memory_space<vmem>>) target(%dma_start3A_859 : memref<4x128xf32, #tpu.memory_space<vmem_shared>>) target_semaphore(%run_scoped3A : memref<!tpu.dma_semaphore, #tpu.memory_space<semaphore_mem>>)
      %dma_wait3A_863 = arith.constant 16 : i32
      %dma_wait3A_864 = arith.constant 0 : i32
      %dma_wait3A_865 = tpu.memref_slice %arg17[%dma_wait3A_863, %dma_wait3A_864] : memref<20x128xf32, #tpu.memory_space<vmem>> -> memref<4x128xf32, #tpu.memory_space<vmem>>
      %dma_wait3A_866 = arith.constant 0 : i32
      %dma_wait3A_867 = tpu.memref_slice %arg27[%mul3A_179, %dma_wait3A_866] : memref<64x128xf32, #tpu.memory_space<vmem_shared>> -> memref<4x128xf32, #tpu.memory_space<vmem_shared>>
      %dma_wait3A_868 = arith.constant 0 : i32
      %dma_wait3A_869 = tpu.memref_slice %arg27[%mul3A_179, %dma_wait3A_868] : memref<64x128xf32, #tpu.memory_space<vmem_shared>> -> memref<4x128xf32, #tpu.memory_space<vmem_shared>>
      %dma_wait3A_870 = arith.constant 16 : i32
      %dma_wait3A_871 = arith.constant 0 : i32
      %dma_wait3A_872 = tpu.memref_slice %arg17[%dma_wait3A_870, %dma_wait3A_871] : memref<20x128xf32, #tpu.memory_space<vmem>> -> memref<4x128xf32, #tpu.memory_space<vmem>>
      tpu.wait_dma2 semaphore(%run_scoped3A : memref<!tpu.dma_semaphore, #tpu.memory_space<semaphore_mem>>) src(%dma_wait3A_872 : memref<4x128xf32, #tpu.memory_space<vmem>>) dst(%dma_wait3A_869 : memref<4x128xf32, #tpu.memory_space<vmem_shared>>)
      tpu.yield
    }) : () -> ()
    %mul3A_180 = arith.constant 4 : i32
    %mul3A_181 = arith.muli %arg1, %mul3A_180 : i32
    "tpu.region"() ({
      %run_scoped3A = tpu.sem_alloc : memref<!tpu.dma_semaphore, #tpu.memory_space<semaphore_mem>>
      %dma_start3A_853 = arith.constant 16 : i32
      %dma_start3A_854 = arith.constant 0 : i32
      %dma_start3A_855 = tpu.memref_slice %arg17[%dma_start3A_853, %dma_start3A_854] : memref<20x128xf32, #tpu.memory_space<vmem>> -> memref<4x128xf32, #tpu.memory_space<vmem>>
      %dma_start3A_856 = arith.constant 0 : i32
      %dma_start3A_857 = tpu.memref_slice %arg28[%mul3A_181, %dma_start3A_856] : memref<64x128xf32, #tpu.memory_space<vmem_shared>> -> memref<4x128xf32, #tpu.memory_space<vmem_shared>>
      %dma_start3A_858 = arith.constant 0 : i32
      %dma_start3A_859 = tpu.memref_slice %arg28[%mul3A_181, %dma_start3A_858] : memref<64x128xf32, #tpu.memory_space<vmem_shared>> -> memref<4x128xf32, #tpu.memory_space<vmem_shared>>
      %dma_start3A_860 = arith.constant 16 : i32
      %dma_start3A_861 = arith.constant 0 : i32
      %dma_start3A_862 = tpu.memref_slice %arg17[%dma_start3A_860, %dma_start3A_861] : memref<20x128xf32, #tpu.memory_space<vmem>> -> memref<4x128xf32, #tpu.memory_space<vmem>>
      tpu.enqueue_dma source(%dma_start3A_862 : memref<4x128xf32, #tpu.memory_space<vmem>>) target(%dma_start3A_859 : memref<4x128xf32, #tpu.memory_space<vmem_shared>>) target_semaphore(%run_scoped3A : memref<!tpu.dma_semaphore, #tpu.memory_space<semaphore_mem>>)
      %dma_wait3A_863 = arith.constant 16 : i32
      %dma_wait3A_864 = arith.constant 0 : i32
      %dma_wait3A_865 = tpu.memref_slice %arg17[%dma_wait3A_863, %dma_wait3A_864] : memref<20x128xf32, #tpu.memory_space<vmem>> -> memref<4x128xf32, #tpu.memory_space<vmem>>
      %dma_wait3A_866 = arith.constant 0 : i32
      %dma_wait3A_867 = tpu.memref_slice %arg28[%mul3A_181, %dma_wait3A_866] : memref<64x128xf32, #tpu.memory_space<vmem_shared>> -> memref<4x128xf32, #tpu.memory_space<vmem_shared>>
      %dma_wait3A_868 = arith.constant 0 : i32
      %dma_wait3A_869 = tpu.memref_slice %arg28[%mul3A_181, %dma_wait3A_868] : memref<64x128xf32, #tpu.memory_space<vmem_shared>> -> memref<4x128xf32, #tpu.memory_space<vmem_shared>>
      %dma_wait3A_870 = arith.constant 16 : i32
      %dma_wait3A_871 = arith.constant 0 : i32
      %dma_wait3A_872 = tpu.memref_slice %arg17[%dma_wait3A_870, %dma_wait3A_871] : memref<20x128xf32, #tpu.memory_space<vmem>> -> memref<4x128xf32, #tpu.memory_space<vmem>>
      tpu.wait_dma2 semaphore(%run_scoped3A : memref<!tpu.dma_semaphore, #tpu.memory_space<semaphore_mem>>) src(%dma_wait3A_872 : memref<4x128xf32, #tpu.memory_space<vmem>>) dst(%dma_wait3A_869 : memref<4x128xf32, #tpu.memory_space<vmem_shared>>)
      tpu.yield
    }) : () -> ()
    %barrier3A = arith.constant 0 : index
    tpu.barrier barrier_id(%barrier3A)
    %add3A_182 = arith.constant 0 : i32
    %add3A_183 = arith.addi %add3A, %add3A_182 : i32
    %lt3A_184 = arith.constant 78 : i32
    %lt3A_185 = arith.cmpi slt, %add3A_183, %lt3A_184 : i32
    %convert_element_type3A_186 = arith.extui %lt3A_185 : i1 to i32
    %cond3A_187 = arith.constant 0 : i32
    %cond3A_188 = arith.cmpi ne, %convert_element_type3A_186, %cond3A_187 : i32
    scf.if %cond3A_188 {
      %add3A_853 = arith.constant 0 : i32
      %add3A_854 = arith.addi %add3A, %add3A_853 : i32
      %mul3A_855 = arith.constant 128 : i32
      %mul3A_856 = arith.muli %add3A_854, %mul3A_855 : i32
      %dma_wait3A_857 = tpu.memref_slice %arg4[%mul3A_856] : memref<10000xi32, #tpu.memory_space<hbm>> -> memref<128xi32, #tpu.memory_space<hbm>>
      %dma_wait3A_858 = tpu.memref_slice %arg4[%mul3A_856] : memref<10000xi32, #tpu.memory_space<hbm>> -> memref<128xi32, #tpu.memory_space<hbm>>
      tpu.wait_dma2 semaphore(%arg30 : memref<!tpu.dma_semaphore, #tpu.memory_space<semaphore_mem>>) src(%dma_wait3A_858 : memref<128xi32, #tpu.memory_space<hbm>>) dst(%arg18 : memref<128xi32, #tpu.memory_space<vmem>>)
      %dma_wait3A_859 = arith.constant 0 : i32
      %dma_wait3A_860 = arith.constant 0 : i32
      %dma_wait3A_861 = tpu.memref_slice %arg15[%dma_wait3A_859, %dma_wait3A_860] : memref<256x128xf32, #tpu.memory_space<vmem>> -> memref<128x128xf32, #tpu.memory_space<vmem>>
      %dma_wait3A_862 = arith.constant 0 : i32
      %dma_wait3A_863 = tpu.memref_slice %arg3[%mul3A_856, %dma_wait3A_862] : memref<10000x128xf32, #tpu.memory_space<hbm>> -> memref<128x128xf32, #tpu.memory_space<hbm>>
      %dma_wait3A_864 = arith.constant 0 : i32
      %dma_wait3A_865 = arith.constant 0 : i32
      %dma_wait3A_866 = tpu.memref_slice %arg15[%dma_wait3A_864, %dma_wait3A_865] : memref<256x128xf32, #tpu.memory_space<vmem>> -> memref<128x128xf32, #tpu.memory_space<vmem>>
      %dma_wait3A_867 = arith.constant 0 : i32
      %dma_wait3A_868 = tpu.memref_slice %arg3[%mul3A_856, %dma_wait3A_867] : memref<10000x128xf32, #tpu.memory_space<hbm>> -> memref<128x128xf32, #tpu.memory_space<hbm>>
      tpu.wait_dma2 semaphore(%arg30 : memref<!tpu.dma_semaphore, #tpu.memory_space<semaphore_mem>>) src(%dma_wait3A_868 : memref<128x128xf32, #tpu.memory_space<hbm>>) dst(%dma_wait3A_866 : memref<128x128xf32, #tpu.memory_space<vmem>>)
      %dma_start3A_869 = arith.constant 0 : i32
      %dma_start3A_870 = arith.constant 0 : i32
      %dma_start3A_871 = tpu.memref_slice %arg15[%dma_start3A_869, %dma_start3A_870] : memref<256x128xf32, #tpu.memory_space<vmem>> -> memref<128x128xf32, #tpu.memory_space<vmem>>
      %dma_start3A_872 = arith.constant 0 : i32
      %dma_start3A_873 = arith.constant 0 : i32
      %dma_start3A_874 = tpu.memref_slice %arg27[%dma_start3A_872, %dma_start3A_873] : memref<64x128xf32, #tpu.memory_space<vmem_shared>> -> memref<64x128xf32, #tpu.memory_space<vmem_shared>>
      tpu.enqueue_indirect_dma source(%dma_start3A_871 : memref<128x128xf32, #tpu.memory_space<vmem>>) target(%dma_start3A_874 : memref<64x128xf32, #tpu.memory_space<vmem_shared>>) offsets(%arg18 : memref<128xi32, #tpu.memory_space<vmem>>) semaphore(%arg32 : memref<!tpu.dma_semaphore, #tpu.memory_space<semaphore_mem>>) {add = true}
      %get3A_875 = arith.constant 0 : index
      %get3A_876 = tpu.vector_load %arg18[%get3A_875] {strides = array<i32>} : memref<128xi32, #tpu.memory_space<vmem>>, vector<16xi32>,
      %broadcast_in_dim3A_877 = arith.constant true
      %broadcast_in_dim3A_878 = vector.broadcast %broadcast_in_dim3A_877 : i1 to vector<16xi1>
      %unique3A_879, %unique3A_880 = tpu.scan_count mask(%broadcast_in_dim3A_878 : vector<16xi1>) value(%get3A_876 : vector<16xi32>) : vector<16xi1>, vector<16xi32>
      %convert_element_type3A_881 = arith.sitofp %unique3A_880 : vector<16xi32> to vector<16xf32>
      tpu.vector_store_idx %arg25[%get3A_876], %convert_element_type3A_881 masked %unique3A_879 {add = true} : memref<64xf32, #tpu.memory_space<vmem>>[vector<16xi32>], vector<16xf32>, vector<16xi1>
      %get3A_882 = arith.constant 16 : index
      %get3A_883 = tpu.vector_load %arg18[%get3A_882] {strides = array<i32>} : memref<128xi32, #tpu.memory_space<vmem>>, vector<16xi32>,
      %broadcast_in_dim3A_884 = arith.constant true
      %broadcast_in_dim3A_885 = vector.broadcast %broadcast_in_dim3A_884 : i1 to vector<16xi1>
      %unique3A_886, %unique3A_887 = tpu.scan_count mask(%broadcast_in_dim3A_885 : vector<16xi1>) value(%get3A_883 : vector<16xi32>) : vector<16xi1>, vector<16xi32>
      %convert_element_type3A_888 = arith.sitofp %unique3A_887 : vector<16xi32> to vector<16xf32>
      tpu.vector_store_idx %arg25[%get3A_883], %convert_element_type3A_888 masked %unique3A_886 {add = true} : memref<64xf32, #tpu.memory_space<vmem>>[vector<16xi32>], vector<16xf32>, vector<16xi1>
      %get3A_889 = arith.constant 32 : index
      %get3A_890 = tpu.vector_load %arg18[%get3A_889] {strides = array<i32>} : memref<128xi32, #tpu.memory_space<vmem>>, vector<16xi32>,
      %broadcast_in_dim3A_891 = arith.constant true
      %broadcast_in_dim3A_892 = vector.broadcast %broadcast_in_dim3A_891 : i1 to vector<16xi1>
      %unique3A_893, %unique3A_894 = tpu.scan_count mask(%broadcast_in_dim3A_892 : vector<16xi1>) value(%get3A_890 : vector<16xi32>) : vector<16xi1>, vector<16xi32>
      %convert_element_type3A_895 = arith.sitofp %unique3A_894 : vector<16xi32> to vector<16xf32>
      tpu.vector_store_idx %arg25[%get3A_890], %convert_element_type3A_895 masked %unique3A_893 {add = true} : memref<64xf32, #tpu.memory_space<vmem>>[vector<16xi32>], vector<16xf32>, vector<16xi1>
      %get3A_896 = arith.constant 48 : index
      %get3A_897 = tpu.vector_load %arg18[%get3A_896] {strides = array<i32>} : memref<128xi32, #tpu.memory_space<vmem>>, vector<16xi32>,
      %broadcast_in_dim3A_898 = arith.constant true
      %broadcast_in_dim3A_899 = vector.broadcast %broadcast_in_dim3A_898 : i1 to vector<16xi1>
      %unique3A_900, %unique3A_901 = tpu.scan_count mask(%broadcast_in_dim3A_899 : vector<16xi1>) value(%get3A_897 : vector<16xi32>) : vector<16xi1>, vector<16xi32>
      %convert_element_type3A_902 = arith.sitofp %unique3A_901 : vector<16xi32> to vector<16xf32>
      tpu.vector_store_idx %arg25[%get3A_897], %convert_element_type3A_902 masked %unique3A_900 {add = true} : memref<64xf32, #tpu.memory_space<vmem>>[vector<16xi32>], vector<16xf32>, vector<16xi1>
      %get3A_903 = arith.constant 64 : index
      %get3A_904 = tpu.vector_load %arg18[%get3A_903] {strides = array<i32>} : memref<128xi32, #tpu.memory_space<vmem>>, vector<16xi32>,
      %broadcast_in_dim3A_905 = arith.constant true
      %broadcast_in_dim3A_906 = vector.broadcast %broadcast_in_dim3A_905 : i1 to vector<16xi1>
      %unique3A_907, %unique3A_908 = tpu.scan_count mask(%broadcast_in_dim3A_906 : vector<16xi1>) value(%get3A_904 : vector<16xi32>) : vector<16xi1>, vector<16xi32>
      %convert_element_type3A_909 = arith.sitofp %unique3A_908 : vector<16xi32> to vector<16xf32>
      tpu.vector_store_idx %arg25[%get3A_904], %convert_element_type3A_909 masked %unique3A_907 {add = true} : memref<64xf32, #tpu.memory_space<vmem>>[vector<16xi32>], vector<16xf32>, vector<16xi1>
      %get3A_910 = arith.constant 80 : index
      %get3A_911 = tpu.vector_load %arg18[%get3A_910] {strides = array<i32>} : memref<128xi32, #tpu.memory_space<vmem>>, vector<16xi32>,
      %broadcast_in_dim3A_912 = arith.constant true
      %broadcast_in_dim3A_913 = vector.broadcast %broadcast_in_dim3A_912 : i1 to vector<16xi1>
      %unique3A_914, %unique3A_915 = tpu.scan_count mask(%broadcast_in_dim3A_913 : vector<16xi1>) value(%get3A_911 : vector<16xi32>) : vector<16xi1>, vector<16xi32>
      %convert_element_type3A_916 = arith.sitofp %unique3A_915 : vector<16xi32> to vector<16xf32>
      tpu.vector_store_idx %arg25[%get3A_911], %convert_element_type3A_916 masked %unique3A_914 {add = true} : memref<64xf32, #tpu.memory_space<vmem>>[vector<16xi32>], vector<16xf32>, vector<16xi1>
      %get3A_917 = arith.constant 96 : index
      %get3A_918 = tpu.vector_load %arg18[%get3A_917] {strides = array<i32>} : memref<128xi32, #tpu.memory_space<vmem>>, vector<16xi32>,
      %broadcast_in_dim3A_919 = arith.constant true
      %broadcast_in_dim3A_920 = vector.broadcast %broadcast_in_dim3A_919 : i1 to vector<16xi1>
      %unique3A_921, %unique3A_922 = tpu.scan_count mask(%broadcast_in_dim3A_920 : vector<16xi1>) value(%get3A_918 : vector<16xi32>) : vector<16xi1>, vector<16xi32>
      %convert_element_type3A_923 = arith.sitofp %unique3A_922 : vector<16xi32> to vector<16xf32>
      tpu.vector_store_idx %arg25[%get3A_918], %convert_element_type3A_923 masked %unique3A_921 {add = true} : memref<64xf32, #tpu.memory_space<vmem>>[vector<16xi32>], vector<16xf32>, vector<16xi1>
      %get3A_924 = arith.constant 112 : index
      %get3A_925 = tpu.vector_load %arg18[%get3A_924] {strides = array<i32>} : memref<128xi32, #tpu.memory_space<vmem>>, vector<16xi32>,
      %broadcast_in_dim3A_926 = arith.constant true
      %broadcast_in_dim3A_927 = vector.broadcast %broadcast_in_dim3A_926 : i1 to vector<16xi1>
      %unique3A_928, %unique3A_929 = tpu.scan_count mask(%broadcast_in_dim3A_927 : vector<16xi1>) value(%get3A_925 : vector<16xi32>) : vector<16xi1>, vector<16xi32>
      %convert_element_type3A_930 = arith.sitofp %unique3A_929 : vector<16xi32> to vector<16xf32>
      tpu.vector_store_idx %arg25[%get3A_925], %convert_element_type3A_930 masked %unique3A_928 {add = true} : memref<64xf32, #tpu.memory_space<vmem>>[vector<16xi32>], vector<16xf32>, vector<16xi1>
    } else {
    }
    %add3A_189 = arith.constant 32 : i32
    %add3A_190 = arith.addi %add3A, %add3A_189 : i32
    %lt3A_191 = arith.constant 78 : i32
    %lt3A_192 = arith.cmpi slt, %add3A_190, %lt3A_191 : i32
    %convert_element_type3A_193 = arith.extui %lt3A_192 : i1 to i32
    %cond3A_194 = arith.constant 0 : i32
    %cond3A_195 = arith.cmpi ne, %convert_element_type3A_193, %cond3A_194 : i32
    scf.if %cond3A_195 {
      %add3A_853 = arith.constant 32 : i32
      %add3A_854 = arith.addi %add3A, %add3A_853 : i32
      %mul3A_855 = arith.constant 128 : i32
      %mul3A_856 = arith.muli %add3A_854, %mul3A_855 : i32
      %dma_wait3A_857 = tpu.memref_slice %arg4[%mul3A_856] : memref<10000xi32, #tpu.memory_space<hbm>> -> memref<128xi32, #tpu.memory_space<hbm>>
      %dma_wait3A_858 = tpu.memref_slice %arg4[%mul3A_856] : memref<10000xi32, #tpu.memory_space<hbm>> -> memref<128xi32, #tpu.memory_space<hbm>>
      tpu.wait_dma2 semaphore(%arg30 : memref<!tpu.dma_semaphore, #tpu.memory_space<semaphore_mem>>) src(%dma_wait3A_858 : memref<128xi32, #tpu.memory_space<hbm>>) dst(%arg19 : memref<128xi32, #tpu.memory_space<vmem>>)
      %dma_wait3A_859 = arith.constant 128 : i32
      %dma_wait3A_860 = arith.constant 0 : i32
      %dma_wait3A_861 = tpu.memref_slice %arg15[%dma_wait3A_859, %dma_wait3A_860] : memref<256x128xf32, #tpu.memory_space<vmem>> -> memref<128x128xf32, #tpu.memory_space<vmem>>
      %dma_wait3A_862 = arith.constant 0 : i32
      %dma_wait3A_863 = tpu.memref_slice %arg3[%mul3A_856, %dma_wait3A_862] : memref<10000x128xf32, #tpu.memory_space<hbm>> -> memref<128x128xf32, #tpu.memory_space<hbm>>
      %dma_wait3A_864 = arith.constant 128 : i32
      %dma_wait3A_865 = arith.constant 0 : i32
      %dma_wait3A_866 = tpu.memref_slice %arg15[%dma_wait3A_864, %dma_wait3A_865] : memref<256x128xf32, #tpu.memory_space<vmem>> -> memref<128x128xf32, #tpu.memory_space<vmem>>
      %dma_wait3A_867 = arith.constant 0 : i32
      %dma_wait3A_868 = tpu.memref_slice %arg3[%mul3A_856, %dma_wait3A_867] : memref<10000x128xf32, #tpu.memory_space<hbm>> -> memref<128x128xf32, #tpu.memory_space<hbm>>
      tpu.wait_dma2 semaphore(%arg30 : memref<!tpu.dma_semaphore, #tpu.memory_space<semaphore_mem>>) src(%dma_wait3A_868 : memref<128x128xf32, #tpu.memory_space<hbm>>) dst(%dma_wait3A_866 : memref<128x128xf32, #tpu.memory_space<vmem>>)
      %dma_start3A_869 = arith.constant 128 : i32
      %dma_start3A_870 = arith.constant 0 : i32
      %dma_start3A_871 = tpu.memref_slice %arg15[%dma_start3A_869, %dma_start3A_870] : memref<256x128xf32, #tpu.memory_space<vmem>> -> memref<128x128xf32, #tpu.memory_space<vmem>>
      %dma_start3A_872 = arith.constant 0 : i32
      %dma_start3A_873 = arith.constant 0 : i32
      %dma_start3A_874 = tpu.memref_slice %arg27[%dma_start3A_872, %dma_start3A_873] : memref<64x128xf32, #tpu.memory_space<vmem_shared>> -> memref<64x128xf32, #tpu.memory_space<vmem_shared>>
      tpu.enqueue_indirect_dma source(%dma_start3A_871 : memref<128x128xf32, #tpu.memory_space<vmem>>) target(%dma_start3A_874 : memref<64x128xf32, #tpu.memory_space<vmem_shared>>) offsets(%arg19 : memref<128xi32, #tpu.memory_space<vmem>>) semaphore(%arg32 : memref<!tpu.dma_semaphore, #tpu.memory_space<semaphore_mem>>) {add = true}
      %get3A_875 = arith.constant 0 : index
      %get3A_876 = tpu.vector_load %arg19[%get3A_875] {strides = array<i32>} : memref<128xi32, #tpu.memory_space<vmem>>, vector<16xi32>,
      %broadcast_in_dim3A_877 = arith.constant true
      %broadcast_in_dim3A_878 = vector.broadcast %broadcast_in_dim3A_877 : i1 to vector<16xi1>
      %unique3A_879, %unique3A_880 = tpu.scan_count mask(%broadcast_in_dim3A_878 : vector<16xi1>) value(%get3A_876 : vector<16xi32>) : vector<16xi1>, vector<16xi32>
      %convert_element_type3A_881 = arith.sitofp %unique3A_880 : vector<16xi32> to vector<16xf32>
      tpu.vector_store_idx %arg25[%get3A_876], %convert_element_type3A_881 masked %unique3A_879 {add = true} : memref<64xf32, #tpu.memory_space<vmem>>[vector<16xi32>], vector<16xf32>, vector<16xi1>
      %get3A_882 = arith.constant 16 : index
      %get3A_883 = tpu.vector_load %arg19[%get3A_882] {strides = array<i32>} : memref<128xi32, #tpu.memory_space<vmem>>, vector<16xi32>,
      %broadcast_in_dim3A_884 = arith.constant true
      %broadcast_in_dim3A_885 = vector.broadcast %broadcast_in_dim3A_884 : i1 to vector<16xi1>
      %unique3A_886, %unique3A_887 = tpu.scan_count mask(%broadcast_in_dim3A_885 : vector<16xi1>) value(%get3A_883 : vector<16xi32>) : vector<16xi1>, vector<16xi32>
      %convert_element_type3A_888 = arith.sitofp %unique3A_887 : vector<16xi32> to vector<16xf32>
      tpu.vector_store_idx %arg25[%get3A_883], %convert_element_type3A_888 masked %unique3A_886 {add = true} : memref<64xf32, #tpu.memory_space<vmem>>[vector<16xi32>], vector<16xf32>, vector<16xi1>
      %get3A_889 = arith.constant 32 : index
      %get3A_890 = tpu.vector_load %arg19[%get3A_889] {strides = array<i32>} : memref<128xi32, #tpu.memory_space<vmem>>, vector<16xi32>,
      %broadcast_in_dim3A_891 = arith.constant true
      %broadcast_in_dim3A_892 = vector.broadcast %broadcast_in_dim3A_891 : i1 to vector<16xi1>
      %unique3A_893, %unique3A_894 = tpu.scan_count mask(%broadcast_in_dim3A_892 : vector<16xi1>) value(%get3A_890 : vector<16xi32>) : vector<16xi1>, vector<16xi32>
      %convert_element_type3A_895 = arith.sitofp %unique3A_894 : vector<16xi32> to vector<16xf32>
      tpu.vector_store_idx %arg25[%get3A_890], %convert_element_type3A_895 masked %unique3A_893 {add = true} : memref<64xf32, #tpu.memory_space<vmem>>[vector<16xi32>], vector<16xf32>, vector<16xi1>
      %get3A_896 = arith.constant 48 : index
      %get3A_897 = tpu.vector_load %arg19[%get3A_896] {strides = array<i32>} : memref<128xi32, #tpu.memory_space<vmem>>, vector<16xi32>,
      %broadcast_in_dim3A_898 = arith.constant true
      %broadcast_in_dim3A_899 = vector.broadcast %broadcast_in_dim3A_898 : i1 to vector<16xi1>
      %unique3A_900, %unique3A_901 = tpu.scan_count mask(%broadcast_in_dim3A_899 : vector<16xi1>) value(%get3A_897 : vector<16xi32>) : vector<16xi1>, vector<16xi32>
      %convert_element_type3A_902 = arith.sitofp %unique3A_901 : vector<16xi32> to vector<16xf32>
      tpu.vector_store_idx %arg25[%get3A_897], %convert_element_type3A_902 masked %unique3A_900 {add = true} : memref<64xf32, #tpu.memory_space<vmem>>[vector<16xi32>], vector<16xf32>, vector<16xi1>
      %get3A_903 = arith.constant 64 : index
      %get3A_904 = tpu.vector_load %arg19[%get3A_903] {strides = array<i32>} : memref<128xi32, #tpu.memory_space<vmem>>, vector<16xi32>,
      %broadcast_in_dim3A_905 = arith.constant true
      %broadcast_in_dim3A_906 = vector.broadcast %broadcast_in_dim3A_905 : i1 to vector<16xi1>
      %unique3A_907, %unique3A_908 = tpu.scan_count mask(%broadcast_in_dim3A_906 : vector<16xi1>) value(%get3A_904 : vector<16xi32>) : vector<16xi1>, vector<16xi32>
      %convert_element_type3A_909 = arith.sitofp %unique3A_908 : vector<16xi32> to vector<16xf32>
      tpu.vector_store_idx %arg25[%get3A_904], %convert_element_type3A_909 masked %unique3A_907 {add = true} : memref<64xf32, #tpu.memory_space<vmem>>[vector<16xi32>], vector<16xf32>, vector<16xi1>
      %get3A_910 = arith.constant 80 : index
      %get3A_911 = tpu.vector_load %arg19[%get3A_910] {strides = array<i32>} : memref<128xi32, #tpu.memory_space<vmem>>, vector<16xi32>,
      %broadcast_in_dim3A_912 = arith.constant true
      %broadcast_in_dim3A_913 = vector.broadcast %broadcast_in_dim3A_912 : i1 to vector<16xi1>
      %unique3A_914, %unique3A_915 = tpu.scan_count mask(%broadcast_in_dim3A_913 : vector<16xi1>) value(%get3A_911 : vector<16xi32>) : vector<16xi1>, vector<16xi32>
      %convert_element_type3A_916 = arith.sitofp %unique3A_915 : vector<16xi32> to vector<16xf32>
      tpu.vector_store_idx %arg25[%get3A_911], %convert_element_type3A_916 masked %unique3A_914 {add = true} : memref<64xf32, #tpu.memory_space<vmem>>[vector<16xi32>], vector<16xf32>, vector<16xi1>
      %get3A_917 = arith.constant 96 : index
      %get3A_918 = tpu.vector_load %arg19[%get3A_917] {strides = array<i32>} : memref<128xi32, #tpu.memory_space<vmem>>, vector<16xi32>,
      %broadcast_in_dim3A_919 = arith.constant true
      %broadcast_in_dim3A_920 = vector.broadcast %broadcast_in_dim3A_919 : i1 to vector<16xi1>
      %unique3A_921, %unique3A_922 = tpu.scan_count mask(%broadcast_in_dim3A_920 : vector<16xi1>) value(%get3A_918 : vector<16xi32>) : vector<16xi1>, vector<16xi32>
      %convert_element_type3A_923 = arith.sitofp %unique3A_922 : vector<16xi32> to vector<16xf32>
      tpu.vector_store_idx %arg25[%get3A_918], %convert_element_type3A_923 masked %unique3A_921 {add = true} : memref<64xf32, #tpu.memory_space<vmem>>[vector<16xi32>], vector<16xf32>, vector<16xi1>
      %get3A_924 = arith.constant 112 : index
      %get3A_925 = tpu.vector_load %arg19[%get3A_924] {strides = array<i32>} : memref<128xi32, #tpu.memory_space<vmem>>, vector<16xi32>,
      %broadcast_in_dim3A_926 = arith.constant true
      %broadcast_in_dim3A_927 = vector.broadcast %broadcast_in_dim3A_926 : i1 to vector<16xi1>
      %unique3A_928, %unique3A_929 = tpu.scan_count mask(%broadcast_in_dim3A_927 : vector<16xi1>) value(%get3A_925 : vector<16xi32>) : vector<16xi1>, vector<16xi32>
      %convert_element_type3A_930 = arith.sitofp %unique3A_929 : vector<16xi32> to vector<16xf32>
      tpu.vector_store_idx %arg25[%get3A_925], %convert_element_type3A_930 masked %unique3A_928 {add = true} : memref<64xf32, #tpu.memory_space<vmem>>[vector<16xi32>], vector<16xf32>, vector<16xi1>
    } else {
    }
    %add3A_196 = arith.constant 64 : i32
    %add3A_197 = arith.addi %add3A, %add3A_196 : i32
    %lt3A_198 = arith.constant 78 : i32
    %lt3A_199 = arith.cmpi slt, %add3A_197, %lt3A_198 : i32
    %convert_element_type3A_200 = arith.extui %lt3A_199 : i1 to i32
    %cond3A_201 = arith.constant 0 : i32
    %cond3A_202 = arith.cmpi ne, %convert_element_type3A_200, %cond3A_201 : i32
    scf.if %cond3A_202 {
      %add3A_853 = arith.constant 64 : i32
      %add3A_854 = arith.addi %add3A, %add3A_853 : i32
      %mul3A_855 = arith.constant 128 : i32
      %mul3A_856 = arith.muli %add3A_854, %mul3A_855 : i32
      %dma_wait3A_857 = tpu.memref_slice %arg4[%mul3A_856] : memref<10000xi32, #tpu.memory_space<hbm>> -> memref<128xi32, #tpu.memory_space<hbm>>
      %dma_wait3A_858 = tpu.memref_slice %arg4[%mul3A_856] : memref<10000xi32, #tpu.memory_space<hbm>> -> memref<128xi32, #tpu.memory_space<hbm>>
      tpu.wait_dma2 semaphore(%arg30 : memref<!tpu.dma_semaphore, #tpu.memory_space<semaphore_mem>>) src(%dma_wait3A_858 : memref<128xi32, #tpu.memory_space<hbm>>) dst(%arg20 : memref<128xi32, #tpu.memory_space<vmem>>)
      %dma_wait3A_859 = arith.constant 0 : i32
      %dma_wait3A_860 = arith.constant 0 : i32
      %dma_wait3A_861 = tpu.memref_slice %arg16[%dma_wait3A_859, %dma_wait3A_860] : memref<256x128xf32, #tpu.memory_space<vmem>> -> memref<128x128xf32, #tpu.memory_space<vmem>>
      %dma_wait3A_862 = arith.constant 0 : i32
      %dma_wait3A_863 = tpu.memref_slice %arg3[%mul3A_856, %dma_wait3A_862] : memref<10000x128xf32, #tpu.memory_space<hbm>> -> memref<128x128xf32, #tpu.memory_space<hbm>>
      %dma_wait3A_864 = arith.constant 0 : i32
      %dma_wait3A_865 = arith.constant 0 : i32
      %dma_wait3A_866 = tpu.memref_slice %arg16[%dma_wait3A_864, %dma_wait3A_865] : memref<256x128xf32, #tpu.memory_space<vmem>> -> memref<128x128xf32, #tpu.memory_space<vmem>>
      %dma_wait3A_867 = arith.constant 0 : i32
      %dma_wait3A_868 = tpu.memref_slice %arg3[%mul3A_856, %dma_wait3A_867] : memref<10000x128xf32, #tpu.memory_space<hbm>> -> memref<128x128xf32, #tpu.memory_space<hbm>>
      tpu.wait_dma2 semaphore(%arg30 : memref<!tpu.dma_semaphore, #tpu.memory_space<semaphore_mem>>) src(%dma_wait3A_868 : memref<128x128xf32, #tpu.memory_space<hbm>>) dst(%dma_wait3A_866 : memref<128x128xf32, #tpu.memory_space<vmem>>)
      %dma_start3A_869 = arith.constant 0 : i32
      %dma_start3A_870 = arith.constant 0 : i32
      %dma_start3A_871 = tpu.memref_slice %arg16[%dma_start3A_869, %dma_start3A_870] : memref<256x128xf32, #tpu.memory_space<vmem>> -> memref<128x128xf32, #tpu.memory_space<vmem>>
      %dma_start3A_872 = arith.constant 0 : i32
      %dma_start3A_873 = arith.constant 0 : i32
      %dma_start3A_874 = tpu.memref_slice %arg27[%dma_start3A_872, %dma_start3A_873] : memref<64x128xf32, #tpu.memory_space<vmem_shared>> -> memref<64x128xf32, #tpu.memory_space<vmem_shared>>
      tpu.enqueue_indirect_dma source(%dma_start3A_871 : memref<128x128xf32, #tpu.memory_space<vmem>>) target(%dma_start3A_874 : memref<64x128xf32, #tpu.memory_space<vmem_shared>>) offsets(%arg20 : memref<128xi32, #tpu.memory_space<vmem>>) semaphore(%arg32 : memref<!tpu.dma_semaphore, #tpu.memory_space<semaphore_mem>>) {add = true}
      %get3A_875 = arith.constant 0 : index
      %get3A_876 = tpu.vector_load %arg20[%get3A_875] {strides = array<i32>} : memref<128xi32, #tpu.memory_space<vmem>>, vector<16xi32>,
      %broadcast_in_dim3A_877 = arith.constant true
      %broadcast_in_dim3A_878 = vector.broadcast %broadcast_in_dim3A_877 : i1 to vector<16xi1>
      %unique3A_879, %unique3A_880 = tpu.scan_count mask(%broadcast_in_dim3A_878 : vector<16xi1>) value(%get3A_876 : vector<16xi32>) : vector<16xi1>, vector<16xi32>
      %convert_element_type3A_881 = arith.sitofp %unique3A_880 : vector<16xi32> to vector<16xf32>
      tpu.vector_store_idx %arg25[%get3A_876], %convert_element_type3A_881 masked %unique3A_879 {add = true} : memref<64xf32, #tpu.memory_space<vmem>>[vector<16xi32>], vector<16xf32>, vector<16xi1>
      %get3A_882 = arith.constant 16 : index
      %get3A_883 = tpu.vector_load %arg20[%get3A_882] {strides = array<i32>} : memref<128xi32, #tpu.memory_space<vmem>>, vector<16xi32>,
      %broadcast_in_dim3A_884 = arith.constant true
      %broadcast_in_dim3A_885 = vector.broadcast %broadcast_in_dim3A_884 : i1 to vector<16xi1>
      %unique3A_886, %unique3A_887 = tpu.scan_count mask(%broadcast_in_dim3A_885 : vector<16xi1>) value(%get3A_883 : vector<16xi32>) : vector<16xi1>, vector<16xi32>
      %convert_element_type3A_888 = arith.sitofp %unique3A_887 : vector<16xi32> to vector<16xf32>
      tpu.vector_store_idx %arg25[%get3A_883], %convert_element_type3A_888 masked %unique3A_886 {add = true} : memref<64xf32, #tpu.memory_space<vmem>>[vector<16xi32>], vector<16xf32>, vector<16xi1>
      %get3A_889 = arith.constant 32 : index
      %get3A_890 = tpu.vector_load %arg20[%get3A_889] {strides = array<i32>} : memref<128xi32, #tpu.memory_space<vmem>>, vector<16xi32>,
      %broadcast_in_dim3A_891 = arith.constant true
      %broadcast_in_dim3A_892 = vector.broadcast %broadcast_in_dim3A_891 : i1 to vector<16xi1>
      %unique3A_893, %unique3A_894 = tpu.scan_count mask(%broadcast_in_dim3A_892 : vector<16xi1>) value(%get3A_890 : vector<16xi32>) : vector<16xi1>, vector<16xi32>
      %convert_element_type3A_895 = arith.sitofp %unique3A_894 : vector<16xi32> to vector<16xf32>
      tpu.vector_store_idx %arg25[%get3A_890], %convert_element_type3A_895 masked %unique3A_893 {add = true} : memref<64xf32, #tpu.memory_space<vmem>>[vector<16xi32>], vector<16xf32>, vector<16xi1>
      %get3A_896 = arith.constant 48 : index
      %get3A_897 = tpu.vector_load %arg20[%get3A_896] {strides = array<i32>} : memref<128xi32, #tpu.memory_space<vmem>>, vector<16xi32>,
      %broadcast_in_dim3A_898 = arith.constant true
      %broadcast_in_dim3A_899 = vector.broadcast %broadcast_in_dim3A_898 : i1 to vector<16xi1>
      %unique3A_900, %unique3A_901 = tpu.scan_count mask(%broadcast_in_dim3A_899 : vector<16xi1>) value(%get3A_897 : vector<16xi32>) : vector<16xi1>, vector<16xi32>
      %convert_element_type3A_902 = arith.sitofp %unique3A_901 : vector<16xi32> to vector<16xf32>
      tpu.vector_store_idx %arg25[%get3A_897], %convert_element_type3A_902 masked %unique3A_900 {add = true} : memref<64xf32, #tpu.memory_space<vmem>>[vector<16xi32>], vector<16xf32>, vector<16xi1>
      %get3A_903 = arith.constant 64 : index
      %get3A_904 = tpu.vector_load %arg20[%get3A_903] {strides = array<i32>} : memref<128xi32, #tpu.memory_space<vmem>>, vector<16xi32>,
      %broadcast_in_dim3A_905 = arith.constant true
      %broadcast_in_dim3A_906 = vector.broadcast %broadcast_in_dim3A_905 : i1 to vector<16xi1>
      %unique3A_907, %unique3A_908 = tpu.scan_count mask(%broadcast_in_dim3A_906 : vector<16xi1>) value(%get3A_904 : vector<16xi32>) : vector<16xi1>, vector<16xi32>
      %convert_element_type3A_909 = arith.sitofp %unique3A_908 : vector<16xi32> to vector<16xf32>
      tpu.vector_store_idx %arg25[%get3A_904], %convert_element_type3A_909 masked %unique3A_907 {add = true} : memref<64xf32, #tpu.memory_space<vmem>>[vector<16xi32>], vector<16xf32>, vector<16xi1>
      %get3A_910 = arith.constant 80 : index
      %get3A_911 = tpu.vector_load %arg20[%get3A_910] {strides = array<i32>} : memref<128xi32, #tpu.memory_space<vmem>>, vector<16xi32>,
      %broadcast_in_dim3A_912 = arith.constant true
      %broadcast_in_dim3A_913 = vector.broadcast %broadcast_in_dim3A_912 : i1 to vector<16xi1>
      %unique3A_914, %unique3A_915 = tpu.scan_count mask(%broadcast_in_dim3A_913 : vector<16xi1>) value(%get3A_911 : vector<16xi32>) : vector<16xi1>, vector<16xi32>
      %convert_element_type3A_916 = arith.sitofp %unique3A_915 : vector<16xi32> to vector<16xf32>
      tpu.vector_store_idx %arg25[%get3A_911], %convert_element_type3A_916 masked %unique3A_914 {add = true} : memref<64xf32, #tpu.memory_space<vmem>>[vector<16xi32>], vector<16xf32>, vector<16xi1>
      %get3A_917 = arith.constant 96 : index
      %get3A_918 = tpu.vector_load %arg20[%get3A_917] {strides = array<i32>} : memref<128xi32, #tpu.memory_space<vmem>>, vector<16xi32>,
      %broadcast_in_dim3A_919 = arith.constant true
      %broadcast_in_dim3A_920 = vector.broadcast %broadcast_in_dim3A_919 : i1 to vector<16xi1>
      %unique3A_921, %unique3A_922 = tpu.scan_count mask(%broadcast_in_dim3A_920 : vector<16xi1>) value(%get3A_918 : vector<16xi32>) : vector<16xi1>, vector<16xi32>
      %convert_element_type3A_923 = arith.sitofp %unique3A_922 : vector<16xi32> to vector<16xf32>
      tpu.vector_store_idx %arg25[%get3A_918], %convert_element_type3A_923 masked %unique3A_921 {add = true} : memref<64xf32, #tpu.memory_space<vmem>>[vector<16xi32>], vector<16xf32>, vector<16xi1>
      %get3A_924 = arith.constant 112 : index
      %get3A_925 = tpu.vector_load %arg20[%get3A_924] {strides = array<i32>} : memref<128xi32, #tpu.memory_space<vmem>>, vector<16xi32>,
      %broadcast_in_dim3A_926 = arith.constant true
      %broadcast_in_dim3A_927 = vector.broadcast %broadcast_in_dim3A_926 : i1 to vector<16xi1>
      %unique3A_928, %unique3A_929 = tpu.scan_count mask(%broadcast_in_dim3A_927 : vector<16xi1>) value(%get3A_925 : vector<16xi32>) : vector<16xi1>, vector<16xi32>
      %convert_element_type3A_930 = arith.sitofp %unique3A_929 : vector<16xi32> to vector<16xf32>
      tpu.vector_store_idx %arg25[%get3A_925], %convert_element_type3A_930 masked %unique3A_928 {add = true} : memref<64xf32, #tpu.memory_space<vmem>>[vector<16xi32>], vector<16xf32>, vector<16xi1>
    } else {
    }
    %eq3A_203 = arith.constant 31 : i32
    %eq3A_204 = arith.cmpi eq, %add3A, %eq3A_203 : i32
    %convert_element_type3A_205 = arith.extui %eq3A_204 : i1 to i32
    %cond3A_206 = arith.constant 0 : i32
    %cond3A_207 = arith.cmpi ne, %convert_element_type3A_205, %cond3A_206 : i32
    scf.if %cond3A_207 {
      %dma_wait3A_853 = arith.constant 9984 : i32
      %dma_wait3A_854 = tpu.memref_slice %arg4[%dma_wait3A_853] : memref<10000xi32, #tpu.memory_space<hbm>> -> memref<16xi32, #tpu.memory_space<hbm>>
      %dma_wait3A_855 = arith.constant 9984 : i32
      %dma_wait3A_856 = tpu.memref_slice %arg4[%dma_wait3A_855] : memref<10000xi32, #tpu.memory_space<hbm>> -> memref<16xi32, #tpu.memory_space<hbm>>
      tpu.wait_dma2 semaphore(%arg30 : memref<!tpu.dma_semaphore, #tpu.memory_space<semaphore_mem>>) src(%dma_wait3A_856 : memref<16xi32, #tpu.memory_space<hbm>>) dst(%arg24 : memref<16xi32, #tpu.memory_space<vmem>>)
      %dma_wait3A_857 = arith.constant 0 : i32
      %dma_wait3A_858 = arith.constant 0 : i32
      %dma_wait3A_859 = tpu.memref_slice %arg17[%dma_wait3A_857, %dma_wait3A_858] : memref<20x128xf32, #tpu.memory_space<vmem>> -> memref<16x128xf32, #tpu.memory_space<vmem>>
      %dma_wait3A_860 = arith.constant 9984 : i32
      %dma_wait3A_861 = arith.constant 0 : i32
      %dma_wait3A_862 = tpu.memref_slice %arg3[%dma_wait3A_860, %dma_wait3A_861] : memref<10000x128xf32, #tpu.memory_space<hbm>> -> memref<16x128xf32, #tpu.memory_space<hbm>>
      %dma_wait3A_863 = arith.constant 0 : i32
      %dma_wait3A_864 = arith.constant 0 : i32
      %dma_wait3A_865 = tpu.memref_slice %arg17[%dma_wait3A_863, %dma_wait3A_864] : memref<20x128xf32, #tpu.memory_space<vmem>> -> memref<16x128xf32, #tpu.memory_space<vmem>>
      %dma_wait3A_866 = arith.constant 9984 : i32
      %dma_wait3A_867 = arith.constant 0 : i32
      %dma_wait3A_868 = tpu.memref_slice %arg3[%dma_wait3A_866, %dma_wait3A_867] : memref<10000x128xf32, #tpu.memory_space<hbm>> -> memref<16x128xf32, #tpu.memory_space<hbm>>
      tpu.wait_dma2 semaphore(%arg30 : memref<!tpu.dma_semaphore, #tpu.memory_space<semaphore_mem>>) src(%dma_wait3A_868 : memref<16x128xf32, #tpu.memory_space<hbm>>) dst(%dma_wait3A_865 : memref<16x128xf32, #tpu.memory_space<vmem>>)
      %dma_start3A_869 = arith.constant 0 : i32
      %dma_start3A_870 = arith.constant 0 : i32
      %dma_start3A_871 = tpu.memref_slice %arg17[%dma_start3A_869, %dma_start3A_870] : memref<20x128xf32, #tpu.memory_space<vmem>> -> memref<16x128xf32, #tpu.memory_space<vmem>>
      %dma_start3A_872 = arith.constant 0 : i32
      %dma_start3A_873 = arith.constant 0 : i32
      %dma_start3A_874 = tpu.memref_slice %arg27[%dma_start3A_872, %dma_start3A_873] : memref<64x128xf32, #tpu.memory_space<vmem_shared>> -> memref<64x128xf32, #tpu.memory_space<vmem_shared>>
      tpu.enqueue_indirect_dma source(%dma_start3A_871 : memref<16x128xf32, #tpu.memory_space<vmem>>) target(%dma_start3A_874 : memref<64x128xf32, #tpu.memory_space<vmem_shared>>) offsets(%arg24 : memref<16xi32, #tpu.memory_space<vmem>>) semaphore(%arg32 : memref<!tpu.dma_semaphore, #tpu.memory_space<semaphore_mem>>) {add = true}
      %get3A_875 = arith.constant 0 : index
      %get3A_876 = tpu.vector_load %arg24[%get3A_875] {strides = array<i32>} : memref<16xi32, #tpu.memory_space<vmem>>, vector<16xi32>,
      %broadcast_in_dim3A_877 = arith.constant true
      %broadcast_in_dim3A_878 = vector.broadcast %broadcast_in_dim3A_877 : i1 to vector<16xi1>
      %unique3A_879, %unique3A_880 = tpu.scan_count mask(%broadcast_in_dim3A_878 : vector<16xi1>) value(%get3A_876 : vector<16xi32>) : vector<16xi1>, vector<16xi32>
      %convert_element_type3A_881 = arith.sitofp %unique3A_880 : vector<16xi32> to vector<16xf32>
      tpu.vector_store_idx %arg25[%get3A_876], %convert_element_type3A_881 masked %unique3A_879 {add = true} : memref<64xf32, #tpu.memory_space<vmem>>[vector<16xi32>], vector<16xf32>, vector<16xi1>
      %dma_wait3A_882 = arith.constant 0 : i32
      %dma_wait3A_883 = arith.constant 0 : i32
      %dma_wait3A_884 = tpu.memref_slice %arg17[%dma_wait3A_882, %dma_wait3A_883] : memref<20x128xf32, #tpu.memory_space<vmem>> -> memref<16x128xf32, #tpu.memory_space<vmem>>
      %dma_wait3A_885 = arith.constant 0 : i32
      %dma_wait3A_886 = arith.constant 0 : i32
      %dma_wait3A_887 = tpu.memref_slice %arg27[%dma_wait3A_885, %dma_wait3A_886] : memref<64x128xf32, #tpu.memory_space<vmem_shared>> -> memref<64x128xf32, #tpu.memory_space<vmem_shared>>
      tpu.wait_indirect_dma semaphore(%arg32 : memref<!tpu.dma_semaphore, #tpu.memory_space<semaphore_mem>>) src(%dma_wait3A_884 : memref<16x128xf32, #tpu.memory_space<vmem>>) dst(%dma_wait3A_887 : memref<64x128xf32, #tpu.memory_space<vmem_shared>>)
    } else {
    }
    %add3A_208 = arith.constant 0 : i32
    %add3A_209 = arith.addi %add3A, %add3A_208 : i32
    %lt3A_210 = arith.constant 78 : i32
    %lt3A_211 = arith.cmpi slt, %add3A_209, %lt3A_210 : i32
    %convert_element_type3A_212 = arith.extui %lt3A_211 : i1 to i32
    %cond3A_213 = arith.constant 0 : i32
    %cond3A_214 = arith.cmpi ne, %convert_element_type3A_212, %cond3A_213 : i32
    scf.if %cond3A_214 {
      %dma_wait3A_853 = arith.constant 0 : i32
      %dma_wait3A_854 = arith.constant 0 : i32
      %dma_wait3A_855 = tpu.memref_slice %arg15[%dma_wait3A_853, %dma_wait3A_854] : memref<256x128xf32, #tpu.memory_space<vmem>> -> memref<128x128xf32, #tpu.memory_space<vmem>>
      %dma_wait3A_856 = arith.constant 0 : i32
      %dma_wait3A_857 = arith.constant 0 : i32
      %dma_wait3A_858 = tpu.memref_slice %arg27[%dma_wait3A_856, %dma_wait3A_857] : memref<64x128xf32, #tpu.memory_space<vmem_shared>> -> memref<64x128xf32, #tpu.memory_space<vmem_shared>>
      tpu.wait_indirect_dma semaphore(%arg32 : memref<!tpu.dma_semaphore, #tpu.memory_space<semaphore_mem>>) src(%dma_wait3A_855 : memref<128x128xf32, #tpu.memory_space<vmem>>) dst(%dma_wait3A_858 : memref<64x128xf32, #tpu.memory_space<vmem_shared>>)
    } else {
    }
    %add3A_215 = arith.constant 32 : i32
    %add3A_216 = arith.addi %add3A, %add3A_215 : i32
    %lt3A_217 = arith.constant 78 : i32
    %lt3A_218 = arith.cmpi slt, %add3A_216, %lt3A_217 : i32
    %convert_element_type3A_219 = arith.extui %lt3A_218 : i1 to i32
    %cond3A_220 = arith.constant 0 : i32
    %cond3A_221 = arith.cmpi ne, %convert_element_type3A_219, %cond3A_220 : i32
    scf.if %cond3A_221 {
      %dma_wait3A_853 = arith.constant 128 : i32
      %dma_wait3A_854 = arith.constant 0 : i32
      %dma_wait3A_855 = tpu.memref_slice %arg15[%dma_wait3A_853, %dma_wait3A_854] : memref<256x128xf32, #tpu.memory_space<vmem>> -> memref<128x128xf32, #tpu.memory_space<vmem>>
      %dma_wait3A_856 = arith.constant 0 : i32
      %dma_wait3A_857 = arith.constant 0 : i32
      %dma_wait3A_858 = tpu.memref_slice %arg27[%dma_wait3A_856, %dma_wait3A_857] : memref<64x128xf32, #tpu.memory_space<vmem_shared>> -> memref<64x128xf32, #tpu.memory_space<vmem_shared>>
      tpu.wait_indirect_dma semaphore(%arg32 : memref<!tpu.dma_semaphore, #tpu.memory_space<semaphore_mem>>) src(%dma_wait3A_855 : memref<128x128xf32, #tpu.memory_space<vmem>>) dst(%dma_wait3A_858 : memref<64x128xf32, #tpu.memory_space<vmem_shared>>)
    } else {
    }
    %add3A_222 = arith.constant 64 : i32
    %add3A_223 = arith.addi %add3A, %add3A_222 : i32
    %lt3A_224 = arith.constant 78 : i32
    %lt3A_225 = arith.cmpi slt, %add3A_223, %lt3A_224 : i32
    %convert_element_type3A_226 = arith.extui %lt3A_225 : i1 to i32
    %cond3A_227 = arith.constant 0 : i32
    %cond3A_228 = arith.cmpi ne, %convert_element_type3A_226, %cond3A_227 : i32
    scf.if %cond3A_228 {
      %dma_wait3A_853 = arith.constant 0 : i32
      %dma_wait3A_854 = arith.constant 0 : i32
      %dma_wait3A_855 = tpu.memref_slice %arg16[%dma_wait3A_853, %dma_wait3A_854] : memref<256x128xf32, #tpu.memory_space<vmem>> -> memref<128x128xf32, #tpu.memory_space<vmem>>
      %dma_wait3A_856 = arith.constant 0 : i32
      %dma_wait3A_857 = arith.constant 0 : i32
      %dma_wait3A_858 = tpu.memref_slice %arg27[%dma_wait3A_856, %dma_wait3A_857] : memref<64x128xf32, #tpu.memory_space<vmem_shared>> -> memref<64x128xf32, #tpu.memory_space<vmem_shared>>
      tpu.wait_indirect_dma semaphore(%arg32 : memref<!tpu.dma_semaphore, #tpu.memory_space<semaphore_mem>>) src(%dma_wait3A_855 : memref<128x128xf32, #tpu.memory_space<vmem>>) dst(%dma_wait3A_858 : memref<64x128xf32, #tpu.memory_space<vmem_shared>>)
    } else {
    }
    %add3A_229 = arith.constant 256 : i32
    %add3A_230 = arith.addi %mul3A_2, %add3A_229 : i32
    %add3A_231 = arith.constant 320000 : i32
    %add3A_232 = arith.addi %add3A_231, %add3A_230 : i32
    %dma_start3A_233 = tpu.memref_slice %arg2[%add3A_232] : memref<640000xi32, #tpu.memory_space<hbm>> -> memref<256xi32, #tpu.memory_space<hbm>>
    %dma_start3A_234 = tpu.memref_slice %arg2[%add3A_232] : memref<640000xi32, #tpu.memory_space<hbm>> -> memref<256xi32, #tpu.memory_space<hbm>>
    tpu.enqueue_dma source(%dma_start3A_234 : memref<256xi32, #tpu.memory_space<hbm>>) target(%arg12 : memref<256xi32, #tpu.memory_space<vmem>>) target_semaphore(%arg36 : memref<!tpu.dma_semaphore, #tpu.memory_space<semaphore_mem>>)
    %dma_start3A_235 = arith.constant 0 : i32
    %dma_start3A_236 = tpu.memref_slice %arg5[%add3A_230, %dma_start3A_235] : memref<320000x128xf32, #tpu.memory_space<hbm>> -> memref<256x128xf32, #tpu.memory_space<hbm>>
    %dma_start3A_237 = arith.constant 0 : i32
    %dma_start3A_238 = tpu.memref_slice %arg5[%add3A_230, %dma_start3A_237] : memref<320000x128xf32, #tpu.memory_space<hbm>> -> memref<256x128xf32, #tpu.memory_space<hbm>>
    tpu.enqueue_dma source(%dma_start3A_238 : memref<256x128xf32, #tpu.memory_space<hbm>>) target(%arg15 : memref<256x128xf32, #tpu.memory_space<vmem>>) target_semaphore(%arg30 : memref<!tpu.dma_semaphore, #tpu.memory_space<semaphore_mem>>)
    %add3A_239 = arith.constant 512 : i32
    %add3A_240 = arith.addi %mul3A_2, %add3A_239 : i32
    %add3A_241 = arith.constant 320000 : i32
    %add3A_242 = arith.addi %add3A_241, %add3A_240 : i32
    %dma_start3A_243 = tpu.memref_slice %arg2[%add3A_242] : memref<640000xi32, #tpu.memory_space<hbm>> -> memref<256xi32, #tpu.memory_space<hbm>>
    %dma_start3A_244 = tpu.memref_slice %arg2[%add3A_242] : memref<640000xi32, #tpu.memory_space<hbm>> -> memref<256xi32, #tpu.memory_space<hbm>>
    tpu.enqueue_dma source(%dma_start3A_244 : memref<256xi32, #tpu.memory_space<hbm>>) target(%arg13 : memref<256xi32, #tpu.memory_space<vmem>>) target_semaphore(%arg37 : memref<!tpu.dma_semaphore, #tpu.memory_space<semaphore_mem>>)
    %dma_start3A_245 = arith.constant 0 : i32
    %dma_start3A_246 = tpu.memref_slice %arg5[%add3A_240, %dma_start3A_245] : memref<320000x128xf32, #tpu.memory_space<hbm>> -> memref<256x128xf32, #tpu.memory_space<hbm>>
    %dma_start3A_247 = arith.constant 0 : i32
    %dma_start3A_248 = tpu.memref_slice %arg5[%add3A_240, %dma_start3A_247] : memref<320000x128xf32, #tpu.memory_space<hbm>> -> memref<256x128xf32, #tpu.memory_space<hbm>>
    tpu.enqueue_dma source(%dma_start3A_248 : memref<256x128xf32, #tpu.memory_space<hbm>>) target(%arg16 : memref<256x128xf32, #tpu.memory_space<vmem>>) target_semaphore(%arg31 : memref<!tpu.dma_semaphore, #tpu.memory_space<semaphore_mem>>)
    %add3A_249 = arith.constant 0 : i32
    %add3A_250 = arith.addi %mul3A_2, %add3A_249 : i32
    %add3A_251 = arith.constant 320000 : i32
    %add3A_252 = arith.addi %add3A_251, %add3A_250 : i32
    %dma_wait3A = tpu.memref_slice %arg2[%add3A_252] : memref<640000xi32, #tpu.memory_space<hbm>> -> memref<256xi32, #tpu.memory_space<hbm>>
    %dma_wait3A_253 = tpu.memref_slice %arg2[%add3A_252] : memref<640000xi32, #tpu.memory_space<hbm>> -> memref<256xi32, #tpu.memory_space<hbm>>
    tpu.wait_dma2 semaphore(%arg35 : memref<!tpu.dma_semaphore, #tpu.memory_space<semaphore_mem>>) src(%dma_wait3A_253 : memref<256xi32, #tpu.memory_space<hbm>>) dst(%arg11 : memref<256xi32, #tpu.memory_space<vmem>>)
    %get3A = arith.constant 0 : index
    %get3A_254 = tpu.vector_load %arg11[%get3A] {strides = array<i32>} : memref<256xi32, #tpu.memory_space<vmem>>, vector<16xi32>,
    %gather3A = tpu.vector_load_idx %arg10[%get3A_254] : memref<10000xi32, #tpu.memory_space<vmem>>[vector<16xi32>], vector<16xi32>,
    %swap3A_255 = arith.constant 0 : index
    %swap3A_256 = tpu.vector_load %arg18[%swap3A_255] {strides = array<i32>} : memref<128xi32, #tpu.memory_space<vmem>>, vector<16xi32>,
    tpu.vector_store %arg18[%swap3A_255], %gather3A {strides = array<i32>} : memref<128xi32, #tpu.memory_space<vmem>>, vector<16xi32>,
    %broadcast_in_dim3A_257 = arith.constant true
    %broadcast_in_dim3A_258 = vector.broadcast %broadcast_in_dim3A_257 : i1 to vector<16xi1>
    %unique3A, %unique3A_259 = tpu.scan_count mask(%broadcast_in_dim3A_258 : vector<16xi1>) value(%gather3A : vector<16xi32>) : vector<16xi1>, vector<16xi32>
    %convert_element_type3A_260 = arith.sitofp %unique3A_259 : vector<16xi32> to vector<16xf32>
    tpu.vector_store_idx %arg26[%gather3A], %convert_element_type3A_260 masked %unique3A {add = true} : memref<64xf32, #tpu.memory_space<vmem>>[vector<16xi32>], vector<16xf32>, vector<16xi1>
    %get3A_261 = arith.constant 16 : index
    %get3A_262 = tpu.vector_load %arg11[%get3A_261] {strides = array<i32>} : memref<256xi32, #tpu.memory_space<vmem>>, vector<16xi32>,
    %gather3A_263 = tpu.vector_load_idx %arg10[%get3A_262] : memref<10000xi32, #tpu.memory_space<vmem>>[vector<16xi32>], vector<16xi32>,
    %swap3A_264 = arith.constant 16 : index
    %swap3A_265 = tpu.vector_load %arg18[%swap3A_264] {strides = array<i32>} : memref<128xi32, #tpu.memory_space<vmem>>, vector<16xi32>,
    tpu.vector_store %arg18[%swap3A_264], %gather3A_263 {strides = array<i32>} : memref<128xi32, #tpu.memory_space<vmem>>, vector<16xi32>,
    %broadcast_in_dim3A_266 = arith.constant true
    %broadcast_in_dim3A_267 = vector.broadcast %broadcast_in_dim3A_266 : i1 to vector<16xi1>
    %unique3A_268, %unique3A_269 = tpu.scan_count mask(%broadcast_in_dim3A_267 : vector<16xi1>) value(%gather3A_263 : vector<16xi32>) : vector<16xi1>, vector<16xi32>
    %convert_element_type3A_270 = arith.sitofp %unique3A_269 : vector<16xi32> to vector<16xf32>
    tpu.vector_store_idx %arg26[%gather3A_263], %convert_element_type3A_270 masked %unique3A_268 {add = true} : memref<64xf32, #tpu.memory_space<vmem>>[vector<16xi32>], vector<16xf32>, vector<16xi1>
    %get3A_271 = arith.constant 32 : index
    %get3A_272 = tpu.vector_load %arg11[%get3A_271] {strides = array<i32>} : memref<256xi32, #tpu.memory_space<vmem>>, vector<16xi32>,
    %gather3A_273 = tpu.vector_load_idx %arg10[%get3A_272] : memref<10000xi32, #tpu.memory_space<vmem>>[vector<16xi32>], vector<16xi32>,
    %swap3A_274 = arith.constant 32 : index
    %swap3A_275 = tpu.vector_load %arg18[%swap3A_274] {strides = array<i32>} : memref<128xi32, #tpu.memory_space<vmem>>, vector<16xi32>,
    tpu.vector_store %arg18[%swap3A_274], %gather3A_273 {strides = array<i32>} : memref<128xi32, #tpu.memory_space<vmem>>, vector<16xi32>,
    %broadcast_in_dim3A_276 = arith.constant true
    %broadcast_in_dim3A_277 = vector.broadcast %broadcast_in_dim3A_276 : i1 to vector<16xi1>
    %unique3A_278, %unique3A_279 = tpu.scan_count mask(%broadcast_in_dim3A_277 : vector<16xi1>) value(%gather3A_273 : vector<16xi32>) : vector<16xi1>, vector<16xi32>
    %convert_element_type3A_280 = arith.sitofp %unique3A_279 : vector<16xi32> to vector<16xf32>
    tpu.vector_store_idx %arg26[%gather3A_273], %convert_element_type3A_280 masked %unique3A_278 {add = true} : memref<64xf32, #tpu.memory_space<vmem>>[vector<16xi32>], vector<16xf32>, vector<16xi1>
    %get3A_281 = arith.constant 48 : index
    %get3A_282 = tpu.vector_load %arg11[%get3A_281] {strides = array<i32>} : memref<256xi32, #tpu.memory_space<vmem>>, vector<16xi32>,
    %gather3A_283 = tpu.vector_load_idx %arg10[%get3A_282] : memref<10000xi32, #tpu.memory_space<vmem>>[vector<16xi32>], vector<16xi32>,
    %swap3A_284 = arith.constant 48 : index
    %swap3A_285 = tpu.vector_load %arg18[%swap3A_284] {strides = array<i32>} : memref<128xi32, #tpu.memory_space<vmem>>, vector<16xi32>,
    tpu.vector_store %arg18[%swap3A_284], %gather3A_283 {strides = array<i32>} : memref<128xi32, #tpu.memory_space<vmem>>, vector<16xi32>,
    %broadcast_in_dim3A_286 = arith.constant true
    %broadcast_in_dim3A_287 = vector.broadcast %broadcast_in_dim3A_286 : i1 to vector<16xi1>
    %unique3A_288, %unique3A_289 = tpu.scan_count mask(%broadcast_in_dim3A_287 : vector<16xi1>) value(%gather3A_283 : vector<16xi32>) : vector<16xi1>, vector<16xi32>
    %convert_element_type3A_290 = arith.sitofp %unique3A_289 : vector<16xi32> to vector<16xf32>
    tpu.vector_store_idx %arg26[%gather3A_283], %convert_element_type3A_290 masked %unique3A_288 {add = true} : memref<64xf32, #tpu.memory_space<vmem>>[vector<16xi32>], vector<16xf32>, vector<16xi1>
    %get3A_291 = arith.constant 64 : index
    %get3A_292 = tpu.vector_load %arg11[%get3A_291] {strides = array<i32>} : memref<256xi32, #tpu.memory_space<vmem>>, vector<16xi32>,
    %gather3A_293 = tpu.vector_load_idx %arg10[%get3A_292] : memref<10000xi32, #tpu.memory_space<vmem>>[vector<16xi32>], vector<16xi32>,
    %swap3A_294 = arith.constant 64 : index
    %swap3A_295 = tpu.vector_load %arg18[%swap3A_294] {strides = array<i32>} : memref<128xi32, #tpu.memory_space<vmem>>, vector<16xi32>,
    tpu.vector_store %arg18[%swap3A_294], %gather3A_293 {strides = array<i32>} : memref<128xi32, #tpu.memory_space<vmem>>, vector<16xi32>,
    %broadcast_in_dim3A_296 = arith.constant true
    %broadcast_in_dim3A_297 = vector.broadcast %broadcast_in_dim3A_296 : i1 to vector<16xi1>
    %unique3A_298, %unique3A_299 = tpu.scan_count mask(%broadcast_in_dim3A_297 : vector<16xi1>) value(%gather3A_293 : vector<16xi32>) : vector<16xi1>, vector<16xi32>
    %convert_element_type3A_300 = arith.sitofp %unique3A_299 : vector<16xi32> to vector<16xf32>
    tpu.vector_store_idx %arg26[%gather3A_293], %convert_element_type3A_300 masked %unique3A_298 {add = true} : memref<64xf32, #tpu.memory_space<vmem>>[vector<16xi32>], vector<16xf32>, vector<16xi1>
    %get3A_301 = arith.constant 80 : index
    %get3A_302 = tpu.vector_load %arg11[%get3A_301] {strides = array<i32>} : memref<256xi32, #tpu.memory_space<vmem>>, vector<16xi32>,
    %gather3A_303 = tpu.vector_load_idx %arg10[%get3A_302] : memref<10000xi32, #tpu.memory_space<vmem>>[vector<16xi32>], vector<16xi32>,
    %swap3A_304 = arith.constant 80 : index
    %swap3A_305 = tpu.vector_load %arg18[%swap3A_304] {strides = array<i32>} : memref<128xi32, #tpu.memory_space<vmem>>, vector<16xi32>,
    tpu.vector_store %arg18[%swap3A_304], %gather3A_303 {strides = array<i32>} : memref<128xi32, #tpu.memory_space<vmem>>, vector<16xi32>,
    %broadcast_in_dim3A_306 = arith.constant true
    %broadcast_in_dim3A_307 = vector.broadcast %broadcast_in_dim3A_306 : i1 to vector<16xi1>
    %unique3A_308, %unique3A_309 = tpu.scan_count mask(%broadcast_in_dim3A_307 : vector<16xi1>) value(%gather3A_303 : vector<16xi32>) : vector<16xi1>, vector<16xi32>
    %convert_element_type3A_310 = arith.sitofp %unique3A_309 : vector<16xi32> to vector<16xf32>
    tpu.vector_store_idx %arg26[%gather3A_303], %convert_element_type3A_310 masked %unique3A_308 {add = true} : memref<64xf32, #tpu.memory_space<vmem>>[vector<16xi32>], vector<16xf32>, vector<16xi1>
    %get3A_311 = arith.constant 96 : index
    %get3A_312 = tpu.vector_load %arg11[%get3A_311] {strides = array<i32>} : memref<256xi32, #tpu.memory_space<vmem>>, vector<16xi32>,
    %gather3A_313 = tpu.vector_load_idx %arg10[%get3A_312] : memref<10000xi32, #tpu.memory_space<vmem>>[vector<16xi32>], vector<16xi32>,
    %swap3A_314 = arith.constant 96 : index
    %swap3A_315 = tpu.vector_load %arg18[%swap3A_314] {strides = array<i32>} : memref<128xi32, #tpu.memory_space<vmem>>, vector<16xi32>,
    tpu.vector_store %arg18[%swap3A_314], %gather3A_313 {strides = array<i32>} : memref<128xi32, #tpu.memory_space<vmem>>, vector<16xi32>,
    %broadcast_in_dim3A_316 = arith.constant true
    %broadcast_in_dim3A_317 = vector.broadcast %broadcast_in_dim3A_316 : i1 to vector<16xi1>
    %unique3A_318, %unique3A_319 = tpu.scan_count mask(%broadcast_in_dim3A_317 : vector<16xi1>) value(%gather3A_313 : vector<16xi32>) : vector<16xi1>, vector<16xi32>
    %convert_element_type3A_320 = arith.sitofp %unique3A_319 : vector<16xi32> to vector<16xf32>
    tpu.vector_store_idx %arg26[%gather3A_313], %convert_element_type3A_320 masked %unique3A_318 {add = true} : memref<64xf32, #tpu.memory_space<vmem>>[vector<16xi32>], vector<16xf32>, vector<16xi1>
    %get3A_321 = arith.constant 112 : index
    %get3A_322 = tpu.vector_load %arg11[%get3A_321] {strides = array<i32>} : memref<256xi32, #tpu.memory_space<vmem>>, vector<16xi32>,
    %gather3A_323 = tpu.vector_load_idx %arg10[%get3A_322] : memref<10000xi32, #tpu.memory_space<vmem>>[vector<16xi32>], vector<16xi32>,
    %swap3A_324 = arith.constant 112 : index
    %swap3A_325 = tpu.vector_load %arg18[%swap3A_324] {strides = array<i32>} : memref<128xi32, #tpu.memory_space<vmem>>, vector<16xi32>,
    tpu.vector_store %arg18[%swap3A_324], %gather3A_323 {strides = array<i32>} : memref<128xi32, #tpu.memory_space<vmem>>, vector<16xi32>,
    %broadcast_in_dim3A_326 = arith.constant true
    %broadcast_in_dim3A_327 = vector.broadcast %broadcast_in_dim3A_326 : i1 to vector<16xi1>
    %unique3A_328, %unique3A_329 = tpu.scan_count mask(%broadcast_in_dim3A_327 : vector<16xi1>) value(%gather3A_323 : vector<16xi32>) : vector<16xi1>, vector<16xi32>
    %convert_element_type3A_330 = arith.sitofp %unique3A_329 : vector<16xi32> to vector<16xf32>
    tpu.vector_store_idx %arg26[%gather3A_323], %convert_element_type3A_330 masked %unique3A_328 {add = true} : memref<64xf32, #tpu.memory_space<vmem>>[vector<16xi32>], vector<16xf32>, vector<16xi1>
    %get3A_331 = arith.constant 128 : index
    %get3A_332 = tpu.vector_load %arg11[%get3A_331] {strides = array<i32>} : memref<256xi32, #tpu.memory_space<vmem>>, vector<16xi32>,
    %gather3A_333 = tpu.vector_load_idx %arg10[%get3A_332] : memref<10000xi32, #tpu.memory_space<vmem>>[vector<16xi32>], vector<16xi32>,
    %swap3A_334 = arith.constant 0 : index
    %swap3A_335 = tpu.vector_load %arg19[%swap3A_334] {strides = array<i32>} : memref<128xi32, #tpu.memory_space<vmem>>, vector<16xi32>,
    tpu.vector_store %arg19[%swap3A_334], %gather3A_333 {strides = array<i32>} : memref<128xi32, #tpu.memory_space<vmem>>, vector<16xi32>,
    %broadcast_in_dim3A_336 = arith.constant true
    %broadcast_in_dim3A_337 = vector.broadcast %broadcast_in_dim3A_336 : i1 to vector<16xi1>
    %unique3A_338, %unique3A_339 = tpu.scan_count mask(%broadcast_in_dim3A_337 : vector<16xi1>) value(%gather3A_333 : vector<16xi32>) : vector<16xi1>, vector<16xi32>
    %convert_element_type3A_340 = arith.sitofp %unique3A_339 : vector<16xi32> to vector<16xf32>
    tpu.vector_store_idx %arg26[%gather3A_333], %convert_element_type3A_340 masked %unique3A_338 {add = true} : memref<64xf32, #tpu.memory_space<vmem>>[vector<16xi32>], vector<16xf32>, vector<16xi1>
    %get3A_341 = arith.constant 144 : index
    %get3A_342 = tpu.vector_load %arg11[%get3A_341] {strides = array<i32>} : memref<256xi32, #tpu.memory_space<vmem>>, vector<16xi32>,
    %gather3A_343 = tpu.vector_load_idx %arg10[%get3A_342] : memref<10000xi32, #tpu.memory_space<vmem>>[vector<16xi32>], vector<16xi32>,
    %swap3A_344 = arith.constant 16 : index
    %swap3A_345 = tpu.vector_load %arg19[%swap3A_344] {strides = array<i32>} : memref<128xi32, #tpu.memory_space<vmem>>, vector<16xi32>,
    tpu.vector_store %arg19[%swap3A_344], %gather3A_343 {strides = array<i32>} : memref<128xi32, #tpu.memory_space<vmem>>, vector<16xi32>,
    %broadcast_in_dim3A_346 = arith.constant true
    %broadcast_in_dim3A_347 = vector.broadcast %broadcast_in_dim3A_346 : i1 to vector<16xi1>
    %unique3A_348, %unique3A_349 = tpu.scan_count mask(%broadcast_in_dim3A_347 : vector<16xi1>) value(%gather3A_343 : vector<16xi32>) : vector<16xi1>, vector<16xi32>
    %convert_element_type3A_350 = arith.sitofp %unique3A_349 : vector<16xi32> to vector<16xf32>
    tpu.vector_store_idx %arg26[%gather3A_343], %convert_element_type3A_350 masked %unique3A_348 {add = true} : memref<64xf32, #tpu.memory_space<vmem>>[vector<16xi32>], vector<16xf32>, vector<16xi1>
    %get3A_351 = arith.constant 160 : index
    %get3A_352 = tpu.vector_load %arg11[%get3A_351] {strides = array<i32>} : memref<256xi32, #tpu.memory_space<vmem>>, vector<16xi32>,
    %gather3A_353 = tpu.vector_load_idx %arg10[%get3A_352] : memref<10000xi32, #tpu.memory_space<vmem>>[vector<16xi32>], vector<16xi32>,
    %swap3A_354 = arith.constant 32 : index
    %swap3A_355 = tpu.vector_load %arg19[%swap3A_354] {strides = array<i32>} : memref<128xi32, #tpu.memory_space<vmem>>, vector<16xi32>,
    tpu.vector_store %arg19[%swap3A_354], %gather3A_353 {strides = array<i32>} : memref<128xi32, #tpu.memory_space<vmem>>, vector<16xi32>,
    %broadcast_in_dim3A_356 = arith.constant true
    %broadcast_in_dim3A_357 = vector.broadcast %broadcast_in_dim3A_356 : i1 to vector<16xi1>
    %unique3A_358, %unique3A_359 = tpu.scan_count mask(%broadcast_in_dim3A_357 : vector<16xi1>) value(%gather3A_353 : vector<16xi32>) : vector<16xi1>, vector<16xi32>
    %convert_element_type3A_360 = arith.sitofp %unique3A_359 : vector<16xi32> to vector<16xf32>
    tpu.vector_store_idx %arg26[%gather3A_353], %convert_element_type3A_360 masked %unique3A_358 {add = true} : memref<64xf32, #tpu.memory_space<vmem>>[vector<16xi32>], vector<16xf32>, vector<16xi1>
    %get3A_361 = arith.constant 176 : index
    %get3A_362 = tpu.vector_load %arg11[%get3A_361] {strides = array<i32>} : memref<256xi32, #tpu.memory_space<vmem>>, vector<16xi32>,
    %gather3A_363 = tpu.vector_load_idx %arg10[%get3A_362] : memref<10000xi32, #tpu.memory_space<vmem>>[vector<16xi32>], vector<16xi32>,
    %swap3A_364 = arith.constant 48 : index
    %swap3A_365 = tpu.vector_load %arg19[%swap3A_364] {strides = array<i32>} : memref<128xi32, #tpu.memory_space<vmem>>, vector<16xi32>,
    tpu.vector_store %arg19[%swap3A_364], %gather3A_363 {strides = array<i32>} : memref<128xi32, #tpu.memory_space<vmem>>, vector<16xi32>,
    %broadcast_in_dim3A_366 = arith.constant true
    %broadcast_in_dim3A_367 = vector.broadcast %broadcast_in_dim3A_366 : i1 to vector<16xi1>
    %unique3A_368, %unique3A_369 = tpu.scan_count mask(%broadcast_in_dim3A_367 : vector<16xi1>) value(%gather3A_363 : vector<16xi32>) : vector<16xi1>, vector<16xi32>
    %convert_element_type3A_370 = arith.sitofp %unique3A_369 : vector<16xi32> to vector<16xf32>
    tpu.vector_store_idx %arg26[%gather3A_363], %convert_element_type3A_370 masked %unique3A_368 {add = true} : memref<64xf32, #tpu.memory_space<vmem>>[vector<16xi32>], vector<16xf32>, vector<16xi1>
    %get3A_371 = arith.constant 192 : index
    %get3A_372 = tpu.vector_load %arg11[%get3A_371] {strides = array<i32>} : memref<256xi32, #tpu.memory_space<vmem>>, vector<16xi32>,
    %gather3A_373 = tpu.vector_load_idx %arg10[%get3A_372] : memref<10000xi32, #tpu.memory_space<vmem>>[vector<16xi32>], vector<16xi32>,
    %swap3A_374 = arith.constant 64 : index
    %swap3A_375 = tpu.vector_load %arg19[%swap3A_374] {strides = array<i32>} : memref<128xi32, #tpu.memory_space<vmem>>, vector<16xi32>,
    tpu.vector_store %arg19[%swap3A_374], %gather3A_373 {strides = array<i32>} : memref<128xi32, #tpu.memory_space<vmem>>, vector<16xi32>,
    %broadcast_in_dim3A_376 = arith.constant true
    %broadcast_in_dim3A_377 = vector.broadcast %broadcast_in_dim3A_376 : i1 to vector<16xi1>
    %unique3A_378, %unique3A_379 = tpu.scan_count mask(%broadcast_in_dim3A_377 : vector<16xi1>) value(%gather3A_373 : vector<16xi32>) : vector<16xi1>, vector<16xi32>
    %convert_element_type3A_380 = arith.sitofp %unique3A_379 : vector<16xi32> to vector<16xf32>
    tpu.vector_store_idx %arg26[%gather3A_373], %convert_element_type3A_380 masked %unique3A_378 {add = true} : memref<64xf32, #tpu.memory_space<vmem>>[vector<16xi32>], vector<16xf32>, vector<16xi1>
    %get3A_381 = arith.constant 208 : index
    %get3A_382 = tpu.vector_load %arg11[%get3A_381] {strides = array<i32>} : memref<256xi32, #tpu.memory_space<vmem>>, vector<16xi32>,
    %gather3A_383 = tpu.vector_load_idx %arg10[%get3A_382] : memref<10000xi32, #tpu.memory_space<vmem>>[vector<16xi32>], vector<16xi32>,
    %swap3A_384 = arith.constant 80 : index
    %swap3A_385 = tpu.vector_load %arg19[%swap3A_384] {strides = array<i32>} : memref<128xi32, #tpu.memory_space<vmem>>, vector<16xi32>,
    tpu.vector_store %arg19[%swap3A_384], %gather3A_383 {strides = array<i32>} : memref<128xi32, #tpu.memory_space<vmem>>, vector<16xi32>,
    %broadcast_in_dim3A_386 = arith.constant true
    %broadcast_in_dim3A_387 = vector.broadcast %broadcast_in_dim3A_386 : i1 to vector<16xi1>
    %unique3A_388, %unique3A_389 = tpu.scan_count mask(%broadcast_in_dim3A_387 : vector<16xi1>) value(%gather3A_383 : vector<16xi32>) : vector<16xi1>, vector<16xi32>
    %convert_element_type3A_390 = arith.sitofp %unique3A_389 : vector<16xi32> to vector<16xf32>
    tpu.vector_store_idx %arg26[%gather3A_383], %convert_element_type3A_390 masked %unique3A_388 {add = true} : memref<64xf32, #tpu.memory_space<vmem>>[vector<16xi32>], vector<16xf32>, vector<16xi1>
    %get3A_391 = arith.constant 224 : index
    %get3A_392 = tpu.vector_load %arg11[%get3A_391] {strides = array<i32>} : memref<256xi32, #tpu.memory_space<vmem>>, vector<16xi32>,
    %gather3A_393 = tpu.vector_load_idx %arg10[%get3A_392] : memref<10000xi32, #tpu.memory_space<vmem>>[vector<16xi32>], vector<16xi32>,
    %swap3A_394 = arith.constant 96 : index
    %swap3A_395 = tpu.vector_load %arg19[%swap3A_394] {strides = array<i32>} : memref<128xi32, #tpu.memory_space<vmem>>, vector<16xi32>,
    tpu.vector_store %arg19[%swap3A_394], %gather3A_393 {strides = array<i32>} : memref<128xi32, #tpu.memory_space<vmem>>, vector<16xi32>,
    %broadcast_in_dim3A_396 = arith.constant true
    %broadcast_in_dim3A_397 = vector.broadcast %broadcast_in_dim3A_396 : i1 to vector<16xi1>
    %unique3A_398, %unique3A_399 = tpu.scan_count mask(%broadcast_in_dim3A_397 : vector<16xi1>) value(%gather3A_393 : vector<16xi32>) : vector<16xi1>, vector<16xi32>
    %convert_element_type3A_400 = arith.sitofp %unique3A_399 : vector<16xi32> to vector<16xf32>
    tpu.vector_store_idx %arg26[%gather3A_393], %convert_element_type3A_400 masked %unique3A_398 {add = true} : memref<64xf32, #tpu.memory_space<vmem>>[vector<16xi32>], vector<16xf32>, vector<16xi1>
    %get3A_401 = arith.constant 240 : index
    %get3A_402 = tpu.vector_load %arg11[%get3A_401] {strides = array<i32>} : memref<256xi32, #tpu.memory_space<vmem>>, vector<16xi32>,
    %gather3A_403 = tpu.vector_load_idx %arg10[%get3A_402] : memref<10000xi32, #tpu.memory_space<vmem>>[vector<16xi32>], vector<16xi32>,
    %swap3A_404 = arith.constant 112 : index
    %swap3A_405 = tpu.vector_load %arg19[%swap3A_404] {strides = array<i32>} : memref<128xi32, #tpu.memory_space<vmem>>, vector<16xi32>,
    tpu.vector_store %arg19[%swap3A_404], %gather3A_403 {strides = array<i32>} : memref<128xi32, #tpu.memory_space<vmem>>, vector<16xi32>,
    %broadcast_in_dim3A_406 = arith.constant true
    %broadcast_in_dim3A_407 = vector.broadcast %broadcast_in_dim3A_406 : i1 to vector<16xi1>
    %unique3A_408, %unique3A_409 = tpu.scan_count mask(%broadcast_in_dim3A_407 : vector<16xi1>) value(%gather3A_403 : vector<16xi32>) : vector<16xi1>, vector<16xi32>
    %convert_element_type3A_410 = arith.sitofp %unique3A_409 : vector<16xi32> to vector<16xf32>
    tpu.vector_store_idx %arg26[%gather3A_403], %convert_element_type3A_410 masked %unique3A_408 {add = true} : memref<64xf32, #tpu.memory_space<vmem>>[vector<16xi32>], vector<16xf32>, vector<16xi1>
    %add3A_411 = arith.constant 0 : i32
    %add3A_412 = arith.addi %mul3A_2, %add3A_411 : i32
    %dma_wait3A_413 = arith.constant 0 : i32
    %dma_wait3A_414 = tpu.memref_slice %arg5[%add3A_412, %dma_wait3A_413] : memref<320000x128xf32, #tpu.memory_space<hbm>> -> memref<256x128xf32, #tpu.memory_space<hbm>>
    %dma_wait3A_415 = arith.constant 0 : i32
    %dma_wait3A_416 = tpu.memref_slice %arg5[%add3A_412, %dma_wait3A_415] : memref<320000x128xf32, #tpu.memory_space<hbm>> -> memref<256x128xf32, #tpu.memory_space<hbm>>
    tpu.wait_dma2 semaphore(%arg29 : memref<!tpu.dma_semaphore, #tpu.memory_space<semaphore_mem>>) src(%dma_wait3A_416 : memref<256x128xf32, #tpu.memory_space<hbm>>) dst(%arg14 : memref<256x128xf32, #tpu.memory_space<vmem>>)
    %dma_start3A_417 = arith.constant 0 : i32
    %dma_start3A_418 = arith.constant 0 : i32
    %dma_start3A_419 = tpu.memref_slice %arg14[%dma_start3A_417, %dma_start3A_418] : memref<256x128xf32, #tpu.memory_space<vmem>> -> memref<128x128xf32, #tpu.memory_space<vmem>>
    %dma_start3A_420 = arith.constant 0 : i32
    %dma_start3A_421 = arith.constant 0 : i32
    %dma_start3A_422 = tpu.memref_slice %arg28[%dma_start3A_420, %dma_start3A_421] : memref<64x128xf32, #tpu.memory_space<vmem_shared>> -> memref<64x128xf32, #tpu.memory_space<vmem_shared>>
    tpu.enqueue_indirect_dma source(%dma_start3A_419 : memref<128x128xf32, #tpu.memory_space<vmem>>) target(%dma_start3A_422 : memref<64x128xf32, #tpu.memory_space<vmem_shared>>) offsets(%arg18 : memref<128xi32, #tpu.memory_space<vmem>>) semaphore(%arg32 : memref<!tpu.dma_semaphore, #tpu.memory_space<semaphore_mem>>) {add = true}
    %dma_start3A_423 = arith.constant 128 : i32
    %dma_start3A_424 = arith.constant 0 : i32
    %dma_start3A_425 = tpu.memref_slice %arg14[%dma_start3A_423, %dma_start3A_424] : memref<256x128xf32, #tpu.memory_space<vmem>> -> memref<128x128xf32, #tpu.memory_space<vmem>>
    %dma_start3A_426 = arith.constant 0 : i32
    %dma_start3A_427 = arith.constant 0 : i32
    %dma_start3A_428 = tpu.memref_slice %arg28[%dma_start3A_426, %dma_start3A_427] : memref<64x128xf32, #tpu.memory_space<vmem_shared>> -> memref<64x128xf32, #tpu.memory_space<vmem_shared>>
    tpu.enqueue_indirect_dma source(%dma_start3A_425 : memref<128x128xf32, #tpu.memory_space<vmem>>) target(%dma_start3A_428 : memref<64x128xf32, #tpu.memory_space<vmem_shared>>) offsets(%arg19 : memref<128xi32, #tpu.memory_space<vmem>>) semaphore(%arg32 : memref<!tpu.dma_semaphore, #tpu.memory_space<semaphore_mem>>) {add = true}
    %scan3A = arith.constant 0 : i32
    %scan3A_429 = arith.constant 0 : i32
    %scan3A_430 = arith.constant 12 : i32
    %scan3A_431 = arith.addi %scan3A_429, %scan3A_430 : i32
    %scan3A_432 = arith.constant 1 : i32
    %scan3A_433 = scf.for %scan3A_853 = %scan3A_429 to %scan3A_431 step %scan3A_432 iter_args(%scan3A_854 = %scan3A) -> (i32)  : i32 {
      %mul3A_855 = arith.constant 3 : i32
      %mul3A_856 = arith.muli %mul3A_855, %scan3A_853 : i32
      %add3A_857 = arith.constant 1 : i32
      %add3A_858 = arith.addi %mul3A_856, %add3A_857 : i32
      %mul3A_859 = arith.constant 256 : i32
      %mul3A_860 = arith.muli %add3A_858, %mul3A_859 : i32
      %add3A_861 = arith.addi %mul3A_2, %mul3A_860 : i32
      %add3A_862 = arith.constant 320000 : i32
      %add3A_863 = arith.addi %add3A_862, %add3A_861 : i32
      %dma_wait3A_864 = tpu.memref_slice %arg2[%add3A_863] : memref<640000xi32, #tpu.memory_space<hbm>> -> memref<256xi32, #tpu.memory_space<hbm>>
      %dma_wait3A_865 = tpu.memref_slice %arg2[%add3A_863] : memref<640000xi32, #tpu.memory_space<hbm>> -> memref<256xi32, #tpu.memory_space<hbm>>
      tpu.wait_dma2 semaphore(%arg36 : memref<!tpu.dma_semaphore, #tpu.memory_space<semaphore_mem>>) src(%dma_wait3A_865 : memref<256xi32, #tpu.memory_space<hbm>>) dst(%arg12 : memref<256xi32, #tpu.memory_space<vmem>>)
      %get3A_866 = arith.constant 0 : index
      %get3A_867 = tpu.vector_load %arg12[%get3A_866] {strides = array<i32>} : memref<256xi32, #tpu.memory_space<vmem>>, vector<16xi32>,
      %gather3A_868 = tpu.vector_load_idx %arg10[%get3A_867] : memref<10000xi32, #tpu.memory_space<vmem>>[vector<16xi32>], vector<16xi32>,
      %swap3A_869 = arith.constant 0 : index
      %swap3A_870 = tpu.vector_load %arg20[%swap3A_869] {strides = array<i32>} : memref<128xi32, #tpu.memory_space<vmem>>, vector<16xi32>,
      tpu.vector_store %arg20[%swap3A_869], %gather3A_868 {strides = array<i32>} : memref<128xi32, #tpu.memory_space<vmem>>, vector<16xi32>,
      %broadcast_in_dim3A_871 = arith.constant true
      %broadcast_in_dim3A_872 = vector.broadcast %broadcast_in_dim3A_871 : i1 to vector<16xi1>
      %unique3A_873, %unique3A_874 = tpu.scan_count mask(%broadcast_in_dim3A_872 : vector<16xi1>) value(%gather3A_868 : vector<16xi32>) : vector<16xi1>, vector<16xi32>
      %convert_element_type3A_875 = arith.sitofp %unique3A_874 : vector<16xi32> to vector<16xf32>
      tpu.vector_store_idx %arg26[%gather3A_868], %convert_element_type3A_875 masked %unique3A_873 {add = true} : memref<64xf32, #tpu.memory_space<vmem>>[vector<16xi32>], vector<16xf32>, vector<16xi1>
      %get3A_876 = arith.constant 16 : index
      %get3A_877 = tpu.vector_load %arg12[%get3A_876] {strides = array<i32>} : memref<256xi32, #tpu.memory_space<vmem>>, vector<16xi32>,
      %gather3A_878 = tpu.vector_load_idx %arg10[%get3A_877] : memref<10000xi32, #tpu.memory_space<vmem>>[vector<16xi32>], vector<16xi32>,
      %swap3A_879 = arith.constant 16 : index
      %swap3A_880 = tpu.vector_load %arg20[%swap3A_879] {strides = array<i32>} : memref<128xi32, #tpu.memory_space<vmem>>, vector<16xi32>,
      tpu.vector_store %arg20[%swap3A_879], %gather3A_878 {strides = array<i32>} : memref<128xi32, #tpu.memory_space<vmem>>, vector<16xi32>,
      %broadcast_in_dim3A_881 = arith.constant true
      %broadcast_in_dim3A_882 = vector.broadcast %broadcast_in_dim3A_881 : i1 to vector<16xi1>
      %unique3A_883, %unique3A_884 = tpu.scan_count mask(%broadcast_in_dim3A_882 : vector<16xi1>) value(%gather3A_878 : vector<16xi32>) : vector<16xi1>, vector<16xi32>
      %convert_element_type3A_885 = arith.sitofp %unique3A_884 : vector<16xi32> to vector<16xf32>
      tpu.vector_store_idx %arg26[%gather3A_878], %convert_element_type3A_885 masked %unique3A_883 {add = true} : memref<64xf32, #tpu.memory_space<vmem>>[vector<16xi32>], vector<16xf32>, vector<16xi1>
      %get3A_886 = arith.constant 32 : index
      %get3A_887 = tpu.vector_load %arg12[%get3A_886] {strides = array<i32>} : memref<256xi32, #tpu.memory_space<vmem>>, vector<16xi32>,
      %gather3A_888 = tpu.vector_load_idx %arg10[%get3A_887] : memref<10000xi32, #tpu.memory_space<vmem>>[vector<16xi32>], vector<16xi32>,
      %swap3A_889 = arith.constant 32 : index
      %swap3A_890 = tpu.vector_load %arg20[%swap3A_889] {strides = array<i32>} : memref<128xi32, #tpu.memory_space<vmem>>, vector<16xi32>,
      tpu.vector_store %arg20[%swap3A_889], %gather3A_888 {strides = array<i32>} : memref<128xi32, #tpu.memory_space<vmem>>, vector<16xi32>,
      %broadcast_in_dim3A_891 = arith.constant true
      %broadcast_in_dim3A_892 = vector.broadcast %broadcast_in_dim3A_891 : i1 to vector<16xi1>
      %unique3A_893, %unique3A_894 = tpu.scan_count mask(%broadcast_in_dim3A_892 : vector<16xi1>) value(%gather3A_888 : vector<16xi32>) : vector<16xi1>, vector<16xi32>
      %convert_element_type3A_895 = arith.sitofp %unique3A_894 : vector<16xi32> to vector<16xf32>
      tpu.vector_store_idx %arg26[%gather3A_888], %convert_element_type3A_895 masked %unique3A_893 {add = true} : memref<64xf32, #tpu.memory_space<vmem>>[vector<16xi32>], vector<16xf32>, vector<16xi1>
      %get3A_896 = arith.constant 48 : index
      %get3A_897 = tpu.vector_load %arg12[%get3A_896] {strides = array<i32>} : memref<256xi32, #tpu.memory_space<vmem>>, vector<16xi32>,
      %gather3A_898 = tpu.vector_load_idx %arg10[%get3A_897] : memref<10000xi32, #tpu.memory_space<vmem>>[vector<16xi32>], vector<16xi32>,
      %swap3A_899 = arith.constant 48 : index
      %swap3A_900 = tpu.vector_load %arg20[%swap3A_899] {strides = array<i32>} : memref<128xi32, #tpu.memory_space<vmem>>, vector<16xi32>,
      tpu.vector_store %arg20[%swap3A_899], %gather3A_898 {strides = array<i32>} : memref<128xi32, #tpu.memory_space<vmem>>, vector<16xi32>,
      %broadcast_in_dim3A_901 = arith.constant true
      %broadcast_in_dim3A_902 = vector.broadcast %broadcast_in_dim3A_901 : i1 to vector<16xi1>
      %unique3A_903, %unique3A_904 = tpu.scan_count mask(%broadcast_in_dim3A_902 : vector<16xi1>) value(%gather3A_898 : vector<16xi32>) : vector<16xi1>, vector<16xi32>
      %convert_element_type3A_905 = arith.sitofp %unique3A_904 : vector<16xi32> to vector<16xf32>
      tpu.vector_store_idx %arg26[%gather3A_898], %convert_element_type3A_905 masked %unique3A_903 {add = true} : memref<64xf32, #tpu.memory_space<vmem>>[vector<16xi32>], vector<16xf32>, vector<16xi1>
      %get3A_906 = arith.constant 64 : index
      %get3A_907 = tpu.vector_load %arg12[%get3A_906] {strides = array<i32>} : memref<256xi32, #tpu.memory_space<vmem>>, vector<16xi32>,
      %gather3A_908 = tpu.vector_load_idx %arg10[%get3A_907] : memref<10000xi32, #tpu.memory_space<vmem>>[vector<16xi32>], vector<16xi32>,
      %swap3A_909 = arith.constant 64 : index
      %swap3A_910 = tpu.vector_load %arg20[%swap3A_909] {strides = array<i32>} : memref<128xi32, #tpu.memory_space<vmem>>, vector<16xi32>,
      tpu.vector_store %arg20[%swap3A_909], %gather3A_908 {strides = array<i32>} : memref<128xi32, #tpu.memory_space<vmem>>, vector<16xi32>,
      %broadcast_in_dim3A_911 = arith.constant true
      %broadcast_in_dim3A_912 = vector.broadcast %broadcast_in_dim3A_911 : i1 to vector<16xi1>
      %unique3A_913, %unique3A_914 = tpu.scan_count mask(%broadcast_in_dim3A_912 : vector<16xi1>) value(%gather3A_908 : vector<16xi32>) : vector<16xi1>, vector<16xi32>
      %convert_element_type3A_915 = arith.sitofp %unique3A_914 : vector<16xi32> to vector<16xf32>
      tpu.vector_store_idx %arg26[%gather3A_908], %convert_element_type3A_915 masked %unique3A_913 {add = true} : memref<64xf32, #tpu.memory_space<vmem>>[vector<16xi32>], vector<16xf32>, vector<16xi1>
      %get3A_916 = arith.constant 80 : index
      %get3A_917 = tpu.vector_load %arg12[%get3A_916] {strides = array<i32>} : memref<256xi32, #tpu.memory_space<vmem>>, vector<16xi32>,
      %gather3A_918 = tpu.vector_load_idx %arg10[%get3A_917] : memref<10000xi32, #tpu.memory_space<vmem>>[vector<16xi32>], vector<16xi32>,
      %swap3A_919 = arith.constant 80 : index
      %swap3A_920 = tpu.vector_load %arg20[%swap3A_919] {strides = array<i32>} : memref<128xi32, #tpu.memory_space<vmem>>, vector<16xi32>,
      tpu.vector_store %arg20[%swap3A_919], %gather3A_918 {strides = array<i32>} : memref<128xi32, #tpu.memory_space<vmem>>, vector<16xi32>,
      %broadcast_in_dim3A_921 = arith.constant true
      %broadcast_in_dim3A_922 = vector.broadcast %broadcast_in_dim3A_921 : i1 to vector<16xi1>
      %unique3A_923, %unique3A_924 = tpu.scan_count mask(%broadcast_in_dim3A_922 : vector<16xi1>) value(%gather3A_918 : vector<16xi32>) : vector<16xi1>, vector<16xi32>
      %convert_element_type3A_925 = arith.sitofp %unique3A_924 : vector<16xi32> to vector<16xf32>
      tpu.vector_store_idx %arg26[%gather3A_918], %convert_element_type3A_925 masked %unique3A_923 {add = true} : memref<64xf32, #tpu.memory_space<vmem>>[vector<16xi32>], vector<16xf32>, vector<16xi1>
      %get3A_926 = arith.constant 96 : index
      %get3A_927 = tpu.vector_load %arg12[%get3A_926] {strides = array<i32>} : memref<256xi32, #tpu.memory_space<vmem>>, vector<16xi32>,
      %gather3A_928 = tpu.vector_load_idx %arg10[%get3A_927] : memref<10000xi32, #tpu.memory_space<vmem>>[vector<16xi32>], vector<16xi32>,
      %swap3A_929 = arith.constant 96 : index
      %swap3A_930 = tpu.vector_load %arg20[%swap3A_929] {strides = array<i32>} : memref<128xi32, #tpu.memory_space<vmem>>, vector<16xi32>,
      tpu.vector_store %arg20[%swap3A_929], %gather3A_928 {strides = array<i32>} : memref<128xi32, #tpu.memory_space<vmem>>, vector<16xi32>,
      %broadcast_in_dim3A_931 = arith.constant true
      %broadcast_in_dim3A_932 = vector.broadcast %broadcast_in_dim3A_931 : i1 to vector<16xi1>
      %unique3A_933, %unique3A_934 = tpu.scan_count mask(%broadcast_in_dim3A_932 : vector<16xi1>) value(%gather3A_928 : vector<16xi32>) : vector<16xi1>, vector<16xi32>
      %convert_element_type3A_935 = arith.sitofp %unique3A_934 : vector<16xi32> to vector<16xf32>
      tpu.vector_store_idx %arg26[%gather3A_928], %convert_element_type3A_935 masked %unique3A_933 {add = true} : memref<64xf32, #tpu.memory_space<vmem>>[vector<16xi32>], vector<16xf32>, vector<16xi1>
      %get3A_936 = arith.constant 112 : index
      %get3A_937 = tpu.vector_load %arg12[%get3A_936] {strides = array<i32>} : memref<256xi32, #tpu.memory_space<vmem>>, vector<16xi32>,
      %gather3A_938 = tpu.vector_load_idx %arg10[%get3A_937] : memref<10000xi32, #tpu.memory_space<vmem>>[vector<16xi32>], vector<16xi32>,
      %swap3A_939 = arith.constant 112 : index
      %swap3A_940 = tpu.vector_load %arg20[%swap3A_939] {strides = array<i32>} : memref<128xi32, #tpu.memory_space<vmem>>, vector<16xi32>,
      tpu.vector_store %arg20[%swap3A_939], %gather3A_938 {strides = array<i32>} : memref<128xi32, #tpu.memory_space<vmem>>, vector<16xi32>,
      %broadcast_in_dim3A_941 = arith.constant true
      %broadcast_in_dim3A_942 = vector.broadcast %broadcast_in_dim3A_941 : i1 to vector<16xi1>
      %unique3A_943, %unique3A_944 = tpu.scan_count mask(%broadcast_in_dim3A_942 : vector<16xi1>) value(%gather3A_938 : vector<16xi32>) : vector<16xi1>, vector<16xi32>
      %convert_element_type3A_945 = arith.sitofp %unique3A_944 : vector<16xi32> to vector<16xf32>
      tpu.vector_store_idx %arg26[%gather3A_938], %convert_element_type3A_945 masked %unique3A_943 {add = true} : memref<64xf32, #tpu.memory_space<vmem>>[vector<16xi32>], vector<16xf32>, vector<16xi1>
      %get3A_946 = arith.constant 128 : index
      %get3A_947 = tpu.vector_load %arg12[%get3A_946] {strides = array<i32>} : memref<256xi32, #tpu.memory_space<vmem>>, vector<16xi32>,
      %gather3A_948 = tpu.vector_load_idx %arg10[%get3A_947] : memref<10000xi32, #tpu.memory_space<vmem>>[vector<16xi32>], vector<16xi32>,
      %swap3A_949 = arith.constant 0 : index
      %swap3A_950 = tpu.vector_load %arg21[%swap3A_949] {strides = array<i32>} : memref<128xi32, #tpu.memory_space<vmem>>, vector<16xi32>,
      tpu.vector_store %arg21[%swap3A_949], %gather3A_948 {strides = array<i32>} : memref<128xi32, #tpu.memory_space<vmem>>, vector<16xi32>,
      %broadcast_in_dim3A_951 = arith.constant true
      %broadcast_in_dim3A_952 = vector.broadcast %broadcast_in_dim3A_951 : i1 to vector<16xi1>
      %unique3A_953, %unique3A_954 = tpu.scan_count mask(%broadcast_in_dim3A_952 : vector<16xi1>) value(%gather3A_948 : vector<16xi32>) : vector<16xi1>, vector<16xi32>
      %convert_element_type3A_955 = arith.sitofp %unique3A_954 : vector<16xi32> to vector<16xf32>
      tpu.vector_store_idx %arg26[%gather3A_948], %convert_element_type3A_955 masked %unique3A_953 {add = true} : memref<64xf32, #tpu.memory_space<vmem>>[vector<16xi32>], vector<16xf32>, vector<16xi1>
      %get3A_956 = arith.constant 144 : index
      %get3A_957 = tpu.vector_load %arg12[%get3A_956] {strides = array<i32>} : memref<256xi32, #tpu.memory_space<vmem>>, vector<16xi32>,
      %gather3A_958 = tpu.vector_load_idx %arg10[%get3A_957] : memref<10000xi32, #tpu.memory_space<vmem>>[vector<16xi32>], vector<16xi32>,
      %swap3A_959 = arith.constant 16 : index
      %swap3A_960 = tpu.vector_load %arg21[%swap3A_959] {strides = array<i32>} : memref<128xi32, #tpu.memory_space<vmem>>, vector<16xi32>,
      tpu.vector_store %arg21[%swap3A_959], %gather3A_958 {strides = array<i32>} : memref<128xi32, #tpu.memory_space<vmem>>, vector<16xi32>,
      %broadcast_in_dim3A_961 = arith.constant true
      %broadcast_in_dim3A_962 = vector.broadcast %broadcast_in_dim3A_961 : i1 to vector<16xi1>
      %unique3A_963, %unique3A_964 = tpu.scan_count mask(%broadcast_in_dim3A_962 : vector<16xi1>) value(%gather3A_958 : vector<16xi32>) : vector<16xi1>, vector<16xi32>
      %convert_element_type3A_965 = arith.sitofp %unique3A_964 : vector<16xi32> to vector<16xf32>
      tpu.vector_store_idx %arg26[%gather3A_958], %convert_element_type3A_965 masked %unique3A_963 {add = true} : memref<64xf32, #tpu.memory_space<vmem>>[vector<16xi32>], vector<16xf32>, vector<16xi1>
      %get3A_966 = arith.constant 160 : index
      %get3A_967 = tpu.vector_load %arg12[%get3A_966] {strides = array<i32>} : memref<256xi32, #tpu.memory_space<vmem>>, vector<16xi32>,
      %gather3A_968 = tpu.vector_load_idx %arg10[%get3A_967] : memref<10000xi32, #tpu.memory_space<vmem>>[vector<16xi32>], vector<16xi32>,
      %swap3A_969 = arith.constant 32 : index
      %swap3A_970 = tpu.vector_load %arg21[%swap3A_969] {strides = array<i32>} : memref<128xi32, #tpu.memory_space<vmem>>, vector<16xi32>,
      tpu.vector_store %arg21[%swap3A_969], %gather3A_968 {strides = array<i32>} : memref<128xi32, #tpu.memory_space<vmem>>, vector<16xi32>,
      %broadcast_in_dim3A_971 = arith.constant true
      %broadcast_in_dim3A_972 = vector.broadcast %broadcast_in_dim3A_971 : i1 to vector<16xi1>
      %unique3A_973, %unique3A_974 = tpu.scan_count mask(%broadcast_in_dim3A_972 : vector<16xi1>) value(%gather3A_968 : vector<16xi32>) : vector<16xi1>, vector<16xi32>
      %convert_element_type3A_975 = arith.sitofp %unique3A_974 : vector<16xi32> to vector<16xf32>
      tpu.vector_store_idx %arg26[%gather3A_968], %convert_element_type3A_975 masked %unique3A_973 {add = true} : memref<64xf32, #tpu.memory_space<vmem>>[vector<16xi32>], vector<16xf32>, vector<16xi1>
      %get3A_976 = arith.constant 176 : index
      %get3A_977 = tpu.vector_load %arg12[%get3A_976] {strides = array<i32>} : memref<256xi32, #tpu.memory_space<vmem>>, vector<16xi32>,
      %gather3A_978 = tpu.vector_load_idx %arg10[%get3A_977] : memref<10000xi32, #tpu.memory_space<vmem>>[vector<16xi32>], vector<16xi32>,
      %swap3A_979 = arith.constant 48 : index
      %swap3A_980 = tpu.vector_load %arg21[%swap3A_979] {strides = array<i32>} : memref<128xi32, #tpu.memory_space<vmem>>, vector<16xi32>,
      tpu.vector_store %arg21[%swap3A_979], %gather3A_978 {strides = array<i32>} : memref<128xi32, #tpu.memory_space<vmem>>, vector<16xi32>,
      %broadcast_in_dim3A_981 = arith.constant true
      %broadcast_in_dim3A_982 = vector.broadcast %broadcast_in_dim3A_981 : i1 to vector<16xi1>
      %unique3A_983, %unique3A_984 = tpu.scan_count mask(%broadcast_in_dim3A_982 : vector<16xi1>) value(%gather3A_978 : vector<16xi32>) : vector<16xi1>, vector<16xi32>
      %convert_element_type3A_985 = arith.sitofp %unique3A_984 : vector<16xi32> to vector<16xf32>
      tpu.vector_store_idx %arg26[%gather3A_978], %convert_element_type3A_985 masked %unique3A_983 {add = true} : memref<64xf32, #tpu.memory_space<vmem>>[vector<16xi32>], vector<16xf32>, vector<16xi1>
      %get3A_986 = arith.constant 192 : index
      %get3A_987 = tpu.vector_load %arg12[%get3A_986] {strides = array<i32>} : memref<256xi32, #tpu.memory_space<vmem>>, vector<16xi32>,
      %gather3A_988 = tpu.vector_load_idx %arg10[%get3A_987] : memref<10000xi32, #tpu.memory_space<vmem>>[vector<16xi32>], vector<16xi32>,
      %swap3A_989 = arith.constant 64 : index
      %swap3A_990 = tpu.vector_load %arg21[%swap3A_989] {strides = array<i32>} : memref<128xi32, #tpu.memory_space<vmem>>, vector<16xi32>,
      tpu.vector_store %arg21[%swap3A_989], %gather3A_988 {strides = array<i32>} : memref<128xi32, #tpu.memory_space<vmem>>, vector<16xi32>,
      %broadcast_in_dim3A_991 = arith.constant true
      %broadcast_in_dim3A_992 = vector.broadcast %broadcast_in_dim3A_991 : i1 to vector<16xi1>
      %unique3A_993, %unique3A_994 = tpu.scan_count mask(%broadcast_in_dim3A_992 : vector<16xi1>) value(%gather3A_988 : vector<16xi32>) : vector<16xi1>, vector<16xi32>
      %convert_element_type3A_995 = arith.sitofp %unique3A_994 : vector<16xi32> to vector<16xf32>
      tpu.vector_store_idx %arg26[%gather3A_988], %convert_element_type3A_995 masked %unique3A_993 {add = true} : memref<64xf32, #tpu.memory_space<vmem>>[vector<16xi32>], vector<16xf32>, vector<16xi1>
      %get3A_996 = arith.constant 208 : index
      %get3A_997 = tpu.vector_load %arg12[%get3A_996] {strides = array<i32>} : memref<256xi32, #tpu.memory_space<vmem>>, vector<16xi32>,
      %gather3A_998 = tpu.vector_load_idx %arg10[%get3A_997] : memref<10000xi32, #tpu.memory_space<vmem>>[vector<16xi32>], vector<16xi32>,
      %swap3A_999 = arith.constant 80 : index
      %swap3A_1000 = tpu.vector_load %arg21[%swap3A_999] {strides = array<i32>} : memref<128xi32, #tpu.memory_space<vmem>>, vector<16xi32>,
      tpu.vector_store %arg21[%swap3A_999], %gather3A_998 {strides = array<i32>} : memref<128xi32, #tpu.memory_space<vmem>>, vector<16xi32>,
      %broadcast_in_dim3A_1001 = arith.constant true
      %broadcast_in_dim3A_1002 = vector.broadcast %broadcast_in_dim3A_1001 : i1 to vector<16xi1>
      %unique3A_1003, %unique3A_1004 = tpu.scan_count mask(%broadcast_in_dim3A_1002 : vector<16xi1>) value(%gather3A_998 : vector<16xi32>) : vector<16xi1>, vector<16xi32>
      %convert_element_type3A_1005 = arith.sitofp %unique3A_1004 : vector<16xi32> to vector<16xf32>
      tpu.vector_store_idx %arg26[%gather3A_998], %convert_element_type3A_1005 masked %unique3A_1003 {add = true} : memref<64xf32, #tpu.memory_space<vmem>>[vector<16xi32>], vector<16xf32>, vector<16xi1>
      %get3A_1006 = arith.constant 224 : index
      %get3A_1007 = tpu.vector_load %arg12[%get3A_1006] {strides = array<i32>} : memref<256xi32, #tpu.memory_space<vmem>>, vector<16xi32>,
      %gather3A_1008 = tpu.vector_load_idx %arg10[%get3A_1007] : memref<10000xi32, #tpu.memory_space<vmem>>[vector<16xi32>], vector<16xi32>,
      %swap3A_1009 = arith.constant 96 : index
      %swap3A_1010 = tpu.vector_load %arg21[%swap3A_1009] {strides = array<i32>} : memref<128xi32, #tpu.memory_space<vmem>>, vector<16xi32>,
      tpu.vector_store %arg21[%swap3A_1009], %gather3A_1008 {strides = array<i32>} : memref<128xi32, #tpu.memory_space<vmem>>, vector<16xi32>,
      %broadcast_in_dim3A_1011 = arith.constant true
      %broadcast_in_dim3A_1012 = vector.broadcast %broadcast_in_dim3A_1011 : i1 to vector<16xi1>
      %unique3A_1013, %unique3A_1014 = tpu.scan_count mask(%broadcast_in_dim3A_1012 : vector<16xi1>) value(%gather3A_1008 : vector<16xi32>) : vector<16xi1>, vector<16xi32>
      %convert_element_type3A_1015 = arith.sitofp %unique3A_1014 : vector<16xi32> to vector<16xf32>
      tpu.vector_store_idx %arg26[%gather3A_1008], %convert_element_type3A_1015 masked %unique3A_1013 {add = true} : memref<64xf32, #tpu.memory_space<vmem>>[vector<16xi32>], vector<16xf32>, vector<16xi1>
      %get3A_1016 = arith.constant 240 : index
      %get3A_1017 = tpu.vector_load %arg12[%get3A_1016] {strides = array<i32>} : memref<256xi32, #tpu.memory_space<vmem>>, vector<16xi32>,
      %gather3A_1018 = tpu.vector_load_idx %arg10[%get3A_1017] : memref<10000xi32, #tpu.memory_space<vmem>>[vector<16xi32>], vector<16xi32>,
      %swap3A_1019 = arith.constant 112 : index
      %swap3A_1020 = tpu.vector_load %arg21[%swap3A_1019] {strides = array<i32>} : memref<128xi32, #tpu.memory_space<vmem>>, vector<16xi32>,
      tpu.vector_store %arg21[%swap3A_1019], %gather3A_1018 {strides = array<i32>} : memref<128xi32, #tpu.memory_space<vmem>>, vector<16xi32>,
      %broadcast_in_dim3A_1021 = arith.constant true
      %broadcast_in_dim3A_1022 = vector.broadcast %broadcast_in_dim3A_1021 : i1 to vector<16xi1>
      %unique3A_1023, %unique3A_1024 = tpu.scan_count mask(%broadcast_in_dim3A_1022 : vector<16xi1>) value(%gather3A_1018 : vector<16xi32>) : vector<16xi1>, vector<16xi32>
      %convert_element_type3A_1025 = arith.sitofp %unique3A_1024 : vector<16xi32> to vector<16xf32>
      tpu.vector_store_idx %arg26[%gather3A_1018], %convert_element_type3A_1025 masked %unique3A_1023 {add = true} : memref<64xf32, #tpu.memory_space<vmem>>[vector<16xi32>], vector<16xf32>, vector<16xi1>
      %mul3A_1026 = arith.constant 256 : i32
      %mul3A_1027 = arith.muli %add3A_858, %mul3A_1026 : i32
      %add3A_1028 = arith.addi %mul3A_2, %mul3A_1027 : i32
      %dma_wait3A_1029 = arith.constant 0 : i32
      %dma_wait3A_1030 = tpu.memref_slice %arg5[%add3A_1028, %dma_wait3A_1029] : memref<320000x128xf32, #tpu.memory_space<hbm>> -> memref<256x128xf32, #tpu.memory_space<hbm>>
      %dma_wait3A_1031 = arith.constant 0 : i32
      %dma_wait3A_1032 = tpu.memref_slice %arg5[%add3A_1028, %dma_wait3A_1031] : memref<320000x128xf32, #tpu.memory_space<hbm>> -> memref<256x128xf32, #tpu.memory_space<hbm>>
      tpu.wait_dma2 semaphore(%arg30 : memref<!tpu.dma_semaphore, #tpu.memory_space<semaphore_mem>>) src(%dma_wait3A_1032 : memref<256x128xf32, #tpu.memory_space<hbm>>) dst(%arg15 : memref<256x128xf32, #tpu.memory_space<vmem>>)
      %dma_start3A_1033 = arith.constant 0 : i32
      %dma_start3A_1034 = arith.constant 0 : i32
      %dma_start3A_1035 = tpu.memref_slice %arg15[%dma_start3A_1033, %dma_start3A_1034] : memref<256x128xf32, #tpu.memory_space<vmem>> -> memref<128x128xf32, #tpu.memory_space<vmem>>
      %dma_start3A_1036 = arith.constant 0 : i32
      %dma_start3A_1037 = arith.constant 0 : i32
      %dma_start3A_1038 = tpu.memref_slice %arg28[%dma_start3A_1036, %dma_start3A_1037] : memref<64x128xf32, #tpu.memory_space<vmem_shared>> -> memref<64x128xf32, #tpu.memory_space<vmem_shared>>
      tpu.enqueue_indirect_dma source(%dma_start3A_1035 : memref<128x128xf32, #tpu.memory_space<vmem>>) target(%dma_start3A_1038 : memref<64x128xf32, #tpu.memory_space<vmem_shared>>) offsets(%arg20 : memref<128xi32, #tpu.memory_space<vmem>>) semaphore(%arg33 : memref<!tpu.dma_semaphore, #tpu.memory_space<semaphore_mem>>) {add = true}
      %dma_start3A_1039 = arith.constant 128 : i32
      %dma_start3A_1040 = arith.constant 0 : i32
      %dma_start3A_1041 = tpu.memref_slice %arg15[%dma_start3A_1039, %dma_start3A_1040] : memref<256x128xf32, #tpu.memory_space<vmem>> -> memref<128x128xf32, #tpu.memory_space<vmem>>
      %dma_start3A_1042 = arith.constant 0 : i32
      %dma_start3A_1043 = arith.constant 0 : i32
      %dma_start3A_1044 = tpu.memref_slice %arg28[%dma_start3A_1042, %dma_start3A_1043] : memref<64x128xf32, #tpu.memory_space<vmem_shared>> -> memref<64x128xf32, #tpu.memory_space<vmem_shared>>
      tpu.enqueue_indirect_dma source(%dma_start3A_1041 : memref<128x128xf32, #tpu.memory_space<vmem>>) target(%dma_start3A_1044 : memref<64x128xf32, #tpu.memory_space<vmem_shared>>) offsets(%arg21 : memref<128xi32, #tpu.memory_space<vmem>>) semaphore(%arg33 : memref<!tpu.dma_semaphore, #tpu.memory_space<semaphore_mem>>) {add = true}
      %dma_wait3A_1045 = arith.constant 0 : i32
      %dma_wait3A_1046 = arith.constant 0 : i32
      %dma_wait3A_1047 = tpu.memref_slice %arg14[%dma_wait3A_1045, %dma_wait3A_1046] : memref<256x128xf32, #tpu.memory_space<vmem>> -> memref<128x128xf32, #tpu.memory_space<vmem>>
      %dma_wait3A_1048 = arith.constant 0 : i32
      %dma_wait3A_1049 = arith.constant 0 : i32
      %dma_wait3A_1050 = tpu.memref_slice %arg28[%dma_wait3A_1048, %dma_wait3A_1049] : memref<64x128xf32, #tpu.memory_space<vmem_shared>> -> memref<64x128xf32, #tpu.memory_space<vmem_shared>>
      tpu.wait_indirect_dma semaphore(%arg32 : memref<!tpu.dma_semaphore, #tpu.memory_space<semaphore_mem>>) src(%dma_wait3A_1047 : memref<128x128xf32, #tpu.memory_space<vmem>>) dst(%dma_wait3A_1050 : memref<64x128xf32, #tpu.memory_space<vmem_shared>>)
      %dma_wait3A_1051 = arith.constant 128 : i32
      %dma_wait3A_1052 = arith.constant 0 : i32
      %dma_wait3A_1053 = tpu.memref_slice %arg14[%dma_wait3A_1051, %dma_wait3A_1052] : memref<256x128xf32, #tpu.memory_space<vmem>> -> memref<128x128xf32, #tpu.memory_space<vmem>>
      %dma_wait3A_1054 = arith.constant 0 : i32
      %dma_wait3A_1055 = arith.constant 0 : i32
      %dma_wait3A_1056 = tpu.memref_slice %arg28[%dma_wait3A_1054, %dma_wait3A_1055] : memref<64x128xf32, #tpu.memory_space<vmem_shared>> -> memref<64x128xf32, #tpu.memory_space<vmem_shared>>
      tpu.wait_indirect_dma semaphore(%arg32 : memref<!tpu.dma_semaphore, #tpu.memory_space<semaphore_mem>>) src(%dma_wait3A_1053 : memref<128x128xf32, #tpu.memory_space<vmem>>) dst(%dma_wait3A_1056 : memref<64x128xf32, #tpu.memory_space<vmem_shared>>)
      %add3A_1057 = arith.constant 2 : i32
      %add3A_1058 = arith.addi %add3A_858, %add3A_1057 : i32
      %mul3A_1059 = arith.constant 256 : i32
      %mul3A_1060 = arith.muli %add3A_1058, %mul3A_1059 : i32
      %add3A_1061 = arith.addi %mul3A_2, %mul3A_1060 : i32
      %add3A_1062 = arith.constant 320000 : i32
      %add3A_1063 = arith.addi %add3A_1062, %add3A_1061 : i32
      %dma_start3A_1064 = tpu.memref_slice %arg2[%add3A_1063] : memref<640000xi32, #tpu.memory_space<hbm>> -> memref<256xi32, #tpu.memory_space<hbm>>
      %dma_start3A_1065 = tpu.memref_slice %arg2[%add3A_1063] : memref<640000xi32, #tpu.memory_space<hbm>> -> memref<256xi32, #tpu.memory_space<hbm>>
      tpu.enqueue_dma source(%dma_start3A_1065 : memref<256xi32, #tpu.memory_space<hbm>>) target(%arg11 : memref<256xi32, #tpu.memory_space<vmem>>) target_semaphore(%arg35 : memref<!tpu.dma_semaphore, #tpu.memory_space<semaphore_mem>>)
      %dma_start3A_1066 = arith.constant 0 : i32
      %dma_start3A_1067 = tpu.memref_slice %arg5[%add3A_1061, %dma_start3A_1066] : memref<320000x128xf32, #tpu.memory_space<hbm>> -> memref<256x128xf32, #tpu.memory_space<hbm>>
      %dma_start3A_1068 = arith.constant 0 : i32
      %dma_start3A_1069 = tpu.memref_slice %arg5[%add3A_1061, %dma_start3A_1068] : memref<320000x128xf32, #tpu.memory_space<hbm>> -> memref<256x128xf32, #tpu.memory_space<hbm>>
      tpu.enqueue_dma source(%dma_start3A_1069 : memref<256x128xf32, #tpu.memory_space<hbm>>) target(%arg14 : memref<256x128xf32, #tpu.memory_space<vmem>>) target_semaphore(%arg29 : memref<!tpu.dma_semaphore, #tpu.memory_space<semaphore_mem>>)
      %add3A_1070 = arith.constant 1 : i32
      %add3A_1071 = arith.addi %add3A_858, %add3A_1070 : i32
      %mul3A_1072 = arith.constant 256 : i32
      %mul3A_1073 = arith.muli %add3A_1071, %mul3A_1072 : i32
      %add3A_1074 = arith.addi %mul3A_2, %mul3A_1073 : i32
      %add3A_1075 = arith.constant 320000 : i32
      %add3A_1076 = arith.addi %add3A_1075, %add3A_1074 : i32
      %dma_wait3A_1077 = tpu.memref_slice %arg2[%add3A_1076] : memref<640000xi32, #tpu.memory_space<hbm>> -> memref<256xi32, #tpu.memory_space<hbm>>
      %dma_wait3A_1078 = tpu.memref_slice %arg2[%add3A_1076] : memref<640000xi32, #tpu.memory_space<hbm>> -> memref<256xi32, #tpu.memory_space<hbm>>
      tpu.wait_dma2 semaphore(%arg37 : memref<!tpu.dma_semaphore, #tpu.memory_space<semaphore_mem>>) src(%dma_wait3A_1078 : memref<256xi32, #tpu.memory_space<hbm>>) dst(%arg13 : memref<256xi32, #tpu.memory_space<vmem>>)
      %get3A_1079 = arith.constant 0 : index
      %get3A_1080 = tpu.vector_load %arg13[%get3A_1079] {strides = array<i32>} : memref<256xi32, #tpu.memory_space<vmem>>, vector<16xi32>,
      %gather3A_1081 = tpu.vector_load_idx %arg10[%get3A_1080] : memref<10000xi32, #tpu.memory_space<vmem>>[vector<16xi32>], vector<16xi32>,
      %swap3A_1082 = arith.constant 0 : index
      %swap3A_1083 = tpu.vector_load %arg22[%swap3A_1082] {strides = array<i32>} : memref<128xi32, #tpu.memory_space<vmem>>, vector<16xi32>,
      tpu.vector_store %arg22[%swap3A_1082], %gather3A_1081 {strides = array<i32>} : memref<128xi32, #tpu.memory_space<vmem>>, vector<16xi32>,
      %broadcast_in_dim3A_1084 = arith.constant true
      %broadcast_in_dim3A_1085 = vector.broadcast %broadcast_in_dim3A_1084 : i1 to vector<16xi1>
      %unique3A_1086, %unique3A_1087 = tpu.scan_count mask(%broadcast_in_dim3A_1085 : vector<16xi1>) value(%gather3A_1081 : vector<16xi32>) : vector<16xi1>, vector<16xi32>
      %convert_element_type3A_1088 = arith.sitofp %unique3A_1087 : vector<16xi32> to vector<16xf32>
      tpu.vector_store_idx %arg26[%gather3A_1081], %convert_element_type3A_1088 masked %unique3A_1086 {add = true} : memref<64xf32, #tpu.memory_space<vmem>>[vector<16xi32>], vector<16xf32>, vector<16xi1>
      %get3A_1089 = arith.constant 16 : index
      %get3A_1090 = tpu.vector_load %arg13[%get3A_1089] {strides = array<i32>} : memref<256xi32, #tpu.memory_space<vmem>>, vector<16xi32>,
      %gather3A_1091 = tpu.vector_load_idx %arg10[%get3A_1090] : memref<10000xi32, #tpu.memory_space<vmem>>[vector<16xi32>], vector<16xi32>,
      %swap3A_1092 = arith.constant 16 : index
      %swap3A_1093 = tpu.vector_load %arg22[%swap3A_1092] {strides = array<i32>} : memref<128xi32, #tpu.memory_space<vmem>>, vector<16xi32>,
      tpu.vector_store %arg22[%swap3A_1092], %gather3A_1091 {strides = array<i32>} : memref<128xi32, #tpu.memory_space<vmem>>, vector<16xi32>,
      %broadcast_in_dim3A_1094 = arith.constant true
      %broadcast_in_dim3A_1095 = vector.broadcast %broadcast_in_dim3A_1094 : i1 to vector<16xi1>
      %unique3A_1096, %unique3A_1097 = tpu.scan_count mask(%broadcast_in_dim3A_1095 : vector<16xi1>) value(%gather3A_1091 : vector<16xi32>) : vector<16xi1>, vector<16xi32>
      %convert_element_type3A_1098 = arith.sitofp %unique3A_1097 : vector<16xi32> to vector<16xf32>
      tpu.vector_store_idx %arg26[%gather3A_1091], %convert_element_type3A_1098 masked %unique3A_1096 {add = true} : memref<64xf32, #tpu.memory_space<vmem>>[vector<16xi32>], vector<16xf32>, vector<16xi1>
      %get3A_1099 = arith.constant 32 : index
      %get3A_1100 = tpu.vector_load %arg13[%get3A_1099] {strides = array<i32>} : memref<256xi32, #tpu.memory_space<vmem>>, vector<16xi32>,
      %gather3A_1101 = tpu.vector_load_idx %arg10[%get3A_1100] : memref<10000xi32, #tpu.memory_space<vmem>>[vector<16xi32>], vector<16xi32>,
      %swap3A_1102 = arith.constant 32 : index
      %swap3A_1103 = tpu.vector_load %arg22[%swap3A_1102] {strides = array<i32>} : memref<128xi32, #tpu.memory_space<vmem>>, vector<16xi32>,
      tpu.vector_store %arg22[%swap3A_1102], %gather3A_1101 {strides = array<i32>} : memref<128xi32, #tpu.memory_space<vmem>>, vector<16xi32>,
      %broadcast_in_dim3A_1104 = arith.constant true
      %broadcast_in_dim3A_1105 = vector.broadcast %broadcast_in_dim3A_1104 : i1 to vector<16xi1>
      %unique3A_1106, %unique3A_1107 = tpu.scan_count mask(%broadcast_in_dim3A_1105 : vector<16xi1>) value(%gather3A_1101 : vector<16xi32>) : vector<16xi1>, vector<16xi32>
      %convert_element_type3A_1108 = arith.sitofp %unique3A_1107 : vector<16xi32> to vector<16xf32>
      tpu.vector_store_idx %arg26[%gather3A_1101], %convert_element_type3A_1108 masked %unique3A_1106 {add = true} : memref<64xf32, #tpu.memory_space<vmem>>[vector<16xi32>], vector<16xf32>, vector<16xi1>
      %get3A_1109 = arith.constant 48 : index
      %get3A_1110 = tpu.vector_load %arg13[%get3A_1109] {strides = array<i32>} : memref<256xi32, #tpu.memory_space<vmem>>, vector<16xi32>,
      %gather3A_1111 = tpu.vector_load_idx %arg10[%get3A_1110] : memref<10000xi32, #tpu.memory_space<vmem>>[vector<16xi32>], vector<16xi32>,
      %swap3A_1112 = arith.constant 48 : index
      %swap3A_1113 = tpu.vector_load %arg22[%swap3A_1112] {strides = array<i32>} : memref<128xi32, #tpu.memory_space<vmem>>, vector<16xi32>,
      tpu.vector_store %arg22[%swap3A_1112], %gather3A_1111 {strides = array<i32>} : memref<128xi32, #tpu.memory_space<vmem>>, vector<16xi32>,
      %broadcast_in_dim3A_1114 = arith.constant true
      %broadcast_in_dim3A_1115 = vector.broadcast %broadcast_in_dim3A_1114 : i1 to vector<16xi1>
      %unique3A_1116, %unique3A_1117 = tpu.scan_count mask(%broadcast_in_dim3A_1115 : vector<16xi1>) value(%gather3A_1111 : vector<16xi32>) : vector<16xi1>, vector<16xi32>
      %convert_element_type3A_1118 = arith.sitofp %unique3A_1117 : vector<16xi32> to vector<16xf32>
      tpu.vector_store_idx %arg26[%gather3A_1111], %convert_element_type3A_1118 masked %unique3A_1116 {add = true} : memref<64xf32, #tpu.memory_space<vmem>>[vector<16xi32>], vector<16xf32>, vector<16xi1>
      %get3A_1119 = arith.constant 64 : index
      %get3A_1120 = tpu.vector_load %arg13[%get3A_1119] {strides = array<i32>} : memref<256xi32, #tpu.memory_space<vmem>>, vector<16xi32>,
      %gather3A_1121 = tpu.vector_load_idx %arg10[%get3A_1120] : memref<10000xi32, #tpu.memory_space<vmem>>[vector<16xi32>], vector<16xi32>,
      %swap3A_1122 = arith.constant 64 : index
      %swap3A_1123 = tpu.vector_load %arg22[%swap3A_1122] {strides = array<i32>} : memref<128xi32, #tpu.memory_space<vmem>>, vector<16xi32>,
      tpu.vector_store %arg22[%swap3A_1122], %gather3A_1121 {strides = array<i32>} : memref<128xi32, #tpu.memory_space<vmem>>, vector<16xi32>,
      %broadcast_in_dim3A_1124 = arith.constant true
      %broadcast_in_dim3A_1125 = vector.broadcast %broadcast_in_dim3A_1124 : i1 to vector<16xi1>
      %unique3A_1126, %unique3A_1127 = tpu.scan_count mask(%broadcast_in_dim3A_1125 : vector<16xi1>) value(%gather3A_1121 : vector<16xi32>) : vector<16xi1>, vector<16xi32>
      %convert_element_type3A_1128 = arith.sitofp %unique3A_1127 : vector<16xi32> to vector<16xf32>
      tpu.vector_store_idx %arg26[%gather3A_1121], %convert_element_type3A_1128 masked %unique3A_1126 {add = true} : memref<64xf32, #tpu.memory_space<vmem>>[vector<16xi32>], vector<16xf32>, vector<16xi1>
      %get3A_1129 = arith.constant 80 : index
      %get3A_1130 = tpu.vector_load %arg13[%get3A_1129] {strides = array<i32>} : memref<256xi32, #tpu.memory_space<vmem>>, vector<16xi32>,
      %gather3A_1131 = tpu.vector_load_idx %arg10[%get3A_1130] : memref<10000xi32, #tpu.memory_space<vmem>>[vector<16xi32>], vector<16xi32>,
      %swap3A_1132 = arith.constant 80 : index
      %swap3A_1133 = tpu.vector_load %arg22[%swap3A_1132] {strides = array<i32>} : memref<128xi32, #tpu.memory_space<vmem>>, vector<16xi32>,
      tpu.vector_store %arg22[%swap3A_1132], %gather3A_1131 {strides = array<i32>} : memref<128xi32, #tpu.memory_space<vmem>>, vector<16xi32>,
      %broadcast_in_dim3A_1134 = arith.constant true
      %broadcast_in_dim3A_1135 = vector.broadcast %broadcast_in_dim3A_1134 : i1 to vector<16xi1>
      %unique3A_1136, %unique3A_1137 = tpu.scan_count mask(%broadcast_in_dim3A_1135 : vector<16xi1>) value(%gather3A_1131 : vector<16xi32>) : vector<16xi1>, vector<16xi32>
      %convert_element_type3A_1138 = arith.sitofp %unique3A_1137 : vector<16xi32> to vector<16xf32>
      tpu.vector_store_idx %arg26[%gather3A_1131], %convert_element_type3A_1138 masked %unique3A_1136 {add = true} : memref<64xf32, #tpu.memory_space<vmem>>[vector<16xi32>], vector<16xf32>, vector<16xi1>
      %get3A_1139 = arith.constant 96 : index
      %get3A_1140 = tpu.vector_load %arg13[%get3A_1139] {strides = array<i32>} : memref<256xi32, #tpu.memory_space<vmem>>, vector<16xi32>,
      %gather3A_1141 = tpu.vector_load_idx %arg10[%get3A_1140] : memref<10000xi32, #tpu.memory_space<vmem>>[vector<16xi32>], vector<16xi32>,
      %swap3A_1142 = arith.constant 96 : index
      %swap3A_1143 = tpu.vector_load %arg22[%swap3A_1142] {strides = array<i32>} : memref<128xi32, #tpu.memory_space<vmem>>, vector<16xi32>,
      tpu.vector_store %arg22[%swap3A_1142], %gather3A_1141 {strides = array<i32>} : memref<128xi32, #tpu.memory_space<vmem>>, vector<16xi32>,
      %broadcast_in_dim3A_1144 = arith.constant true
      %broadcast_in_dim3A_1145 = vector.broadcast %broadcast_in_dim3A_1144 : i1 to vector<16xi1>
      %unique3A_1146, %unique3A_1147 = tpu.scan_count mask(%broadcast_in_dim3A_1145 : vector<16xi1>) value(%gather3A_1141 : vector<16xi32>) : vector<16xi1>, vector<16xi32>
      %convert_element_type3A_1148 = arith.sitofp %unique3A_1147 : vector<16xi32> to vector<16xf32>
      tpu.vector_store_idx %arg26[%gather3A_1141], %convert_element_type3A_1148 masked %unique3A_1146 {add = true} : memref<64xf32, #tpu.memory_space<vmem>>[vector<16xi32>], vector<16xf32>, vector<16xi1>
      %get3A_1149 = arith.constant 112 : index
      %get3A_1150 = tpu.vector_load %arg13[%get3A_1149] {strides = array<i32>} : memref<256xi32, #tpu.memory_space<vmem>>, vector<16xi32>,
      %gather3A_1151 = tpu.vector_load_idx %arg10[%get3A_1150] : memref<10000xi32, #tpu.memory_space<vmem>>[vector<16xi32>], vector<16xi32>,
      %swap3A_1152 = arith.constant 112 : index
      %swap3A_1153 = tpu.vector_load %arg22[%swap3A_1152] {strides = array<i32>} : memref<128xi32, #tpu.memory_space<vmem>>, vector<16xi32>,
      tpu.vector_store %arg22[%swap3A_1152], %gather3A_1151 {strides = array<i32>} : memref<128xi32, #tpu.memory_space<vmem>>, vector<16xi32>,
      %broadcast_in_dim3A_1154 = arith.constant true
      %broadcast_in_dim3A_1155 = vector.broadcast %broadcast_in_dim3A_1154 : i1 to vector<16xi1>
      %unique3A_1156, %unique3A_1157 = tpu.scan_count mask(%broadcast_in_dim3A_1155 : vector<16xi1>) value(%gather3A_1151 : vector<16xi32>) : vector<16xi1>, vector<16xi32>
      %convert_element_type3A_1158 = arith.sitofp %unique3A_1157 : vector<16xi32> to vector<16xf32>
      tpu.vector_store_idx %arg26[%gather3A_1151], %convert_element_type3A_1158 masked %unique3A_1156 {add = true} : memref<64xf32, #tpu.memory_space<vmem>>[vector<16xi32>], vector<16xf32>, vector<16xi1>
      %get3A_1159 = arith.constant 128 : index
      %get3A_1160 = tpu.vector_load %arg13[%get3A_1159] {strides = array<i32>} : memref<256xi32, #tpu.memory_space<vmem>>, vector<16xi32>,
      %gather3A_1161 = tpu.vector_load_idx %arg10[%get3A_1160] : memref<10000xi32, #tpu.memory_space<vmem>>[vector<16xi32>], vector<16xi32>,
      %swap3A_1162 = arith.constant 0 : index
      %swap3A_1163 = tpu.vector_load %arg23[%swap3A_1162] {strides = array<i32>} : memref<128xi32, #tpu.memory_space<vmem>>, vector<16xi32>,
      tpu.vector_store %arg23[%swap3A_1162], %gather3A_1161 {strides = array<i32>} : memref<128xi32, #tpu.memory_space<vmem>>, vector<16xi32>,
      %broadcast_in_dim3A_1164 = arith.constant true
      %broadcast_in_dim3A_1165 = vector.broadcast %broadcast_in_dim3A_1164 : i1 to vector<16xi1>
      %unique3A_1166, %unique3A_1167 = tpu.scan_count mask(%broadcast_in_dim3A_1165 : vector<16xi1>) value(%gather3A_1161 : vector<16xi32>) : vector<16xi1>, vector<16xi32>
      %convert_element_type3A_1168 = arith.sitofp %unique3A_1167 : vector<16xi32> to vector<16xf32>
      tpu.vector_store_idx %arg26[%gather3A_1161], %convert_element_type3A_1168 masked %unique3A_1166 {add = true} : memref<64xf32, #tpu.memory_space<vmem>>[vector<16xi32>], vector<16xf32>, vector<16xi1>
      %get3A_1169 = arith.constant 144 : index
      %get3A_1170 = tpu.vector_load %arg13[%get3A_1169] {strides = array<i32>} : memref<256xi32, #tpu.memory_space<vmem>>, vector<16xi32>,
      %gather3A_1171 = tpu.vector_load_idx %arg10[%get3A_1170] : memref<10000xi32, #tpu.memory_space<vmem>>[vector<16xi32>], vector<16xi32>,
      %swap3A_1172 = arith.constant 16 : index
      %swap3A_1173 = tpu.vector_load %arg23[%swap3A_1172] {strides = array<i32>} : memref<128xi32, #tpu.memory_space<vmem>>, vector<16xi32>,
      tpu.vector_store %arg23[%swap3A_1172], %gather3A_1171 {strides = array<i32>} : memref<128xi32, #tpu.memory_space<vmem>>, vector<16xi32>,
      %broadcast_in_dim3A_1174 = arith.constant true
      %broadcast_in_dim3A_1175 = vector.broadcast %broadcast_in_dim3A_1174 : i1 to vector<16xi1>
      %unique3A_1176, %unique3A_1177 = tpu.scan_count mask(%broadcast_in_dim3A_1175 : vector<16xi1>) value(%gather3A_1171 : vector<16xi32>) : vector<16xi1>, vector<16xi32>
      %convert_element_type3A_1178 = arith.sitofp %unique3A_1177 : vector<16xi32> to vector<16xf32>
      tpu.vector_store_idx %arg26[%gather3A_1171], %convert_element_type3A_1178 masked %unique3A_1176 {add = true} : memref<64xf32, #tpu.memory_space<vmem>>[vector<16xi32>], vector<16xf32>, vector<16xi1>
      %get3A_1179 = arith.constant 160 : index
      %get3A_1180 = tpu.vector_load %arg13[%get3A_1179] {strides = array<i32>} : memref<256xi32, #tpu.memory_space<vmem>>, vector<16xi32>,
      %gather3A_1181 = tpu.vector_load_idx %arg10[%get3A_1180] : memref<10000xi32, #tpu.memory_space<vmem>>[vector<16xi32>], vector<16xi32>,
      %swap3A_1182 = arith.constant 32 : index
      %swap3A_1183 = tpu.vector_load %arg23[%swap3A_1182] {strides = array<i32>} : memref<128xi32, #tpu.memory_space<vmem>>, vector<16xi32>,
      tpu.vector_store %arg23[%swap3A_1182], %gather3A_1181 {strides = array<i32>} : memref<128xi32, #tpu.memory_space<vmem>>, vector<16xi32>,
      %broadcast_in_dim3A_1184 = arith.constant true
      %broadcast_in_dim3A_1185 = vector.broadcast %broadcast_in_dim3A_1184 : i1 to vector<16xi1>
      %unique3A_1186, %unique3A_1187 = tpu.scan_count mask(%broadcast_in_dim3A_1185 : vector<16xi1>) value(%gather3A_1181 : vector<16xi32>) : vector<16xi1>, vector<16xi32>
      %convert_element_type3A_1188 = arith.sitofp %unique3A_1187 : vector<16xi32> to vector<16xf32>
      tpu.vector_store_idx %arg26[%gather3A_1181], %convert_element_type3A_1188 masked %unique3A_1186 {add = true} : memref<64xf32, #tpu.memory_space<vmem>>[vector<16xi32>], vector<16xf32>, vector<16xi1>
      %get3A_1189 = arith.constant 176 : index
      %get3A_1190 = tpu.vector_load %arg13[%get3A_1189] {strides = array<i32>} : memref<256xi32, #tpu.memory_space<vmem>>, vector<16xi32>,
      %gather3A_1191 = tpu.vector_load_idx %arg10[%get3A_1190] : memref<10000xi32, #tpu.memory_space<vmem>>[vector<16xi32>], vector<16xi32>,
      %swap3A_1192 = arith.constant 48 : index
      %swap3A_1193 = tpu.vector_load %arg23[%swap3A_1192] {strides = array<i32>} : memref<128xi32, #tpu.memory_space<vmem>>, vector<16xi32>,
      tpu.vector_store %arg23[%swap3A_1192], %gather3A_1191 {strides = array<i32>} : memref<128xi32, #tpu.memory_space<vmem>>, vector<16xi32>,
      %broadcast_in_dim3A_1194 = arith.constant true
      %broadcast_in_dim3A_1195 = vector.broadcast %broadcast_in_dim3A_1194 : i1 to vector<16xi1>
      %unique3A_1196, %unique3A_1197 = tpu.scan_count mask(%broadcast_in_dim3A_1195 : vector<16xi1>) value(%gather3A_1191 : vector<16xi32>) : vector<16xi1>, vector<16xi32>
      %convert_element_type3A_1198 = arith.sitofp %unique3A_1197 : vector<16xi32> to vector<16xf32>
      tpu.vector_store_idx %arg26[%gather3A_1191], %convert_element_type3A_1198 masked %unique3A_1196 {add = true} : memref<64xf32, #tpu.memory_space<vmem>>[vector<16xi32>], vector<16xf32>, vector<16xi1>
      %get3A_1199 = arith.constant 192 : index
      %get3A_1200 = tpu.vector_load %arg13[%get3A_1199] {strides = array<i32>} : memref<256xi32, #tpu.memory_space<vmem>>, vector<16xi32>,
      %gather3A_1201 = tpu.vector_load_idx %arg10[%get3A_1200] : memref<10000xi32, #tpu.memory_space<vmem>>[vector<16xi32>], vector<16xi32>,
      %swap3A_1202 = arith.constant 64 : index
      %swap3A_1203 = tpu.vector_load %arg23[%swap3A_1202] {strides = array<i32>} : memref<128xi32, #tpu.memory_space<vmem>>, vector<16xi32>,
      tpu.vector_store %arg23[%swap3A_1202], %gather3A_1201 {strides = array<i32>} : memref<128xi32, #tpu.memory_space<vmem>>, vector<16xi32>,
      %broadcast_in_dim3A_1204 = arith.constant true
      %broadcast_in_dim3A_1205 = vector.broadcast %broadcast_in_dim3A_1204 : i1 to vector<16xi1>
      %unique3A_1206, %unique3A_1207 = tpu.scan_count mask(%broadcast_in_dim3A_1205 : vector<16xi1>) value(%gather3A_1201 : vector<16xi32>) : vector<16xi1>, vector<16xi32>
      %convert_element_type3A_1208 = arith.sitofp %unique3A_1207 : vector<16xi32> to vector<16xf32>
      tpu.vector_store_idx %arg26[%gather3A_1201], %convert_element_type3A_1208 masked %unique3A_1206 {add = true} : memref<64xf32, #tpu.memory_space<vmem>>[vector<16xi32>], vector<16xf32>, vector<16xi1>
      %get3A_1209 = arith.constant 208 : index
      %get3A_1210 = tpu.vector_load %arg13[%get3A_1209] {strides = array<i32>} : memref<256xi32, #tpu.memory_space<vmem>>, vector<16xi32>,
      %gather3A_1211 = tpu.vector_load_idx %arg10[%get3A_1210] : memref<10000xi32, #tpu.memory_space<vmem>>[vector<16xi32>], vector<16xi32>,
      %swap3A_1212 = arith.constant 80 : index
      %swap3A_1213 = tpu.vector_load %arg23[%swap3A_1212] {strides = array<i32>} : memref<128xi32, #tpu.memory_space<vmem>>, vector<16xi32>,
      tpu.vector_store %arg23[%swap3A_1212], %gather3A_1211 {strides = array<i32>} : memref<128xi32, #tpu.memory_space<vmem>>, vector<16xi32>,
      %broadcast_in_dim3A_1214 = arith.constant true
      %broadcast_in_dim3A_1215 = vector.broadcast %broadcast_in_dim3A_1214 : i1 to vector<16xi1>
      %unique3A_1216, %unique3A_1217 = tpu.scan_count mask(%broadcast_in_dim3A_1215 : vector<16xi1>) value(%gather3A_1211 : vector<16xi32>) : vector<16xi1>, vector<16xi32>
      %convert_element_type3A_1218 = arith.sitofp %unique3A_1217 : vector<16xi32> to vector<16xf32>
      tpu.vector_store_idx %arg26[%gather3A_1211], %convert_element_type3A_1218 masked %unique3A_1216 {add = true} : memref<64xf32, #tpu.memory_space<vmem>>[vector<16xi32>], vector<16xf32>, vector<16xi1>
      %get3A_1219 = arith.constant 224 : index
      %get3A_1220 = tpu.vector_load %arg13[%get3A_1219] {strides = array<i32>} : memref<256xi32, #tpu.memory_space<vmem>>, vector<16xi32>,
      %gather3A_1221 = tpu.vector_load_idx %arg10[%get3A_1220] : memref<10000xi32, #tpu.memory_space<vmem>>[vector<16xi32>], vector<16xi32>,
      %swap3A_1222 = arith.constant 96 : index
      %swap3A_1223 = tpu.vector_load %arg23[%swap3A_1222] {strides = array<i32>} : memref<128xi32, #tpu.memory_space<vmem>>, vector<16xi32>,
      tpu.vector_store %arg23[%swap3A_1222], %gather3A_1221 {strides = array<i32>} : memref<128xi32, #tpu.memory_space<vmem>>, vector<16xi32>,
      %broadcast_in_dim3A_1224 = arith.constant true
      %broadcast_in_dim3A_1225 = vector.broadcast %broadcast_in_dim3A_1224 : i1 to vector<16xi1>
      %unique3A_1226, %unique3A_1227 = tpu.scan_count mask(%broadcast_in_dim3A_1225 : vector<16xi1>) value(%gather3A_1221 : vector<16xi32>) : vector<16xi1>, vector<16xi32>
      %convert_element_type3A_1228 = arith.sitofp %unique3A_1227 : vector<16xi32> to vector<16xf32>
      tpu.vector_store_idx %arg26[%gather3A_1221], %convert_element_type3A_1228 masked %unique3A_1226 {add = true} : memref<64xf32, #tpu.memory_space<vmem>>[vector<16xi32>], vector<16xf32>, vector<16xi1>
      %get3A_1229 = arith.constant 240 : index
      %get3A_1230 = tpu.vector_load %arg13[%get3A_1229] {strides = array<i32>} : memref<256xi32, #tpu.memory_space<vmem>>, vector<16xi32>,
      %gather3A_1231 = tpu.vector_load_idx %arg10[%get3A_1230] : memref<10000xi32, #tpu.memory_space<vmem>>[vector<16xi32>], vector<16xi32>,
      %swap3A_1232 = arith.constant 112 : index
      %swap3A_1233 = tpu.vector_load %arg23[%swap3A_1232] {strides = array<i32>} : memref<128xi32, #tpu.memory_space<vmem>>, vector<16xi32>,
      tpu.vector_store %arg23[%swap3A_1232], %gather3A_1231 {strides = array<i32>} : memref<128xi32, #tpu.memory_space<vmem>>, vector<16xi32>,
      %broadcast_in_dim3A_1234 = arith.constant true
      %broadcast_in_dim3A_1235 = vector.broadcast %broadcast_in_dim3A_1234 : i1 to vector<16xi1>
      %unique3A_1236, %unique3A_1237 = tpu.scan_count mask(%broadcast_in_dim3A_1235 : vector<16xi1>) value(%gather3A_1231 : vector<16xi32>) : vector<16xi1>, vector<16xi32>
      %convert_element_type3A_1238 = arith.sitofp %unique3A_1237 : vector<16xi32> to vector<16xf32>
      tpu.vector_store_idx %arg26[%gather3A_1231], %convert_element_type3A_1238 masked %unique3A_1236 {add = true} : memref<64xf32, #tpu.memory_space<vmem>>[vector<16xi32>], vector<16xf32>, vector<16xi1>
      %mul3A_1239 = arith.constant 256 : i32
      %mul3A_1240 = arith.muli %add3A_1071, %mul3A_1239 : i32
      %add3A_1241 = arith.addi %mul3A_2, %mul3A_1240 : i32
      %dma_wait3A_1242 = arith.constant 0 : i32
      %dma_wait3A_1243 = tpu.memref_slice %arg5[%add3A_1241, %dma_wait3A_1242] : memref<320000x128xf32, #tpu.memory_space<hbm>> -> memref<256x128xf32, #tpu.memory_space<hbm>>
      %dma_wait3A_1244 = arith.constant 0 : i32
      %dma_wait3A_1245 = tpu.memref_slice %arg5[%add3A_1241, %dma_wait3A_1244] : memref<320000x128xf32, #tpu.memory_space<hbm>> -> memref<256x128xf32, #tpu.memory_space<hbm>>
      tpu.wait_dma2 semaphore(%arg31 : memref<!tpu.dma_semaphore, #tpu.memory_space<semaphore_mem>>) src(%dma_wait3A_1245 : memref<256x128xf32, #tpu.memory_space<hbm>>) dst(%arg16 : memref<256x128xf32, #tpu.memory_space<vmem>>)
      %dma_start3A_1246 = arith.constant 0 : i32
      %dma_start3A_1247 = arith.constant 0 : i32
      %dma_start3A_1248 = tpu.memref_slice %arg16[%dma_start3A_1246, %dma_start3A_1247] : memref<256x128xf32, #tpu.memory_space<vmem>> -> memref<128x128xf32, #tpu.memory_space<vmem>>
      %dma_start3A_1249 = arith.constant 0 : i32
      %dma_start3A_1250 = arith.constant 0 : i32
      %dma_start3A_1251 = tpu.memref_slice %arg28[%dma_start3A_1249, %dma_start3A_1250] : memref<64x128xf32, #tpu.memory_space<vmem_shared>> -> memref<64x128xf32, #tpu.memory_space<vmem_shared>>
      tpu.enqueue_indirect_dma source(%dma_start3A_1248 : memref<128x128xf32, #tpu.memory_space<vmem>>) target(%dma_start3A_1251 : memref<64x128xf32, #tpu.memory_space<vmem_shared>>) offsets(%arg22 : memref<128xi32, #tpu.memory_space<vmem>>) semaphore(%arg34 : memref<!tpu.dma_semaphore, #tpu.memory_space<semaphore_mem>>) {add = true}
      %dma_start3A_1252 = arith.constant 128 : i32
      %dma_start3A_1253 = arith.constant 0 : i32
      %dma_start3A_1254 = tpu.memref_slice %arg16[%dma_start3A_1252, %dma_start3A_1253] : memref<256x128xf32, #tpu.memory_space<vmem>> -> memref<128x128xf32, #tpu.memory_space<vmem>>
      %dma_start3A_1255 = arith.constant 0 : i32
      %dma_start3A_1256 = arith.constant 0 : i32
      %dma_start3A_1257 = tpu.memref_slice %arg28[%dma_start3A_1255, %dma_start3A_1256] : memref<64x128xf32, #tpu.memory_space<vmem_shared>> -> memref<64x128xf32, #tpu.memory_space<vmem_shared>>
      tpu.enqueue_indirect_dma source(%dma_start3A_1254 : memref<128x128xf32, #tpu.memory_space<vmem>>) target(%dma_start3A_1257 : memref<64x128xf32, #tpu.memory_space<vmem_shared>>) offsets(%arg23 : memref<128xi32, #tpu.memory_space<vmem>>) semaphore(%arg34 : memref<!tpu.dma_semaphore, #tpu.memory_space<semaphore_mem>>) {add = true}
      %dma_wait3A_1258 = arith.constant 0 : i32
      %dma_wait3A_1259 = arith.constant 0 : i32
      %dma_wait3A_1260 = tpu.memref_slice %arg15[%dma_wait3A_1258, %dma_wait3A_1259] : memref<256x128xf32, #tpu.memory_space<vmem>> -> memref<128x128xf32, #tpu.memory_space<vmem>>
      %dma_wait3A_1261 = arith.constant 0 : i32
      %dma_wait3A_1262 = arith.constant 0 : i32
      %dma_wait3A_1263 = tpu.memref_slice %arg28[%dma_wait3A_1261, %dma_wait3A_1262] : memref<64x128xf32, #tpu.memory_space<vmem_shared>> -> memref<64x128xf32, #tpu.memory_space<vmem_shared>>
      tpu.wait_indirect_dma semaphore(%arg33 : memref<!tpu.dma_semaphore, #tpu.memory_space<semaphore_mem>>) src(%dma_wait3A_1260 : memref<128x128xf32, #tpu.memory_space<vmem>>) dst(%dma_wait3A_1263 : memref<64x128xf32, #tpu.memory_space<vmem_shared>>)
      %dma_wait3A_1264 = arith.constant 128 : i32
      %dma_wait3A_1265 = arith.constant 0 : i32
      %dma_wait3A_1266 = tpu.memref_slice %arg15[%dma_wait3A_1264, %dma_wait3A_1265] : memref<256x128xf32, #tpu.memory_space<vmem>> -> memref<128x128xf32, #tpu.memory_space<vmem>>
      %dma_wait3A_1267 = arith.constant 0 : i32
      %dma_wait3A_1268 = arith.constant 0 : i32
      %dma_wait3A_1269 = tpu.memref_slice %arg28[%dma_wait3A_1267, %dma_wait3A_1268] : memref<64x128xf32, #tpu.memory_space<vmem_shared>> -> memref<64x128xf32, #tpu.memory_space<vmem_shared>>
      tpu.wait_indirect_dma semaphore(%arg33 : memref<!tpu.dma_semaphore, #tpu.memory_space<semaphore_mem>>) src(%dma_wait3A_1266 : memref<128x128xf32, #tpu.memory_space<vmem>>) dst(%dma_wait3A_1269 : memref<64x128xf32, #tpu.memory_space<vmem_shared>>)
      %add3A_1270 = arith.constant 2 : i32
      %add3A_1271 = arith.addi %add3A_1071, %add3A_1270 : i32
      %mul3A_1272 = arith.constant 256 : i32
      %mul3A_1273 = arith.muli %add3A_1271, %mul3A_1272 : i32
      %add3A_1274 = arith.addi %mul3A_2, %mul3A_1273 : i32
      %add3A_1275 = arith.constant 320000 : i32
      %add3A_1276 = arith.addi %add3A_1275, %add3A_1274 : i32
      %dma_start3A_1277 = tpu.memref_slice %arg2[%add3A_1276] : memref<640000xi32, #tpu.memory_space<hbm>> -> memref<256xi32, #tpu.memory_space<hbm>>
      %dma_start3A_1278 = tpu.memref_slice %arg2[%add3A_1276] : memref<640000xi32, #tpu.memory_space<hbm>> -> memref<256xi32, #tpu.memory_space<hbm>>
      tpu.enqueue_dma source(%dma_start3A_1278 : memref<256xi32, #tpu.memory_space<hbm>>) target(%arg12 : memref<256xi32, #tpu.memory_space<vmem>>) target_semaphore(%arg36 : memref<!tpu.dma_semaphore, #tpu.memory_space<semaphore_mem>>)
      %dma_start3A_1279 = arith.constant 0 : i32
      %dma_start3A_1280 = tpu.memref_slice %arg5[%add3A_1274, %dma_start3A_1279] : memref<320000x128xf32, #tpu.memory_space<hbm>> -> memref<256x128xf32, #tpu.memory_space<hbm>>
      %dma_start3A_1281 = arith.constant 0 : i32
      %dma_start3A_1282 = tpu.memref_slice %arg5[%add3A_1274, %dma_start3A_1281] : memref<320000x128xf32, #tpu.memory_space<hbm>> -> memref<256x128xf32, #tpu.memory_space<hbm>>
      tpu.enqueue_dma source(%dma_start3A_1282 : memref<256x128xf32, #tpu.memory_space<hbm>>) target(%arg15 : memref<256x128xf32, #tpu.memory_space<vmem>>) target_semaphore(%arg30 : memref<!tpu.dma_semaphore, #tpu.memory_space<semaphore_mem>>)
      %add3A_1283 = arith.constant 2 : i32
      %add3A_1284 = arith.addi %add3A_858, %add3A_1283 : i32
      %mul3A_1285 = arith.constant 256 : i32
      %mul3A_1286 = arith.muli %add3A_1284, %mul3A_1285 : i32
      %add3A_1287 = arith.addi %mul3A_2, %mul3A_1286 : i32
      %add3A_1288 = arith.constant 320000 : i32
      %add3A_1289 = arith.addi %add3A_1288, %add3A_1287 : i32
      %dma_wait3A_1290 = tpu.memref_slice %arg2[%add3A_1289] : memref<640000xi32, #tpu.memory_space<hbm>> -> memref<256xi32, #tpu.memory_space<hbm>>
      %dma_wait3A_1291 = tpu.memref_slice %arg2[%add3A_1289] : memref<640000xi32, #tpu.memory_space<hbm>> -> memref<256xi32, #tpu.memory_space<hbm>>
      tpu.wait_dma2 semaphore(%arg35 : memref<!tpu.dma_semaphore, #tpu.memory_space<semaphore_mem>>) src(%dma_wait3A_1291 : memref<256xi32, #tpu.memory_space<hbm>>) dst(%arg11 : memref<256xi32, #tpu.memory_space<vmem>>)
      %get3A_1292 = arith.constant 0 : index
      %get3A_1293 = tpu.vector_load %arg11[%get3A_1292] {strides = array<i32>} : memref<256xi32, #tpu.memory_space<vmem>>, vector<16xi32>,
      %gather3A_1294 = tpu.vector_load_idx %arg10[%get3A_1293] : memref<10000xi32, #tpu.memory_space<vmem>>[vector<16xi32>], vector<16xi32>,
      %swap3A_1295 = arith.constant 0 : index
      %swap3A_1296 = tpu.vector_load %arg18[%swap3A_1295] {strides = array<i32>} : memref<128xi32, #tpu.memory_space<vmem>>, vector<16xi32>,
      tpu.vector_store %arg18[%swap3A_1295], %gather3A_1294 {strides = array<i32>} : memref<128xi32, #tpu.memory_space<vmem>>, vector<16xi32>,
      %broadcast_in_dim3A_1297 = arith.constant true
      %broadcast_in_dim3A_1298 = vector.broadcast %broadcast_in_dim3A_1297 : i1 to vector<16xi1>
      %unique3A_1299, %unique3A_1300 = tpu.scan_count mask(%broadcast_in_dim3A_1298 : vector<16xi1>) value(%gather3A_1294 : vector<16xi32>) : vector<16xi1>, vector<16xi32>
      %convert_element_type3A_1301 = arith.sitofp %unique3A_1300 : vector<16xi32> to vector<16xf32>
      tpu.vector_store_idx %arg26[%gather3A_1294], %convert_element_type3A_1301 masked %unique3A_1299 {add = true} : memref<64xf32, #tpu.memory_space<vmem>>[vector<16xi32>], vector<16xf32>, vector<16xi1>
      %get3A_1302 = arith.constant 16 : index
      %get3A_1303 = tpu.vector_load %arg11[%get3A_1302] {strides = array<i32>} : memref<256xi32, #tpu.memory_space<vmem>>, vector<16xi32>,
      %gather3A_1304 = tpu.vector_load_idx %arg10[%get3A_1303] : memref<10000xi32, #tpu.memory_space<vmem>>[vector<16xi32>], vector<16xi32>,
      %swap3A_1305 = arith.constant 16 : index
      %swap3A_1306 = tpu.vector_load %arg18[%swap3A_1305] {strides = array<i32>} : memref<128xi32, #tpu.memory_space<vmem>>, vector<16xi32>,
      tpu.vector_store %arg18[%swap3A_1305], %gather3A_1304 {strides = array<i32>} : memref<128xi32, #tpu.memory_space<vmem>>, vector<16xi32>,
      %broadcast_in_dim3A_1307 = arith.constant true
      %broadcast_in_dim3A_1308 = vector.broadcast %broadcast_in_dim3A_1307 : i1 to vector<16xi1>
      %unique3A_1309, %unique3A_1310 = tpu.scan_count mask(%broadcast_in_dim3A_1308 : vector<16xi1>) value(%gather3A_1304 : vector<16xi32>) : vector<16xi1>, vector<16xi32>
      %convert_element_type3A_1311 = arith.sitofp %unique3A_1310 : vector<16xi32> to vector<16xf32>
      tpu.vector_store_idx %arg26[%gather3A_1304], %convert_element_type3A_1311 masked %unique3A_1309 {add = true} : memref<64xf32, #tpu.memory_space<vmem>>[vector<16xi32>], vector<16xf32>, vector<16xi1>
      %get3A_1312 = arith.constant 32 : index
      %get3A_1313 = tpu.vector_load %arg11[%get3A_1312] {strides = array<i32>} : memref<256xi32, #tpu.memory_space<vmem>>, vector<16xi32>,
      %gather3A_1314 = tpu.vector_load_idx %arg10[%get3A_1313] : memref<10000xi32, #tpu.memory_space<vmem>>[vector<16xi32>], vector<16xi32>,
      %swap3A_1315 = arith.constant 32 : index
      %swap3A_1316 = tpu.vector_load %arg18[%swap3A_1315] {strides = array<i32>} : memref<128xi32, #tpu.memory_space<vmem>>, vector<16xi32>,
      tpu.vector_store %arg18[%swap3A_1315], %gather3A_1314 {strides = array<i32>} : memref<128xi32, #tpu.memory_space<vmem>>, vector<16xi32>,
      %broadcast_in_dim3A_1317 = arith.constant true
      %broadcast_in_dim3A_1318 = vector.broadcast %broadcast_in_dim3A_1317 : i1 to vector<16xi1>
      %unique3A_1319, %unique3A_1320 = tpu.scan_count mask(%broadcast_in_dim3A_1318 : vector<16xi1>) value(%gather3A_1314 : vector<16xi32>) : vector<16xi1>, vector<16xi32>
      %convert_element_type3A_1321 = arith.sitofp %unique3A_1320 : vector<16xi32> to vector<16xf32>
      tpu.vector_store_idx %arg26[%gather3A_1314], %convert_element_type3A_1321 masked %unique3A_1319 {add = true} : memref<64xf32, #tpu.memory_space<vmem>>[vector<16xi32>], vector<16xf32>, vector<16xi1>
      %get3A_1322 = arith.constant 48 : index
      %get3A_1323 = tpu.vector_load %arg11[%get3A_1322] {strides = array<i32>} : memref<256xi32, #tpu.memory_space<vmem>>, vector<16xi32>,
      %gather3A_1324 = tpu.vector_load_idx %arg10[%get3A_1323] : memref<10000xi32, #tpu.memory_space<vmem>>[vector<16xi32>], vector<16xi32>,
      %swap3A_1325 = arith.constant 48 : index
      %swap3A_1326 = tpu.vector_load %arg18[%swap3A_1325] {strides = array<i32>} : memref<128xi32, #tpu.memory_space<vmem>>, vector<16xi32>,
      tpu.vector_store %arg18[%swap3A_1325], %gather3A_1324 {strides = array<i32>} : memref<128xi32, #tpu.memory_space<vmem>>, vector<16xi32>,
      %broadcast_in_dim3A_1327 = arith.constant true
      %broadcast_in_dim3A_1328 = vector.broadcast %broadcast_in_dim3A_1327 : i1 to vector<16xi1>
      %unique3A_1329, %unique3A_1330 = tpu.scan_count mask(%broadcast_in_dim3A_1328 : vector<16xi1>) value(%gather3A_1324 : vector<16xi32>) : vector<16xi1>, vector<16xi32>
      %convert_element_type3A_1331 = arith.sitofp %unique3A_1330 : vector<16xi32> to vector<16xf32>
      tpu.vector_store_idx %arg26[%gather3A_1324], %convert_element_type3A_1331 masked %unique3A_1329 {add = true} : memref<64xf32, #tpu.memory_space<vmem>>[vector<16xi32>], vector<16xf32>, vector<16xi1>
      %get3A_1332 = arith.constant 64 : index
      %get3A_1333 = tpu.vector_load %arg11[%get3A_1332] {strides = array<i32>} : memref<256xi32, #tpu.memory_space<vmem>>, vector<16xi32>,
      %gather3A_1334 = tpu.vector_load_idx %arg10[%get3A_1333] : memref<10000xi32, #tpu.memory_space<vmem>>[vector<16xi32>], vector<16xi32>,
      %swap3A_1335 = arith.constant 64 : index
      %swap3A_1336 = tpu.vector_load %arg18[%swap3A_1335] {strides = array<i32>} : memref<128xi32, #tpu.memory_space<vmem>>, vector<16xi32>,
      tpu.vector_store %arg18[%swap3A_1335], %gather3A_1334 {strides = array<i32>} : memref<128xi32, #tpu.memory_space<vmem>>, vector<16xi32>,
      %broadcast_in_dim3A_1337 = arith.constant true
      %broadcast_in_dim3A_1338 = vector.broadcast %broadcast_in_dim3A_1337 : i1 to vector<16xi1>
      %unique3A_1339, %unique3A_1340 = tpu.scan_count mask(%broadcast_in_dim3A_1338 : vector<16xi1>) value(%gather3A_1334 : vector<16xi32>) : vector<16xi1>, vector<16xi32>
      %convert_element_type3A_1341 = arith.sitofp %unique3A_1340 : vector<16xi32> to vector<16xf32>
      tpu.vector_store_idx %arg26[%gather3A_1334], %convert_element_type3A_1341 masked %unique3A_1339 {add = true} : memref<64xf32, #tpu.memory_space<vmem>>[vector<16xi32>], vector<16xf32>, vector<16xi1>
      %get3A_1342 = arith.constant 80 : index
      %get3A_1343 = tpu.vector_load %arg11[%get3A_1342] {strides = array<i32>} : memref<256xi32, #tpu.memory_space<vmem>>, vector<16xi32>,
      %gather3A_1344 = tpu.vector_load_idx %arg10[%get3A_1343] : memref<10000xi32, #tpu.memory_space<vmem>>[vector<16xi32>], vector<16xi32>,
      %swap3A_1345 = arith.constant 80 : index
      %swap3A_1346 = tpu.vector_load %arg18[%swap3A_1345] {strides = array<i32>} : memref<128xi32, #tpu.memory_space<vmem>>, vector<16xi32>,
      tpu.vector_store %arg18[%swap3A_1345], %gather3A_1344 {strides = array<i32>} : memref<128xi32, #tpu.memory_space<vmem>>, vector<16xi32>,
      %broadcast_in_dim3A_1347 = arith.constant true
      %broadcast_in_dim3A_1348 = vector.broadcast %broadcast_in_dim3A_1347 : i1 to vector<16xi1>
      %unique3A_1349, %unique3A_1350 = tpu.scan_count mask(%broadcast_in_dim3A_1348 : vector<16xi1>) value(%gather3A_1344 : vector<16xi32>) : vector<16xi1>, vector<16xi32>
      %convert_element_type3A_1351 = arith.sitofp %unique3A_1350 : vector<16xi32> to vector<16xf32>
      tpu.vector_store_idx %arg26[%gather3A_1344], %convert_element_type3A_1351 masked %unique3A_1349 {add = true} : memref<64xf32, #tpu.memory_space<vmem>>[vector<16xi32>], vector<16xf32>, vector<16xi1>
      %get3A_1352 = arith.constant 96 : index
      %get3A_1353 = tpu.vector_load %arg11[%get3A_1352] {strides = array<i32>} : memref<256xi32, #tpu.memory_space<vmem>>, vector<16xi32>,
      %gather3A_1354 = tpu.vector_load_idx %arg10[%get3A_1353] : memref<10000xi32, #tpu.memory_space<vmem>>[vector<16xi32>], vector<16xi32>,
      %swap3A_1355 = arith.constant 96 : index
      %swap3A_1356 = tpu.vector_load %arg18[%swap3A_1355] {strides = array<i32>} : memref<128xi32, #tpu.memory_space<vmem>>, vector<16xi32>,
      tpu.vector_store %arg18[%swap3A_1355], %gather3A_1354 {strides = array<i32>} : memref<128xi32, #tpu.memory_space<vmem>>, vector<16xi32>,
      %broadcast_in_dim3A_1357 = arith.constant true
      %broadcast_in_dim3A_1358 = vector.broadcast %broadcast_in_dim3A_1357 : i1 to vector<16xi1>
      %unique3A_1359, %unique3A_1360 = tpu.scan_count mask(%broadcast_in_dim3A_1358 : vector<16xi1>) value(%gather3A_1354 : vector<16xi32>) : vector<16xi1>, vector<16xi32>
      %convert_element_type3A_1361 = arith.sitofp %unique3A_1360 : vector<16xi32> to vector<16xf32>
      tpu.vector_store_idx %arg26[%gather3A_1354], %convert_element_type3A_1361 masked %unique3A_1359 {add = true} : memref<64xf32, #tpu.memory_space<vmem>>[vector<16xi32>], vector<16xf32>, vector<16xi1>
      %get3A_1362 = arith.constant 112 : index
      %get3A_1363 = tpu.vector_load %arg11[%get3A_1362] {strides = array<i32>} : memref<256xi32, #tpu.memory_space<vmem>>, vector<16xi32>,
      %gather3A_1364 = tpu.vector_load_idx %arg10[%get3A_1363] : memref<10000xi32, #tpu.memory_space<vmem>>[vector<16xi32>], vector<16xi32>,
      %swap3A_1365 = arith.constant 112 : index
      %swap3A_1366 = tpu.vector_load %arg18[%swap3A_1365] {strides = array<i32>} : memref<128xi32, #tpu.memory_space<vmem>>, vector<16xi32>,
      tpu.vector_store %arg18[%swap3A_1365], %gather3A_1364 {strides = array<i32>} : memref<128xi32, #tpu.memory_space<vmem>>, vector<16xi32>,
      %broadcast_in_dim3A_1367 = arith.constant true
      %broadcast_in_dim3A_1368 = vector.broadcast %broadcast_in_dim3A_1367 : i1 to vector<16xi1>
      %unique3A_1369, %unique3A_1370 = tpu.scan_count mask(%broadcast_in_dim3A_1368 : vector<16xi1>) value(%gather3A_1364 : vector<16xi32>) : vector<16xi1>, vector<16xi32>
      %convert_element_type3A_1371 = arith.sitofp %unique3A_1370 : vector<16xi32> to vector<16xf32>
      tpu.vector_store_idx %arg26[%gather3A_1364], %convert_element_type3A_1371 masked %unique3A_1369 {add = true} : memref<64xf32, #tpu.memory_space<vmem>>[vector<16xi32>], vector<16xf32>, vector<16xi1>
      %get3A_1372 = arith.constant 128 : index
      %get3A_1373 = tpu.vector_load %arg11[%get3A_1372] {strides = array<i32>} : memref<256xi32, #tpu.memory_space<vmem>>, vector<16xi32>,
      %gather3A_1374 = tpu.vector_load_idx %arg10[%get3A_1373] : memref<10000xi32, #tpu.memory_space<vmem>>[vector<16xi32>], vector<16xi32>,
      %swap3A_1375 = arith.constant 0 : index
      %swap3A_1376 = tpu.vector_load %arg19[%swap3A_1375] {strides = array<i32>} : memref<128xi32, #tpu.memory_space<vmem>>, vector<16xi32>,
      tpu.vector_store %arg19[%swap3A_1375], %gather3A_1374 {strides = array<i32>} : memref<128xi32, #tpu.memory_space<vmem>>, vector<16xi32>,
      %broadcast_in_dim3A_1377 = arith.constant true
      %broadcast_in_dim3A_1378 = vector.broadcast %broadcast_in_dim3A_1377 : i1 to vector<16xi1>
      %unique3A_1379, %unique3A_1380 = tpu.scan_count mask(%broadcast_in_dim3A_1378 : vector<16xi1>) value(%gather3A_1374 : vector<16xi32>) : vector<16xi1>, vector<16xi32>
      %convert_element_type3A_1381 = arith.sitofp %unique3A_1380 : vector<16xi32> to vector<16xf32>
      tpu.vector_store_idx %arg26[%gather3A_1374], %convert_element_type3A_1381 masked %unique3A_1379 {add = true} : memref<64xf32, #tpu.memory_space<vmem>>[vector<16xi32>], vector<16xf32>, vector<16xi1>
      %get3A_1382 = arith.constant 144 : index
      %get3A_1383 = tpu.vector_load %arg11[%get3A_1382] {strides = array<i32>} : memref<256xi32, #tpu.memory_space<vmem>>, vector<16xi32>,
      %gather3A_1384 = tpu.vector_load_idx %arg10[%get3A_1383] : memref<10000xi32, #tpu.memory_space<vmem>>[vector<16xi32>], vector<16xi32>,
      %swap3A_1385 = arith.constant 16 : index
      %swap3A_1386 = tpu.vector_load %arg19[%swap3A_1385] {strides = array<i32>} : memref<128xi32, #tpu.memory_space<vmem>>, vector<16xi32>,
      tpu.vector_store %arg19[%swap3A_1385], %gather3A_1384 {strides = array<i32>} : memref<128xi32, #tpu.memory_space<vmem>>, vector<16xi32>,
      %broadcast_in_dim3A_1387 = arith.constant true
      %broadcast_in_dim3A_1388 = vector.broadcast %broadcast_in_dim3A_1387 : i1 to vector<16xi1>
      %unique3A_1389, %unique3A_1390 = tpu.scan_count mask(%broadcast_in_dim3A_1388 : vector<16xi1>) value(%gather3A_1384 : vector<16xi32>) : vector<16xi1>, vector<16xi32>
      %convert_element_type3A_1391 = arith.sitofp %unique3A_1390 : vector<16xi32> to vector<16xf32>
      tpu.vector_store_idx %arg26[%gather3A_1384], %convert_element_type3A_1391 masked %unique3A_1389 {add = true} : memref<64xf32, #tpu.memory_space<vmem>>[vector<16xi32>], vector<16xf32>, vector<16xi1>
      %get3A_1392 = arith.constant 160 : index
      %get3A_1393 = tpu.vector_load %arg11[%get3A_1392] {strides = array<i32>} : memref<256xi32, #tpu.memory_space<vmem>>, vector<16xi32>,
      %gather3A_1394 = tpu.vector_load_idx %arg10[%get3A_1393] : memref<10000xi32, #tpu.memory_space<vmem>>[vector<16xi32>], vector<16xi32>,
      %swap3A_1395 = arith.constant 32 : index
      %swap3A_1396 = tpu.vector_load %arg19[%swap3A_1395] {strides = array<i32>} : memref<128xi32, #tpu.memory_space<vmem>>, vector<16xi32>,
      tpu.vector_store %arg19[%swap3A_1395], %gather3A_1394 {strides = array<i32>} : memref<128xi32, #tpu.memory_space<vmem>>, vector<16xi32>,
      %broadcast_in_dim3A_1397 = arith.constant true
      %broadcast_in_dim3A_1398 = vector.broadcast %broadcast_in_dim3A_1397 : i1 to vector<16xi1>
      %unique3A_1399, %unique3A_1400 = tpu.scan_count mask(%broadcast_in_dim3A_1398 : vector<16xi1>) value(%gather3A_1394 : vector<16xi32>) : vector<16xi1>, vector<16xi32>
      %convert_element_type3A_1401 = arith.sitofp %unique3A_1400 : vector<16xi32> to vector<16xf32>
      tpu.vector_store_idx %arg26[%gather3A_1394], %convert_element_type3A_1401 masked %unique3A_1399 {add = true} : memref<64xf32, #tpu.memory_space<vmem>>[vector<16xi32>], vector<16xf32>, vector<16xi1>
      %get3A_1402 = arith.constant 176 : index
      %get3A_1403 = tpu.vector_load %arg11[%get3A_1402] {strides = array<i32>} : memref<256xi32, #tpu.memory_space<vmem>>, vector<16xi32>,
      %gather3A_1404 = tpu.vector_load_idx %arg10[%get3A_1403] : memref<10000xi32, #tpu.memory_space<vmem>>[vector<16xi32>], vector<16xi32>,
      %swap3A_1405 = arith.constant 48 : index
      %swap3A_1406 = tpu.vector_load %arg19[%swap3A_1405] {strides = array<i32>} : memref<128xi32, #tpu.memory_space<vmem>>, vector<16xi32>,
      tpu.vector_store %arg19[%swap3A_1405], %gather3A_1404 {strides = array<i32>} : memref<128xi32, #tpu.memory_space<vmem>>, vector<16xi32>,
      %broadcast_in_dim3A_1407 = arith.constant true
      %broadcast_in_dim3A_1408 = vector.broadcast %broadcast_in_dim3A_1407 : i1 to vector<16xi1>
      %unique3A_1409, %unique3A_1410 = tpu.scan_count mask(%broadcast_in_dim3A_1408 : vector<16xi1>) value(%gather3A_1404 : vector<16xi32>) : vector<16xi1>, vector<16xi32>
      %convert_element_type3A_1411 = arith.sitofp %unique3A_1410 : vector<16xi32> to vector<16xf32>
      tpu.vector_store_idx %arg26[%gather3A_1404], %convert_element_type3A_1411 masked %unique3A_1409 {add = true} : memref<64xf32, #tpu.memory_space<vmem>>[vector<16xi32>], vector<16xf32>, vector<16xi1>
      %get3A_1412 = arith.constant 192 : index
      %get3A_1413 = tpu.vector_load %arg11[%get3A_1412] {strides = array<i32>} : memref<256xi32, #tpu.memory_space<vmem>>, vector<16xi32>,
      %gather3A_1414 = tpu.vector_load_idx %arg10[%get3A_1413] : memref<10000xi32, #tpu.memory_space<vmem>>[vector<16xi32>], vector<16xi32>,
      %swap3A_1415 = arith.constant 64 : index
      %swap3A_1416 = tpu.vector_load %arg19[%swap3A_1415] {strides = array<i32>} : memref<128xi32, #tpu.memory_space<vmem>>, vector<16xi32>,
      tpu.vector_store %arg19[%swap3A_1415], %gather3A_1414 {strides = array<i32>} : memref<128xi32, #tpu.memory_space<vmem>>, vector<16xi32>,
      %broadcast_in_dim3A_1417 = arith.constant true
      %broadcast_in_dim3A_1418 = vector.broadcast %broadcast_in_dim3A_1417 : i1 to vector<16xi1>
      %unique3A_1419, %unique3A_1420 = tpu.scan_count mask(%broadcast_in_dim3A_1418 : vector<16xi1>) value(%gather3A_1414 : vector<16xi32>) : vector<16xi1>, vector<16xi32>
      %convert_element_type3A_1421 = arith.sitofp %unique3A_1420 : vector<16xi32> to vector<16xf32>
      tpu.vector_store_idx %arg26[%gather3A_1414], %convert_element_type3A_1421 masked %unique3A_1419 {add = true} : memref<64xf32, #tpu.memory_space<vmem>>[vector<16xi32>], vector<16xf32>, vector<16xi1>
      %get3A_1422 = arith.constant 208 : index
      %get3A_1423 = tpu.vector_load %arg11[%get3A_1422] {strides = array<i32>} : memref<256xi32, #tpu.memory_space<vmem>>, vector<16xi32>,
      %gather3A_1424 = tpu.vector_load_idx %arg10[%get3A_1423] : memref<10000xi32, #tpu.memory_space<vmem>>[vector<16xi32>], vector<16xi32>,
      %swap3A_1425 = arith.constant 80 : index
      %swap3A_1426 = tpu.vector_load %arg19[%swap3A_1425] {strides = array<i32>} : memref<128xi32, #tpu.memory_space<vmem>>, vector<16xi32>,
      tpu.vector_store %arg19[%swap3A_1425], %gather3A_1424 {strides = array<i32>} : memref<128xi32, #tpu.memory_space<vmem>>, vector<16xi32>,
      %broadcast_in_dim3A_1427 = arith.constant true
      %broadcast_in_dim3A_1428 = vector.broadcast %broadcast_in_dim3A_1427 : i1 to vector<16xi1>
      %unique3A_1429, %unique3A_1430 = tpu.scan_count mask(%broadcast_in_dim3A_1428 : vector<16xi1>) value(%gather3A_1424 : vector<16xi32>) : vector<16xi1>, vector<16xi32>
      %convert_element_type3A_1431 = arith.sitofp %unique3A_1430 : vector<16xi32> to vector<16xf32>
      tpu.vector_store_idx %arg26[%gather3A_1424], %convert_element_type3A_1431 masked %unique3A_1429 {add = true} : memref<64xf32, #tpu.memory_space<vmem>>[vector<16xi32>], vector<16xf32>, vector<16xi1>
      %get3A_1432 = arith.constant 224 : index
      %get3A_1433 = tpu.vector_load %arg11[%get3A_1432] {strides = array<i32>} : memref<256xi32, #tpu.memory_space<vmem>>, vector<16xi32>,
      %gather3A_1434 = tpu.vector_load_idx %arg10[%get3A_1433] : memref<10000xi32, #tpu.memory_space<vmem>>[vector<16xi32>], vector<16xi32>,
      %swap3A_1435 = arith.constant 96 : index
      %swap3A_1436 = tpu.vector_load %arg19[%swap3A_1435] {strides = array<i32>} : memref<128xi32, #tpu.memory_space<vmem>>, vector<16xi32>,
      tpu.vector_store %arg19[%swap3A_1435], %gather3A_1434 {strides = array<i32>} : memref<128xi32, #tpu.memory_space<vmem>>, vector<16xi32>,
      %broadcast_in_dim3A_1437 = arith.constant true
      %broadcast_in_dim3A_1438 = vector.broadcast %broadcast_in_dim3A_1437 : i1 to vector<16xi1>
      %unique3A_1439, %unique3A_1440 = tpu.scan_count mask(%broadcast_in_dim3A_1438 : vector<16xi1>) value(%gather3A_1434 : vector<16xi32>) : vector<16xi1>, vector<16xi32>
      %convert_element_type3A_1441 = arith.sitofp %unique3A_1440 : vector<16xi32> to vector<16xf32>
      tpu.vector_store_idx %arg26[%gather3A_1434], %convert_element_type3A_1441 masked %unique3A_1439 {add = true} : memref<64xf32, #tpu.memory_space<vmem>>[vector<16xi32>], vector<16xf32>, vector<16xi1>
      %get3A_1442 = arith.constant 240 : index
      %get3A_1443 = tpu.vector_load %arg11[%get3A_1442] {strides = array<i32>} : memref<256xi32, #tpu.memory_space<vmem>>, vector<16xi32>,
      %gather3A_1444 = tpu.vector_load_idx %arg10[%get3A_1443] : memref<10000xi32, #tpu.memory_space<vmem>>[vector<16xi32>], vector<16xi32>,
      %swap3A_1445 = arith.constant 112 : index
      %swap3A_1446 = tpu.vector_load %arg19[%swap3A_1445] {strides = array<i32>} : memref<128xi32, #tpu.memory_space<vmem>>, vector<16xi32>,
      tpu.vector_store %arg19[%swap3A_1445], %gather3A_1444 {strides = array<i32>} : memref<128xi32, #tpu.memory_space<vmem>>, vector<16xi32>,
      %broadcast_in_dim3A_1447 = arith.constant true
      %broadcast_in_dim3A_1448 = vector.broadcast %broadcast_in_dim3A_1447 : i1 to vector<16xi1>
      %unique3A_1449, %unique3A_1450 = tpu.scan_count mask(%broadcast_in_dim3A_1448 : vector<16xi1>) value(%gather3A_1444 : vector<16xi32>) : vector<16xi1>, vector<16xi32>
      %convert_element_type3A_1451 = arith.sitofp %unique3A_1450 : vector<16xi32> to vector<16xf32>
      tpu.vector_store_idx %arg26[%gather3A_1444], %convert_element_type3A_1451 masked %unique3A_1449 {add = true} : memref<64xf32, #tpu.memory_space<vmem>>[vector<16xi32>], vector<16xf32>, vector<16xi1>
      %mul3A_1452 = arith.constant 256 : i32
      %mul3A_1453 = arith.muli %add3A_1284, %mul3A_1452 : i32
      %add3A_1454 = arith.addi %mul3A_2, %mul3A_1453 : i32
      %dma_wait3A_1455 = arith.constant 0 : i32
      %dma_wait3A_1456 = tpu.memref_slice %arg5[%add3A_1454, %dma_wait3A_1455] : memref<320000x128xf32, #tpu.memory_space<hbm>> -> memref<256x128xf32, #tpu.memory_space<hbm>>
      %dma_wait3A_1457 = arith.constant 0 : i32
      %dma_wait3A_1458 = tpu.memref_slice %arg5[%add3A_1454, %dma_wait3A_1457] : memref<320000x128xf32, #tpu.memory_space<hbm>> -> memref<256x128xf32, #tpu.memory_space<hbm>>
      tpu.wait_dma2 semaphore(%arg29 : memref<!tpu.dma_semaphore, #tpu.memory_space<semaphore_mem>>) src(%dma_wait3A_1458 : memref<256x128xf32, #tpu.memory_space<hbm>>) dst(%arg14 : memref<256x128xf32, #tpu.memory_space<vmem>>)
      %dma_start3A_1459 = arith.constant 0 : i32
      %dma_start3A_1460 = arith.constant 0 : i32
      %dma_start3A_1461 = tpu.memref_slice %arg14[%dma_start3A_1459, %dma_start3A_1460] : memref<256x128xf32, #tpu.memory_space<vmem>> -> memref<128x128xf32, #tpu.memory_space<vmem>>
      %dma_start3A_1462 = arith.constant 0 : i32
      %dma_start3A_1463 = arith.constant 0 : i32
      %dma_start3A_1464 = tpu.memref_slice %arg28[%dma_start3A_1462, %dma_start3A_1463] : memref<64x128xf32, #tpu.memory_space<vmem_shared>> -> memref<64x128xf32, #tpu.memory_space<vmem_shared>>
      tpu.enqueue_indirect_dma source(%dma_start3A_1461 : memref<128x128xf32, #tpu.memory_space<vmem>>) target(%dma_start3A_1464 : memref<64x128xf32, #tpu.memory_space<vmem_shared>>) offsets(%arg18 : memref<128xi32, #tpu.memory_space<vmem>>) semaphore(%arg32 : memref<!tpu.dma_semaphore, #tpu.memory_space<semaphore_mem>>) {add = true}
      %dma_start3A_1465 = arith.constant 128 : i32
      %dma_start3A_1466 = arith.constant 0 : i32
      %dma_start3A_1467 = tpu.memref_slice %arg14[%dma_start3A_1465, %dma_start3A_1466] : memref<256x128xf32, #tpu.memory_space<vmem>> -> memref<128x128xf32, #tpu.memory_space<vmem>>
      %dma_start3A_1468 = arith.constant 0 : i32
      %dma_start3A_1469 = arith.constant 0 : i32
      %dma_start3A_1470 = tpu.memref_slice %arg28[%dma_start3A_1468, %dma_start3A_1469] : memref<64x128xf32, #tpu.memory_space<vmem_shared>> -> memref<64x128xf32, #tpu.memory_space<vmem_shared>>
      tpu.enqueue_indirect_dma source(%dma_start3A_1467 : memref<128x128xf32, #tpu.memory_space<vmem>>) target(%dma_start3A_1470 : memref<64x128xf32, #tpu.memory_space<vmem_shared>>) offsets(%arg19 : memref<128xi32, #tpu.memory_space<vmem>>) semaphore(%arg32 : memref<!tpu.dma_semaphore, #tpu.memory_space<semaphore_mem>>) {add = true}
      %dma_wait3A_1471 = arith.constant 0 : i32
      %dma_wait3A_1472 = arith.constant 0 : i32
      %dma_wait3A_1473 = tpu.memref_slice %arg16[%dma_wait3A_1471, %dma_wait3A_1472] : memref<256x128xf32, #tpu.memory_space<vmem>> -> memref<128x128xf32, #tpu.memory_space<vmem>>
      %dma_wait3A_1474 = arith.constant 0 : i32
      %dma_wait3A_1475 = arith.constant 0 : i32
      %dma_wait3A_1476 = tpu.memref_slice %arg28[%dma_wait3A_1474, %dma_wait3A_1475] : memref<64x128xf32, #tpu.memory_space<vmem_shared>> -> memref<64x128xf32, #tpu.memory_space<vmem_shared>>
      tpu.wait_indirect_dma semaphore(%arg34 : memref<!tpu.dma_semaphore, #tpu.memory_space<semaphore_mem>>) src(%dma_wait3A_1473 : memref<128x128xf32, #tpu.memory_space<vmem>>) dst(%dma_wait3A_1476 : memref<64x128xf32, #tpu.memory_space<vmem_shared>>)
      %dma_wait3A_1477 = arith.constant 128 : i32
      %dma_wait3A_1478 = arith.constant 0 : i32
      %dma_wait3A_1479 = tpu.memref_slice %arg16[%dma_wait3A_1477, %dma_wait3A_1478] : memref<256x128xf32, #tpu.memory_space<vmem>> -> memref<128x128xf32, #tpu.memory_space<vmem>>
      %dma_wait3A_1480 = arith.constant 0 : i32
      %dma_wait3A_1481 = arith.constant 0 : i32
      %dma_wait3A_1482 = tpu.memref_slice %arg28[%dma_wait3A_1480, %dma_wait3A_1481] : memref<64x128xf32, #tpu.memory_space<vmem_shared>> -> memref<64x128xf32, #tpu.memory_space<vmem_shared>>
      tpu.wait_indirect_dma semaphore(%arg34 : memref<!tpu.dma_semaphore, #tpu.memory_space<semaphore_mem>>) src(%dma_wait3A_1479 : memref<128x128xf32, #tpu.memory_space<vmem>>) dst(%dma_wait3A_1482 : memref<64x128xf32, #tpu.memory_space<vmem_shared>>)
      %add3A_1483 = arith.constant 2 : i32
      %add3A_1484 = arith.addi %add3A_1284, %add3A_1483 : i32
      %mul3A_1485 = arith.constant 256 : i32
      %mul3A_1486 = arith.muli %add3A_1484, %mul3A_1485 : i32
      %add3A_1487 = arith.addi %mul3A_2, %mul3A_1486 : i32
      %add3A_1488 = arith.constant 320000 : i32
      %add3A_1489 = arith.addi %add3A_1488, %add3A_1487 : i32
      %dma_start3A_1490 = tpu.memref_slice %arg2[%add3A_1489] : memref<640000xi32, #tpu.memory_space<hbm>> -> memref<256xi32, #tpu.memory_space<hbm>>
      %dma_start3A_1491 = tpu.memref_slice %arg2[%add3A_1489] : memref<640000xi32, #tpu.memory_space<hbm>> -> memref<256xi32, #tpu.memory_space<hbm>>
      tpu.enqueue_dma source(%dma_start3A_1491 : memref<256xi32, #tpu.memory_space<hbm>>) target(%arg13 : memref<256xi32, #tpu.memory_space<vmem>>) target_semaphore(%arg37 : memref<!tpu.dma_semaphore, #tpu.memory_space<semaphore_mem>>)
      %dma_start3A_1492 = arith.constant 0 : i32
      %dma_start3A_1493 = tpu.memref_slice %arg5[%add3A_1487, %dma_start3A_1492] : memref<320000x128xf32, #tpu.memory_space<hbm>> -> memref<256x128xf32, #tpu.memory_space<hbm>>
      %dma_start3A_1494 = arith.constant 0 : i32
      %dma_start3A_1495 = tpu.memref_slice %arg5[%add3A_1487, %dma_start3A_1494] : memref<320000x128xf32, #tpu.memory_space<hbm>> -> memref<256x128xf32, #tpu.memory_space<hbm>>
      tpu.enqueue_dma source(%dma_start3A_1495 : memref<256x128xf32, #tpu.memory_space<hbm>>) target(%arg16 : memref<256x128xf32, #tpu.memory_space<vmem>>) target_semaphore(%arg31 : memref<!tpu.dma_semaphore, #tpu.memory_space<semaphore_mem>>)
      %scan3A_1496 = arith.constant 0 : i32
      scf.yield %scan3A_1496 : i32
    }
    %scan3A_434 = arith.constant 12 : i32
    %add3A_435 = arith.constant 9472 : i32
    %add3A_436 = arith.addi %mul3A_2, %add3A_435 : i32
    %add3A_437 = arith.constant 320000 : i32
    %add3A_438 = arith.addi %add3A_437, %add3A_436 : i32
    %dma_wait3A_439 = tpu.memref_slice %arg2[%add3A_438] : memref<640000xi32, #tpu.memory_space<hbm>> -> memref<256xi32, #tpu.memory_space<hbm>>
    %dma_wait3A_440 = tpu.memref_slice %arg2[%add3A_438] : memref<640000xi32, #tpu.memory_space<hbm>> -> memref<256xi32, #tpu.memory_space<hbm>>
    tpu.wait_dma2 semaphore(%arg36 : memref<!tpu.dma_semaphore, #tpu.memory_space<semaphore_mem>>) src(%dma_wait3A_440 : memref<256xi32, #tpu.memory_space<hbm>>) dst(%arg12 : memref<256xi32, #tpu.memory_space<vmem>>)
    %get3A_441 = arith.constant 0 : index
    %get3A_442 = tpu.vector_load %arg12[%get3A_441] {strides = array<i32>} : memref<256xi32, #tpu.memory_space<vmem>>, vector<16xi32>,
    %gather3A_443 = tpu.vector_load_idx %arg10[%get3A_442] : memref<10000xi32, #tpu.memory_space<vmem>>[vector<16xi32>], vector<16xi32>,
    %swap3A_444 = arith.constant 0 : index
    %swap3A_445 = tpu.vector_load %arg20[%swap3A_444] {strides = array<i32>} : memref<128xi32, #tpu.memory_space<vmem>>, vector<16xi32>,
    tpu.vector_store %arg20[%swap3A_444], %gather3A_443 {strides = array<i32>} : memref<128xi32, #tpu.memory_space<vmem>>, vector<16xi32>,
    %broadcast_in_dim3A_446 = arith.constant true
    %broadcast_in_dim3A_447 = vector.broadcast %broadcast_in_dim3A_446 : i1 to vector<16xi1>
    %unique3A_448, %unique3A_449 = tpu.scan_count mask(%broadcast_in_dim3A_447 : vector<16xi1>) value(%gather3A_443 : vector<16xi32>) : vector<16xi1>, vector<16xi32>
    %convert_element_type3A_450 = arith.sitofp %unique3A_449 : vector<16xi32> to vector<16xf32>
    tpu.vector_store_idx %arg26[%gather3A_443], %convert_element_type3A_450 masked %unique3A_448 {add = true} : memref<64xf32, #tpu.memory_space<vmem>>[vector<16xi32>], vector<16xf32>, vector<16xi1>
    %get3A_451 = arith.constant 16 : index
    %get3A_452 = tpu.vector_load %arg12[%get3A_451] {strides = array<i32>} : memref<256xi32, #tpu.memory_space<vmem>>, vector<16xi32>,
    %gather3A_453 = tpu.vector_load_idx %arg10[%get3A_452] : memref<10000xi32, #tpu.memory_space<vmem>>[vector<16xi32>], vector<16xi32>,
    %swap3A_454 = arith.constant 16 : index
    %swap3A_455 = tpu.vector_load %arg20[%swap3A_454] {strides = array<i32>} : memref<128xi32, #tpu.memory_space<vmem>>, vector<16xi32>,
    tpu.vector_store %arg20[%swap3A_454], %gather3A_453 {strides = array<i32>} : memref<128xi32, #tpu.memory_space<vmem>>, vector<16xi32>,
    %broadcast_in_dim3A_456 = arith.constant true
    %broadcast_in_dim3A_457 = vector.broadcast %broadcast_in_dim3A_456 : i1 to vector<16xi1>
    %unique3A_458, %unique3A_459 = tpu.scan_count mask(%broadcast_in_dim3A_457 : vector<16xi1>) value(%gather3A_453 : vector<16xi32>) : vector<16xi1>, vector<16xi32>
    %convert_element_type3A_460 = arith.sitofp %unique3A_459 : vector<16xi32> to vector<16xf32>
    tpu.vector_store_idx %arg26[%gather3A_453], %convert_element_type3A_460 masked %unique3A_458 {add = true} : memref<64xf32, #tpu.memory_space<vmem>>[vector<16xi32>], vector<16xf32>, vector<16xi1>
    %get3A_461 = arith.constant 32 : index
    %get3A_462 = tpu.vector_load %arg12[%get3A_461] {strides = array<i32>} : memref<256xi32, #tpu.memory_space<vmem>>, vector<16xi32>,
    %gather3A_463 = tpu.vector_load_idx %arg10[%get3A_462] : memref<10000xi32, #tpu.memory_space<vmem>>[vector<16xi32>], vector<16xi32>,
    %swap3A_464 = arith.constant 32 : index
    %swap3A_465 = tpu.vector_load %arg20[%swap3A_464] {strides = array<i32>} : memref<128xi32, #tpu.memory_space<vmem>>, vector<16xi32>,
    tpu.vector_store %arg20[%swap3A_464], %gather3A_463 {strides = array<i32>} : memref<128xi32, #tpu.memory_space<vmem>>, vector<16xi32>,
    %broadcast_in_dim3A_466 = arith.constant true
    %broadcast_in_dim3A_467 = vector.broadcast %broadcast_in_dim3A_466 : i1 to vector<16xi1>
    %unique3A_468, %unique3A_469 = tpu.scan_count mask(%broadcast_in_dim3A_467 : vector<16xi1>) value(%gather3A_463 : vector<16xi32>) : vector<16xi1>, vector<16xi32>
    %convert_element_type3A_470 = arith.sitofp %unique3A_469 : vector<16xi32> to vector<16xf32>
    tpu.vector_store_idx %arg26[%gather3A_463], %convert_element_type3A_470 masked %unique3A_468 {add = true} : memref<64xf32, #tpu.memory_space<vmem>>[vector<16xi32>], vector<16xf32>, vector<16xi1>
    %get3A_471 = arith.constant 48 : index
    %get3A_472 = tpu.vector_load %arg12[%get3A_471] {strides = array<i32>} : memref<256xi32, #tpu.memory_space<vmem>>, vector<16xi32>,
    %gather3A_473 = tpu.vector_load_idx %arg10[%get3A_472] : memref<10000xi32, #tpu.memory_space<vmem>>[vector<16xi32>], vector<16xi32>,
    %swap3A_474 = arith.constant 48 : index
    %swap3A_475 = tpu.vector_load %arg20[%swap3A_474] {strides = array<i32>} : memref<128xi32, #tpu.memory_space<vmem>>, vector<16xi32>,
    tpu.vector_store %arg20[%swap3A_474], %gather3A_473 {strides = array<i32>} : memref<128xi32, #tpu.memory_space<vmem>>, vector<16xi32>,
    %broadcast_in_dim3A_476 = arith.constant true
    %broadcast_in_dim3A_477 = vector.broadcast %broadcast_in_dim3A_476 : i1 to vector<16xi1>
    %unique3A_478, %unique3A_479 = tpu.scan_count mask(%broadcast_in_dim3A_477 : vector<16xi1>) value(%gather3A_473 : vector<16xi32>) : vector<16xi1>, vector<16xi32>
    %convert_element_type3A_480 = arith.sitofp %unique3A_479 : vector<16xi32> to vector<16xf32>
    tpu.vector_store_idx %arg26[%gather3A_473], %convert_element_type3A_480 masked %unique3A_478 {add = true} : memref<64xf32, #tpu.memory_space<vmem>>[vector<16xi32>], vector<16xf32>, vector<16xi1>
    %get3A_481 = arith.constant 64 : index
    %get3A_482 = tpu.vector_load %arg12[%get3A_481] {strides = array<i32>} : memref<256xi32, #tpu.memory_space<vmem>>, vector<16xi32>,
    %gather3A_483 = tpu.vector_load_idx %arg10[%get3A_482] : memref<10000xi32, #tpu.memory_space<vmem>>[vector<16xi32>], vector<16xi32>,
    %swap3A_484 = arith.constant 64 : index
    %swap3A_485 = tpu.vector_load %arg20[%swap3A_484] {strides = array<i32>} : memref<128xi32, #tpu.memory_space<vmem>>, vector<16xi32>,
    tpu.vector_store %arg20[%swap3A_484], %gather3A_483 {strides = array<i32>} : memref<128xi32, #tpu.memory_space<vmem>>, vector<16xi32>,
    %broadcast_in_dim3A_486 = arith.constant true
    %broadcast_in_dim3A_487 = vector.broadcast %broadcast_in_dim3A_486 : i1 to vector<16xi1>
    %unique3A_488, %unique3A_489 = tpu.scan_count mask(%broadcast_in_dim3A_487 : vector<16xi1>) value(%gather3A_483 : vector<16xi32>) : vector<16xi1>, vector<16xi32>
    %convert_element_type3A_490 = arith.sitofp %unique3A_489 : vector<16xi32> to vector<16xf32>
    tpu.vector_store_idx %arg26[%gather3A_483], %convert_element_type3A_490 masked %unique3A_488 {add = true} : memref<64xf32, #tpu.memory_space<vmem>>[vector<16xi32>], vector<16xf32>, vector<16xi1>
    %get3A_491 = arith.constant 80 : index
    %get3A_492 = tpu.vector_load %arg12[%get3A_491] {strides = array<i32>} : memref<256xi32, #tpu.memory_space<vmem>>, vector<16xi32>,
    %gather3A_493 = tpu.vector_load_idx %arg10[%get3A_492] : memref<10000xi32, #tpu.memory_space<vmem>>[vector<16xi32>], vector<16xi32>,
    %swap3A_494 = arith.constant 80 : index
    %swap3A_495 = tpu.vector_load %arg20[%swap3A_494] {strides = array<i32>} : memref<128xi32, #tpu.memory_space<vmem>>, vector<16xi32>,
    tpu.vector_store %arg20[%swap3A_494], %gather3A_493 {strides = array<i32>} : memref<128xi32, #tpu.memory_space<vmem>>, vector<16xi32>,
    %broadcast_in_dim3A_496 = arith.constant true
    %broadcast_in_dim3A_497 = vector.broadcast %broadcast_in_dim3A_496 : i1 to vector<16xi1>
    %unique3A_498, %unique3A_499 = tpu.scan_count mask(%broadcast_in_dim3A_497 : vector<16xi1>) value(%gather3A_493 : vector<16xi32>) : vector<16xi1>, vector<16xi32>
    %convert_element_type3A_500 = arith.sitofp %unique3A_499 : vector<16xi32> to vector<16xf32>
    tpu.vector_store_idx %arg26[%gather3A_493], %convert_element_type3A_500 masked %unique3A_498 {add = true} : memref<64xf32, #tpu.memory_space<vmem>>[vector<16xi32>], vector<16xf32>, vector<16xi1>
    %get3A_501 = arith.constant 96 : index
    %get3A_502 = tpu.vector_load %arg12[%get3A_501] {strides = array<i32>} : memref<256xi32, #tpu.memory_space<vmem>>, vector<16xi32>,
    %gather3A_503 = tpu.vector_load_idx %arg10[%get3A_502] : memref<10000xi32, #tpu.memory_space<vmem>>[vector<16xi32>], vector<16xi32>,
    %swap3A_504 = arith.constant 96 : index
    %swap3A_505 = tpu.vector_load %arg20[%swap3A_504] {strides = array<i32>} : memref<128xi32, #tpu.memory_space<vmem>>, vector<16xi32>,
    tpu.vector_store %arg20[%swap3A_504], %gather3A_503 {strides = array<i32>} : memref<128xi32, #tpu.memory_space<vmem>>, vector<16xi32>,
    %broadcast_in_dim3A_506 = arith.constant true
    %broadcast_in_dim3A_507 = vector.broadcast %broadcast_in_dim3A_506 : i1 to vector<16xi1>
    %unique3A_508, %unique3A_509 = tpu.scan_count mask(%broadcast_in_dim3A_507 : vector<16xi1>) value(%gather3A_503 : vector<16xi32>) : vector<16xi1>, vector<16xi32>
    %convert_element_type3A_510 = arith.sitofp %unique3A_509 : vector<16xi32> to vector<16xf32>
    tpu.vector_store_idx %arg26[%gather3A_503], %convert_element_type3A_510 masked %unique3A_508 {add = true} : memref<64xf32, #tpu.memory_space<vmem>>[vector<16xi32>], vector<16xf32>, vector<16xi1>
    %get3A_511 = arith.constant 112 : index
    %get3A_512 = tpu.vector_load %arg12[%get3A_511] {strides = array<i32>} : memref<256xi32, #tpu.memory_space<vmem>>, vector<16xi32>,
    %gather3A_513 = tpu.vector_load_idx %arg10[%get3A_512] : memref<10000xi32, #tpu.memory_space<vmem>>[vector<16xi32>], vector<16xi32>,
    %swap3A_514 = arith.constant 112 : index
    %swap3A_515 = tpu.vector_load %arg20[%swap3A_514] {strides = array<i32>} : memref<128xi32, #tpu.memory_space<vmem>>, vector<16xi32>,
    tpu.vector_store %arg20[%swap3A_514], %gather3A_513 {strides = array<i32>} : memref<128xi32, #tpu.memory_space<vmem>>, vector<16xi32>,
    %broadcast_in_dim3A_516 = arith.constant true
    %broadcast_in_dim3A_517 = vector.broadcast %broadcast_in_dim3A_516 : i1 to vector<16xi1>
    %unique3A_518, %unique3A_519 = tpu.scan_count mask(%broadcast_in_dim3A_517 : vector<16xi1>) value(%gather3A_513 : vector<16xi32>) : vector<16xi1>, vector<16xi32>
    %convert_element_type3A_520 = arith.sitofp %unique3A_519 : vector<16xi32> to vector<16xf32>
    tpu.vector_store_idx %arg26[%gather3A_513], %convert_element_type3A_520 masked %unique3A_518 {add = true} : memref<64xf32, #tpu.memory_space<vmem>>[vector<16xi32>], vector<16xf32>, vector<16xi1>
    %get3A_521 = arith.constant 128 : index
    %get3A_522 = tpu.vector_load %arg12[%get3A_521] {strides = array<i32>} : memref<256xi32, #tpu.memory_space<vmem>>, vector<16xi32>,
    %gather3A_523 = tpu.vector_load_idx %arg10[%get3A_522] : memref<10000xi32, #tpu.memory_space<vmem>>[vector<16xi32>], vector<16xi32>,
    %swap3A_524 = arith.constant 0 : index
    %swap3A_525 = tpu.vector_load %arg21[%swap3A_524] {strides = array<i32>} : memref<128xi32, #tpu.memory_space<vmem>>, vector<16xi32>,
    tpu.vector_store %arg21[%swap3A_524], %gather3A_523 {strides = array<i32>} : memref<128xi32, #tpu.memory_space<vmem>>, vector<16xi32>,
    %broadcast_in_dim3A_526 = arith.constant true
    %broadcast_in_dim3A_527 = vector.broadcast %broadcast_in_dim3A_526 : i1 to vector<16xi1>
    %unique3A_528, %unique3A_529 = tpu.scan_count mask(%broadcast_in_dim3A_527 : vector<16xi1>) value(%gather3A_523 : vector<16xi32>) : vector<16xi1>, vector<16xi32>
    %convert_element_type3A_530 = arith.sitofp %unique3A_529 : vector<16xi32> to vector<16xf32>
    tpu.vector_store_idx %arg26[%gather3A_523], %convert_element_type3A_530 masked %unique3A_528 {add = true} : memref<64xf32, #tpu.memory_space<vmem>>[vector<16xi32>], vector<16xf32>, vector<16xi1>
    %get3A_531 = arith.constant 144 : index
    %get3A_532 = tpu.vector_load %arg12[%get3A_531] {strides = array<i32>} : memref<256xi32, #tpu.memory_space<vmem>>, vector<16xi32>,
    %gather3A_533 = tpu.vector_load_idx %arg10[%get3A_532] : memref<10000xi32, #tpu.memory_space<vmem>>[vector<16xi32>], vector<16xi32>,
    %swap3A_534 = arith.constant 16 : index
    %swap3A_535 = tpu.vector_load %arg21[%swap3A_534] {strides = array<i32>} : memref<128xi32, #tpu.memory_space<vmem>>, vector<16xi32>,
    tpu.vector_store %arg21[%swap3A_534], %gather3A_533 {strides = array<i32>} : memref<128xi32, #tpu.memory_space<vmem>>, vector<16xi32>,
    %broadcast_in_dim3A_536 = arith.constant true
    %broadcast_in_dim3A_537 = vector.broadcast %broadcast_in_dim3A_536 : i1 to vector<16xi1>
    %unique3A_538, %unique3A_539 = tpu.scan_count mask(%broadcast_in_dim3A_537 : vector<16xi1>) value(%gather3A_533 : vector<16xi32>) : vector<16xi1>, vector<16xi32>
    %convert_element_type3A_540 = arith.sitofp %unique3A_539 : vector<16xi32> to vector<16xf32>
    tpu.vector_store_idx %arg26[%gather3A_533], %convert_element_type3A_540 masked %unique3A_538 {add = true} : memref<64xf32, #tpu.memory_space<vmem>>[vector<16xi32>], vector<16xf32>, vector<16xi1>
    %get3A_541 = arith.constant 160 : index
    %get3A_542 = tpu.vector_load %arg12[%get3A_541] {strides = array<i32>} : memref<256xi32, #tpu.memory_space<vmem>>, vector<16xi32>,
    %gather3A_543 = tpu.vector_load_idx %arg10[%get3A_542] : memref<10000xi32, #tpu.memory_space<vmem>>[vector<16xi32>], vector<16xi32>,
    %swap3A_544 = arith.constant 32 : index
    %swap3A_545 = tpu.vector_load %arg21[%swap3A_544] {strides = array<i32>} : memref<128xi32, #tpu.memory_space<vmem>>, vector<16xi32>,
    tpu.vector_store %arg21[%swap3A_544], %gather3A_543 {strides = array<i32>} : memref<128xi32, #tpu.memory_space<vmem>>, vector<16xi32>,
    %broadcast_in_dim3A_546 = arith.constant true
    %broadcast_in_dim3A_547 = vector.broadcast %broadcast_in_dim3A_546 : i1 to vector<16xi1>
    %unique3A_548, %unique3A_549 = tpu.scan_count mask(%broadcast_in_dim3A_547 : vector<16xi1>) value(%gather3A_543 : vector<16xi32>) : vector<16xi1>, vector<16xi32>
    %convert_element_type3A_550 = arith.sitofp %unique3A_549 : vector<16xi32> to vector<16xf32>
    tpu.vector_store_idx %arg26[%gather3A_543], %convert_element_type3A_550 masked %unique3A_548 {add = true} : memref<64xf32, #tpu.memory_space<vmem>>[vector<16xi32>], vector<16xf32>, vector<16xi1>
    %get3A_551 = arith.constant 176 : index
    %get3A_552 = tpu.vector_load %arg12[%get3A_551] {strides = array<i32>} : memref<256xi32, #tpu.memory_space<vmem>>, vector<16xi32>,
    %gather3A_553 = tpu.vector_load_idx %arg10[%get3A_552] : memref<10000xi32, #tpu.memory_space<vmem>>[vector<16xi32>], vector<16xi32>,
    %swap3A_554 = arith.constant 48 : index
    %swap3A_555 = tpu.vector_load %arg21[%swap3A_554] {strides = array<i32>} : memref<128xi32, #tpu.memory_space<vmem>>, vector<16xi32>,
    tpu.vector_store %arg21[%swap3A_554], %gather3A_553 {strides = array<i32>} : memref<128xi32, #tpu.memory_space<vmem>>, vector<16xi32>,
    %broadcast_in_dim3A_556 = arith.constant true
    %broadcast_in_dim3A_557 = vector.broadcast %broadcast_in_dim3A_556 : i1 to vector<16xi1>
    %unique3A_558, %unique3A_559 = tpu.scan_count mask(%broadcast_in_dim3A_557 : vector<16xi1>) value(%gather3A_553 : vector<16xi32>) : vector<16xi1>, vector<16xi32>
    %convert_element_type3A_560 = arith.sitofp %unique3A_559 : vector<16xi32> to vector<16xf32>
    tpu.vector_store_idx %arg26[%gather3A_553], %convert_element_type3A_560 masked %unique3A_558 {add = true} : memref<64xf32, #tpu.memory_space<vmem>>[vector<16xi32>], vector<16xf32>, vector<16xi1>
    %get3A_561 = arith.constant 192 : index
    %get3A_562 = tpu.vector_load %arg12[%get3A_561] {strides = array<i32>} : memref<256xi32, #tpu.memory_space<vmem>>, vector<16xi32>,
    %gather3A_563 = tpu.vector_load_idx %arg10[%get3A_562] : memref<10000xi32, #tpu.memory_space<vmem>>[vector<16xi32>], vector<16xi32>,
    %swap3A_564 = arith.constant 64 : index
    %swap3A_565 = tpu.vector_load %arg21[%swap3A_564] {strides = array<i32>} : memref<128xi32, #tpu.memory_space<vmem>>, vector<16xi32>,
    tpu.vector_store %arg21[%swap3A_564], %gather3A_563 {strides = array<i32>} : memref<128xi32, #tpu.memory_space<vmem>>, vector<16xi32>,
    %broadcast_in_dim3A_566 = arith.constant true
    %broadcast_in_dim3A_567 = vector.broadcast %broadcast_in_dim3A_566 : i1 to vector<16xi1>
    %unique3A_568, %unique3A_569 = tpu.scan_count mask(%broadcast_in_dim3A_567 : vector<16xi1>) value(%gather3A_563 : vector<16xi32>) : vector<16xi1>, vector<16xi32>
    %convert_element_type3A_570 = arith.sitofp %unique3A_569 : vector<16xi32> to vector<16xf32>
    tpu.vector_store_idx %arg26[%gather3A_563], %convert_element_type3A_570 masked %unique3A_568 {add = true} : memref<64xf32, #tpu.memory_space<vmem>>[vector<16xi32>], vector<16xf32>, vector<16xi1>
    %get3A_571 = arith.constant 208 : index
    %get3A_572 = tpu.vector_load %arg12[%get3A_571] {strides = array<i32>} : memref<256xi32, #tpu.memory_space<vmem>>, vector<16xi32>,
    %gather3A_573 = tpu.vector_load_idx %arg10[%get3A_572] : memref<10000xi32, #tpu.memory_space<vmem>>[vector<16xi32>], vector<16xi32>,
    %swap3A_574 = arith.constant 80 : index
    %swap3A_575 = tpu.vector_load %arg21[%swap3A_574] {strides = array<i32>} : memref<128xi32, #tpu.memory_space<vmem>>, vector<16xi32>,
    tpu.vector_store %arg21[%swap3A_574], %gather3A_573 {strides = array<i32>} : memref<128xi32, #tpu.memory_space<vmem>>, vector<16xi32>,
    %broadcast_in_dim3A_576 = arith.constant true
    %broadcast_in_dim3A_577 = vector.broadcast %broadcast_in_dim3A_576 : i1 to vector<16xi1>
    %unique3A_578, %unique3A_579 = tpu.scan_count mask(%broadcast_in_dim3A_577 : vector<16xi1>) value(%gather3A_573 : vector<16xi32>) : vector<16xi1>, vector<16xi32>
    %convert_element_type3A_580 = arith.sitofp %unique3A_579 : vector<16xi32> to vector<16xf32>
    tpu.vector_store_idx %arg26[%gather3A_573], %convert_element_type3A_580 masked %unique3A_578 {add = true} : memref<64xf32, #tpu.memory_space<vmem>>[vector<16xi32>], vector<16xf32>, vector<16xi1>
    %get3A_581 = arith.constant 224 : index
    %get3A_582 = tpu.vector_load %arg12[%get3A_581] {strides = array<i32>} : memref<256xi32, #tpu.memory_space<vmem>>, vector<16xi32>,
    %gather3A_583 = tpu.vector_load_idx %arg10[%get3A_582] : memref<10000xi32, #tpu.memory_space<vmem>>[vector<16xi32>], vector<16xi32>,
    %swap3A_584 = arith.constant 96 : index
    %swap3A_585 = tpu.vector_load %arg21[%swap3A_584] {strides = array<i32>} : memref<128xi32, #tpu.memory_space<vmem>>, vector<16xi32>,
    tpu.vector_store %arg21[%swap3A_584], %gather3A_583 {strides = array<i32>} : memref<128xi32, #tpu.memory_space<vmem>>, vector<16xi32>,
    %broadcast_in_dim3A_586 = arith.constant true
    %broadcast_in_dim3A_587 = vector.broadcast %broadcast_in_dim3A_586 : i1 to vector<16xi1>
    %unique3A_588, %unique3A_589 = tpu.scan_count mask(%broadcast_in_dim3A_587 : vector<16xi1>) value(%gather3A_583 : vector<16xi32>) : vector<16xi1>, vector<16xi32>
    %convert_element_type3A_590 = arith.sitofp %unique3A_589 : vector<16xi32> to vector<16xf32>
    tpu.vector_store_idx %arg26[%gather3A_583], %convert_element_type3A_590 masked %unique3A_588 {add = true} : memref<64xf32, #tpu.memory_space<vmem>>[vector<16xi32>], vector<16xf32>, vector<16xi1>
    %get3A_591 = arith.constant 240 : index
    %get3A_592 = tpu.vector_load %arg12[%get3A_591] {strides = array<i32>} : memref<256xi32, #tpu.memory_space<vmem>>, vector<16xi32>,
    %gather3A_593 = tpu.vector_load_idx %arg10[%get3A_592] : memref<10000xi32, #tpu.memory_space<vmem>>[vector<16xi32>], vector<16xi32>,
    %swap3A_594 = arith.constant 112 : index
    %swap3A_595 = tpu.vector_load %arg21[%swap3A_594] {strides = array<i32>} : memref<128xi32, #tpu.memory_space<vmem>>, vector<16xi32>,
    tpu.vector_store %arg21[%swap3A_594], %gather3A_593 {strides = array<i32>} : memref<128xi32, #tpu.memory_space<vmem>>, vector<16xi32>,
    %broadcast_in_dim3A_596 = arith.constant true
    %broadcast_in_dim3A_597 = vector.broadcast %broadcast_in_dim3A_596 : i1 to vector<16xi1>
    %unique3A_598, %unique3A_599 = tpu.scan_count mask(%broadcast_in_dim3A_597 : vector<16xi1>) value(%gather3A_593 : vector<16xi32>) : vector<16xi1>, vector<16xi32>
    %convert_element_type3A_600 = arith.sitofp %unique3A_599 : vector<16xi32> to vector<16xf32>
    tpu.vector_store_idx %arg26[%gather3A_593], %convert_element_type3A_600 masked %unique3A_598 {add = true} : memref<64xf32, #tpu.memory_space<vmem>>[vector<16xi32>], vector<16xf32>, vector<16xi1>
    %add3A_601 = arith.constant 9472 : i32
    %add3A_602 = arith.addi %mul3A_2, %add3A_601 : i32
    %dma_wait3A_603 = arith.constant 0 : i32
    %dma_wait3A_604 = tpu.memref_slice %arg5[%add3A_602, %dma_wait3A_603] : memref<320000x128xf32, #tpu.memory_space<hbm>> -> memref<256x128xf32, #tpu.memory_space<hbm>>
    %dma_wait3A_605 = arith.constant 0 : i32
    %dma_wait3A_606 = tpu.memref_slice %arg5[%add3A_602, %dma_wait3A_605] : memref<320000x128xf32, #tpu.memory_space<hbm>> -> memref<256x128xf32, #tpu.memory_space<hbm>>
    tpu.wait_dma2 semaphore(%arg30 : memref<!tpu.dma_semaphore, #tpu.memory_space<semaphore_mem>>) src(%dma_wait3A_606 : memref<256x128xf32, #tpu.memory_space<hbm>>) dst(%arg15 : memref<256x128xf32, #tpu.memory_space<vmem>>)
    %dma_start3A_607 = arith.constant 0 : i32
    %dma_start3A_608 = arith.constant 0 : i32
    %dma_start3A_609 = tpu.memref_slice %arg15[%dma_start3A_607, %dma_start3A_608] : memref<256x128xf32, #tpu.memory_space<vmem>> -> memref<128x128xf32, #tpu.memory_space<vmem>>
    %dma_start3A_610 = arith.constant 0 : i32
    %dma_start3A_611 = arith.constant 0 : i32
    %dma_start3A_612 = tpu.memref_slice %arg28[%dma_start3A_610, %dma_start3A_611] : memref<64x128xf32, #tpu.memory_space<vmem_shared>> -> memref<64x128xf32, #tpu.memory_space<vmem_shared>>
    tpu.enqueue_indirect_dma source(%dma_start3A_609 : memref<128x128xf32, #tpu.memory_space<vmem>>) target(%dma_start3A_612 : memref<64x128xf32, #tpu.memory_space<vmem_shared>>) offsets(%arg20 : memref<128xi32, #tpu.memory_space<vmem>>) semaphore(%arg33 : memref<!tpu.dma_semaphore, #tpu.memory_space<semaphore_mem>>) {add = true}
    %dma_start3A_613 = arith.constant 128 : i32
    %dma_start3A_614 = arith.constant 0 : i32
    %dma_start3A_615 = tpu.memref_slice %arg15[%dma_start3A_613, %dma_start3A_614] : memref<256x128xf32, #tpu.memory_space<vmem>> -> memref<128x128xf32, #tpu.memory_space<vmem>>
    %dma_start3A_616 = arith.constant 0 : i32
    %dma_start3A_617 = arith.constant 0 : i32
    %dma_start3A_618 = tpu.memref_slice %arg28[%dma_start3A_616, %dma_start3A_617] : memref<64x128xf32, #tpu.memory_space<vmem_shared>> -> memref<64x128xf32, #tpu.memory_space<vmem_shared>>
    tpu.enqueue_indirect_dma source(%dma_start3A_615 : memref<128x128xf32, #tpu.memory_space<vmem>>) target(%dma_start3A_618 : memref<64x128xf32, #tpu.memory_space<vmem_shared>>) offsets(%arg21 : memref<128xi32, #tpu.memory_space<vmem>>) semaphore(%arg33 : memref<!tpu.dma_semaphore, #tpu.memory_space<semaphore_mem>>) {add = true}
    %dma_wait3A_619 = arith.constant 0 : i32
    %dma_wait3A_620 = arith.constant 0 : i32
    %dma_wait3A_621 = tpu.memref_slice %arg14[%dma_wait3A_619, %dma_wait3A_620] : memref<256x128xf32, #tpu.memory_space<vmem>> -> memref<128x128xf32, #tpu.memory_space<vmem>>
    %dma_wait3A_622 = arith.constant 0 : i32
    %dma_wait3A_623 = arith.constant 0 : i32
    %dma_wait3A_624 = tpu.memref_slice %arg28[%dma_wait3A_622, %dma_wait3A_623] : memref<64x128xf32, #tpu.memory_space<vmem_shared>> -> memref<64x128xf32, #tpu.memory_space<vmem_shared>>
    tpu.wait_indirect_dma semaphore(%arg32 : memref<!tpu.dma_semaphore, #tpu.memory_space<semaphore_mem>>) src(%dma_wait3A_621 : memref<128x128xf32, #tpu.memory_space<vmem>>) dst(%dma_wait3A_624 : memref<64x128xf32, #tpu.memory_space<vmem_shared>>)
    %dma_wait3A_625 = arith.constant 128 : i32
    %dma_wait3A_626 = arith.constant 0 : i32
    %dma_wait3A_627 = tpu.memref_slice %arg14[%dma_wait3A_625, %dma_wait3A_626] : memref<256x128xf32, #tpu.memory_space<vmem>> -> memref<128x128xf32, #tpu.memory_space<vmem>>
    %dma_wait3A_628 = arith.constant 0 : i32
    %dma_wait3A_629 = arith.constant 0 : i32
    %dma_wait3A_630 = tpu.memref_slice %arg28[%dma_wait3A_628, %dma_wait3A_629] : memref<64x128xf32, #tpu.memory_space<vmem_shared>> -> memref<64x128xf32, #tpu.memory_space<vmem_shared>>
    tpu.wait_indirect_dma semaphore(%arg32 : memref<!tpu.dma_semaphore, #tpu.memory_space<semaphore_mem>>) src(%dma_wait3A_627 : memref<128x128xf32, #tpu.memory_space<vmem>>) dst(%dma_wait3A_630 : memref<64x128xf32, #tpu.memory_space<vmem_shared>>)
    %add3A_631 = arith.constant 9728 : i32
    %add3A_632 = arith.addi %mul3A_2, %add3A_631 : i32
    %add3A_633 = arith.constant 320000 : i32
    %add3A_634 = arith.addi %add3A_633, %add3A_632 : i32
    %dma_wait3A_635 = tpu.memref_slice %arg2[%add3A_634] : memref<640000xi32, #tpu.memory_space<hbm>> -> memref<256xi32, #tpu.memory_space<hbm>>
    %dma_wait3A_636 = tpu.memref_slice %arg2[%add3A_634] : memref<640000xi32, #tpu.memory_space<hbm>> -> memref<256xi32, #tpu.memory_space<hbm>>
    tpu.wait_dma2 semaphore(%arg37 : memref<!tpu.dma_semaphore, #tpu.memory_space<semaphore_mem>>) src(%dma_wait3A_636 : memref<256xi32, #tpu.memory_space<hbm>>) dst(%arg13 : memref<256xi32, #tpu.memory_space<vmem>>)
    %get3A_637 = arith.constant 0 : index
    %get3A_638 = tpu.vector_load %arg13[%get3A_637] {strides = array<i32>} : memref<256xi32, #tpu.memory_space<vmem>>, vector<16xi32>,
    %gather3A_639 = tpu.vector_load_idx %arg10[%get3A_638] : memref<10000xi32, #tpu.memory_space<vmem>>[vector<16xi32>], vector<16xi32>,
    %swap3A_640 = arith.constant 0 : index
    %swap3A_641 = tpu.vector_load %arg22[%swap3A_640] {strides = array<i32>} : memref<128xi32, #tpu.memory_space<vmem>>, vector<16xi32>,
    tpu.vector_store %arg22[%swap3A_640], %gather3A_639 {strides = array<i32>} : memref<128xi32, #tpu.memory_space<vmem>>, vector<16xi32>,
    %broadcast_in_dim3A_642 = arith.constant true
    %broadcast_in_dim3A_643 = vector.broadcast %broadcast_in_dim3A_642 : i1 to vector<16xi1>
    %unique3A_644, %unique3A_645 = tpu.scan_count mask(%broadcast_in_dim3A_643 : vector<16xi1>) value(%gather3A_639 : vector<16xi32>) : vector<16xi1>, vector<16xi32>
    %convert_element_type3A_646 = arith.sitofp %unique3A_645 : vector<16xi32> to vector<16xf32>
    tpu.vector_store_idx %arg26[%gather3A_639], %convert_element_type3A_646 masked %unique3A_644 {add = true} : memref<64xf32, #tpu.memory_space<vmem>>[vector<16xi32>], vector<16xf32>, vector<16xi1>
    %get3A_647 = arith.constant 16 : index
    %get3A_648 = tpu.vector_load %arg13[%get3A_647] {strides = array<i32>} : memref<256xi32, #tpu.memory_space<vmem>>, vector<16xi32>,
    %gather3A_649 = tpu.vector_load_idx %arg10[%get3A_648] : memref<10000xi32, #tpu.memory_space<vmem>>[vector<16xi32>], vector<16xi32>,
    %swap3A_650 = arith.constant 16 : index
    %swap3A_651 = tpu.vector_load %arg22[%swap3A_650] {strides = array<i32>} : memref<128xi32, #tpu.memory_space<vmem>>, vector<16xi32>,
    tpu.vector_store %arg22[%swap3A_650], %gather3A_649 {strides = array<i32>} : memref<128xi32, #tpu.memory_space<vmem>>, vector<16xi32>,
    %broadcast_in_dim3A_652 = arith.constant true
    %broadcast_in_dim3A_653 = vector.broadcast %broadcast_in_dim3A_652 : i1 to vector<16xi1>
    %unique3A_654, %unique3A_655 = tpu.scan_count mask(%broadcast_in_dim3A_653 : vector<16xi1>) value(%gather3A_649 : vector<16xi32>) : vector<16xi1>, vector<16xi32>
    %convert_element_type3A_656 = arith.sitofp %unique3A_655 : vector<16xi32> to vector<16xf32>
    tpu.vector_store_idx %arg26[%gather3A_649], %convert_element_type3A_656 masked %unique3A_654 {add = true} : memref<64xf32, #tpu.memory_space<vmem>>[vector<16xi32>], vector<16xf32>, vector<16xi1>
    %get3A_657 = arith.constant 32 : index
    %get3A_658 = tpu.vector_load %arg13[%get3A_657] {strides = array<i32>} : memref<256xi32, #tpu.memory_space<vmem>>, vector<16xi32>,
    %gather3A_659 = tpu.vector_load_idx %arg10[%get3A_658] : memref<10000xi32, #tpu.memory_space<vmem>>[vector<16xi32>], vector<16xi32>,
    %swap3A_660 = arith.constant 32 : index
    %swap3A_661 = tpu.vector_load %arg22[%swap3A_660] {strides = array<i32>} : memref<128xi32, #tpu.memory_space<vmem>>, vector<16xi32>,
    tpu.vector_store %arg22[%swap3A_660], %gather3A_659 {strides = array<i32>} : memref<128xi32, #tpu.memory_space<vmem>>, vector<16xi32>,
    %broadcast_in_dim3A_662 = arith.constant true
    %broadcast_in_dim3A_663 = vector.broadcast %broadcast_in_dim3A_662 : i1 to vector<16xi1>
    %unique3A_664, %unique3A_665 = tpu.scan_count mask(%broadcast_in_dim3A_663 : vector<16xi1>) value(%gather3A_659 : vector<16xi32>) : vector<16xi1>, vector<16xi32>
    %convert_element_type3A_666 = arith.sitofp %unique3A_665 : vector<16xi32> to vector<16xf32>
    tpu.vector_store_idx %arg26[%gather3A_659], %convert_element_type3A_666 masked %unique3A_664 {add = true} : memref<64xf32, #tpu.memory_space<vmem>>[vector<16xi32>], vector<16xf32>, vector<16xi1>
    %get3A_667 = arith.constant 48 : index
    %get3A_668 = tpu.vector_load %arg13[%get3A_667] {strides = array<i32>} : memref<256xi32, #tpu.memory_space<vmem>>, vector<16xi32>,
    %gather3A_669 = tpu.vector_load_idx %arg10[%get3A_668] : memref<10000xi32, #tpu.memory_space<vmem>>[vector<16xi32>], vector<16xi32>,
    %swap3A_670 = arith.constant 48 : index
    %swap3A_671 = tpu.vector_load %arg22[%swap3A_670] {strides = array<i32>} : memref<128xi32, #tpu.memory_space<vmem>>, vector<16xi32>,
    tpu.vector_store %arg22[%swap3A_670], %gather3A_669 {strides = array<i32>} : memref<128xi32, #tpu.memory_space<vmem>>, vector<16xi32>,
    %broadcast_in_dim3A_672 = arith.constant true
    %broadcast_in_dim3A_673 = vector.broadcast %broadcast_in_dim3A_672 : i1 to vector<16xi1>
    %unique3A_674, %unique3A_675 = tpu.scan_count mask(%broadcast_in_dim3A_673 : vector<16xi1>) value(%gather3A_669 : vector<16xi32>) : vector<16xi1>, vector<16xi32>
    %convert_element_type3A_676 = arith.sitofp %unique3A_675 : vector<16xi32> to vector<16xf32>
    tpu.vector_store_idx %arg26[%gather3A_669], %convert_element_type3A_676 masked %unique3A_674 {add = true} : memref<64xf32, #tpu.memory_space<vmem>>[vector<16xi32>], vector<16xf32>, vector<16xi1>
    %get3A_677 = arith.constant 64 : index
    %get3A_678 = tpu.vector_load %arg13[%get3A_677] {strides = array<i32>} : memref<256xi32, #tpu.memory_space<vmem>>, vector<16xi32>,
    %gather3A_679 = tpu.vector_load_idx %arg10[%get3A_678] : memref<10000xi32, #tpu.memory_space<vmem>>[vector<16xi32>], vector<16xi32>,
    %swap3A_680 = arith.constant 64 : index
    %swap3A_681 = tpu.vector_load %arg22[%swap3A_680] {strides = array<i32>} : memref<128xi32, #tpu.memory_space<vmem>>, vector<16xi32>,
    tpu.vector_store %arg22[%swap3A_680], %gather3A_679 {strides = array<i32>} : memref<128xi32, #tpu.memory_space<vmem>>, vector<16xi32>,
    %broadcast_in_dim3A_682 = arith.constant true
    %broadcast_in_dim3A_683 = vector.broadcast %broadcast_in_dim3A_682 : i1 to vector<16xi1>
    %unique3A_684, %unique3A_685 = tpu.scan_count mask(%broadcast_in_dim3A_683 : vector<16xi1>) value(%gather3A_679 : vector<16xi32>) : vector<16xi1>, vector<16xi32>
    %convert_element_type3A_686 = arith.sitofp %unique3A_685 : vector<16xi32> to vector<16xf32>
    tpu.vector_store_idx %arg26[%gather3A_679], %convert_element_type3A_686 masked %unique3A_684 {add = true} : memref<64xf32, #tpu.memory_space<vmem>>[vector<16xi32>], vector<16xf32>, vector<16xi1>
    %get3A_687 = arith.constant 80 : index
    %get3A_688 = tpu.vector_load %arg13[%get3A_687] {strides = array<i32>} : memref<256xi32, #tpu.memory_space<vmem>>, vector<16xi32>,
    %gather3A_689 = tpu.vector_load_idx %arg10[%get3A_688] : memref<10000xi32, #tpu.memory_space<vmem>>[vector<16xi32>], vector<16xi32>,
    %swap3A_690 = arith.constant 80 : index
    %swap3A_691 = tpu.vector_load %arg22[%swap3A_690] {strides = array<i32>} : memref<128xi32, #tpu.memory_space<vmem>>, vector<16xi32>,
    tpu.vector_store %arg22[%swap3A_690], %gather3A_689 {strides = array<i32>} : memref<128xi32, #tpu.memory_space<vmem>>, vector<16xi32>,
    %broadcast_in_dim3A_692 = arith.constant true
    %broadcast_in_dim3A_693 = vector.broadcast %broadcast_in_dim3A_692 : i1 to vector<16xi1>
    %unique3A_694, %unique3A_695 = tpu.scan_count mask(%broadcast_in_dim3A_693 : vector<16xi1>) value(%gather3A_689 : vector<16xi32>) : vector<16xi1>, vector<16xi32>
    %convert_element_type3A_696 = arith.sitofp %unique3A_695 : vector<16xi32> to vector<16xf32>
    tpu.vector_store_idx %arg26[%gather3A_689], %convert_element_type3A_696 masked %unique3A_694 {add = true} : memref<64xf32, #tpu.memory_space<vmem>>[vector<16xi32>], vector<16xf32>, vector<16xi1>
    %get3A_697 = arith.constant 96 : index
    %get3A_698 = tpu.vector_load %arg13[%get3A_697] {strides = array<i32>} : memref<256xi32, #tpu.memory_space<vmem>>, vector<16xi32>,
    %gather3A_699 = tpu.vector_load_idx %arg10[%get3A_698] : memref<10000xi32, #tpu.memory_space<vmem>>[vector<16xi32>], vector<16xi32>,
    %swap3A_700 = arith.constant 96 : index
    %swap3A_701 = tpu.vector_load %arg22[%swap3A_700] {strides = array<i32>} : memref<128xi32, #tpu.memory_space<vmem>>, vector<16xi32>,
    tpu.vector_store %arg22[%swap3A_700], %gather3A_699 {strides = array<i32>} : memref<128xi32, #tpu.memory_space<vmem>>, vector<16xi32>,
    %broadcast_in_dim3A_702 = arith.constant true
    %broadcast_in_dim3A_703 = vector.broadcast %broadcast_in_dim3A_702 : i1 to vector<16xi1>
    %unique3A_704, %unique3A_705 = tpu.scan_count mask(%broadcast_in_dim3A_703 : vector<16xi1>) value(%gather3A_699 : vector<16xi32>) : vector<16xi1>, vector<16xi32>
    %convert_element_type3A_706 = arith.sitofp %unique3A_705 : vector<16xi32> to vector<16xf32>
    tpu.vector_store_idx %arg26[%gather3A_699], %convert_element_type3A_706 masked %unique3A_704 {add = true} : memref<64xf32, #tpu.memory_space<vmem>>[vector<16xi32>], vector<16xf32>, vector<16xi1>
    %get3A_707 = arith.constant 112 : index
    %get3A_708 = tpu.vector_load %arg13[%get3A_707] {strides = array<i32>} : memref<256xi32, #tpu.memory_space<vmem>>, vector<16xi32>,
    %gather3A_709 = tpu.vector_load_idx %arg10[%get3A_708] : memref<10000xi32, #tpu.memory_space<vmem>>[vector<16xi32>], vector<16xi32>,
    %swap3A_710 = arith.constant 112 : index
    %swap3A_711 = tpu.vector_load %arg22[%swap3A_710] {strides = array<i32>} : memref<128xi32, #tpu.memory_space<vmem>>, vector<16xi32>,
    tpu.vector_store %arg22[%swap3A_710], %gather3A_709 {strides = array<i32>} : memref<128xi32, #tpu.memory_space<vmem>>, vector<16xi32>,
    %broadcast_in_dim3A_712 = arith.constant true
    %broadcast_in_dim3A_713 = vector.broadcast %broadcast_in_dim3A_712 : i1 to vector<16xi1>
    %unique3A_714, %unique3A_715 = tpu.scan_count mask(%broadcast_in_dim3A_713 : vector<16xi1>) value(%gather3A_709 : vector<16xi32>) : vector<16xi1>, vector<16xi32>
    %convert_element_type3A_716 = arith.sitofp %unique3A_715 : vector<16xi32> to vector<16xf32>
    tpu.vector_store_idx %arg26[%gather3A_709], %convert_element_type3A_716 masked %unique3A_714 {add = true} : memref<64xf32, #tpu.memory_space<vmem>>[vector<16xi32>], vector<16xf32>, vector<16xi1>
    %get3A_717 = arith.constant 128 : index
    %get3A_718 = tpu.vector_load %arg13[%get3A_717] {strides = array<i32>} : memref<256xi32, #tpu.memory_space<vmem>>, vector<16xi32>,
    %gather3A_719 = tpu.vector_load_idx %arg10[%get3A_718] : memref<10000xi32, #tpu.memory_space<vmem>>[vector<16xi32>], vector<16xi32>,
    %swap3A_720 = arith.constant 0 : index
    %swap3A_721 = tpu.vector_load %arg23[%swap3A_720] {strides = array<i32>} : memref<128xi32, #tpu.memory_space<vmem>>, vector<16xi32>,
    tpu.vector_store %arg23[%swap3A_720], %gather3A_719 {strides = array<i32>} : memref<128xi32, #tpu.memory_space<vmem>>, vector<16xi32>,
    %broadcast_in_dim3A_722 = arith.constant true
    %broadcast_in_dim3A_723 = vector.broadcast %broadcast_in_dim3A_722 : i1 to vector<16xi1>
    %unique3A_724, %unique3A_725 = tpu.scan_count mask(%broadcast_in_dim3A_723 : vector<16xi1>) value(%gather3A_719 : vector<16xi32>) : vector<16xi1>, vector<16xi32>
    %convert_element_type3A_726 = arith.sitofp %unique3A_725 : vector<16xi32> to vector<16xf32>
    tpu.vector_store_idx %arg26[%gather3A_719], %convert_element_type3A_726 masked %unique3A_724 {add = true} : memref<64xf32, #tpu.memory_space<vmem>>[vector<16xi32>], vector<16xf32>, vector<16xi1>
    %get3A_727 = arith.constant 144 : index
    %get3A_728 = tpu.vector_load %arg13[%get3A_727] {strides = array<i32>} : memref<256xi32, #tpu.memory_space<vmem>>, vector<16xi32>,
    %gather3A_729 = tpu.vector_load_idx %arg10[%get3A_728] : memref<10000xi32, #tpu.memory_space<vmem>>[vector<16xi32>], vector<16xi32>,
    %swap3A_730 = arith.constant 16 : index
    %swap3A_731 = tpu.vector_load %arg23[%swap3A_730] {strides = array<i32>} : memref<128xi32, #tpu.memory_space<vmem>>, vector<16xi32>,
    tpu.vector_store %arg23[%swap3A_730], %gather3A_729 {strides = array<i32>} : memref<128xi32, #tpu.memory_space<vmem>>, vector<16xi32>,
    %broadcast_in_dim3A_732 = arith.constant true
    %broadcast_in_dim3A_733 = vector.broadcast %broadcast_in_dim3A_732 : i1 to vector<16xi1>
    %unique3A_734, %unique3A_735 = tpu.scan_count mask(%broadcast_in_dim3A_733 : vector<16xi1>) value(%gather3A_729 : vector<16xi32>) : vector<16xi1>, vector<16xi32>
    %convert_element_type3A_736 = arith.sitofp %unique3A_735 : vector<16xi32> to vector<16xf32>
    tpu.vector_store_idx %arg26[%gather3A_729], %convert_element_type3A_736 masked %unique3A_734 {add = true} : memref<64xf32, #tpu.memory_space<vmem>>[vector<16xi32>], vector<16xf32>, vector<16xi1>
    %get3A_737 = arith.constant 160 : index
    %get3A_738 = tpu.vector_load %arg13[%get3A_737] {strides = array<i32>} : memref<256xi32, #tpu.memory_space<vmem>>, vector<16xi32>,
    %gather3A_739 = tpu.vector_load_idx %arg10[%get3A_738] : memref<10000xi32, #tpu.memory_space<vmem>>[vector<16xi32>], vector<16xi32>,
    %swap3A_740 = arith.constant 32 : index
    %swap3A_741 = tpu.vector_load %arg23[%swap3A_740] {strides = array<i32>} : memref<128xi32, #tpu.memory_space<vmem>>, vector<16xi32>,
    tpu.vector_store %arg23[%swap3A_740], %gather3A_739 {strides = array<i32>} : memref<128xi32, #tpu.memory_space<vmem>>, vector<16xi32>,
    %broadcast_in_dim3A_742 = arith.constant true
    %broadcast_in_dim3A_743 = vector.broadcast %broadcast_in_dim3A_742 : i1 to vector<16xi1>
    %unique3A_744, %unique3A_745 = tpu.scan_count mask(%broadcast_in_dim3A_743 : vector<16xi1>) value(%gather3A_739 : vector<16xi32>) : vector<16xi1>, vector<16xi32>
    %convert_element_type3A_746 = arith.sitofp %unique3A_745 : vector<16xi32> to vector<16xf32>
    tpu.vector_store_idx %arg26[%gather3A_739], %convert_element_type3A_746 masked %unique3A_744 {add = true} : memref<64xf32, #tpu.memory_space<vmem>>[vector<16xi32>], vector<16xf32>, vector<16xi1>
    %get3A_747 = arith.constant 176 : index
    %get3A_748 = tpu.vector_load %arg13[%get3A_747] {strides = array<i32>} : memref<256xi32, #tpu.memory_space<vmem>>, vector<16xi32>,
    %gather3A_749 = tpu.vector_load_idx %arg10[%get3A_748] : memref<10000xi32, #tpu.memory_space<vmem>>[vector<16xi32>], vector<16xi32>,
    %swap3A_750 = arith.constant 48 : index
    %swap3A_751 = tpu.vector_load %arg23[%swap3A_750] {strides = array<i32>} : memref<128xi32, #tpu.memory_space<vmem>>, vector<16xi32>,
    tpu.vector_store %arg23[%swap3A_750], %gather3A_749 {strides = array<i32>} : memref<128xi32, #tpu.memory_space<vmem>>, vector<16xi32>,
    %broadcast_in_dim3A_752 = arith.constant true
    %broadcast_in_dim3A_753 = vector.broadcast %broadcast_in_dim3A_752 : i1 to vector<16xi1>
    %unique3A_754, %unique3A_755 = tpu.scan_count mask(%broadcast_in_dim3A_753 : vector<16xi1>) value(%gather3A_749 : vector<16xi32>) : vector<16xi1>, vector<16xi32>
    %convert_element_type3A_756 = arith.sitofp %unique3A_755 : vector<16xi32> to vector<16xf32>
    tpu.vector_store_idx %arg26[%gather3A_749], %convert_element_type3A_756 masked %unique3A_754 {add = true} : memref<64xf32, #tpu.memory_space<vmem>>[vector<16xi32>], vector<16xf32>, vector<16xi1>
    %get3A_757 = arith.constant 192 : index
    %get3A_758 = tpu.vector_load %arg13[%get3A_757] {strides = array<i32>} : memref<256xi32, #tpu.memory_space<vmem>>, vector<16xi32>,
    %gather3A_759 = tpu.vector_load_idx %arg10[%get3A_758] : memref<10000xi32, #tpu.memory_space<vmem>>[vector<16xi32>], vector<16xi32>,
    %swap3A_760 = arith.constant 64 : index
    %swap3A_761 = tpu.vector_load %arg23[%swap3A_760] {strides = array<i32>} : memref<128xi32, #tpu.memory_space<vmem>>, vector<16xi32>,
    tpu.vector_store %arg23[%swap3A_760], %gather3A_759 {strides = array<i32>} : memref<128xi32, #tpu.memory_space<vmem>>, vector<16xi32>,
    %broadcast_in_dim3A_762 = arith.constant true
    %broadcast_in_dim3A_763 = vector.broadcast %broadcast_in_dim3A_762 : i1 to vector<16xi1>
    %unique3A_764, %unique3A_765 = tpu.scan_count mask(%broadcast_in_dim3A_763 : vector<16xi1>) value(%gather3A_759 : vector<16xi32>) : vector<16xi1>, vector<16xi32>
    %convert_element_type3A_766 = arith.sitofp %unique3A_765 : vector<16xi32> to vector<16xf32>
    tpu.vector_store_idx %arg26[%gather3A_759], %convert_element_type3A_766 masked %unique3A_764 {add = true} : memref<64xf32, #tpu.memory_space<vmem>>[vector<16xi32>], vector<16xf32>, vector<16xi1>
    %get3A_767 = arith.constant 208 : index
    %get3A_768 = tpu.vector_load %arg13[%get3A_767] {strides = array<i32>} : memref<256xi32, #tpu.memory_space<vmem>>, vector<16xi32>,
    %gather3A_769 = tpu.vector_load_idx %arg10[%get3A_768] : memref<10000xi32, #tpu.memory_space<vmem>>[vector<16xi32>], vector<16xi32>,
    %swap3A_770 = arith.constant 80 : index
    %swap3A_771 = tpu.vector_load %arg23[%swap3A_770] {strides = array<i32>} : memref<128xi32, #tpu.memory_space<vmem>>, vector<16xi32>,
    tpu.vector_store %arg23[%swap3A_770], %gather3A_769 {strides = array<i32>} : memref<128xi32, #tpu.memory_space<vmem>>, vector<16xi32>,
    %broadcast_in_dim3A_772 = arith.constant true
    %broadcast_in_dim3A_773 = vector.broadcast %broadcast_in_dim3A_772 : i1 to vector<16xi1>
    %unique3A_774, %unique3A_775 = tpu.scan_count mask(%broadcast_in_dim3A_773 : vector<16xi1>) value(%gather3A_769 : vector<16xi32>) : vector<16xi1>, vector<16xi32>
    %convert_element_type3A_776 = arith.sitofp %unique3A_775 : vector<16xi32> to vector<16xf32>
    tpu.vector_store_idx %arg26[%gather3A_769], %convert_element_type3A_776 masked %unique3A_774 {add = true} : memref<64xf32, #tpu.memory_space<vmem>>[vector<16xi32>], vector<16xf32>, vector<16xi1>
    %get3A_777 = arith.constant 224 : index
    %get3A_778 = tpu.vector_load %arg13[%get3A_777] {strides = array<i32>} : memref<256xi32, #tpu.memory_space<vmem>>, vector<16xi32>,
    %gather3A_779 = tpu.vector_load_idx %arg10[%get3A_778] : memref<10000xi32, #tpu.memory_space<vmem>>[vector<16xi32>], vector<16xi32>,
    %swap3A_780 = arith.constant 96 : index
    %swap3A_781 = tpu.vector_load %arg23[%swap3A_780] {strides = array<i32>} : memref<128xi32, #tpu.memory_space<vmem>>, vector<16xi32>,
    tpu.vector_store %arg23[%swap3A_780], %gather3A_779 {strides = array<i32>} : memref<128xi32, #tpu.memory_space<vmem>>, vector<16xi32>,
    %broadcast_in_dim3A_782 = arith.constant true
    %broadcast_in_dim3A_783 = vector.broadcast %broadcast_in_dim3A_782 : i1 to vector<16xi1>
    %unique3A_784, %unique3A_785 = tpu.scan_count mask(%broadcast_in_dim3A_783 : vector<16xi1>) value(%gather3A_779 : vector<16xi32>) : vector<16xi1>, vector<16xi32>
    %convert_element_type3A_786 = arith.sitofp %unique3A_785 : vector<16xi32> to vector<16xf32>
    tpu.vector_store_idx %arg26[%gather3A_779], %convert_element_type3A_786 masked %unique3A_784 {add = true} : memref<64xf32, #tpu.memory_space<vmem>>[vector<16xi32>], vector<16xf32>, vector<16xi1>
    %get3A_787 = arith.constant 240 : index
    %get3A_788 = tpu.vector_load %arg13[%get3A_787] {strides = array<i32>} : memref<256xi32, #tpu.memory_space<vmem>>, vector<16xi32>,
    %gather3A_789 = tpu.vector_load_idx %arg10[%get3A_788] : memref<10000xi32, #tpu.memory_space<vmem>>[vector<16xi32>], vector<16xi32>,
    %swap3A_790 = arith.constant 112 : index
    %swap3A_791 = tpu.vector_load %arg23[%swap3A_790] {strides = array<i32>} : memref<128xi32, #tpu.memory_space<vmem>>, vector<16xi32>,
    tpu.vector_store %arg23[%swap3A_790], %gather3A_789 {strides = array<i32>} : memref<128xi32, #tpu.memory_space<vmem>>, vector<16xi32>,
    %broadcast_in_dim3A_792 = arith.constant true
    %broadcast_in_dim3A_793 = vector.broadcast %broadcast_in_dim3A_792 : i1 to vector<16xi1>
    %unique3A_794, %unique3A_795 = tpu.scan_count mask(%broadcast_in_dim3A_793 : vector<16xi1>) value(%gather3A_789 : vector<16xi32>) : vector<16xi1>, vector<16xi32>
    %convert_element_type3A_796 = arith.sitofp %unique3A_795 : vector<16xi32> to vector<16xf32>
    tpu.vector_store_idx %arg26[%gather3A_789], %convert_element_type3A_796 masked %unique3A_794 {add = true} : memref<64xf32, #tpu.memory_space<vmem>>[vector<16xi32>], vector<16xf32>, vector<16xi1>
    %add3A_797 = arith.constant 9728 : i32
    %add3A_798 = arith.addi %mul3A_2, %add3A_797 : i32
    %dma_wait3A_799 = arith.constant 0 : i32
    %dma_wait3A_800 = tpu.memref_slice %arg5[%add3A_798, %dma_wait3A_799] : memref<320000x128xf32, #tpu.memory_space<hbm>> -> memref<256x128xf32, #tpu.memory_space<hbm>>
    %dma_wait3A_801 = arith.constant 0 : i32
    %dma_wait3A_802 = tpu.memref_slice %arg5[%add3A_798, %dma_wait3A_801] : memref<320000x128xf32, #tpu.memory_space<hbm>> -> memref<256x128xf32, #tpu.memory_space<hbm>>
    tpu.wait_dma2 semaphore(%arg31 : memref<!tpu.dma_semaphore, #tpu.memory_space<semaphore_mem>>) src(%dma_wait3A_802 : memref<256x128xf32, #tpu.memory_space<hbm>>) dst(%arg16 : memref<256x128xf32, #tpu.memory_space<vmem>>)
    %dma_start3A_803 = arith.constant 0 : i32
    %dma_start3A_804 = arith.constant 0 : i32
    %dma_start3A_805 = tpu.memref_slice %arg16[%dma_start3A_803, %dma_start3A_804] : memref<256x128xf32, #tpu.memory_space<vmem>> -> memref<128x128xf32, #tpu.memory_space<vmem>>
    %dma_start3A_806 = arith.constant 0 : i32
    %dma_start3A_807 = arith.constant 0 : i32
    %dma_start3A_808 = tpu.memref_slice %arg28[%dma_start3A_806, %dma_start3A_807] : memref<64x128xf32, #tpu.memory_space<vmem_shared>> -> memref<64x128xf32, #tpu.memory_space<vmem_shared>>
    tpu.enqueue_indirect_dma source(%dma_start3A_805 : memref<128x128xf32, #tpu.memory_space<vmem>>) target(%dma_start3A_808 : memref<64x128xf32, #tpu.memory_space<vmem_shared>>) offsets(%arg22 : memref<128xi32, #tpu.memory_space<vmem>>) semaphore(%arg34 : memref<!tpu.dma_semaphore, #tpu.memory_space<semaphore_mem>>) {add = true}
    %dma_start3A_809 = arith.constant 128 : i32
    %dma_start3A_810 = arith.constant 0 : i32
    %dma_start3A_811 = tpu.memref_slice %arg16[%dma_start3A_809, %dma_start3A_810] : memref<256x128xf32, #tpu.memory_space<vmem>> -> memref<128x128xf32, #tpu.memory_space<vmem>>
    %dma_start3A_812 = arith.constant 0 : i32
    %dma_start3A_813 = arith.constant 0 : i32
    %dma_start3A_814 = tpu.memref_slice %arg28[%dma_start3A_812, %dma_start3A_813] : memref<64x128xf32, #tpu.memory_space<vmem_shared>> -> memref<64x128xf32, #tpu.memory_space<vmem_shared>>
    tpu.enqueue_indirect_dma source(%dma_start3A_811 : memref<128x128xf32, #tpu.memory_space<vmem>>) target(%dma_start3A_814 : memref<64x128xf32, #tpu.memory_space<vmem_shared>>) offsets(%arg23 : memref<128xi32, #tpu.memory_space<vmem>>) semaphore(%arg34 : memref<!tpu.dma_semaphore, #tpu.memory_space<semaphore_mem>>) {add = true}
    %dma_wait3A_815 = arith.constant 0 : i32
    %dma_wait3A_816 = arith.constant 0 : i32
    %dma_wait3A_817 = tpu.memref_slice %arg15[%dma_wait3A_815, %dma_wait3A_816] : memref<256x128xf32, #tpu.memory_space<vmem>> -> memref<128x128xf32, #tpu.memory_space<vmem>>
    %dma_wait3A_818 = arith.constant 0 : i32
    %dma_wait3A_819 = arith.constant 0 : i32
    %dma_wait3A_820 = tpu.memref_slice %arg28[%dma_wait3A_818, %dma_wait3A_819] : memref<64x128xf32, #tpu.memory_space<vmem_shared>> -> memref<64x128xf32, #tpu.memory_space<vmem_shared>>
    tpu.wait_indirect_dma semaphore(%arg33 : memref<!tpu.dma_semaphore, #tpu.memory_space<semaphore_mem>>) src(%dma_wait3A_817 : memref<128x128xf32, #tpu.memory_space<vmem>>) dst(%dma_wait3A_820 : memref<64x128xf32, #tpu.memory_space<vmem_shared>>)
    %dma_wait3A_821 = arith.constant 128 : i32
    %dma_wait3A_822 = arith.constant 0 : i32
    %dma_wait3A_823 = tpu.memref_slice %arg15[%dma_wait3A_821, %dma_wait3A_822] : memref<256x128xf32, #tpu.memory_space<vmem>> -> memref<128x128xf32, #tpu.memory_space<vmem>>
    %dma_wait3A_824 = arith.constant 0 : i32
    %dma_wait3A_825 = arith.constant 0 : i32
    %dma_wait3A_826 = tpu.memref_slice %arg28[%dma_wait3A_824, %dma_wait3A_825] : memref<64x128xf32, #tpu.memory_space<vmem_shared>> -> memref<64x128xf32, #tpu.memory_space<vmem_shared>>
    tpu.wait_indirect_dma semaphore(%arg33 : memref<!tpu.dma_semaphore, #tpu.memory_space<semaphore_mem>>) src(%dma_wait3A_823 : memref<128x128xf32, #tpu.memory_space<vmem>>) dst(%dma_wait3A_826 : memref<64x128xf32, #tpu.memory_space<vmem_shared>>)
    %dma_wait3A_827 = arith.constant 0 : i32
    %dma_wait3A_828 = arith.constant 0 : i32
    %dma_wait3A_829 = tpu.memref_slice %arg16[%dma_wait3A_827, %dma_wait3A_828] : memref<256x128xf32, #tpu.memory_space<vmem>> -> memref<128x128xf32, #tpu.memory_space<vmem>>
    %dma_wait3A_830 = arith.constant 0 : i32
    %dma_wait3A_831 = arith.constant 0 : i32
    %dma_wait3A_832 = tpu.memref_slice %arg28[%dma_wait3A_830, %dma_wait3A_831] : memref<64x128xf32, #tpu.memory_space<vmem_shared>> -> memref<64x128xf32, #tpu.memory_space<vmem_shared>>
    tpu.wait_indirect_dma semaphore(%arg34 : memref<!tpu.dma_semaphore, #tpu.memory_space<semaphore_mem>>) src(%dma_wait3A_829 : memref<128x128xf32, #tpu.memory_space<vmem>>) dst(%dma_wait3A_832 : memref<64x128xf32, #tpu.memory_space<vmem_shared>>)
    %dma_wait3A_833 = arith.constant 128 : i32
    %dma_wait3A_834 = arith.constant 0 : i32
    %dma_wait3A_835 = tpu.memref_slice %arg16[%dma_wait3A_833, %dma_wait3A_834] : memref<256x128xf32, #tpu.memory_space<vmem>> -> memref<128x128xf32, #tpu.memory_space<vmem>>
    %dma_wait3A_836 = arith.constant 0 : i32
    %dma_wait3A_837 = arith.constant 0 : i32
    %dma_wait3A_838 = tpu.memref_slice %arg28[%dma_wait3A_836, %dma_wait3A_837] : memref<64x128xf32, #tpu.memory_space<vmem_shared>> -> memref<64x128xf32, #tpu.memory_space<vmem_shared>>
    tpu.wait_indirect_dma semaphore(%arg34 : memref<!tpu.dma_semaphore, #tpu.memory_space<semaphore_mem>>) src(%dma_wait3A_835 : memref<128x128xf32, #tpu.memory_space<vmem>>) dst(%dma_wait3A_838 : memref<64x128xf32, #tpu.memory_space<vmem_shared>>)
    %lt3A_839 = arith.constant 4 : i32
    %lt3A_840 = arith.cmpi slt, %add3A, %lt3A_839 : i32
    %convert_element_type3A_841 = arith.extui %lt3A_840 : i1 to i32
    %cond3A_842 = arith.constant 0 : i32
    %cond3A_843 = arith.cmpi ne, %convert_element_type3A_841, %cond3A_842 : i32
    scf.if %cond3A_843 {
      %mul3A_853 = arith.constant 128 : i32
      %mul3A_854 = arith.muli %add3A, %mul3A_853 : i32
      %add3A_855 = arith.constant 319488 : i32
      %add3A_856 = arith.addi %add3A_855, %mul3A_854 : i32
      %add3A_857 = arith.constant 320000 : i32
      %add3A_858 = arith.addi %add3A_857, %add3A_856 : i32
      "tpu.region"() ({
        %run_scoped3A = tpu.sem_alloc : memref<!tpu.dma_semaphore, #tpu.memory_space<semaphore_mem>>
        %dma_start3A_939 = arith.constant 0 : i32
        %dma_start3A_940 = tpu.memref_slice %arg11[%dma_start3A_939] : memref<256xi32, #tpu.memory_space<vmem>> -> memref<128xi32, #tpu.memory_space<vmem>>
        %dma_start3A_941 = tpu.memref_slice %arg2[%add3A_858] : memref<640000xi32, #tpu.memory_space<hbm>> -> memref<128xi32, #tpu.memory_space<hbm>>
        %dma_start3A_942 = arith.constant 0 : i32
        %dma_start3A_943 = tpu.memref_slice %arg11[%dma_start3A_942] : memref<256xi32, #tpu.memory_space<vmem>> -> memref<128xi32, #tpu.memory_space<vmem>>
        %dma_start3A_944 = tpu.memref_slice %arg2[%add3A_858] : memref<640000xi32, #tpu.memory_space<hbm>> -> memref<128xi32, #tpu.memory_space<hbm>>
        tpu.enqueue_dma source(%dma_start3A_944 : memref<128xi32, #tpu.memory_space<hbm>>) target(%dma_start3A_943 : memref<128xi32, #tpu.memory_space<vmem>>) target_semaphore(%run_scoped3A : memref<!tpu.dma_semaphore, #tpu.memory_space<semaphore_mem>>)
        %dma_wait3A_945 = arith.constant 0 : i32
        %dma_wait3A_946 = tpu.memref_slice %arg11[%dma_wait3A_945] : memref<256xi32, #tpu.memory_space<vmem>> -> memref<128xi32, #tpu.memory_space<vmem>>
        %dma_wait3A_947 = tpu.memref_slice %arg2[%add3A_858] : memref<640000xi32, #tpu.memory_space<hbm>> -> memref<128xi32, #tpu.memory_space<hbm>>
        %dma_wait3A_948 = arith.constant 0 : i32
        %dma_wait3A_949 = tpu.memref_slice %arg11[%dma_wait3A_948] : memref<256xi32, #tpu.memory_space<vmem>> -> memref<128xi32, #tpu.memory_space<vmem>>
        %dma_wait3A_950 = tpu.memref_slice %arg2[%add3A_858] : memref<640000xi32, #tpu.memory_space<hbm>> -> memref<128xi32, #tpu.memory_space<hbm>>
        tpu.wait_dma2 semaphore(%run_scoped3A : memref<!tpu.dma_semaphore, #tpu.memory_space<semaphore_mem>>) src(%dma_wait3A_950 : memref<128xi32, #tpu.memory_space<hbm>>) dst(%dma_wait3A_949 : memref<128xi32, #tpu.memory_space<vmem>>)
        tpu.yield
      }) : () -> ()
      "tpu.region"() ({
        %run_scoped3A = tpu.sem_alloc : memref<!tpu.dma_semaphore, #tpu.memory_space<semaphore_mem>>
        %dma_start3A_939 = arith.constant 0 : i32
        %dma_start3A_940 = arith.constant 0 : i32
        %dma_start3A_941 = tpu.memref_slice %arg14[%dma_start3A_939, %dma_start3A_940] : memref<256x128xf32, #tpu.memory_space<vmem>> -> memref<128x128xf32, #tpu.memory_space<vmem>>
        %dma_start3A_942 = arith.constant 0 : i32
        %dma_start3A_943 = tpu.memref_slice %arg5[%add3A_856, %dma_start3A_942] : memref<320000x128xf32, #tpu.memory_space<hbm>> -> memref<128x128xf32, #tpu.memory_space<hbm>>
        %dma_start3A_944 = arith.constant 0 : i32
        %dma_start3A_945 = arith.constant 0 : i32
        %dma_start3A_946 = tpu.memref_slice %arg14[%dma_start3A_944, %dma_start3A_945] : memref<256x128xf32, #tpu.memory_space<vmem>> -> memref<128x128xf32, #tpu.memory_space<vmem>>
        %dma_start3A_947 = arith.constant 0 : i32
        %dma_start3A_948 = tpu.memref_slice %arg5[%add3A_856, %dma_start3A_947] : memref<320000x128xf32, #tpu.memory_space<hbm>> -> memref<128x128xf32, #tpu.memory_space<hbm>>
        tpu.enqueue_dma source(%dma_start3A_948 : memref<128x128xf32, #tpu.memory_space<hbm>>) target(%dma_start3A_946 : memref<128x128xf32, #tpu.memory_space<vmem>>) target_semaphore(%run_scoped3A : memref<!tpu.dma_semaphore, #tpu.memory_space<semaphore_mem>>)
        %dma_wait3A_949 = arith.constant 0 : i32
        %dma_wait3A_950 = arith.constant 0 : i32
        %dma_wait3A_951 = tpu.memref_slice %arg14[%dma_wait3A_949, %dma_wait3A_950] : memref<256x128xf32, #tpu.memory_space<vmem>> -> memref<128x128xf32, #tpu.memory_space<vmem>>
        %dma_wait3A_952 = arith.constant 0 : i32
        %dma_wait3A_953 = tpu.memref_slice %arg5[%add3A_856, %dma_wait3A_952] : memref<320000x128xf32, #tpu.memory_space<hbm>> -> memref<128x128xf32, #tpu.memory_space<hbm>>
        %dma_wait3A_954 = arith.constant 0 : i32
        %dma_wait3A_955 = arith.constant 0 : i32
        %dma_wait3A_956 = tpu.memref_slice %arg14[%dma_wait3A_954, %dma_wait3A_955] : memref<256x128xf32, #tpu.memory_space<vmem>> -> memref<128x128xf32, #tpu.memory_space<vmem>>
        %dma_wait3A_957 = arith.constant 0 : i32
        %dma_wait3A_958 = tpu.memref_slice %arg5[%add3A_856, %dma_wait3A_957] : memref<320000x128xf32, #tpu.memory_space<hbm>> -> memref<128x128xf32, #tpu.memory_space<hbm>>
        tpu.wait_dma2 semaphore(%run_scoped3A : memref<!tpu.dma_semaphore, #tpu.memory_space<semaphore_mem>>) src(%dma_wait3A_958 : memref<128x128xf32, #tpu.memory_space<hbm>>) dst(%dma_wait3A_956 : memref<128x128xf32, #tpu.memory_space<vmem>>)
        tpu.yield
      }) : () -> ()
      %get3A_859 = arith.constant 0 : index
      %get3A_860 = tpu.vector_load %arg11[%get3A_859] {strides = array<i32>} : memref<256xi32, #tpu.memory_space<vmem>>, vector<16xi32>,
      %gather3A_861 = tpu.vector_load_idx %arg10[%get3A_860] : memref<10000xi32, #tpu.memory_space<vmem>>[vector<16xi32>], vector<16xi32>,
      %swap3A_862 = arith.constant 0 : index
      %swap3A_863 = tpu.vector_load %arg18[%swap3A_862] {strides = array<i32>} : memref<128xi32, #tpu.memory_space<vmem>>, vector<16xi32>,
      tpu.vector_store %arg18[%swap3A_862], %gather3A_861 {strides = array<i32>} : memref<128xi32, #tpu.memory_space<vmem>>, vector<16xi32>,
      %broadcast_in_dim3A_864 = arith.constant true
      %broadcast_in_dim3A_865 = vector.broadcast %broadcast_in_dim3A_864 : i1 to vector<16xi1>
      %unique3A_866, %unique3A_867 = tpu.scan_count mask(%broadcast_in_dim3A_865 : vector<16xi1>) value(%gather3A_861 : vector<16xi32>) : vector<16xi1>, vector<16xi32>
      %convert_element_type3A_868 = arith.sitofp %unique3A_867 : vector<16xi32> to vector<16xf32>
      tpu.vector_store_idx %arg26[%gather3A_861], %convert_element_type3A_868 masked %unique3A_866 {add = true} : memref<64xf32, #tpu.memory_space<vmem>>[vector<16xi32>], vector<16xf32>, vector<16xi1>
      %get3A_869 = arith.constant 16 : index
      %get3A_870 = tpu.vector_load %arg11[%get3A_869] {strides = array<i32>} : memref<256xi32, #tpu.memory_space<vmem>>, vector<16xi32>,
      %gather3A_871 = tpu.vector_load_idx %arg10[%get3A_870] : memref<10000xi32, #tpu.memory_space<vmem>>[vector<16xi32>], vector<16xi32>,
      %swap3A_872 = arith.constant 16 : index
      %swap3A_873 = tpu.vector_load %arg18[%swap3A_872] {strides = array<i32>} : memref<128xi32, #tpu.memory_space<vmem>>, vector<16xi32>,
      tpu.vector_store %arg18[%swap3A_872], %gather3A_871 {strides = array<i32>} : memref<128xi32, #tpu.memory_space<vmem>>, vector<16xi32>,
      %broadcast_in_dim3A_874 = arith.constant true
      %broadcast_in_dim3A_875 = vector.broadcast %broadcast_in_dim3A_874 : i1 to vector<16xi1>
      %unique3A_876, %unique3A_877 = tpu.scan_count mask(%broadcast_in_dim3A_875 : vector<16xi1>) value(%gather3A_871 : vector<16xi32>) : vector<16xi1>, vector<16xi32>
      %convert_element_type3A_878 = arith.sitofp %unique3A_877 : vector<16xi32> to vector<16xf32>
      tpu.vector_store_idx %arg26[%gather3A_871], %convert_element_type3A_878 masked %unique3A_876 {add = true} : memref<64xf32, #tpu.memory_space<vmem>>[vector<16xi32>], vector<16xf32>, vector<16xi1>
      %get3A_879 = arith.constant 32 : index
      %get3A_880 = tpu.vector_load %arg11[%get3A_879] {strides = array<i32>} : memref<256xi32, #tpu.memory_space<vmem>>, vector<16xi32>,
      %gather3A_881 = tpu.vector_load_idx %arg10[%get3A_880] : memref<10000xi32, #tpu.memory_space<vmem>>[vector<16xi32>], vector<16xi32>,
      %swap3A_882 = arith.constant 32 : index
      %swap3A_883 = tpu.vector_load %arg18[%swap3A_882] {strides = array<i32>} : memref<128xi32, #tpu.memory_space<vmem>>, vector<16xi32>,
      tpu.vector_store %arg18[%swap3A_882], %gather3A_881 {strides = array<i32>} : memref<128xi32, #tpu.memory_space<vmem>>, vector<16xi32>,
      %broadcast_in_dim3A_884 = arith.constant true
      %broadcast_in_dim3A_885 = vector.broadcast %broadcast_in_dim3A_884 : i1 to vector<16xi1>
      %unique3A_886, %unique3A_887 = tpu.scan_count mask(%broadcast_in_dim3A_885 : vector<16xi1>) value(%gather3A_881 : vector<16xi32>) : vector<16xi1>, vector<16xi32>
      %convert_element_type3A_888 = arith.sitofp %unique3A_887 : vector<16xi32> to vector<16xf32>
      tpu.vector_store_idx %arg26[%gather3A_881], %convert_element_type3A_888 masked %unique3A_886 {add = true} : memref<64xf32, #tpu.memory_space<vmem>>[vector<16xi32>], vector<16xf32>, vector<16xi1>
      %get3A_889 = arith.constant 48 : index
      %get3A_890 = tpu.vector_load %arg11[%get3A_889] {strides = array<i32>} : memref<256xi32, #tpu.memory_space<vmem>>, vector<16xi32>,
      %gather3A_891 = tpu.vector_load_idx %arg10[%get3A_890] : memref<10000xi32, #tpu.memory_space<vmem>>[vector<16xi32>], vector<16xi32>,
      %swap3A_892 = arith.constant 48 : index
      %swap3A_893 = tpu.vector_load %arg18[%swap3A_892] {strides = array<i32>} : memref<128xi32, #tpu.memory_space<vmem>>, vector<16xi32>,
      tpu.vector_store %arg18[%swap3A_892], %gather3A_891 {strides = array<i32>} : memref<128xi32, #tpu.memory_space<vmem>>, vector<16xi32>,
      %broadcast_in_dim3A_894 = arith.constant true
      %broadcast_in_dim3A_895 = vector.broadcast %broadcast_in_dim3A_894 : i1 to vector<16xi1>
      %unique3A_896, %unique3A_897 = tpu.scan_count mask(%broadcast_in_dim3A_895 : vector<16xi1>) value(%gather3A_891 : vector<16xi32>) : vector<16xi1>, vector<16xi32>
      %convert_element_type3A_898 = arith.sitofp %unique3A_897 : vector<16xi32> to vector<16xf32>
      tpu.vector_store_idx %arg26[%gather3A_891], %convert_element_type3A_898 masked %unique3A_896 {add = true} : memref<64xf32, #tpu.memory_space<vmem>>[vector<16xi32>], vector<16xf32>, vector<16xi1>
      %get3A_899 = arith.constant 64 : index
      %get3A_900 = tpu.vector_load %arg11[%get3A_899] {strides = array<i32>} : memref<256xi32, #tpu.memory_space<vmem>>, vector<16xi32>,
      %gather3A_901 = tpu.vector_load_idx %arg10[%get3A_900] : memref<10000xi32, #tpu.memory_space<vmem>>[vector<16xi32>], vector<16xi32>,
      %swap3A_902 = arith.constant 64 : index
      %swap3A_903 = tpu.vector_load %arg18[%swap3A_902] {strides = array<i32>} : memref<128xi32, #tpu.memory_space<vmem>>, vector<16xi32>,
      tpu.vector_store %arg18[%swap3A_902], %gather3A_901 {strides = array<i32>} : memref<128xi32, #tpu.memory_space<vmem>>, vector<16xi32>,
      %broadcast_in_dim3A_904 = arith.constant true
      %broadcast_in_dim3A_905 = vector.broadcast %broadcast_in_dim3A_904 : i1 to vector<16xi1>
      %unique3A_906, %unique3A_907 = tpu.scan_count mask(%broadcast_in_dim3A_905 : vector<16xi1>) value(%gather3A_901 : vector<16xi32>) : vector<16xi1>, vector<16xi32>
      %convert_element_type3A_908 = arith.sitofp %unique3A_907 : vector<16xi32> to vector<16xf32>
      tpu.vector_store_idx %arg26[%gather3A_901], %convert_element_type3A_908 masked %unique3A_906 {add = true} : memref<64xf32, #tpu.memory_space<vmem>>[vector<16xi32>], vector<16xf32>, vector<16xi1>
      %get3A_909 = arith.constant 80 : index
      %get3A_910 = tpu.vector_load %arg11[%get3A_909] {strides = array<i32>} : memref<256xi32, #tpu.memory_space<vmem>>, vector<16xi32>,
      %gather3A_911 = tpu.vector_load_idx %arg10[%get3A_910] : memref<10000xi32, #tpu.memory_space<vmem>>[vector<16xi32>], vector<16xi32>,
      %swap3A_912 = arith.constant 80 : index
      %swap3A_913 = tpu.vector_load %arg18[%swap3A_912] {strides = array<i32>} : memref<128xi32, #tpu.memory_space<vmem>>, vector<16xi32>,
      tpu.vector_store %arg18[%swap3A_912], %gather3A_911 {strides = array<i32>} : memref<128xi32, #tpu.memory_space<vmem>>, vector<16xi32>,
      %broadcast_in_dim3A_914 = arith.constant true
      %broadcast_in_dim3A_915 = vector.broadcast %broadcast_in_dim3A_914 : i1 to vector<16xi1>
      %unique3A_916, %unique3A_917 = tpu.scan_count mask(%broadcast_in_dim3A_915 : vector<16xi1>) value(%gather3A_911 : vector<16xi32>) : vector<16xi1>, vector<16xi32>
      %convert_element_type3A_918 = arith.sitofp %unique3A_917 : vector<16xi32> to vector<16xf32>
      tpu.vector_store_idx %arg26[%gather3A_911], %convert_element_type3A_918 masked %unique3A_916 {add = true} : memref<64xf32, #tpu.memory_space<vmem>>[vector<16xi32>], vector<16xf32>, vector<16xi1>
      %get3A_919 = arith.constant 96 : index
      %get3A_920 = tpu.vector_load %arg11[%get3A_919] {strides = array<i32>} : memref<256xi32, #tpu.memory_space<vmem>>, vector<16xi32>,
      %gather3A_921 = tpu.vector_load_idx %arg10[%get3A_920] : memref<10000xi32, #tpu.memory_space<vmem>>[vector<16xi32>], vector<16xi32>,
      %swap3A_922 = arith.constant 96 : index
      %swap3A_923 = tpu.vector_load %arg18[%swap3A_922] {strides = array<i32>} : memref<128xi32, #tpu.memory_space<vmem>>, vector<16xi32>,
      tpu.vector_store %arg18[%swap3A_922], %gather3A_921 {strides = array<i32>} : memref<128xi32, #tpu.memory_space<vmem>>, vector<16xi32>,
      %broadcast_in_dim3A_924 = arith.constant true
      %broadcast_in_dim3A_925 = vector.broadcast %broadcast_in_dim3A_924 : i1 to vector<16xi1>
      %unique3A_926, %unique3A_927 = tpu.scan_count mask(%broadcast_in_dim3A_925 : vector<16xi1>) value(%gather3A_921 : vector<16xi32>) : vector<16xi1>, vector<16xi32>
      %convert_element_type3A_928 = arith.sitofp %unique3A_927 : vector<16xi32> to vector<16xf32>
      tpu.vector_store_idx %arg26[%gather3A_921], %convert_element_type3A_928 masked %unique3A_926 {add = true} : memref<64xf32, #tpu.memory_space<vmem>>[vector<16xi32>], vector<16xf32>, vector<16xi1>
      %get3A_929 = arith.constant 112 : index
      %get3A_930 = tpu.vector_load %arg11[%get3A_929] {strides = array<i32>} : memref<256xi32, #tpu.memory_space<vmem>>, vector<16xi32>,
      %gather3A_931 = tpu.vector_load_idx %arg10[%get3A_930] : memref<10000xi32, #tpu.memory_space<vmem>>[vector<16xi32>], vector<16xi32>,
      %swap3A_932 = arith.constant 112 : index
      %swap3A_933 = tpu.vector_load %arg18[%swap3A_932] {strides = array<i32>} : memref<128xi32, #tpu.memory_space<vmem>>, vector<16xi32>,
      tpu.vector_store %arg18[%swap3A_932], %gather3A_931 {strides = array<i32>} : memref<128xi32, #tpu.memory_space<vmem>>, vector<16xi32>,
      %broadcast_in_dim3A_934 = arith.constant true
      %broadcast_in_dim3A_935 = vector.broadcast %broadcast_in_dim3A_934 : i1 to vector<16xi1>
      %unique3A_936, %unique3A_937 = tpu.scan_count mask(%broadcast_in_dim3A_935 : vector<16xi1>) value(%gather3A_931 : vector<16xi32>) : vector<16xi1>, vector<16xi32>
      %convert_element_type3A_938 = arith.sitofp %unique3A_937 : vector<16xi32> to vector<16xf32>
      tpu.vector_store_idx %arg26[%gather3A_931], %convert_element_type3A_938 masked %unique3A_936 {add = true} : memref<64xf32, #tpu.memory_space<vmem>>[vector<16xi32>], vector<16xf32>, vector<16xi1>
      "tpu.region"() ({
        %run_scoped3A = tpu.sem_alloc : memref<!tpu.dma_semaphore, #tpu.memory_space<semaphore_mem>>
        %dma_start3A_939 = arith.constant 0 : i32
        %dma_start3A_940 = arith.constant 0 : i32
        %dma_start3A_941 = tpu.memref_slice %arg14[%dma_start3A_939, %dma_start3A_940] : memref<256x128xf32, #tpu.memory_space<vmem>> -> memref<128x128xf32, #tpu.memory_space<vmem>>
        %dma_start3A_942 = arith.constant 0 : i32
        %dma_start3A_943 = arith.constant 0 : i32
        %dma_start3A_944 = tpu.memref_slice %arg28[%dma_start3A_942, %dma_start3A_943] : memref<64x128xf32, #tpu.memory_space<vmem_shared>> -> memref<64x128xf32, #tpu.memory_space<vmem_shared>>
        tpu.enqueue_indirect_dma source(%dma_start3A_941 : memref<128x128xf32, #tpu.memory_space<vmem>>) target(%dma_start3A_944 : memref<64x128xf32, #tpu.memory_space<vmem_shared>>) offsets(%arg18 : memref<128xi32, #tpu.memory_space<vmem>>) semaphore(%run_scoped3A : memref<!tpu.dma_semaphore, #tpu.memory_space<semaphore_mem>>) {add = true}
        %dma_wait3A_945 = arith.constant 0 : i32
        %dma_wait3A_946 = arith.constant 0 : i32
        %dma_wait3A_947 = tpu.memref_slice %arg14[%dma_wait3A_945, %dma_wait3A_946] : memref<256x128xf32, #tpu.memory_space<vmem>> -> memref<128x128xf32, #tpu.memory_space<vmem>>
        %dma_wait3A_948 = arith.constant 0 : i32
        %dma_wait3A_949 = arith.constant 0 : i32
        %dma_wait3A_950 = tpu.memref_slice %arg28[%dma_wait3A_948, %dma_wait3A_949] : memref<64x128xf32, #tpu.memory_space<vmem_shared>> -> memref<64x128xf32, #tpu.memory_space<vmem_shared>>
        tpu.wait_indirect_dma semaphore(%run_scoped3A : memref<!tpu.dma_semaphore, #tpu.memory_space<semaphore_mem>>) src(%dma_wait3A_947 : memref<128x128xf32, #tpu.memory_space<vmem>>) dst(%dma_wait3A_950 : memref<64x128xf32, #tpu.memory_space<vmem_shared>>)
        tpu.yield
      }) : () -> ()
    } else {
    }
    "tpu.region"() ({
      %run_scoped3A = tpu.sem_alloc : memref<!tpu.dma_semaphore, #tpu.memory_space<semaphore_mem>>
      %dma_start3A_853 = arith.constant 0 : i32
      %dma_start3A_854 = tpu.memref_slice %arg7[%arg0, %arg1, %dma_start3A_853] : memref<2x16x64xf32, #tpu.memory_space<hbm>> -> memref<1x1x64xf32, #tpu.memory_space<hbm>>
      %dma_start3A_855 = tpu.memref_squeeze %dma_start3A_854 : memref<1x1x64xf32, #tpu.memory_space<hbm>> -> memref<64xf32, #tpu.memory_space<hbm>>
      %dma_start3A_856 = arith.constant 0 : i32
      %dma_start3A_857 = tpu.memref_slice %arg7[%arg0, %arg1, %dma_start3A_856] : memref<2x16x64xf32, #tpu.memory_space<hbm>> -> memref<1x1x64xf32, #tpu.memory_space<hbm>>
      %dma_start3A_858 = tpu.memref_squeeze %dma_start3A_857 : memref<1x1x64xf32, #tpu.memory_space<hbm>> -> memref<64xf32, #tpu.memory_space<hbm>>
      tpu.enqueue_dma source(%arg25 : memref<64xf32, #tpu.memory_space<vmem>>) target(%dma_start3A_858 : memref<64xf32, #tpu.memory_space<hbm>>) target_semaphore(%run_scoped3A : memref<!tpu.dma_semaphore, #tpu.memory_space<semaphore_mem>>)
      %dma_wait3A_859 = arith.constant 0 : i32
      %dma_wait3A_860 = tpu.memref_slice %arg7[%arg0, %arg1, %dma_wait3A_859] : memref<2x16x64xf32, #tpu.memory_space<hbm>> -> memref<1x1x64xf32, #tpu.memory_space<hbm>>
      %dma_wait3A_861 = tpu.memref_squeeze %dma_wait3A_860 : memref<1x1x64xf32, #tpu.memory_space<hbm>> -> memref<64xf32, #tpu.memory_space<hbm>>
      %dma_wait3A_862 = arith.constant 0 : i32
      %dma_wait3A_863 = tpu.memref_slice %arg7[%arg0, %arg1, %dma_wait3A_862] : memref<2x16x64xf32, #tpu.memory_space<hbm>> -> memref<1x1x64xf32, #tpu.memory_space<hbm>>
      %dma_wait3A_864 = tpu.memref_squeeze %dma_wait3A_863 : memref<1x1x64xf32, #tpu.memory_space<hbm>> -> memref<64xf32, #tpu.memory_space<hbm>>
      tpu.wait_dma2 semaphore(%run_scoped3A : memref<!tpu.dma_semaphore, #tpu.memory_space<semaphore_mem>>) src(%arg25 : memref<64xf32, #tpu.memory_space<vmem>>) dst(%dma_wait3A_864 : memref<64xf32, #tpu.memory_space<hbm>>)
      tpu.yield
    }) : () -> ()
    "tpu.region"() ({
      %run_scoped3A = tpu.sem_alloc : memref<!tpu.dma_semaphore, #tpu.memory_space<semaphore_mem>>
      %dma_start3A_853 = arith.constant 0 : i32
      %dma_start3A_854 = tpu.memref_slice %arg9[%arg0, %arg1, %dma_start3A_853] : memref<2x16x64xf32, #tpu.memory_space<hbm>> -> memref<1x1x64xf32, #tpu.memory_space<hbm>>
      %dma_start3A_855 = tpu.memref_squeeze %dma_start3A_854 : memref<1x1x64xf32, #tpu.memory_space<hbm>> -> memref<64xf32, #tpu.memory_space<hbm>>
      %dma_start3A_856 = arith.constant 0 : i32
      %dma_start3A_857 = tpu.memref_slice %arg9[%arg0, %arg1, %dma_start3A_856] : memref<2x16x64xf32, #tpu.memory_space<hbm>> -> memref<1x1x64xf32, #tpu.memory_space<hbm>>
      %dma_start3A_858 = tpu.memref_squeeze %dma_start3A_857 : memref<1x1x64xf32, #tpu.memory_space<hbm>> -> memref<64xf32, #tpu.memory_space<hbm>>
      tpu.enqueue_dma source(%arg26 : memref<64xf32, #tpu.memory_space<vmem>>) target(%dma_start3A_858 : memref<64xf32, #tpu.memory_space<hbm>>) target_semaphore(%run_scoped3A : memref<!tpu.dma_semaphore, #tpu.memory_space<semaphore_mem>>)
      %dma_wait3A_859 = arith.constant 0 : i32
      %dma_wait3A_860 = tpu.memref_slice %arg9[%arg0, %arg1, %dma_wait3A_859] : memref<2x16x64xf32, #tpu.memory_space<hbm>> -> memref<1x1x64xf32, #tpu.memory_space<hbm>>
      %dma_wait3A_861 = tpu.memref_squeeze %dma_wait3A_860 : memref<1x1x64xf32, #tpu.memory_space<hbm>> -> memref<64xf32, #tpu.memory_space<hbm>>
      %dma_wait3A_862 = arith.constant 0 : i32
      %dma_wait3A_863 = tpu.memref_slice %arg9[%arg0, %arg1, %dma_wait3A_862] : memref<2x16x64xf32, #tpu.memory_space<hbm>> -> memref<1x1x64xf32, #tpu.memory_space<hbm>>
      %dma_wait3A_864 = tpu.memref_squeeze %dma_wait3A_863 : memref<1x1x64xf32, #tpu.memory_space<hbm>> -> memref<64xf32, #tpu.memory_space<hbm>>
      tpu.wait_dma2 semaphore(%run_scoped3A : memref<!tpu.dma_semaphore, #tpu.memory_space<semaphore_mem>>) src(%arg26 : memref<64xf32, #tpu.memory_space<vmem>>) dst(%dma_wait3A_864 : memref<64xf32, #tpu.memory_space<hbm>>)
      tpu.yield
    }) : () -> ()
    %barrier3A_844 = arith.constant 0 : index
    tpu.barrier barrier_id(%barrier3A_844)
    %mul3A_845 = arith.constant 4 : i32
    %mul3A_846 = arith.muli %arg1, %mul3A_845 : i32
    %mul3A_847 = arith.constant 4 : i32
    %mul3A_848 = arith.muli %arg1, %mul3A_847 : i32
    "tpu.region"() ({
      %run_scoped3A = tpu.sem_alloc : memref<!tpu.dma_semaphore, #tpu.memory_space<semaphore_mem>>
      %dma_start3A_853 = arith.constant 0 : i32
      %dma_start3A_854 = tpu.memref_slice %arg6[%arg0, %mul3A_848, %dma_start3A_853] : memref<2x64x128xf32, #tpu.memory_space<hbm>> -> memref<1x4x128xf32, #tpu.memory_space<hbm>>
      %dma_start3A_855 = tpu.memref_squeeze %dma_start3A_854 : memref<1x4x128xf32, #tpu.memory_space<hbm>> -> memref<4x128xf32, #tpu.memory_space<hbm>>
      %dma_start3A_856 = arith.constant 0 : i32
      %dma_start3A_857 = tpu.memref_slice %arg27[%mul3A_846, %dma_start3A_856] : memref<64x128xf32, #tpu.memory_space<vmem_shared>> -> memref<4x128xf32, #tpu.memory_space<vmem_shared>>
      tpu.enqueue_dma source(%dma_start3A_857 : memref<4x128xf32, #tpu.memory_space<vmem_shared>>) target(%dma_start3A_855 : memref<4x128xf32, #tpu.memory_space<hbm>>) target_semaphore(%run_scoped3A : memref<!tpu.dma_semaphore, #tpu.memory_space<semaphore_mem>>)
      %dma_wait3A_858 = arith.constant 0 : i32
      %dma_wait3A_859 = tpu.memref_slice %arg6[%arg0, %mul3A_848, %dma_wait3A_858] : memref<2x64x128xf32, #tpu.memory_space<hbm>> -> memref<1x4x128xf32, #tpu.memory_space<hbm>>
      %dma_wait3A_860 = tpu.memref_squeeze %dma_wait3A_859 : memref<1x4x128xf32, #tpu.memory_space<hbm>> -> memref<4x128xf32, #tpu.memory_space<hbm>>
      %dma_wait3A_861 = arith.constant 0 : i32
      %dma_wait3A_862 = tpu.memref_slice %arg27[%mul3A_846, %dma_wait3A_861] : memref<64x128xf32, #tpu.memory_space<vmem_shared>> -> memref<4x128xf32, #tpu.memory_space<vmem_shared>>
      tpu.wait_dma2 semaphore(%run_scoped3A : memref<!tpu.dma_semaphore, #tpu.memory_space<semaphore_mem>>) src(%dma_wait3A_862 : memref<4x128xf32, #tpu.memory_space<vmem_shared>>) dst(%dma_wait3A_860 : memref<4x128xf32, #tpu.memory_space<hbm>>)
      tpu.yield
    }) : () -> ()
    %mul3A_849 = arith.constant 4 : i32
    %mul3A_850 = arith.muli %arg1, %mul3A_849 : i32
    %mul3A_851 = arith.constant 4 : i32
    %mul3A_852 = arith.muli %arg1, %mul3A_851 : i32
    "tpu.region"() ({
      %run_scoped3A = tpu.sem_alloc : memref<!tpu.dma_semaphore, #tpu.memory_space<semaphore_mem>>
      %dma_start3A_853 = arith.constant 0 : i32
      %dma_start3A_854 = tpu.memref_slice %arg8[%arg0, %mul3A_852, %dma_start3A_853] : memref<2x64x128xf32, #tpu.memory_space<hbm>> -> memref<1x4x128xf32, #tpu.memory_space<hbm>>
      %dma_start3A_855 = tpu.memref_squeeze %dma_start3A_854 : memref<1x4x128xf32, #tpu.memory_space<hbm>> -> memref<4x128xf32, #tpu.memory_space<hbm>>
      %dma_start3A_856 = arith.constant 0 : i32
      %dma_start3A_857 = tpu.memref_slice %arg28[%mul3A_850, %dma_start3A_856] : memref<64x128xf32, #tpu.memory_space<vmem_shared>> -> memref<4x128xf32, #tpu.memory_space<vmem_shared>>
      tpu.enqueue_dma source(%dma_start3A_857 : memref<4x128xf32, #tpu.memory_space<vmem_shared>>) target(%dma_start3A_855 : memref<4x128xf32, #tpu.memory_space<hbm>>) target_semaphore(%run_scoped3A : memref<!tpu.dma_semaphore, #tpu.memory_space<semaphore_mem>>)
      %dma_wait3A_858 = arith.constant 0 : i32
      %dma_wait3A_859 = tpu.memref_slice %arg8[%arg0, %mul3A_852, %dma_wait3A_858] : memref<2x64x128xf32, #tpu.memory_space<hbm>> -> memref<1x4x128xf32, #tpu.memory_space<hbm>>
      %dma_wait3A_860 = tpu.memref_squeeze %dma_wait3A_859 : memref<1x4x128xf32, #tpu.memory_space<hbm>> -> memref<4x128xf32, #tpu.memory_space<hbm>>
      %dma_wait3A_861 = arith.constant 0 : i32
      %dma_wait3A_862 = tpu.memref_slice %arg28[%mul3A_850, %dma_wait3A_861] : memref<64x128xf32, #tpu.memory_space<vmem_shared>> -> memref<4x128xf32, #tpu.memory_space<vmem_shared>>
      tpu.wait_dma2 semaphore(%run_scoped3A : memref<!tpu.dma_semaphore, #tpu.memory_space<semaphore_mem>>) src(%dma_wait3A_862 : memref<4x128xf32, #tpu.memory_space<vmem_shared>>) dst(%dma_wait3A_860 : memref<4x128xf32, #tpu.memory_space<hbm>>)
      tpu.yield
    }) : () -> ()
    return
  }
}

module attributes {stable_mosaic.version = 14 : i64} {
  func.func @_mlp_body(%arg0: memref<2x64x128xf32, #tpu.memory_space<vmem>>, %arg1: memref<2x16x64xf32, #tpu.memory_space<vmem>>, %arg2: memref<2x64x128xf32, #tpu.memory_space<vmem>>, %arg3: memref<2x16x64xf32, #tpu.memory_space<vmem>>, %arg4: memref<64x16xf32, #tpu.memory_space<vmem>>, %arg5: memref<272x128xf32, #tpu.memory_space<vmem>>, %arg6: memref<1x128xf32, #tpu.memory_space<vmem>>, %arg7: memref<128x128xf32, #tpu.memory_space<vmem>>, %arg8: memref<1x128xf32, #tpu.memory_space<vmem>>, %arg9: memref<64x128xf32, #tpu.memory_space<vmem>>) attributes {dimension_semantics = [], scalar_prefetch = 0 : i64, scratch_operands = 0 : i64, tpu.core_type = #tpu.core_type<tc>} {
    %get3A = arith.constant 0 : index
    %get3A_0 = arith.constant 0 : index
    %get3A_1 = arith.constant 0 : index
    %get3A_2 = vector.load %arg0[%get3A, %get3A_0, %get3A_1] : memref<2x64x128xf32, #tpu.memory_space<vmem>>, vector<1x64x128xf32>
    %get3A_3 = vector.shape_cast %get3A_2 : vector<1x64x128xf32> to vector<64x128xf32>
    %get3A_4 = arith.constant 1 : index
    %get3A_5 = arith.constant 0 : index
    %get3A_6 = arith.constant 0 : index
    %get3A_7 = vector.load %arg0[%get3A_4, %get3A_5, %get3A_6] : memref<2x64x128xf32, #tpu.memory_space<vmem>>, vector<1x64x128xf32>
    %get3A_8 = vector.shape_cast %get3A_7 : vector<1x64x128xf32> to vector<64x128xf32>
    %add3A = arith.addf %get3A_3, %get3A_8 : vector<64x128xf32>
    %get3A_9 = arith.constant 0 : index
    %get3A_10 = arith.constant 0 : index
    %get3A_11 = arith.constant 0 : index
    %get3A_12 = vector.load %arg2[%get3A_9, %get3A_10, %get3A_11] : memref<2x64x128xf32, #tpu.memory_space<vmem>>, vector<1x64x128xf32>
    %get3A_13 = vector.shape_cast %get3A_12 : vector<1x64x128xf32> to vector<64x128xf32>
    %get3A_14 = arith.constant 1 : index
    %get3A_15 = arith.constant 0 : index
    %get3A_16 = arith.constant 0 : index
    %get3A_17 = vector.load %arg2[%get3A_14, %get3A_15, %get3A_16] : memref<2x64x128xf32, #tpu.memory_space<vmem>>, vector<1x64x128xf32>
    %get3A_18 = vector.shape_cast %get3A_17 : vector<1x64x128xf32> to vector<64x128xf32>
    %add3A_19 = arith.addf %get3A_13, %get3A_18 : vector<64x128xf32>
    %get3A_20 = arith.constant 0 : index
    %get3A_21 = arith.constant 0 : index
    %get3A_22 = arith.constant 0 : index
    %get3A_23 = vector.load %arg1[%get3A_20, %get3A_21, %get3A_22] : memref<2x16x64xf32, #tpu.memory_space<vmem>>, vector<2x16x64xf32>
    %reduce_sum3A = arith.constant dense<0.000000e+00> : vector<64xf32>
    %reduce_sum3A_24 = vector.multi_reduction <add>, %get3A_23, %reduce_sum3A [0, 1] : vector<2x16x64xf32> to vector<64xf32>
    %reshape3A = vector.shape_cast %reduce_sum3A_24 : vector<64xf32> to vector<64x1xf32>
    %get3A_25 = arith.constant 0 : index
    %get3A_26 = arith.constant 0 : index
    %get3A_27 = arith.constant 0 : index
    %get3A_28 = vector.load %arg3[%get3A_25, %get3A_26, %get3A_27] : memref<2x16x64xf32, #tpu.memory_space<vmem>>, vector<2x16x64xf32>
    %reduce_sum3A_29 = arith.constant dense<0.000000e+00> : vector<64xf32>
    %reduce_sum3A_30 = vector.multi_reduction <add>, %get3A_28, %reduce_sum3A_29 [0, 1] : vector<2x16x64xf32> to vector<64xf32>
    %reshape3A_31 = vector.shape_cast %reduce_sum3A_30 : vector<64xf32> to vector<64x1xf32>
    %max3A = arith.constant 1.000000e+00 : f32
    %max3A_32 = vector.broadcast %max3A : f32 to vector<64x1xf32>
    %max3A_33 = arith.maximumf %reshape3A, %max3A_32 : vector<64x1xf32>
    %div3A = vector.broadcast %max3A_33 : vector<64x1xf32> to vector<64x128xf32>
    %div3A_34 = arith.divf %add3A, %div3A : vector<64x128xf32>
    %max3A_35 = arith.constant 1.000000e+00 : f32
    %max3A_36 = vector.broadcast %max3A_35 : f32 to vector<64x1xf32>
    %max3A_37 = arith.maximumf %reshape3A_31, %max3A_36 : vector<64x1xf32>
    %div3A_38 = vector.broadcast %max3A_37 : vector<64x1xf32> to vector<64x128xf32>
    %div3A_39 = arith.divf %add3A_19, %div3A_38 : vector<64x128xf32>
    %get3A_40 = arith.constant 0 : index
    %get3A_41 = arith.constant 0 : index
    %get3A_42 = vector.load %arg4[%get3A_40, %get3A_41] : memref<64x16xf32, #tpu.memory_space<vmem>>, vector<64x16xf32>
    %get3A_43 = arith.constant 0 : index
    %get3A_44 = arith.constant 0 : index
    %get3A_45 = vector.load %arg5[%get3A_43, %get3A_44] : memref<272x128xf32, #tpu.memory_space<vmem>>, vector<16x128xf32>
    %dot_general3A = arith.constant dense<0.000000e+00> : vector<64x128xf32>
    %dot_general3A_46 = tpu.matmul %get3A_42, %get3A_45, %dot_general3A {dimension_numbers = #tpu.dot_dimension_numbers<[1], [0], [0], [1], [0, 0, 1, 1], [], []>, transpose_lhs_hint = false} : vector<64x16xf32>, vector<16x128xf32>, vector<64x128xf32> -> vector<64x128xf32>
    %get3A_47 = arith.constant 16 : index
    %get3A_48 = arith.constant 0 : index
    %get3A_49 = vector.load %arg5[%get3A_47, %get3A_48] : memref<272x128xf32, #tpu.memory_space<vmem>>, vector<128x128xf32>
    %dot_general3A_50 = arith.constant dense<0.000000e+00> : vector<64x128xf32>
    %dot_general3A_51 = tpu.matmul %div3A_34, %get3A_49, %dot_general3A_50 {dimension_numbers = #tpu.dot_dimension_numbers<[1], [0], [0], [1], [0, 0, 1, 1], [], []>, transpose_lhs_hint = false} : vector<64x128xf32>, vector<128x128xf32>, vector<64x128xf32> -> vector<64x128xf32>
    %add3A_52 = arith.addf %dot_general3A_46, %dot_general3A_51 : vector<64x128xf32>
    %get3A_53 = arith.constant 144 : index
    %get3A_54 = arith.constant 0 : index
    %get3A_55 = vector.load %arg5[%get3A_53, %get3A_54] : memref<272x128xf32, #tpu.memory_space<vmem>>, vector<128x128xf32>
    %dot_general3A_56 = arith.constant dense<0.000000e+00> : vector<64x128xf32>
    %dot_general3A_57 = tpu.matmul %div3A_39, %get3A_55, %dot_general3A_56 {dimension_numbers = #tpu.dot_dimension_numbers<[1], [0], [0], [1], [0, 0, 1, 1], [], []>, transpose_lhs_hint = false} : vector<64x128xf32>, vector<128x128xf32>, vector<64x128xf32> -> vector<64x128xf32>
    %add3A_58 = arith.addf %add3A_52, %dot_general3A_57 : vector<64x128xf32>
    %get3A_59 = arith.constant 0 : index
    %get3A_60 = arith.constant 0 : index
    %get3A_61 = vector.load %arg6[%get3A_59, %get3A_60] : memref<1x128xf32, #tpu.memory_space<vmem>>, vector<1x128xf32>
    %add3A_62 = vector.broadcast %get3A_61 : vector<1x128xf32> to vector<64x128xf32>
    %add3A_63 = arith.addf %add3A_58, %add3A_62 : vector<64x128xf32>
    %max3A_64 = arith.constant 0.000000e+00 : f32
    %max3A_65 = vector.broadcast %max3A_64 : f32 to vector<64x128xf32>
    %max3A_66 = arith.maximumf %add3A_63, %max3A_65 : vector<64x128xf32>
    %get3A_67 = arith.constant 0 : index
    %get3A_68 = arith.constant 0 : index
    %get3A_69 = vector.load %arg7[%get3A_67, %get3A_68] : memref<128x128xf32, #tpu.memory_space<vmem>>, vector<128x128xf32>
    %dot_general3A_70 = arith.constant dense<0.000000e+00> : vector<64x128xf32>
    %dot_general3A_71 = tpu.matmul %max3A_66, %get3A_69, %dot_general3A_70 {dimension_numbers = #tpu.dot_dimension_numbers<[1], [0], [0], [1], [0, 0, 1, 1], [], []>, transpose_lhs_hint = false} : vector<64x128xf32>, vector<128x128xf32>, vector<64x128xf32> -> vector<64x128xf32>
    %get3A_72 = arith.constant 0 : index
    %get3A_73 = arith.constant 0 : index
    %get3A_74 = vector.load %arg8[%get3A_72, %get3A_73] : memref<1x128xf32, #tpu.memory_space<vmem>>, vector<1x128xf32>
    %add3A_75 = vector.broadcast %get3A_74 : vector<1x128xf32> to vector<64x128xf32>
    %add3A_76 = arith.addf %dot_general3A_71, %add3A_75 : vector<64x128xf32>
    %swap3A = arith.constant 0 : index
    %swap3A_77 = arith.constant 0 : index
    %swap3A_78 = vector.load %arg9[%swap3A, %swap3A_77] : memref<64x128xf32, #tpu.memory_space<vmem>>, vector<64x128xf32>
    tpu.vector_store %arg9[%swap3A, %swap3A_77], %add3A_76 {strides = array<i32>} : memref<64x128xf32, #tpu.memory_space<vmem>>, vector<64x128xf32>,
    return
  }
}

</mosaic_0001>

<sc_bundles>
// kernel: kernel.4.cloned.1.call-start
scs
__scs_entry_jumppad:
0x0: {  	(pc) =	sbr.rel $0x88, $3  }
0x1: {  	(tag) =	ssettag $0x0;
	lr =	simm.s32 $0x1  }
0x2: {  	[smem:$0x3F98] =	sst lr;
	_ =	strace $0xD0000000  }
0x3: {  	_ = 	snop  }
0x4: {  	_ = 	snop  }
0x5: {  	_ = 	snop  }
0x6: {  	_ = 	snop  }
0x7: {  	_ = 	snop  }
__scs_overlays_trampoline_lowered:
0x8: {  	[smem:$0x3FA7] =	sst s0  }
0x9: {  	[smem:$0x3FA8] =	sst s1  }
0xa: {  	[smem:$0x3FA9] =	sst s2  }
0xb: {  	[smem:$0x3FAA] =	sst s3  }
0xc: {  	[smem:$0x3FAB] =	sst s4  }
0xd: {  	[smem:$0x3FAC] =	sst s5  }
0xe: {  	[smem:$0x3FAD] =	sst s6  }
0xf: {  	[smem:$0x3FAE] =	sst s7  }
0x10: {  	[smem:$0x3FAF] =	sst s8  }
0x11: {  	[smem:$0x3FB0] =	sst s9;
	s0 =	simm.s32 @!p0 $0x0  }
0x12: {  	s1 =	sld [smem:$0x3F96];
	s0 =	simm.s32 @p0 $0x1  }
0x13: {  	[smem:$0x3FB1] =	sst s0;
	s0 =	simm.s32 @!p1 $0x0  }
0x14: {  	s2 =	sld [smem:$0x3F95];
	s0 =	simm.s32 @p1 $0x1  }
0x15: {  	[smem:$0x3FB2] =	sst s0;
	s0 =	simm.s32 @!p2 $0x0  }
0x16: {  	s3 =	sld [smem:$0x3FDB];
	s0 =	simm.s32 @p2 $0x1  }
0x17: {  	s4 =	simm.s32 $0x1BF5;
	[smem:$0x3FB4] =	sst s0  }
0x18: {  	s0 =	sld [smem:$0x3F97];
	_ =	swait.ge [sflag:s4], $0x0  }
0x19: {  	s7 =	sld [smem:$0x3F98]  }
0x1a: {  	s8 =	sadd.s32 $0xFFFFE003, lr  }
0x1b: {  	s9 =	sadd.s32 $0xFFFFFEF7, lr;
	s5 =	simm.s32 $0xFFFFFFFF;
	p2 =	slt.u32 s8, $0xFFFFF086  }
0x1c: {  	p1 =	slt.u32 s9, $0xF7A;
	s5 =	simm.s32 @!p2 $0x0  }
0x1d: {  	s5 =	simm.s32 @p1 $0x1;
	p0 =	seq.s32 s7, s2  }
0x1e: {  	s7 =	smul.u32 @!p0 $0xF7A, s2;
	p2 =	seq.s32 @!p0 s5, $0x0  }
0x1f: {  	s9 =	smul.u32 $0xF7A, s1;
	s8 =	simm.s32 @!p0 $0x1BF5;
	p2 =	por !p2, p0  }
0x20: {  	[sflag:s8] =	ssyncset.s32 @!p0 $0xFFFFF086;
	s6 =	sadd.s32 @!p0 s3, s7;
	s7 =	simm.s32 @!p0 $0x108  }
0x21: {  	s3 =	sadd.s32 s3, s9;
	s6 =	sadd.s32 @!p0 $0x88, s6;
	s7 =	simm.s32 @p2 $0x1082  }
0x22: {  	[simem:s7], [sflag:s8] =	dma.local @!p0 [hbm:s6], $0xF7A  }
0x23: {  	s9 =	sor.u32 $0xD0000000, s2;
	s6 =	simm.s32 $0x108;
	_ =	swait.ge @!p0 [sflag:s8], $0x0  }
0x24: {  	s3 =	sadd.s32 $0x88, s3;
	s6 =	simm.s32 @!p1 $0x1082;
	[sflag:s4] =	ssyncset.s32 $0xFFFFF086  }
0x25: {  	[simem:s6], [sflag:s4] =	dma.local [hbm:s3], $0xF7A  }
0x26: {  	[smem:$0x3F98] =	sst s1;
	(tag) =	ssettag s2;
	_ =	strace s9  }
0x27: {  	s1 =	sld [smem:$0x3FA8]  }
0x28: {  	s2 =	sld [smem:$0x3FA9]  }
0x29: {  	s4 =	sld [smem:$0x3FAB]  }
0x2a: {  	p0 =	seq.s32 s5, $0x0;
	s5 =	sld [smem:$0x3FAC]  }
0x2b: {  	s6 =	sld [smem:$0x3FAD]  }
0x2c: {  	s7 =	sld [smem:$0x3FAE]  }
0x2d: {  	s3 =	simm.s32 $0x108;
	s8 =	sld [smem:$0x3FAF]  }
0x2e: {  	s3 =	simm.s32 @!p0 $0x1082;
	s9 =	sld [smem:$0x3FB0]  }
0x2f: {  	lr =	sadd.s32 s0, s3;
	s0 =	sld [smem:$0x3FA7]  }
0x30: {  	s3 =	sld [smem:$0x3FAA]  }
0x31: {  	[smem:$0x3FB3] =	sst s10  }
0x32: {  	s10 =	sld [smem:$0x3FB1];
	_ =	sdelay $0x3  }
0x33: {  	p0 =	seq.s32 s10, $0x1;
	s10 =	sld [smem:$0x3FB3];
	_ =	sdelay $0x3  }
0x34: {  	[smem:$0x3FB3] =	sst s10  }
0x35: {  	s10 =	sld [smem:$0x3FB2];
	_ =	sdelay $0x3  }
0x36: {  	p1 =	seq.s32 s10, $0x1;
	s10 =	sld [smem:$0x3FB3];
	_ =	sdelay $0x3  }
0x37: {  	[smem:$0x3FB3] =	sst s10  }
0x38: {  	s10 =	sld [smem:$0x3FB4]  }
0x39: {  	_ = 	snop;
	(pc) =	sbr.ind lr, $3  }
0x3a: {  	_ = 	snop  }
0x3b: {  	_ = 	snop  }
0x3c: {  	p2 =	seq.s32 s10, $0x1;
	s10 =	sld [smem:$0x3FB3]  }
0x3d: {  	_ =	shalt  }
0x3e: {  	_ =	shalt  }
0x3f: {  	_ =	shalt  }
0x40: {  	_ =	shalt  }
0x41: {  	_ =	shalt  }
0x42: {  	_ =	shalt  }
0x43: {  	_ =	shalt  }
0x44: {  	_ =	shalt  }
0x45: {  	_ =	shalt  }
0x46: {  	_ =	shalt  }
0x47: {  	_ =	shalt  }
0x48: {  	_ =	shalt  }
0x49: {  	_ =	shalt  }
0x4a: {  	_ =	shalt  }
0x4b: {  	_ =	shalt  }
0x4c: {  	_ =	shalt  }
0x4d: {  	_ =	shalt  }
0x4e: {  	_ =	shalt  }
0x4f: {  	_ =	shalt  }
0x50: {  	_ =	shalt  }
0x51: {  	_ =	shalt  }
0x52: {  	_ =	shalt  }
0x53: {  	_ =	shalt  }
0x54: {  	_ =	shalt  }
0x55: {  	_ =	shalt  }
0x56: {  	_ =	shalt  }
0x57: {  	_ =	shalt  }
0x58: {  	_ =	shalt  }
0x59: {  	_ =	shalt  }
0x5a: {  	_ =	shalt  }
0x5b: {  	_ =	shalt  }
0x5c: {  	_ =	shalt  }
0x5d: {  	_ =	shalt  }
0x5e: {  	_ =	shalt  }
0x5f: {  	_ =	shalt  }
0x60: {  	_ =	shalt  }
0x61: {  	_ =	shalt  }
0x62: {  	_ =	shalt  }
0x63: {  	_ =	shalt  }
0x64: {  	_ =	shalt  }
0x65: {  	_ =	shalt  }
0x66: {  	_ =	shalt  }
0x67: {  	_ =	shalt  }
0x68: {  	_ =	shalt  }
0x69: {  	_ =	shalt  }
0x6a: {  	_ =	shalt  }
0x6b: {  	_ =	shalt  }
0x6c: {  	_ =	shalt  }
0x6d: {  	_ =	shalt  }
0x6e: {  	_ =	shalt  }
0x6f: {  	_ =	shalt  }
0x70: {  	_ =	shalt  }
0x71: {  	_ =	shalt  }
0x72: {  	_ =	shalt  }
0x73: {  	_ =	shalt  }
0x74: {  	_ =	shalt  }
0x75: {  	_ =	shalt  }
0x76: {  	_ =	shalt  }
0x77: {  	_ =	shalt  }
0x78: {  	_ =	shalt  }
0x79: {  	_ =	shalt  }
0x7a: {  	_ =	shalt  }
0x7b: {  	_ =	shalt  }
0x7c: {  	_ =	shalt  }
0x7d: {  	_ =	shalt  }
0x7e: {  	_ =	shalt  }
0x7f: {  	_ =	shalt  }
0x80: {  	_ =	shalt  }
0x81: {  	_ =	shalt  }
0x82: {  	_ =	shalt  }
0x83: {  	_ =	shalt  }
0x84: {  	_ =	shalt  }
0x85: {  	_ =	shalt  }
0x86: {  	_ =	shalt  }
0x87: {  	_ =	shalt  }
.Lfunc_end0:
.L_simem_size_0:
called_computation_lowered:
.L_overlay_start_0:
0x88: {  	s2 =	sld [smem:$0x3FD9]  }
0x89: {  	s3 =	sld [smem:$0x3FFE];
	_ =	sdelay $0x1  }
0x8a: {  	s1 =	srdreg.scid  }
0x8b: {  	s0 =	sand.u32 $0x1, s1  }
0x8c: {  	s17 =	sshll.u32 s0, $0xA;
	s2 =	sadd.s32 s3, s2  }
0x8d: {  	s2 =	sadd.s32 s2, s17  }
0x8e: {  	[smem:$0x3FBF] =	sst s2  }
0x8f: {  	_ = 	snop  }
0x90: {  	s2 =	sld [smem:$0x3FC9]  }
0x91: {  	s18 =	sld [smem:$0x3FC7]  }
0x92: {  	s4 =	sld [smem:$0x3FC5]  }
0x93: {  	s5 =	sld [smem:$0x3FD0];
	(tm) =	ssettm $0x1  }
0x94: {  	s6 =	sld [smem:$0x3FFB];
	_ =	sdelay $0x3  }
0x95: {  	_ =	strace s6  }
0x96: {  	s6 =	sld [smem:$0x3FFC];
	_ =	sdelay $0x3  }
0x97: {  	_ =	strace s6  }
0x98: {  	s6 =	sld [smem:$0x3FFD];
	_ =	sdelay $0x3  }
0x99: {  	_ =	strace s6  }
0x9a: {  	_ =	strace $0x8FFFFFFF  }
0x9b: {  	s19 =	sld [smem:$0x3FDB];
	_ =	sdelay $0x1  }
0x9c: {  	s7 =	simm.s32 $_scs_section_size  }
0x9d: {  	s8 =	simm.s32 $_size__tile_overlayer_lowered;
	s9 =	simm.s32 $_tile_overlayer_lowered  }
0x9e: {  	s22 =	simm.s32 $0x1BFF;
	s21 =	sshll.u32 s9, $0x1;
	s6 =	sadd.s32 s7, s19  }
0x9f: {  	s10 =	simm.s32 $0x0;
	s20 =	sshll.u32 s8, $0x1;
	s8 =	sadd.s32 s21, s6  }
0xa0: {  	[timem:s10], [sflag:s22] =	dma.local [hbm:s8], s20  }
0xa1: {  	_ =	swait.ge [sflag:s22], s20  }
0xa2: {  	s7 =	ssub.s32 $0x0, s20;
	[sflag:s22] =	ssyncset.done $0x0  }
0xa3: {  	[sflag:s22] =	ssyncadd.s32 s7;
	_ =	sdelay $0x1  }
0xa4: {  	s23 =	simm.s32 $0x1B8B  }
0xa5: {  	_ =	swait.ge [sflag:s23], $0x1  }
0xa6: {  	[sflag:s23] =	ssyncset.done $0x0  }
0xa7: {  	s25 =	simm.s32 $0x1B8E;
	s24 =	sld [smem:$0x3FFE];
	[sflag:s23] =	ssyncadd.s32 $0xFFFFFFFF  }
0xa8: {  	s26 =	simm.s32 $execute0_lowered;
	[smem:$0x3FD2] =	sst s25  }
0xa9: {  	s8 =	sshll.u32 s26, $0x1;
	_ =	strace $0x80000046;
	[dreg:$0x1] =	wrdreg $0xFFFFFFFF  }
0xaa: {  	s28 =	simm.s32 $_size_execute0_lowered;
	s6 =	sadd.s32 s6, s8;
	[dreg:$0x0] =	wrdreg $0x0  }
0xab: {  	s8 =	sshll.u32 s28, $0x1;
	[dreg:$0x2] =	wrdreg s6  }
0xac: {  	[dreg:$0x3] =	wrdreg s8  }
0xad: {  	[dreg:$0x4] =	wrdreg $0xC0  }
0xae: {  	_ =	task [dreg:s10], $0x5FFFF  }
0xaf: {  	[dreg:$0x1] =	wrdreg $0xFFFFFFFF  }
0xb0: {  	[dreg:$0x0] =	wrdreg $0x60  }
0xb1: {  	[dreg:$0x2] =	wrdreg s24  }
0xb2: {  	[dreg:$0x3] =	wrdreg s2  }
0xb3: {  	[dreg:$0x4] =	wrdreg s4  }
0xb4: {  	[dreg:$0x5] =	wrdreg s18  }
0xb5: {  	[dreg:$0x6] =	wrdreg s5  }
0xb6: {  	[dreg:$0x7] =	wrdreg $0x1BB000  }
0xb7: {  	[dreg:$0x8] =	wrdreg $0x1BD000  }
0xb8: {  	[dreg:$0x9] =	wrdreg $0x9  }
0xb9: {  	_ =	task.clear_ibuf [dreg:s10], $0xAFFFF;
	_ =	strace $0x90000046  }
0xba: {  	s29 =	simm.s32 $0x9;
	_ =	strace $0x80000048  }
0xbb: {  	_ =	swait.ge [sflag:s29], $0x1  }
0xbc: {  	[sflag:s29] =	ssyncadd.s32 $0xFFFFFFFF  }
0xbd: {  	_ =	strace $0x90000048  }
0xbe: {  	_ =	sfence  }
0xbf: {  	s30 =	sld [smem:$0x0];
	_ =	sdelay $0x2  }
0xc0: {  	s31 =	sshll.u32 s1, $0xD;
	s1 =	sshrl.u32 s1, $0x2  }
0xc1: {  	s3 =	sand.u32 $0x4000, s31;
	s1 =	sadd.s32 s1, s30  }
0xc2: {  	s0 =	sor.u32 s3, s0;
	s1 =	sshll.u32 s1, $0x11  }
0xc3: {  	s0 =	sor.u32 s1, s0  }
0xc4: {  	s0 =	sadd.s32 $0x8F2B, s0  }
0xc5: {  	[sflag:s0] =	ssyncadd.remote.s32 $0x1  }
0xc6: {  	_ =	sfence.sel $0xFFFF  }
0xc7: {  	[dreg:$0x0] =	wrdreg $0xFFFFFFFF;
	(pc) =	sbr.abs _section_cstart, $3  }
0xc8: {  	[dreg:$0x1] =	wrdreg $0xFFFFFFFF  }
0xc9: {  	_ =	task.clear_ibuf [dreg:s10], $0x2FFFF;
	_ =	strace $0x9FFFFFFF  }
0xca: {  	(tm) =	ssettm $0x7FFFFFFF  }
0xcb: {  	_ =	shalt  }
tec
execute0_lowered:
.L_overlay_start_1:
0x0: {  	(tag) =	ssettag $0x1  }
0x1: {  	s2 =	rddreg [dreg:$0x0]  }
0x2: {  	s0 =	rddreg [dreg:$0x1]  }
0x3: {  	s20 =	rddreg [dreg:$0x2]  }
0x4: {  	s3 =	rddreg [dreg:$0x3]  }
0x5: {  	s6 =	rddreg [dreg:$0x4]  }
0x6: {  	s22 =	rddreg [dreg:$0x5]  }
0x7: {  	s4 =	rddreg [dreg:$0x6]  }
0x8: {  	s1 =	srdreg.scid;
	s21 =	stileid.u32;
	s5 =	simm.s32 $0x0  }
0x9: {  	s30 =	simm.s32 $0x1B680;
	s28 =	simm.s32 $0x9;
	s29 =	simm.s32 $0x3  }
0xa: {  	s31 =	simm.s32 $0x16A80;
	s7 =	sand.u32 $0x1, s1;
	s8 =	sshll.u32 s21, $0x9  }
0xb: {  	[smem:$0x7FF] =	sst s5;
	s9 =	sshll.u32 s21, $0x1;
	s17 =	smul.u32 $0x4E000, s21  }
0xc: {  	s10 =	sadd.s32 $0x1A00, s2;
	s13 =	sshll.u32 s21, $0x4;
	s23 =	smul.u32 $0x4E00, s21  }
0xd: {  	s1 =	sshll.u32 s7, $0xD;
	s9 =	sor.u32 s7, s9;
	s26 =	smul.u32 $0x27000, s7  }
0xe: {  	s12 =	sshll.u32 s7, $0x8;
	s25 =	ssub.s32 $0x2, s7;
	s7 =	smul.u32 $0x2700, s7  }
0xf: {  	p1 =	sgt.u32 s21, $0x6;
	p2 =	sgt.u32 s21, $0x1;
	s11 =	smul.u32 $0x2700, s9  }
0x10: {  	s21 =	simm.s32 $0x1;
	_ =	strace $0x80000047;
	s14 =	smul.u32 $0x27000, s9  }
0x11: {  	s1 =	sor.u32 s8, s1;
	s12 =	sor.u32 s13, s12;
	s15 =	smul.u32 $0x138000, s9  }
0x12: {  	s16 =	sshrl.u32 s25, $0x1;
	s18 =	sshll.u32 s9, $0x4;
	s17 =	sadd.s32 s17, s3  }
0x13: {  	s24 =	sshll.u32 s9, $0xB;
	s1 =	sshrl.u32 s1, $0x3;
	s13 =	ssub.s32 s25, s16  }
0x14: {  	s19 =	sadd.s32 s20, s18;
	s16 =	sadd.s32 s26, s17;
	s25 =	sor.u32 $0x20, s9  }
0x15: {  	s7 =	sadd.s32 s7, s23;
	s6 =	sadd.s32 s6, s12;
	s23 =	sor.u32 $0x40, s9  }
0x16: {  	s17 =	sadd.s32 s8, s4;
	s1 =	sadd.s32 s1, s2;
	s2 =	sadd.s32 s12, s2  }
0x17: {  	s11 =	sshrl.u32 s11, $0x3;
	s14 =	sadd.s32 s3, s14;
	[dreg:$0xa] =	wrdreg s19  }
0x18: {  	s15 =	sshrl.u32 s15, $0x3;
	s26 =	sshll.u32 s25, $0x4;
	[dreg:$0xd] =	wrdreg s6  }
0x19: {  	s19 =	sadd.s32 s0, s24;
	[dreg:$0x8] =	wrdreg s16;
	s12 =	sadd.s32 $0x4E700, s7  }
0x1a: {  	s16 =	sadd.s32 $0x4E600, s7;
	s7 =	sadd.s32 $0x4E500, s7;
	[dreg:$0x16] =	wrdreg s17  }
0x1b: {  	[dreg:$0x9] =	wrdreg s14;
	s15 =	sadd.s32 s3, s15;
	s3 =	sadd.s32 s24, s3  }
0x1c: {  	[dreg:$0xb] =	wrdreg s19;
	s14 =	sadd.s32 s20, s26;
	s6 =	sshrl.u32 s12, $0x3  }
0x1d: {  	s7 =	sshrl.u32 s7, $0x3;
	[dreg:$0xc] =	wrdreg s14;
	s6 =	sadd.s32 s6, s10  }
0x1e: {  	s24 =	sshll.u32 s25, $0xB;
	s19 =	sadd.s32 s7, s10;
	[dreg:$0xe] =	wrdreg s6  }
0x1f: {  	s25 =	sshll.u32 s23, $0x4;
	s7 =	sadd.s32 s0, s24;
	[dreg:$0x10] =	wrdreg s19  }
0x20: {  	s11 =	sadd.s32 s10, s11;
	s26 =	sadd.s32 s20, s25;
	[dreg:$0x11] =	wrdreg s7  }
0x21: {  	p0 =	sne.s32 s9, $0x1F;
	s9 =	sadd.s32 $0x9C40, s11;
	[dreg:$0x12] =	wrdreg s26  }
0x22: {  	s14 =	sadd.s32 s18, s10;
	s12 =	sadd.s32 $0x1000, s15;
	[dreg:$0x17] =	wrdreg s9  }
0x23: {  	s18 =	sshrl.u32 s16, $0x3;
	s15 =	sadd.s32 $0x2000, s15;
	[dreg:$0x1a] =	wrdreg s12  }
0x24: {  	s16 =	sadd.s32 s8, s22;
	s22 =	sadd.s32 $0x16400, s2;
	[dreg:$0x1b] =	wrdreg s15  }
0x25: {  	s24 =	sadd.s32 $0x15C00, s1;
	s25 =	smax.u32 s13, $0x1;
	[dreg:$0x1e] =	wrdreg s22  }
0x26: {  	s2 =	simm.s32 $0xAA80;
	s13 =	simm.s32 $0x7;
	[smem:$0x7FB] =	sst s24  }
0x27: {  	s6 =	sadd.s32 s18, s10;
	s10 =	sadd.s32 $0x9C60, s11;
	[smem:$0x7FC] =	sst s25  }
0x28: {  	s11 =	sadd.s32 $0x9C80, s11;
	s18 =	sadd.s32 $0x13840, s14;
	[dreg:$0x15] =	wrdreg s16  }
0x29: {  	s19 =	sadd.s32 $0x4E0000, s3;
	s26 =	sadd.s32 $0x4E0, s20;
	[dreg:$0xf] =	wrdreg s6  }
0x2a: {  	s22 =	simm.s32 $0x2780;
	s14 =	simm.s32 $0x80;
	[dreg:$0x18] =	wrdreg s10  }
0x2b: {  	s12 =	simm.s32 $0x12A80;
	s20 =	simm.s32 $0x1BA80;
	[dreg:$0x19] =	wrdreg s11  }
0x2c: {  	s9 =	simm.s32 $0x8;
	s3 =	simm.s32 $0x5;
	[dreg:$0x1c] =	wrdreg s18  }
0x2d: {  	s7 =	simm.s32 $0x1B700;
	s6 =	sshll.u32 s23, $0xB;
	[dreg:$0x1d] =	wrdreg s19  }
.Ltmp0:
0x2e: {  	s23 =	sadd.s32 $0x15400, s1;
	[smem:$0x7FD] =	sst s26;
	(pc) =	sbr.rel .LBB2_1-.Ltmp0, $4  }
0x2f: {  	s26 =	simm.s32 $0x2A80;
	s1 =	simm.s32 $0xEA80;
	s10 =	simm.s32 $0x2  }
0x30: {  	s11 =	simm.s32 $0x4;
	s6 =	sadd.s32 s0, s6;
	[dreg:$0x1f] =	wrdreg s23  }
0x31: {  	s18 =	simm.s32 $0x6;
	s0 =	sadd.s32 $0x27000, s0;
	[dreg:$0x13] =	wrdreg s6  }
0x32: {  	v0 =	vimm.f32 $0.0e+00;
	[dreg:$0x14] =	wrdreg s0;
	s0 =	simm.s32 $0x1B700;
	s6 =	simm.s32 $0x0  }
.LBB2_5:
0x33: {  	s8 =	rddreg [dreg:$0xd];
	s0 =	simm.s32 $0x1BA00  }
0x34: {  	[hbm4b:s8+s5] =	stream.linear.scatter [tilespmem:s0], [sflag:$0xA], $0x80, $0x38;
	[tilespmem:$0x1BF00] =	vst v63  }
0x35: {  	_ =	swait.ge [sflag:s25], $0x80  }
0x36: {  	[sflag:s25] =	ssyncset.done $0x0  }
0x37: {  	s17 =	rddreg [dreg:$0x1e];
	[sflag:s25] =	ssyncadd.s32 $0xFFFFFF80  }
0x38: {  	[hbm4b:s17+s5] =	stream.linear.scatter [tilespmem:s20], [sflag:$0xA], $0x80, $0x38;
	[tilespmem:$0x1BF00] =	vst v63  }
0x39: {  	_ =	swait.ge [sflag:s25], $0x80  }
0x3a: {  	[sflag:s25] =	ssyncset.done $0x0  }
0x3b: {  	[sflag:s25] =	ssyncadd.s32 $0xFFFFFF80  }
0x3c: {  	s19 =	stileid.u32;
	[bflag:$0x0] =	sbarrier.arrive $0xFFFF  }
0x3d: {  	s8 =	sshll.u32 s19, $0x6;
	s16 =	rddreg [dreg:$0x15]  }
0x3e: {  	s8 =	sor.u32 $0x1C0A, s8;
	s17 =	rddreg [dreg:$0x1f];
	s15 =	sshrl.u32 s16, $0x3  }
0x3f: {  	[hbm:s17], [sflag:s8] =	dma.local [spmem:s15], $0x40  }
0x40: {  	_ =	swait.ge [sflag:s25], $0x40  }
0x41: {  	s19 =	sld [smem:$0x7FB]  }
0x42: {  	[sflag:s25] =	ssyncset.done $0x0;
	s17 =	rddreg [dreg:$0x16]  }
0x43: {  	[sflag:s25] =	ssyncadd.s32 $0xFFFFFFC0;
	s23 =	sshrl.u32 s17, $0x3  }
0x44: {  	[hbm:s19], [sflag:s8] =	dma.local [spmem:s23], $0x40  }
0x45: {  	_ =	swait.ge [sflag:s25], $0x40  }
0x46: {  	s24 =	sld [smem:$0x7FC];
	_ =	sdelay $0x1  }
0x47: {  	s6 =	sadd.s32 $0x1, s6  }
0x48: {  	p3 =	sne.s32 s6, s24  }
.Ltmp1:
0x49: {  	_ = 	snop;
	(pc) =	sbr.rel @!p3 .LBB2_6-.Ltmp1, $3  }
0x4a: {  	_ =	sdelay $0x1  }
0x4b: {  	[sflag:s25] =	ssyncset.done $0x0  }
0x4c: {  	s0 =	simm.s32 $0x1B700;
	[sflag:s25] =	ssyncadd.s32 $0xFFFFFFC0  }
.LBB2_1:
0x4d: {  	[smem:$0x7FA] =	sst s6  }
0x4e: {  	s8 =	rddreg [dreg:$0x17]  }
0x4f: {  	[tilespmem:s22], [sflag:$0x7] =	stream.linear.gather [hbm4b:s8+s5], $0x100, $0x38;
	[tilespmem:$0x1BF00] =	vst v63  }
0x50: {  	s15 =	rddreg [dreg:$0x9]  }
0x51: {  	[tilespmem:s26], [sflag:$0x1] =	stream.linear.gather [hbm4b:s15+s5], $0x8000, $0x38;
	[tilespmem:$0x1BF00] =	vst v63  }
0x52: {  	s19 =	rddreg [dreg:$0xa]  }
0x53: {  	[tilespmem:s30], [sflag:$0x2] =	stream.linear.gather [hbm4b:s19+s5], $0x80, $0x38;
	[tilespmem:$0x1BF00] =	vst v63  }
0x54: {  	s22 =	rddreg [dreg:$0xb]  }
0x55: {  	[tilespmem:s2], [sflag:$0x2] =	stream.linear.gather [hbm4b:s22+s5], $0x4000, $0x38;
	[tilespmem:$0x1BF00] =	vst v63  }
0x56: {  	s23 =	rddreg [dreg:$0xc]  }
0x57: {  	[tilespmem:s0], [sflag:$0x2] =	stream.linear.gather [hbm4b:s23+s5], $0x80, $0x38;
	[tilespmem:$0x1BF00] =	vst v63  }
0x58: {  	s24 =	rddreg [dreg:$0x11]  }
0x59: {  	[tilespmem:s1], [sflag:$0x2] =	stream.linear.gather [hbm4b:s24+s5], $0x4000, $0x38;
	[tilespmem:$0x1BF00] =	vst v63  }
0x5a: {  	s6 =	simm.s32 @!p1 $0x1B780;
	s8 =	simm.s32 @!p1 $0x0;
	s15 =	rddreg [dreg:$0x12]  }
0x5b: {  	[tilespmem:s6], [sflag:$0x2] =	stream.linear.gather @!p1 [hbm4b:s15+s8], $0x80, $0x38;
	[tilespmem:$0x1BF00] =	vst v63  }
0x5c: {  	s24 =	simm.s32 @!p1 $0x12A80;
	s15 =	rddreg [dreg:$0x13]  }
0x5d: {  	[tilespmem:s24], [sflag:$0x2] =	stream.linear.gather @!p1 [hbm4b:s15+s8], $0x4000, $0x38;
	[tilespmem:$0x1BF00] =	vst v63  }
0x5e: {  	s15 =	sld [smem:$0x7FD];
	_ =	sdelay $0x1  }
0x5f: {  	s19 =	simm.s32 @!p0 $0x0;
	s8 =	simm.s32 @!p0 $0x1B980  }
0x60: {  	[tilespmem:s8], [sflag:$0x2] =	stream.linear.gather @!p0 [hbm4b:s15+s19], $0x10, $0x38;
	[tilespmem:$0x1BF00] =	vst v63  }
0x61: {  	s25 =	rddreg [dreg:$0x14];
	s15 =	simm.s32 @!p0 $0x1AA80  }
0x62: {  	[tilespmem:s15], [sflag:$0x2] =	stream.linear.gather @!p0 [hbm4b:s25+s19], $0x800, $0x38;
	[tilespmem:$0x1BF00] =	vst v63  }
0x63: {  	[tilespmem:$0x1BA00] =	vst v0  }
0x64: {  	[tilespmem:$0x1BA80] =	vst v0  }
0x65: {  	[tilespmem:$0x1BA10] =	vst v0  }
0x66: {  	[tilespmem:$0x1BA90] =	vst v0  }
0x67: {  	[tilespmem:$0x1BA20] =	vst v0  }
0x68: {  	[tilespmem:$0x1BAA0] =	vst v0  }
0x69: {  	[tilespmem:$0x1BA30] =	vst v0  }
0x6a: {  	[tilespmem:$0x1BAB0] =	vst v0  }
0x6b: {  	[tilespmem:$0x1B280] =	vst v0  }
0x6c: {  	[tilespmem:$0x1B290] =	vst v0  }
0x6d: {  	[tilespmem:$0x1B2A0] =	vst v0  }
0x6e: {  	[tilespmem:$0x1B2B0] =	vst v0  }
0x6f: {  	[tilespmem:$0x1B2C0] =	vst v0  }
0x70: {  	[tilespmem:$0x1B2D0] =	vst v0  }
0x71: {  	[tilespmem:$0x1B2E0] =	vst v0  }
0x72: {  	[tilespmem:$0x1B2F0] =	vst v0  }
0x73: {  	[tilespmem:$0x1B300] =	vst v0  }
0x74: {  	[tilespmem:$0x1B310] =	vst v0  }
0x75: {  	[tilespmem:$0x1B320] =	vst v0  }
0x76: {  	[tilespmem:$0x1B330] =	vst v0  }
0x77: {  	[tilespmem:$0x1B340] =	vst v0  }
0x78: {  	[tilespmem:$0x1B350] =	vst v0  }
0x79: {  	[tilespmem:$0x1B360] =	vst v0  }
0x7a: {  	[tilespmem:$0x1B370] =	vst v0  }
0x7b: {  	[tilespmem:$0x1B380] =	vst v0  }
0x7c: {  	[tilespmem:$0x1B390] =	vst v0  }
0x7d: {  	[tilespmem:$0x1B3A0] =	vst v0  }
0x7e: {  	[tilespmem:$0x1B3B0] =	vst v0  }
0x7f: {  	[tilespmem:$0x1B3C0] =	vst v0  }
0x80: {  	[tilespmem:$0x1B3D0] =	vst v0  }
0x81: {  	[tilespmem:$0x1B3E0] =	vst v0  }
0x82: {  	[tilespmem:$0x1B3F0] =	vst v0  }
0x83: {  	[tilespmem:$0x1B400] =	vst v0  }
0x84: {  	[tilespmem:$0x1B410] =	vst v0  }
0x85: {  	[tilespmem:$0x1B420] =	vst v0  }
0x86: {  	[tilespmem:$0x1B430] =	vst v0  }
0x87: {  	[tilespmem:$0x1B440] =	vst v0  }
0x88: {  	[tilespmem:$0x1B450] =	vst v0  }
0x89: {  	[tilespmem:$0x1B460] =	vst v0  }
0x8a: {  	s23 =	simm.s32 $0xA;
	s25 =	rddreg [dreg:$0x2];
	[tilespmem:$0x1B470] =	vst v0  }
0x8b: {  	[tilespmem:s5], [sflag:$0xA] =	stream.linear.gather [hbm4b:s25+s5], $0x2780, $0x38;
	[tilespmem:$0x1BF00] =	vst v63  }
0x8c: {  	_ =	swait.ge [sflag:s23], $0x2780  }
0x8d: {  	[sflag:s23] =	ssyncset.done $0x0  }
0x8e: {  	s0 =	simm.s32 $0x1B280;
	[sflag:s23] =	ssyncadd.s32 $0xFFFFD880  }
0x8f: {  	[spmem:s16] =	stream.linear.scatter [tilespmem:s0], [sflag:$0xA], $0x200, $0x38;
	[tilespmem:$0x1BF00] =	vst v63  }
0x90: {  	_ =	swait.ge [sflag:s23], $0x200  }
0x91: {  	[sflag:s23] =	ssyncset.done $0x0  }
0x92: {  	[sflag:s23] =	ssyncadd.s32 $0xFFFFFE00  }
0x93: {  	[spmem:s17] =	stream.linear.scatter [tilespmem:s0], [sflag:$0xA], $0x200, $0x38;
	[tilespmem:$0x1BF00] =	vst v63  }
0x94: {  	_ =	swait.ge [sflag:s23], $0x200  }
0x95: {  	[sflag:s23] =	ssyncset.done $0x0  }
0x96: {  	[sflag:s23] =	ssyncadd.s32 $0xFFFFFE00  }
0x97: {  	[bflag:$0x0] =	sbarrier.arrive $0xFFFF  }
0x98: {  	_ =	swait.ge [sflag:s10], $0x80  }
0x99: {  	[sflag:s10] =	ssyncset.done $0x0  }
0x9a: {  	[sflag:s10] =	ssyncadd.s32 $0xFFFFFF80  }
0x9b: {  	_ =	swait.ge [sflag:s10], $0x4000  }
0x9c: {  	[sflag:s10] =	ssyncset.done $0x0  }
0x9d: {  	[sflag:s10] =	ssyncadd.s32 $0xFFFFC000  }
0x9e: {  	s25 =	rddreg [dreg:$0x5]  }
0x9f: {  	[spmem:s25] =	stream.indirect.scatter.add.f32 [tilespmem:s2], [sflag:$0x4], $0x80, s30, s14, $0xb8;
	[tilespmem:$0x1BF00] =	vst v63  }
0xa0: {  	v1 =	vld [tilespmem:$0x1B680];
	_ =	sdelay $0x4  }
0xa1: {  	(xrf1) =	vunique.msk.u32 $0xffff, v1;
	_ =	sdelay $0xd  }
0xa2: {  	_, v2, vm0 =	vpop (xrf1);
	_ =	sdelay $0x3  }
0xa3: {  	v2 =	vcvt.s32.f32 v2  }
0xa4: {  	s23 =	simm.s32 $0x1BA00  }
0xa5: {  	[tilespmem:v1+s23+$0x0] =	vst.idx.add.f32.msk vm0, v2  }
0xa6: {  	v1 =	vld [tilespmem:$0x1B690];
	_ =	sdelay $0x4  }
0xa7: {  	(xrf1) =	vunique.msk.u32 $0xffff, v1;
	_ =	sdelay $0xd  }
0xa8: {  	_, v2, vm0 =	vpop (xrf1);
	_ =	sdelay $0x3  }
0xa9: {  	v2 =	vcvt.s32.f32 v2;
	_ =	sdelay $0x1  }
0xaa: {  	[tilespmem:v1+s23+$0x0] =	vst.idx.add.f32.msk vm0, v2  }
0xab: {  	v1 =	vld [tilespmem:$0x1B6A0];
	_ =	sdelay $0x4  }
0xac: {  	(xrf1) =	vunique.msk.u32 $0xffff, v1;
	_ =	sdelay $0xd  }
0xad: {  	_, v2, vm0 =	vpop (xrf1);
	_ =	sdelay $0x3  }
0xae: {  	v2 =	vcvt.s32.f32 v2;
	_ =	sdelay $0x1  }
0xaf: {  	[tilespmem:v1+s23+$0x0] =	vst.idx.add.f32.msk vm0, v2  }
0xb0: {  	v1 =	vld [tilespmem:$0x1B6B0];
	_ =	sdelay $0x4  }
0xb1: {  	(xrf1) =	vunique.msk.u32 $0xffff, v1;
	_ =	sdelay $0xd  }
0xb2: {  	_, v2, vm0 =	vpop (xrf1);
	_ =	sdelay $0x3  }
0xb3: {  	v2 =	vcvt.s32.f32 v2;
	_ =	sdelay $0x1  }
0xb4: {  	[tilespmem:v1+s23+$0x0] =	vst.idx.add.f32.msk vm0, v2  }
0xb5: {  	v1 =	vld [tilespmem:$0x1B6C0];
	_ =	sdelay $0x4  }
0xb6: {  	(xrf1) =	vunique.msk.u32 $0xffff, v1;
	_ =	sdelay $0xd  }
0xb7: {  	_, v2, vm0 =	vpop (xrf1);
	_ =	sdelay $0x3  }
0xb8: {  	v2 =	vcvt.s32.f32 v2;
	_ =	sdelay $0x1  }
0xb9: {  	[tilespmem:v1+s23+$0x0] =	vst.idx.add.f32.msk vm0, v2  }
0xba: {  	v1 =	vld [tilespmem:$0x1B6D0];
	_ =	sdelay $0x4  }
0xbb: {  	(xrf1) =	vunique.msk.u32 $0xffff, v1;
	_ =	sdelay $0xd  }
0xbc: {  	_, v2, vm0 =	vpop (xrf1);
	_ =	sdelay $0x3  }
0xbd: {  	v2 =	vcvt.s32.f32 v2;
	_ =	sdelay $0x1  }
0xbe: {  	[tilespmem:v1+s23+$0x0] =	vst.idx.add.f32.msk vm0, v2  }
0xbf: {  	v1 =	vld [tilespmem:$0x1B6E0];
	_ =	sdelay $0x4  }
0xc0: {  	(xrf1) =	vunique.msk.u32 $0xffff, v1;
	_ =	sdelay $0xd  }
0xc1: {  	_, v2, vm0 =	vpop (xrf1);
	_ =	sdelay $0x3  }
0xc2: {  	v2 =	vcvt.s32.f32 v2;
	_ =	sdelay $0x1  }
0xc3: {  	[tilespmem:v1+s23+$0x0] =	vst.idx.add.f32.msk vm0, v2  }
0xc4: {  	v1 =	vld [tilespmem:$0x1B6F0];
	_ =	sdelay $0x4  }
0xc5: {  	(xrf1) =	vunique.msk.u32 $0xffff, v1;
	_ =	sdelay $0xd  }
0xc6: {  	_, v2, vm0 =	vpop (xrf1);
	_ =	sdelay $0x3  }
0xc7: {  	v2 =	vcvt.s32.f32 v2;
	_ =	sdelay $0x1  }
0xc8: {  	[tilespmem:v1+s23+$0x0] =	vst.idx.add.f32.msk vm0, v2  }
0xc9: {  	_ =	swait.ge [sflag:s10], $0x80  }
0xca: {  	[sflag:s10] =	ssyncset.done $0x0  }
0xcb: {  	[sflag:s10] =	ssyncadd.s32 $0xFFFFFF80  }
0xcc: {  	_ =	swait.ge [sflag:s10], $0x4000  }
0xcd: {  	[sflag:s10] =	ssyncset.done $0x0  }
0xce: {  	[sflag:s10] =	ssyncadd.s32 $0xFFFFC000  }
0xcf: {  	[spmem:s25] =	stream.indirect.scatter.add.f32 [tilespmem:s1], [sflag:$0x4], $0x80, s7, s14, $0xb8;
	[tilespmem:$0x1BF00] =	vst v63  }
0xd0: {  	v1 =	vld [tilespmem:$0x1B700];
	_ =	sdelay $0x4  }
0xd1: {  	(xrf1) =	vunique.msk.u32 $0xffff, v1;
	_ =	sdelay $0xd  }
0xd2: {  	_, v2, vm0 =	vpop (xrf1);
	_ =	sdelay $0x3  }
0xd3: {  	v2 =	vcvt.s32.f32 v2;
	_ =	sdelay $0x1  }
0xd4: {  	[tilespmem:v1+s23+$0x0] =	vst.idx.add.f32.msk vm0, v2  }
0xd5: {  	v1 =	vld [tilespmem:$0x1B710];
	_ =	sdelay $0x4  }
0xd6: {  	(xrf1) =	vunique.msk.u32 $0xffff, v1;
	_ =	sdelay $0xd  }
0xd7: {  	_, v2, vm0 =	vpop (xrf1);
	_ =	sdelay $0x3  }
0xd8: {  	v2 =	vcvt.s32.f32 v2;
	_ =	sdelay $0x1  }
0xd9: {  	[tilespmem:v1+s23+$0x0] =	vst.idx.add.f32.msk vm0, v2  }
0xda: {  	v1 =	vld [tilespmem:$0x1B720];
	_ =	sdelay $0x4  }
0xdb: {  	(xrf1) =	vunique.msk.u32 $0xffff, v1;
	_ =	sdelay $0xd  }
0xdc: {  	_, v2, vm0 =	vpop (xrf1);
	_ =	sdelay $0x3  }
0xdd: {  	v2 =	vcvt.s32.f32 v2;
	_ =	sdelay $0x1  }
0xde: {  	[tilespmem:v1+s23+$0x0] =	vst.idx.add.f32.msk vm0, v2  }
0xdf: {  	v1 =	vld [tilespmem:$0x1B730];
	_ =	sdelay $0x4  }
0xe0: {  	(xrf1) =	vunique.msk.u32 $0xffff, v1;
	_ =	sdelay $0xd  }
0xe1: {  	_, v2, vm0 =	vpop (xrf1);
	_ =	sdelay $0x3  }
0xe2: {  	v2 =	vcvt.s32.f32 v2;
	_ =	sdelay $0x1  }
0xe3: {  	[tilespmem:v1+s23+$0x0] =	vst.idx.add.f32.msk vm0, v2  }
0xe4: {  	v1 =	vld [tilespmem:$0x1B740];
	_ =	sdelay $0x4  }
0xe5: {  	(xrf1) =	vunique.msk.u32 $0xffff, v1;
	_ =	sdelay $0xd  }
0xe6: {  	_, v2, vm0 =	vpop (xrf1);
	_ =	sdelay $0x3  }
0xe7: {  	v2 =	vcvt.s32.f32 v2;
	_ =	sdelay $0x1  }
0xe8: {  	[tilespmem:v1+s23+$0x0] =	vst.idx.add.f32.msk vm0, v2  }
0xe9: {  	v1 =	vld [tilespmem:$0x1B750];
	_ =	sdelay $0x4  }
0xea: {  	(xrf1) =	vunique.msk.u32 $0xffff, v1;
	_ =	sdelay $0xd  }
0xeb: {  	_, v2, vm0 =	vpop (xrf1);
	_ =	sdelay $0x3  }
0xec: {  	v2 =	vcvt.s32.f32 v2;
	_ =	sdelay $0x1  }
0xed: {  	[tilespmem:v1+s23+$0x0] =	vst.idx.add.f32.msk vm0, v2  }
0xee: {  	v1 =	vld [tilespmem:$0x1B760];
	_ =	sdelay $0x4  }
0xef: {  	(xrf1) =	vunique.msk.u32 $0xffff, v1;
	_ =	sdelay $0xd  }
0xf0: {  	_, v2, vm0 =	vpop (xrf1);
	_ =	sdelay $0x3  }
0xf1: {  	v2 =	vcvt.s32.f32 v2;
	_ =	sdelay $0x1  }
0xf2: {  	[tilespmem:v1+s23+$0x0] =	vst.idx.add.f32.msk vm0, v2  }
0xf3: {  	v1 =	vld [tilespmem:$0x1B770];
	_ =	sdelay $0x4  }
0xf4: {  	(xrf1) =	vunique.msk.u32 $0xffff, v1;
	_ =	sdelay $0xd  }
0xf5: {  	_, v2, vm0 =	vpop (xrf1);
	_ =	sdelay $0x3  }
0xf6: {  	v2 =	vcvt.s32.f32 v2;
	_ =	sdelay $0x1  }
0xf7: {  	s19 =	simm.s32 @!p1 $0x2;
	[tilespmem:v1+s23+$0x0] =	vst.idx.add.f32.msk vm0, v2  }
0xf8: {  	_ =	swait.ge @!p1 [sflag:s19], $0x80  }
0xf9: {  	[sflag:s19] =	ssyncset.done @!p1 $0x0  }
0xfa: {  	[sflag:s19] =	ssyncadd.s32 @!p1 $0xFFFFFF80  }
0xfb: {  	_ =	swait.ge @!p1 [sflag:s19], $0x4000  }
0xfc: {  	[sflag:s19] =	ssyncset.done @!p1 $0x0  }
0xfd: {  	[sflag:s19] =	ssyncadd.s32 @!p1 $0xFFFFC000;
	s19 =	simm.s32 @!p1 $0x80  }
0xfe: {  	[spmem:s25] =	stream.indirect.scatter.add.f32 @!p1 [tilespmem:s24], [sflag:$0x4], $0x80, s6, s19, $0xb8;
	[tilespmem:$0x1BF00] =	vst v63  }
0xff: {  	v1 =	vld @!p1 [tilespmem:$0x1B780];
	_ =	sdelay $0x4  }
0x100: {  	(xrf1) =	vunique.msk.u32 @!p1 $0xffff, v1;
	_ =	sdelay $0xd  }
0x101: {  	_, v2, vm0 =	vpop @!p1 (xrf1);
	_ =	sdelay $0x3  }
0x102: {  	v2 =	vcvt.s32.f32 @!p1 v2  }
0x103: {  	s16 =	simm.s32 @!p1 $0x1BA00  }
0x104: {  	[tilespmem:v1+s16+$0x0] =	vst.idx.add.f32.msk @!p1 vm0, v2  }
0x105: {  	v1 =	vld @!p1 [tilespmem:$0x1B790];
	_ =	sdelay $0x4  }
0x106: {  	(xrf1) =	vunique.msk.u32 @!p1 $0xffff, v1;
	_ =	sdelay $0xd  }
0x107: {  	_, v2, vm0 =	vpop @!p1 (xrf1);
	_ =	sdelay $0x3  }
0x108: {  	v2 =	vcvt.s32.f32 @!p1 v2;
	_ =	sdelay $0x1  }
0x109: {  	[tilespmem:v1+s16+$0x0] =	vst.idx.add.f32.msk @!p1 vm0, v2  }
0x10a: {  	v1 =	vld @!p1 [tilespmem:$0x1B7A0];
	_ =	sdelay $0x4  }
0x10b: {  	(xrf1) =	vunique.msk.u32 @!p1 $0xffff, v1;
	_ =	sdelay $0xd  }
0x10c: {  	_, v2, vm0 =	vpop @!p1 (xrf1);
	_ =	sdelay $0x3  }
0x10d: {  	v2 =	vcvt.s32.f32 @!p1 v2;
	_ =	sdelay $0x1  }
0x10e: {  	[tilespmem:v1+s16+$0x0] =	vst.idx.add.f32.msk @!p1 vm0, v2  }
0x10f: {  	v1 =	vld @!p1 [tilespmem:$0x1B7B0];
	_ =	sdelay $0x4  }
0x110: {  	(xrf1) =	vunique.msk.u32 @!p1 $0xffff, v1;
	_ =	sdelay $0xd  }
0x111: {  	_, v2, vm0 =	vpop @!p1 (xrf1);
	_ =	sdelay $0x3  }
0x112: {  	v2 =	vcvt.s32.f32 @!p1 v2;
	_ =	sdelay $0x1  }
0x113: {  	[tilespmem:v1+s16+$0x0] =	vst.idx.add.f32.msk @!p1 vm0, v2  }
0x114: {  	v1 =	vld @!p1 [tilespmem:$0x1B7C0];
	_ =	sdelay $0x4  }
0x115: {  	(xrf1) =	vunique.msk.u32 @!p1 $0xffff, v1;
	_ =	sdelay $0xd  }
0x116: {  	_, v2, vm0 =	vpop @!p1 (xrf1);
	_ =	sdelay $0x3  }
0x117: {  	v2 =	vcvt.s32.f32 @!p1 v2;
	_ =	sdelay $0x1  }
0x118: {  	[tilespmem:v1+s16+$0x0] =	vst.idx.add.f32.msk @!p1 vm0, v2  }
0x119: {  	v1 =	vld @!p1 [tilespmem:$0x1B7D0];
	_ =	sdelay $0x4  }
0x11a: {  	(xrf1) =	vunique.msk.u32 @!p1 $0xffff, v1;
	_ =	sdelay $0xd  }
0x11b: {  	_, v2, vm0 =	vpop @!p1 (xrf1);
	_ =	sdelay $0x3  }
0x11c: {  	v2 =	vcvt.s32.f32 @!p1 v2;
	_ =	sdelay $0x1  }
0x11d: {  	[tilespmem:v1+s16+$0x0] =	vst.idx.add.f32.msk @!p1 vm0, v2  }
0x11e: {  	v1 =	vld @!p1 [tilespmem:$0x1B7E0];
	_ =	sdelay $0x4  }
0x11f: {  	(xrf1) =	vunique.msk.u32 @!p1 $0xffff, v1;
	_ =	sdelay $0xd  }
0x120: {  	_, v2, vm0 =	vpop @!p1 (xrf1);
	_ =	sdelay $0x3  }
0x121: {  	v2 =	vcvt.s32.f32 @!p1 v2;
	_ =	sdelay $0x1  }
0x122: {  	[tilespmem:v1+s16+$0x0] =	vst.idx.add.f32.msk @!p1 vm0, v2  }
0x123: {  	v1 =	vld @!p1 [tilespmem:$0x1B7F0];
	_ =	sdelay $0x4  }
0x124: {  	(xrf1) =	vunique.msk.u32 @!p1 $0xffff, v1;
	_ =	sdelay $0xd  }
0x125: {  	_, v2, vm0 =	vpop @!p1 (xrf1);
	_ =	sdelay $0x3  }
0x126: {  	v2 =	vcvt.s32.f32 @!p1 v2;
	_ =	sdelay $0x1  }
0x127: {  	[tilespmem:v1+s16+$0x0] =	vst.idx.add.f32.msk @!p1 vm0, v2;
	s16 =	simm.s32 @!p0 $0x2  }
0x128: {  	_ =	swait.ge @!p0 [sflag:s16], $0x10  }
0x129: {  	[sflag:s16] =	ssyncset.done @!p0 $0x0  }
0x12a: {  	[sflag:s16] =	ssyncadd.s32 @!p0 $0xFFFFFFF0  }
0x12b: {  	_ =	swait.ge @!p0 [sflag:s16], $0x800  }
0x12c: {  	[sflag:s16] =	ssyncset.done @!p0 $0x0  }
0x12d: {  	[sflag:s16] =	ssyncadd.s32 @!p0 $0xFFFFF800;
	s16 =	simm.s32 @!p0 $0x10  }
0x12e: {  	[spmem:s25] =	stream.indirect.scatter.add.f32 @!p0 [tilespmem:s15], [sflag:$0x4], $0x80, s8, s16, $0xb8;
	[tilespmem:$0x1BF00] =	vst v63  }
0x12f: {  	v1 =	vld @!p0 [tilespmem:$0x1B980];
	_ =	sdelay $0x4  }
0x130: {  	(xrf1) =	vunique.msk.u32 @!p0 $0xffff, v1;
	_ =	sdelay $0xd  }
0x131: {  	_, v2, vm0 =	vpop @!p0 (xrf1);
	_ =	sdelay $0x3  }
0x132: {  	v2 =	vcvt.s32.f32 @!p0 v2  }
0x133: {  	s8 =	simm.s32 @!p0 $0x1BA00  }
0x134: {  	[tilespmem:v1+s8+$0x0] =	vst.idx.add.f32.msk @!p0 vm0, v2;
	s8 =	simm.s32 @!p0 $0x4  }
0x135: {  	_ =	swait.ge @!p0 [sflag:s8], $0x800  }
0x136: {  	[sflag:s8] =	ssyncset.done @!p0 $0x0  }
0x137: {  	[sflag:s8] =	ssyncadd.s32 @!p0 $0xFFFFF800  }
0x138: {  	_ =	swait.ge [sflag:s11], $0x4000  }
0x139: {  	[sflag:s11] =	ssyncset.done $0x0  }
0x13a: {  	[sflag:s11] =	ssyncadd.s32 $0xFFFFC000  }
0x13b: {  	_ =	swait.ge [sflag:s11], $0x4000  }
0x13c: {  	[sflag:s11] =	ssyncset.done $0x0  }
0x13d: {  	s8 =	simm.s32 @!p1 $0x4;
	[sflag:s11] =	ssyncadd.s32 $0xFFFFC000  }
0x13e: {  	_ =	swait.ge @!p1 [sflag:s8], $0x4000  }
0x13f: {  	[sflag:s8] =	ssyncset.done @!p1 $0x0  }
0x140: {  	s23 =	simm.s32 $0x2880;
	s16 =	rddreg [dreg:$0x18];
	[sflag:s8] =	ssyncadd.s32 @!p1 $0xFFFFC000  }
0x141: {  	[tilespmem:s23], [sflag:$0x8] =	stream.linear.gather [hbm4b:s16+s5], $0x100, $0x38;
	[tilespmem:$0x1BF00] =	vst v63  }
0x142: {  	s17 =	rddreg [dreg:$0x1a]  }
0x143: {  	[tilespmem:s2], [sflag:$0x2] =	stream.linear.gather [hbm4b:s17+s5], $0x8000, $0x38;
	[tilespmem:$0x1BF00] =	vst v63  }
0x144: {  	s24 =	simm.s32 $0x2980;
	s19 =	rddreg [dreg:$0x19]  }
0x145: {  	[tilespmem:s24], [sflag:$0x9] =	stream.linear.gather [hbm4b:s19+s5], $0x100, $0x38;
	[tilespmem:$0x1BF00] =	vst v63  }
0x146: {  	s25 =	rddreg [dreg:$0x1b]  }
0x147: {  	[tilespmem:s12], [sflag:$0x3] =	stream.linear.gather [hbm4b:s25+s5], $0x8000, $0x38;
	[tilespmem:$0x1BF00] =	vst v63  }
0x148: {  	_ =	swait.ge [sflag:s13], $0x100  }
0x149: {  	[sflag:s13] =	ssyncset.done $0x0  }
0x14a: {  	[sflag:s13] =	ssyncadd.s32 $0xFFFFFF00  }
0x14b: {  	v1 =	vld [tilespmem:$0x2780];
	_ =	sdelay $0x7  }
0x14c: {  	v1 =	vld.idx.msk [tilespmem:v1+s5+$0x0], $0xffff;
	_ =	sdelay $0x4  }
0x14d: {  	(xrf1) =	vunique.msk.u32 $0xffff, v1;
	_ =	sdelay $0xd  }
0x14e: {  	_, v2, vm0 =	vpop (xrf1);
	_ =	sdelay $0x3  }
0x14f: {  	v2 =	vcvt.s32.f32 v2  }
0x150: {  	[tilespmem:$0x1B680] =	vst v1  }
0x151: {  	[tilespmem:v1+s20+$0x0] =	vst.idx.add.f32.msk vm0, v2  }
0x152: {  	v1 =	vld [tilespmem:$0x2790];
	_ =	sdelay $0x7  }
0x153: {  	v1 =	vld.idx.msk [tilespmem:v1+s5+$0x0], $0xffff;
	_ =	sdelay $0x4  }
0x154: {  	(xrf1) =	vunique.msk.u32 $0xffff, v1;
	_ =	sdelay $0xd  }
0x155: {  	_, v2, vm0 =	vpop (xrf1);
	_ =	sdelay $0x3  }
0x156: {  	v2 =	vcvt.s32.f32 v2  }
0x157: {  	[tilespmem:$0x1B690] =	vst v1  }
0x158: {  	[tilespmem:v1+s20+$0x0] =	vst.idx.add.f32.msk vm0, v2  }
0x159: {  	v1 =	vld [tilespmem:$0x27A0];
	_ =	sdelay $0x7  }
0x15a: {  	v1 =	vld.idx.msk [tilespmem:v1+s5+$0x0], $0xffff;
	_ =	sdelay $0x4  }
0x15b: {  	(xrf1) =	vunique.msk.u32 $0xffff, v1;
	_ =	sdelay $0xd  }
0x15c: {  	_, v2, vm0 =	vpop (xrf1);
	_ =	sdelay $0x3  }
0x15d: {  	v2 =	vcvt.s32.f32 v2  }
0x15e: {  	[tilespmem:$0x1B6A0] =	vst v1  }
0x15f: {  	[tilespmem:v1+s20+$0x0] =	vst.idx.add.f32.msk vm0, v2  }
0x160: {  	v1 =	vld [tilespmem:$0x27B0];
	_ =	sdelay $0x7  }
0x161: {  	v1 =	vld.idx.msk [tilespmem:v1+s5+$0x0], $0xffff;
	_ =	sdelay $0x4  }
0x162: {  	(xrf1) =	vunique.msk.u32 $0xffff, v1;
	_ =	sdelay $0xd  }
0x163: {  	_, v2, vm0 =	vpop (xrf1);
	_ =	sdelay $0x3  }
0x164: {  	v2 =	vcvt.s32.f32 v2  }
0x165: {  	[tilespmem:$0x1B6B0] =	vst v1  }
0x166: {  	[tilespmem:v1+s20+$0x0] =	vst.idx.add.f32.msk vm0, v2  }
0x167: {  	v1 =	vld [tilespmem:$0x27C0];
	_ =	sdelay $0x7  }
0x168: {  	v1 =	vld.idx.msk [tilespmem:v1+s5+$0x0], $0xffff;
	_ =	sdelay $0x4  }
0x169: {  	(xrf1) =	vunique.msk.u32 $0xffff, v1;
	_ =	sdelay $0xd  }
0x16a: {  	_, v2, vm0 =	vpop (xrf1);
	_ =	sdelay $0x3  }
0x16b: {  	v2 =	vcvt.s32.f32 v2  }
0x16c: {  	[tilespmem:$0x1B6C0] =	vst v1  }
0x16d: {  	[tilespmem:v1+s20+$0x0] =	vst.idx.add.f32.msk vm0, v2  }
0x16e: {  	v1 =	vld [tilespmem:$0x27D0];
	_ =	sdelay $0x7  }
0x16f: {  	v1 =	vld.idx.msk [tilespmem:v1+s5+$0x0], $0xffff;
	_ =	sdelay $0x4  }
0x170: {  	(xrf1) =	vunique.msk.u32 $0xffff, v1;
	_ =	sdelay $0xd  }
0x171: {  	_, v2, vm0 =	vpop (xrf1);
	_ =	sdelay $0x3  }
0x172: {  	v2 =	vcvt.s32.f32 v2  }
0x173: {  	[tilespmem:$0x1B6D0] =	vst v1  }
0x174: {  	[tilespmem:v1+s20+$0x0] =	vst.idx.add.f32.msk vm0, v2  }
0x175: {  	v1 =	vld [tilespmem:$0x27E0];
	_ =	sdelay $0x7  }
0x176: {  	v1 =	vld.idx.msk [tilespmem:v1+s5+$0x0], $0xffff;
	_ =	sdelay $0x4  }
0x177: {  	(xrf1) =	vunique.msk.u32 $0xffff, v1;
	_ =	sdelay $0xd  }
0x178: {  	_, v2, vm0 =	vpop (xrf1);
	_ =	sdelay $0x3  }
0x179: {  	v2 =	vcvt.s32.f32 v2  }
0x17a: {  	[tilespmem:$0x1B6E0] =	vst v1  }
0x17b: {  	[tilespmem:v1+s20+$0x0] =	vst.idx.add.f32.msk vm0, v2  }
0x17c: {  	v1 =	vld [tilespmem:$0x27F0];
	_ =	sdelay $0x7  }
0x17d: {  	v1 =	vld.idx.msk [tilespmem:v1+s5+$0x0], $0xffff;
	_ =	sdelay $0x4  }
0x17e: {  	(xrf1) =	vunique.msk.u32 $0xffff, v1;
	_ =	sdelay $0xd  }
0x17f: {  	_, v2, vm0 =	vpop (xrf1);
	_ =	sdelay $0x3  }
0x180: {  	v2 =	vcvt.s32.f32 v2  }
0x181: {  	[tilespmem:$0x1B6F0] =	vst v1  }
0x182: {  	[tilespmem:v1+s20+$0x0] =	vst.idx.add.f32.msk vm0, v2  }
0x183: {  	v1 =	vld [tilespmem:$0x2800];
	_ =	sdelay $0x7  }
0x184: {  	v1 =	vld.idx.msk [tilespmem:v1+s5+$0x0], $0xffff;
	_ =	sdelay $0x4  }
0x185: {  	(xrf1) =	vunique.msk.u32 $0xffff, v1;
	_ =	sdelay $0xd  }
0x186: {  	_, v2, vm0 =	vpop (xrf1);
	_ =	sdelay $0x3  }
0x187: {  	v2 =	vcvt.s32.f32 v2  }
0x188: {  	[tilespmem:$0x1B700] =	vst v1  }
0x189: {  	[tilespmem:v1+s20+$0x0] =	vst.idx.add.f32.msk vm0, v2  }
0x18a: {  	v1 =	vld [tilespmem:$0x2810];
	_ =	sdelay $0x7  }
0x18b: {  	v1 =	vld.idx.msk [tilespmem:v1+s5+$0x0], $0xffff;
	_ =	sdelay $0x4  }
0x18c: {  	(xrf1) =	vunique.msk.u32 $0xffff, v1;
	_ =	sdelay $0xd  }
0x18d: {  	_, v2, vm0 =	vpop (xrf1);
	_ =	sdelay $0x3  }
0x18e: {  	v2 =	vcvt.s32.f32 v2  }
0x18f: {  	[tilespmem:$0x1B710] =	vst v1  }
0x190: {  	[tilespmem:v1+s20+$0x0] =	vst.idx.add.f32.msk vm0, v2  }
0x191: {  	v1 =	vld [tilespmem:$0x2820];
	_ =	sdelay $0x7  }
0x192: {  	v1 =	vld.idx.msk [tilespmem:v1+s5+$0x0], $0xffff;
	_ =	sdelay $0x4  }
0x193: {  	(xrf1) =	vunique.msk.u32 $0xffff, v1;
	_ =	sdelay $0xd  }
0x194: {  	_, v2, vm0 =	vpop (xrf1);
	_ =	sdelay $0x3  }
0x195: {  	v2 =	vcvt.s32.f32 v2  }
0x196: {  	[tilespmem:$0x1B720] =	vst v1  }
0x197: {  	[tilespmem:v1+s20+$0x0] =	vst.idx.add.f32.msk vm0, v2  }
0x198: {  	v1 =	vld [tilespmem:$0x2830];
	_ =	sdelay $0x7  }
0x199: {  	v1 =	vld.idx.msk [tilespmem:v1+s5+$0x0], $0xffff;
	_ =	sdelay $0x4  }
0x19a: {  	(xrf1) =	vunique.msk.u32 $0xffff, v1;
	_ =	sdelay $0xd  }
0x19b: {  	_, v2, vm0 =	vpop (xrf1);
	_ =	sdelay $0x3  }
0x19c: {  	v2 =	vcvt.s32.f32 v2  }
0x19d: {  	[tilespmem:$0x1B730] =	vst v1  }
0x19e: {  	[tilespmem:v1+s20+$0x0] =	vst.idx.add.f32.msk vm0, v2  }
0x19f: {  	v1 =	vld [tilespmem:$0x2840];
	_ =	sdelay $0x7  }
0x1a0: {  	v1 =	vld.idx.msk [tilespmem:v1+s5+$0x0], $0xffff;
	_ =	sdelay $0x4  }
0x1a1: {  	(xrf1) =	vunique.msk.u32 $0xffff, v1;
	_ =	sdelay $0xd  }
0x1a2: {  	_, v2, vm0 =	vpop (xrf1);
	_ =	sdelay $0x3  }
0x1a3: {  	v2 =	vcvt.s32.f32 v2  }
0x1a4: {  	[tilespmem:$0x1B740] =	vst v1  }
0x1a5: {  	[tilespmem:v1+s20+$0x0] =	vst.idx.add.f32.msk vm0, v2  }
0x1a6: {  	v1 =	vld [tilespmem:$0x2850];
	_ =	sdelay $0x7  }
0x1a7: {  	v1 =	vld.idx.msk [tilespmem:v1+s5+$0x0], $0xffff;
	_ =	sdelay $0x4  }
0x1a8: {  	(xrf1) =	vunique.msk.u32 $0xffff, v1;
	_ =	sdelay $0xd  }
0x1a9: {  	_, v2, vm0 =	vpop (xrf1);
	_ =	sdelay $0x3  }
0x1aa: {  	v2 =	vcvt.s32.f32 v2  }
0x1ab: {  	[tilespmem:$0x1B750] =	vst v1  }
0x1ac: {  	[tilespmem:v1+s20+$0x0] =	vst.idx.add.f32.msk vm0, v2  }
0x1ad: {  	v1 =	vld [tilespmem:$0x2860];
	_ =	sdelay $0x7  }
0x1ae: {  	v1 =	vld.idx.msk [tilespmem:v1+s5+$0x0], $0xffff;
	_ =	sdelay $0x4  }
0x1af: {  	(xrf1) =	vunique.msk.u32 $0xffff, v1;
	_ =	sdelay $0xd  }
0x1b0: {  	_, v2, vm0 =	vpop (xrf1);
	_ =	sdelay $0x3  }
0x1b1: {  	v2 =	vcvt.s32.f32 v2  }
0x1b2: {  	[tilespmem:$0x1B760] =	vst v1  }
0x1b3: {  	[tilespmem:v1+s20+$0x0] =	vst.idx.add.f32.msk vm0, v2  }
0x1b4: {  	v1 =	vld [tilespmem:$0x2870];
	_ =	sdelay $0x7  }
0x1b5: {  	v1 =	vld.idx.msk [tilespmem:v1+s5+$0x0], $0xffff;
	_ =	sdelay $0x4  }
0x1b6: {  	(xrf1) =	vunique.msk.u32 $0xffff, v1;
	_ =	sdelay $0xd  }
0x1b7: {  	_, v2, vm0 =	vpop (xrf1);
	_ =	sdelay $0x3  }
0x1b8: {  	v2 =	vcvt.s32.f32 v2  }
0x1b9: {  	[tilespmem:$0x1B770] =	vst v1  }
0x1ba: {  	[tilespmem:v1+s20+$0x0] =	vst.idx.add.f32.msk vm0, v2  }
0x1bb: {  	s22 =	simm.s32 $0x2780;
	s0 =	simm.s32 $0x1B900;
	_ =	swait.ge [sflag:s21], $0x8000  }
0x1bc: {  	s1 =	simm.s32 $0xEA80;
	[sflag:s21] =	ssyncset.done $0x0;
	s19 =	rddreg [dreg:$0x10]  }
0x1bd: {  	s6 =	simm.s32 $0x1B680;
	s15 =	rddreg [dreg:$0xf];
	[sflag:s21] =	ssyncadd.s32 $0xFFFF8000  }
0x1be: {  	[spmem:s4] =	stream.indirect.scatter.add.f32 [tilespmem:s26], [sflag:$0x4], $0x80, s30, s14, $0xb8;
	[tilespmem:$0x1BF00] =	vst v63  }
0x1bf: {  	s16 =	simm.s32 $0x0;
	s8 =	rddreg [dreg:$0xe];
	s30 =	simm.s32 $0x6A80  }
0x1c0: {  	[spmem:s4] =	stream.indirect.scatter.add.f32 [tilespmem:s30], [sflag:$0x4], $0x80, s7, s14, $0xb8;
	[tilespmem:$0x1BF00] =	vst v63  }
.LBB2_2:
0x1c1: {  	_ =	swait.ge [sflag:s9], $0x100  }
0x1c2: {  	[sflag:s9] =	ssyncset.done $0x0  }
0x1c3: {  	[sflag:s9] =	ssyncadd.s32 $0xFFFFFF00  }
0x1c4: {  	v1 =	vld [tilespmem:$0x2880];
	_ =	sdelay $0x7  }
0x1c5: {  	v1 =	vld.idx.msk [tilespmem:v1+s5+$0x0], $0xffff;
	_ =	sdelay $0x4  }
0x1c6: {  	(xrf1) =	vunique.msk.u32 $0xffff, v1;
	_ =	sdelay $0xd  }
0x1c7: {  	_, v2, vm0 =	vpop (xrf1);
	_ =	sdelay $0x3  }
0x1c8: {  	v2 =	vcvt.s32.f32 v2  }
0x1c9: {  	[tilespmem:$0x1B780] =	vst v1  }
0x1ca: {  	[tilespmem:v1+s20+$0x0] =	vst.idx.add.f32.msk vm0, v2  }
0x1cb: {  	v1 =	vld [tilespmem:$0x2890];
	_ =	sdelay $0x7  }
0x1cc: {  	v1 =	vld.idx.msk [tilespmem:v1+s5+$0x0], $0xffff;
	_ =	sdelay $0x4  }
0x1cd: {  	(xrf1) =	vunique.msk.u32 $0xffff, v1;
	_ =	sdelay $0xd  }
0x1ce: {  	_, v2, vm0 =	vpop (xrf1);
	_ =	sdelay $0x3  }
0x1cf: {  	v2 =	vcvt.s32.f32 v2  }
0x1d0: {  	[tilespmem:$0x1B790] =	vst v1  }
0x1d1: {  	[tilespmem:v1+s20+$0x0] =	vst.idx.add.f32.msk vm0, v2  }
0x1d2: {  	v1 =	vld [tilespmem:$0x28A0];
	_ =	sdelay $0x7  }
0x1d3: {  	v1 =	vld.idx.msk [tilespmem:v1+s5+$0x0], $0xffff;
	_ =	sdelay $0x4  }
0x1d4: {  	(xrf1) =	vunique.msk.u32 $0xffff, v1;
	_ =	sdelay $0xd  }
0x1d5: {  	_, v2, vm0 =	vpop (xrf1);
	_ =	sdelay $0x3  }
0x1d6: {  	v2 =	vcvt.s32.f32 v2  }
0x1d7: {  	[tilespmem:$0x1B7A0] =	vst v1  }
0x1d8: {  	[tilespmem:v1+s20+$0x0] =	vst.idx.add.f32.msk vm0, v2  }
0x1d9: {  	v1 =	vld [tilespmem:$0x28B0];
	_ =	sdelay $0x7  }
0x1da: {  	v1 =	vld.idx.msk [tilespmem:v1+s5+$0x0], $0xffff;
	_ =	sdelay $0x4  }
0x1db: {  	(xrf1) =	vunique.msk.u32 $0xffff, v1;
	_ =	sdelay $0xd  }
0x1dc: {  	_, v2, vm0 =	vpop (xrf1);
	_ =	sdelay $0x3  }
0x1dd: {  	v2 =	vcvt.s32.f32 v2  }
0x1de: {  	[tilespmem:$0x1B7B0] =	vst v1  }
0x1df: {  	[tilespmem:v1+s20+$0x0] =	vst.idx.add.f32.msk vm0, v2  }
0x1e0: {  	v1 =	vld [tilespmem:$0x28C0];
	_ =	sdelay $0x7  }
0x1e1: {  	v1 =	vld.idx.msk [tilespmem:v1+s5+$0x0], $0xffff;
	_ =	sdelay $0x4  }
0x1e2: {  	(xrf1) =	vunique.msk.u32 $0xffff, v1;
	_ =	sdelay $0xd  }
0x1e3: {  	_, v2, vm0 =	vpop (xrf1);
	_ =	sdelay $0x3  }
0x1e4: {  	v2 =	vcvt.s32.f32 v2  }
0x1e5: {  	[tilespmem:$0x1B7C0] =	vst v1  }
0x1e6: {  	[tilespmem:v1+s20+$0x0] =	vst.idx.add.f32.msk vm0, v2  }
0x1e7: {  	v1 =	vld [tilespmem:$0x28D0];
	_ =	sdelay $0x7  }
0x1e8: {  	v1 =	vld.idx.msk [tilespmem:v1+s5+$0x0], $0xffff;
	_ =	sdelay $0x4  }
0x1e9: {  	(xrf1) =	vunique.msk.u32 $0xffff, v1;
	_ =	sdelay $0xd  }
0x1ea: {  	_, v2, vm0 =	vpop (xrf1);
	_ =	sdelay $0x3  }
0x1eb: {  	v2 =	vcvt.s32.f32 v2  }
0x1ec: {  	[tilespmem:$0x1B7D0] =	vst v1  }
0x1ed: {  	[tilespmem:v1+s20+$0x0] =	vst.idx.add.f32.msk vm0, v2  }
0x1ee: {  	v1 =	vld [tilespmem:$0x28E0];
	_ =	sdelay $0x7  }
0x1ef: {  	v1 =	vld.idx.msk [tilespmem:v1+s5+$0x0], $0xffff;
	_ =	sdelay $0x4  }
0x1f0: {  	(xrf1) =	vunique.msk.u32 $0xffff, v1;
	_ =	sdelay $0xd  }
0x1f1: {  	_, v2, vm0 =	vpop (xrf1);
	_ =	sdelay $0x3  }
0x1f2: {  	v2 =	vcvt.s32.f32 v2  }
0x1f3: {  	[tilespmem:$0x1B7E0] =	vst v1  }
0x1f4: {  	[tilespmem:v1+s20+$0x0] =	vst.idx.add.f32.msk vm0, v2  }
0x1f5: {  	v1 =	vld [tilespmem:$0x28F0];
	_ =	sdelay $0x7  }
0x1f6: {  	v1 =	vld.idx.msk [tilespmem:v1+s5+$0x0], $0xffff;
	_ =	sdelay $0x4  }
0x1f7: {  	(xrf1) =	vunique.msk.u32 $0xffff, v1;
	_ =	sdelay $0xd  }
0x1f8: {  	_, v2, vm0 =	vpop (xrf1);
	_ =	sdelay $0x3  }
0x1f9: {  	v2 =	vcvt.s32.f32 v2  }
0x1fa: {  	[tilespmem:$0x1B7F0] =	vst v1  }
0x1fb: {  	[tilespmem:v1+s20+$0x0] =	vst.idx.add.f32.msk vm0, v2  }
0x1fc: {  	v1 =	vld [tilespmem:$0x2900];
	_ =	sdelay $0x7  }
0x1fd: {  	v1 =	vld.idx.msk [tilespmem:v1+s5+$0x0], $0xffff;
	_ =	sdelay $0x4  }
0x1fe: {  	(xrf1) =	vunique.msk.u32 $0xffff, v1;
	_ =	sdelay $0xd  }
0x1ff: {  	_, v2, vm0 =	vpop (xrf1);
	_ =	sdelay $0x3  }
0x200: {  	v2 =	vcvt.s32.f32 v2  }
0x201: {  	[tilespmem:$0x1B800] =	vst v1  }
0x202: {  	[tilespmem:v1+s20+$0x0] =	vst.idx.add.f32.msk vm0, v2  }
0x203: {  	v1 =	vld [tilespmem:$0x2910];
	_ =	sdelay $0x7  }
0x204: {  	v1 =	vld.idx.msk [tilespmem:v1+s5+$0x0], $0xffff;
	_ =	sdelay $0x4  }
0x205: {  	(xrf1) =	vunique.msk.u32 $0xffff, v1;
	_ =	sdelay $0xd  }
0x206: {  	_, v2, vm0 =	vpop (xrf1);
	_ =	sdelay $0x3  }
0x207: {  	v2 =	vcvt.s32.f32 v2  }
0x208: {  	[tilespmem:$0x1B810] =	vst v1  }
0x209: {  	[tilespmem:v1+s20+$0x0] =	vst.idx.add.f32.msk vm0, v2  }
0x20a: {  	v1 =	vld [tilespmem:$0x2920];
	_ =	sdelay $0x7  }
0x20b: {  	v1 =	vld.idx.msk [tilespmem:v1+s5+$0x0], $0xffff;
	_ =	sdelay $0x4  }
0x20c: {  	(xrf1) =	vunique.msk.u32 $0xffff, v1;
	_ =	sdelay $0xd  }
0x20d: {  	_, v2, vm0 =	vpop (xrf1);
	_ =	sdelay $0x3  }
0x20e: {  	v2 =	vcvt.s32.f32 v2  }
0x20f: {  	[tilespmem:$0x1B820] =	vst v1  }
0x210: {  	[tilespmem:v1+s20+$0x0] =	vst.idx.add.f32.msk vm0, v2  }
0x211: {  	v1 =	vld [tilespmem:$0x2930];
	_ =	sdelay $0x7  }
0x212: {  	v1 =	vld.idx.msk [tilespmem:v1+s5+$0x0], $0xffff;
	_ =	sdelay $0x4  }
0x213: {  	(xrf1) =	vunique.msk.u32 $0xffff, v1;
	_ =	sdelay $0xd  }
0x214: {  	_, v2, vm0 =	vpop (xrf1);
	_ =	sdelay $0x3  }
0x215: {  	v2 =	vcvt.s32.f32 v2  }
0x216: {  	[tilespmem:$0x1B830] =	vst v1  }
0x217: {  	[tilespmem:v1+s20+$0x0] =	vst.idx.add.f32.msk vm0, v2  }
0x218: {  	v1 =	vld [tilespmem:$0x2940];
	_ =	sdelay $0x7  }
0x219: {  	v1 =	vld.idx.msk [tilespmem:v1+s5+$0x0], $0xffff;
	_ =	sdelay $0x4  }
0x21a: {  	(xrf1) =	vunique.msk.u32 $0xffff, v1;
	_ =	sdelay $0xd  }
0x21b: {  	_, v2, vm0 =	vpop (xrf1);
	_ =	sdelay $0x3  }
0x21c: {  	v2 =	vcvt.s32.f32 v2  }
0x21d: {  	[tilespmem:$0x1B840] =	vst v1  }
0x21e: {  	[tilespmem:v1+s20+$0x0] =	vst.idx.add.f32.msk vm0, v2  }
0x21f: {  	v1 =	vld [tilespmem:$0x2950];
	_ =	sdelay $0x7  }
0x220: {  	v1 =	vld.idx.msk [tilespmem:v1+s5+$0x0], $0xffff;
	_ =	sdelay $0x4  }
0x221: {  	(xrf1) =	vunique.msk.u32 $0xffff, v1;
	_ =	sdelay $0xd  }
0x222: {  	_, v2, vm0 =	vpop (xrf1);
	_ =	sdelay $0x3  }
0x223: {  	v2 =	vcvt.s32.f32 v2  }
0x224: {  	[tilespmem:$0x1B850] =	vst v1  }
0x225: {  	[tilespmem:v1+s20+$0x0] =	vst.idx.add.f32.msk vm0, v2  }
0x226: {  	v1 =	vld [tilespmem:$0x2960];
	_ =	sdelay $0x7  }
0x227: {  	v1 =	vld.idx.msk [tilespmem:v1+s5+$0x0], $0xffff;
	_ =	sdelay $0x4  }
0x228: {  	(xrf1) =	vunique.msk.u32 $0xffff, v1;
	_ =	sdelay $0xd  }
0x229: {  	_, v2, vm0 =	vpop (xrf1);
	_ =	sdelay $0x3  }
0x22a: {  	v2 =	vcvt.s32.f32 v2  }
0x22b: {  	[tilespmem:$0x1B860] =	vst v1  }
0x22c: {  	[tilespmem:v1+s20+$0x0] =	vst.idx.add.f32.msk vm0, v2  }
0x22d: {  	v1 =	vld [tilespmem:$0x2970];
	_ =	sdelay $0x7  }
0x22e: {  	v1 =	vld.idx.msk [tilespmem:v1+s5+$0x0], $0xffff;
	_ =	sdelay $0x4  }
0x22f: {  	(xrf1) =	vunique.msk.u32 $0xffff, v1;
	_ =	sdelay $0xd  }
0x230: {  	_, v2, vm0 =	vpop (xrf1);
	_ =	sdelay $0x3  }
0x231: {  	v2 =	vcvt.s32.f32 v2  }
0x232: {  	[tilespmem:$0x1B870] =	vst v1  }
0x233: {  	[tilespmem:v1+s20+$0x0] =	vst.idx.add.f32.msk vm0, v2  }
0x234: {  	_ =	swait.ge [sflag:s10], $0x8000  }
0x235: {  	[sflag:s10] =	ssyncset.done $0x0  }
0x236: {  	s17 =	simm.s32 $0x1B780;
	[sflag:s10] =	ssyncadd.s32 $0xFFFF8000  }
0x237: {  	[spmem:s4] =	stream.indirect.scatter.add.f32 [tilespmem:s2], [sflag:$0x5], $0x80, s17, s14, $0xb8;
	[tilespmem:$0x1BF00] =	vst v63  }
0x238: {  	s25 =	simm.s32 $0x1B800  }
0x239: {  	[spmem:s4] =	stream.indirect.scatter.add.f32 [tilespmem:s1], [sflag:$0x5], $0x80, s25, s14, $0xb8;
	[tilespmem:$0x1BF00] =	vst v63  }
0x23a: {  	_ =	swait.ge [sflag:s11], $0x4000  }
0x23b: {  	[sflag:s11] =	ssyncset.done $0x0  }
0x23c: {  	[sflag:s11] =	ssyncadd.s32 $0xFFFFC000  }
0x23d: {  	_ =	swait.ge [sflag:s11], $0x4000  }
0x23e: {  	[sflag:s11] =	ssyncset.done $0x0;
	s25 =	rddreg [dreg:$0x8]  }
0x23f: {  	[sflag:s11] =	ssyncadd.s32 $0xFFFFC000;
	s17 =	sadd.s32 s16, s25  }
0x240: {  	[tilespmem:s22], [sflag:$0x7] =	stream.linear.gather [hbm4b:s19+s5], $0x100, $0x38;
	[tilespmem:$0x1BF00] =	vst v63  }
0x241: {  	s25 =	sadd.s32 $0x3000, s17  }
0x242: {  	[tilespmem:s26], [sflag:$0x1] =	stream.linear.gather [hbm4b:s25+s5], $0x8000, $0x38;
	[tilespmem:$0x1BF00] =	vst v63  }
0x243: {  	_ =	swait.ge [sflag:s28], $0x100  }
0x244: {  	[sflag:s28] =	ssyncset.done $0x0  }
0x245: {  	[sflag:s28] =	ssyncadd.s32 $0xFFFFFF00  }
0x246: {  	v1 =	vld [tilespmem:$0x2980];
	_ =	sdelay $0x7  }
0x247: {  	v1 =	vld.idx.msk [tilespmem:v1+s5+$0x0], $0xffff;
	_ =	sdelay $0x4  }
0x248: {  	(xrf1) =	vunique.msk.u32 $0xffff, v1;
	_ =	sdelay $0xd  }
0x249: {  	_, v2, vm0 =	vpop (xrf1);
	_ =	sdelay $0x3  }
0x24a: {  	v2 =	vcvt.s32.f32 v2  }
0x24b: {  	[tilespmem:$0x1B880] =	vst v1  }
0x24c: {  	[tilespmem:v1+s20+$0x0] =	vst.idx.add.f32.msk vm0, v2  }
0x24d: {  	v1 =	vld [tilespmem:$0x2990];
	_ =	sdelay $0x7  }
0x24e: {  	v1 =	vld.idx.msk [tilespmem:v1+s5+$0x0], $0xffff;
	_ =	sdelay $0x4  }
0x24f: {  	(xrf1) =	vunique.msk.u32 $0xffff, v1;
	_ =	sdelay $0xd  }
0x250: {  	_, v2, vm0 =	vpop (xrf1);
	_ =	sdelay $0x3  }
0x251: {  	v2 =	vcvt.s32.f32 v2  }
0x252: {  	[tilespmem:$0x1B890] =	vst v1  }
0x253: {  	[tilespmem:v1+s20+$0x0] =	vst.idx.add.f32.msk vm0, v2  }
0x254: {  	v1 =	vld [tilespmem:$0x29A0];
	_ =	sdelay $0x7  }
0x255: {  	v1 =	vld.idx.msk [tilespmem:v1+s5+$0x0], $0xffff;
	_ =	sdelay $0x4  }
0x256: {  	(xrf1) =	vunique.msk.u32 $0xffff, v1;
	_ =	sdelay $0xd  }
0x257: {  	_, v2, vm0 =	vpop (xrf1);
	_ =	sdelay $0x3  }
0x258: {  	v2 =	vcvt.s32.f32 v2  }
0x259: {  	[tilespmem:$0x1B8A0] =	vst v1  }
0x25a: {  	[tilespmem:v1+s20+$0x0] =	vst.idx.add.f32.msk vm0, v2  }
0x25b: {  	v1 =	vld [tilespmem:$0x29B0];
	_ =	sdelay $0x7  }
0x25c: {  	v1 =	vld.idx.msk [tilespmem:v1+s5+$0x0], $0xffff;
	_ =	sdelay $0x4  }
0x25d: {  	(xrf1) =	vunique.msk.u32 $0xffff, v1;
	_ =	sdelay $0xd  }
0x25e: {  	_, v2, vm0 =	vpop (xrf1);
	_ =	sdelay $0x3  }
0x25f: {  	v2 =	vcvt.s32.f32 v2  }
0x260: {  	[tilespmem:$0x1B8B0] =	vst v1  }
0x261: {  	[tilespmem:v1+s20+$0x0] =	vst.idx.add.f32.msk vm0, v2  }
0x262: {  	v1 =	vld [tilespmem:$0x29C0];
	_ =	sdelay $0x7  }
0x263: {  	v1 =	vld.idx.msk [tilespmem:v1+s5+$0x0], $0xffff;
	_ =	sdelay $0x4  }
0x264: {  	(xrf1) =	vunique.msk.u32 $0xffff, v1;
	_ =	sdelay $0xd  }
0x265: {  	_, v2, vm0 =	vpop (xrf1);
	_ =	sdelay $0x3  }
0x266: {  	v2 =	vcvt.s32.f32 v2  }
0x267: {  	[tilespmem:$0x1B8C0] =	vst v1  }
0x268: {  	[tilespmem:v1+s20+$0x0] =	vst.idx.add.f32.msk vm0, v2  }
0x269: {  	v1 =	vld [tilespmem:$0x29D0];
	_ =	sdelay $0x7  }
0x26a: {  	v1 =	vld.idx.msk [tilespmem:v1+s5+$0x0], $0xffff;
	_ =	sdelay $0x4  }
0x26b: {  	(xrf1) =	vunique.msk.u32 $0xffff, v1;
	_ =	sdelay $0xd  }
0x26c: {  	_, v2, vm0 =	vpop (xrf1);
	_ =	sdelay $0x3  }
0x26d: {  	v2 =	vcvt.s32.f32 v2  }
0x26e: {  	[tilespmem:$0x1B8D0] =	vst v1  }
0x26f: {  	[tilespmem:v1+s20+$0x0] =	vst.idx.add.f32.msk vm0, v2  }
0x270: {  	v1 =	vld [tilespmem:$0x29E0];
	_ =	sdelay $0x7  }
0x271: {  	v1 =	vld.idx.msk [tilespmem:v1+s5+$0x0], $0xffff;
	_ =	sdelay $0x4  }
0x272: {  	(xrf1) =	vunique.msk.u32 $0xffff, v1;
	_ =	sdelay $0xd  }
0x273: {  	_, v2, vm0 =	vpop (xrf1);
	_ =	sdelay $0x3  }
0x274: {  	v2 =	vcvt.s32.f32 v2  }
0x275: {  	[tilespmem:$0x1B8E0] =	vst v1  }
0x276: {  	[tilespmem:v1+s20+$0x0] =	vst.idx.add.f32.msk vm0, v2  }
0x277: {  	v1 =	vld [tilespmem:$0x29F0];
	_ =	sdelay $0x7  }
0x278: {  	v1 =	vld.idx.msk [tilespmem:v1+s5+$0x0], $0xffff;
	_ =	sdelay $0x4  }
0x279: {  	(xrf1) =	vunique.msk.u32 $0xffff, v1;
	_ =	sdelay $0xd  }
0x27a: {  	_, v2, vm0 =	vpop (xrf1);
	_ =	sdelay $0x3  }
0x27b: {  	v2 =	vcvt.s32.f32 v2  }
0x27c: {  	[tilespmem:$0x1B8F0] =	vst v1  }
0x27d: {  	[tilespmem:v1+s20+$0x0] =	vst.idx.add.f32.msk vm0, v2  }
0x27e: {  	v1 =	vld [tilespmem:$0x2A00];
	_ =	sdelay $0x7  }
0x27f: {  	v1 =	vld.idx.msk [tilespmem:v1+s5+$0x0], $0xffff;
	_ =	sdelay $0x4  }
0x280: {  	(xrf1) =	vunique.msk.u32 $0xffff, v1;
	_ =	sdelay $0xd  }
0x281: {  	_, v2, vm0 =	vpop (xrf1);
	_ =	sdelay $0x3  }
0x282: {  	v2 =	vcvt.s32.f32 v2  }
0x283: {  	[tilespmem:$0x1B900] =	vst v1  }
0x284: {  	[tilespmem:v1+s20+$0x0] =	vst.idx.add.f32.msk vm0, v2  }
0x285: {  	v1 =	vld [tilespmem:$0x2A10];
	_ =	sdelay $0x7  }
0x286: {  	v1 =	vld.idx.msk [tilespmem:v1+s5+$0x0], $0xffff;
	_ =	sdelay $0x4  }
0x287: {  	(xrf1) =	vunique.msk.u32 $0xffff, v1;
	_ =	sdelay $0xd  }
0x288: {  	_, v2, vm0 =	vpop (xrf1);
	_ =	sdelay $0x3  }
0x289: {  	v2 =	vcvt.s32.f32 v2  }
0x28a: {  	[tilespmem:$0x1B910] =	vst v1  }
0x28b: {  	[tilespmem:v1+s20+$0x0] =	vst.idx.add.f32.msk vm0, v2  }
0x28c: {  	v1 =	vld [tilespmem:$0x2A20];
	_ =	sdelay $0x7  }
0x28d: {  	v1 =	vld.idx.msk [tilespmem:v1+s5+$0x0], $0xffff;
	_ =	sdelay $0x4  }
0x28e: {  	(xrf1) =	vunique.msk.u32 $0xffff, v1;
	_ =	sdelay $0xd  }
0x28f: {  	_, v2, vm0 =	vpop (xrf1);
	_ =	sdelay $0x3  }
0x290: {  	v2 =	vcvt.s32.f32 v2  }
0x291: {  	[tilespmem:$0x1B920] =	vst v1  }
0x292: {  	[tilespmem:v1+s20+$0x0] =	vst.idx.add.f32.msk vm0, v2  }
0x293: {  	v1 =	vld [tilespmem:$0x2A30];
	_ =	sdelay $0x7  }
0x294: {  	v1 =	vld.idx.msk [tilespmem:v1+s5+$0x0], $0xffff;
	_ =	sdelay $0x4  }
0x295: {  	(xrf1) =	vunique.msk.u32 $0xffff, v1;
	_ =	sdelay $0xd  }
0x296: {  	_, v2, vm0 =	vpop (xrf1);
	_ =	sdelay $0x3  }
0x297: {  	v2 =	vcvt.s32.f32 v2  }
0x298: {  	[tilespmem:$0x1B930] =	vst v1  }
0x299: {  	[tilespmem:v1+s20+$0x0] =	vst.idx.add.f32.msk vm0, v2  }
0x29a: {  	v1 =	vld [tilespmem:$0x2A40];
	_ =	sdelay $0x7  }
0x29b: {  	v1 =	vld.idx.msk [tilespmem:v1+s5+$0x0], $0xffff;
	_ =	sdelay $0x4  }
0x29c: {  	(xrf1) =	vunique.msk.u32 $0xffff, v1;
	_ =	sdelay $0xd  }
0x29d: {  	_, v2, vm0 =	vpop (xrf1);
	_ =	sdelay $0x3  }
0x29e: {  	v2 =	vcvt.s32.f32 v2  }
0x29f: {  	[tilespmem:$0x1B940] =	vst v1  }
0x2a0: {  	[tilespmem:v1+s20+$0x0] =	vst.idx.add.f32.msk vm0, v2  }
0x2a1: {  	v1 =	vld [tilespmem:$0x2A50];
	_ =	sdelay $0x7  }
0x2a2: {  	v1 =	vld.idx.msk [tilespmem:v1+s5+$0x0], $0xffff;
	_ =	sdelay $0x4  }
0x2a3: {  	(xrf1) =	vunique.msk.u32 $0xffff, v1;
	_ =	sdelay $0xd  }
0x2a4: {  	_, v2, vm0 =	vpop (xrf1);
	_ =	sdelay $0x3  }
0x2a5: {  	v2 =	vcvt.s32.f32 v2  }
0x2a6: {  	[tilespmem:$0x1B950] =	vst v1  }
0x2a7: {  	[tilespmem:v1+s20+$0x0] =	vst.idx.add.f32.msk vm0, v2  }
0x2a8: {  	v1 =	vld [tilespmem:$0x2A60];
	_ =	sdelay $0x7  }
0x2a9: {  	v1 =	vld.idx.msk [tilespmem:v1+s5+$0x0], $0xffff;
	_ =	sdelay $0x4  }
0x2aa: {  	(xrf1) =	vunique.msk.u32 $0xffff, v1;
	_ =	sdelay $0xd  }
0x2ab: {  	_, v2, vm0 =	vpop (xrf1);
	_ =	sdelay $0x3  }
0x2ac: {  	v2 =	vcvt.s32.f32 v2  }
0x2ad: {  	[tilespmem:$0x1B960] =	vst v1  }
0x2ae: {  	[tilespmem:v1+s20+$0x0] =	vst.idx.add.f32.msk vm0, v2  }
0x2af: {  	v1 =	vld [tilespmem:$0x2A70];
	_ =	sdelay $0x7  }
0x2b0: {  	v1 =	vld.idx.msk [tilespmem:v1+s5+$0x0], $0xffff;
	_ =	sdelay $0x4  }
0x2b1: {  	(xrf1) =	vunique.msk.u32 $0xffff, v1;
	_ =	sdelay $0xd  }
0x2b2: {  	_, v2, vm0 =	vpop (xrf1);
	_ =	sdelay $0x3  }
0x2b3: {  	v2 =	vcvt.s32.f32 v2  }
0x2b4: {  	[tilespmem:$0x1B970] =	vst v1  }
0x2b5: {  	[tilespmem:v1+s20+$0x0] =	vst.idx.add.f32.msk vm0, v2  }
0x2b6: {  	_ =	swait.ge [sflag:s29], $0x8000  }
0x2b7: {  	[sflag:s29] =	ssyncset.done $0x0  }
0x2b8: {  	s25 =	simm.s32 $0x1B880;
	[sflag:s29] =	ssyncadd.s32 $0xFFFF8000  }
0x2b9: {  	[spmem:s4] =	stream.indirect.scatter.add.f32 [tilespmem:s12], [sflag:$0x6], $0x80, s25, s14, $0xb8;
	[tilespmem:$0x1BF00] =	vst v63  }
0x2ba: {  	_ = 	snop  }
0x2bb: {  	[spmem:s4] =	stream.indirect.scatter.add.f32 [tilespmem:s31], [sflag:$0x6], $0x80, s0, s14, $0xb8;
	[tilespmem:$0x1BF00] =	vst v63  }
0x2bc: {  	_ =	swait.ge [sflag:s3], $0x4000  }
0x2bd: {  	[sflag:s3] =	ssyncset.done $0x0  }
0x2be: {  	[sflag:s3] =	ssyncadd.s32 $0xFFFFC000  }
0x2bf: {  	_ =	swait.ge [sflag:s3], $0x4000  }
0x2c0: {  	[sflag:s3] =	ssyncset.done $0x0  }
0x2c1: {  	[sflag:s3] =	ssyncadd.s32 $0xFFFFC000  }
0x2c2: {  	[tilespmem:s23], [sflag:$0x8] =	stream.linear.gather [hbm4b:s15+s5], $0x100, $0x38;
	[tilespmem:$0x1BF00] =	vst v63  }
0x2c3: {  	s25 =	sadd.s32 $0x4000, s17  }
0x2c4: {  	[tilespmem:s2], [sflag:$0x2] =	stream.linear.gather [hbm4b:s25+s5], $0x8000, $0x38;
	[tilespmem:$0x1BF00] =	vst v63  }
0x2c5: {  	_ =	swait.ge [sflag:s13], $0x100  }
0x2c6: {  	[sflag:s13] =	ssyncset.done $0x0  }
0x2c7: {  	[sflag:s13] =	ssyncadd.s32 $0xFFFFFF00  }
0x2c8: {  	v1 =	vld [tilespmem:$0x2780];
	_ =	sdelay $0x7  }
0x2c9: {  	v1 =	vld.idx.msk [tilespmem:v1+s5+$0x0], $0xffff;
	_ =	sdelay $0x4  }
0x2ca: {  	(xrf1) =	vunique.msk.u32 $0xffff, v1;
	_ =	sdelay $0xd  }
0x2cb: {  	_, v2, vm0 =	vpop (xrf1);
	_ =	sdelay $0x3  }
0x2cc: {  	v2 =	vcvt.s32.f32 v2  }
0x2cd: {  	[tilespmem:$0x1B680] =	vst v1  }
0x2ce: {  	[tilespmem:v1+s20+$0x0] =	vst.idx.add.f32.msk vm0, v2  }
0x2cf: {  	v1 =	vld [tilespmem:$0x2790];
	_ =	sdelay $0x7  }
0x2d0: {  	v1 =	vld.idx.msk [tilespmem:v1+s5+$0x0], $0xffff;
	_ =	sdelay $0x4  }
0x2d1: {  	(xrf1) =	vunique.msk.u32 $0xffff, v1;
	_ =	sdelay $0xd  }
0x2d2: {  	_, v2, vm0 =	vpop (xrf1);
	_ =	sdelay $0x3  }
0x2d3: {  	v2 =	vcvt.s32.f32 v2  }
0x2d4: {  	[tilespmem:$0x1B690] =	vst v1  }
0x2d5: {  	[tilespmem:v1+s20+$0x0] =	vst.idx.add.f32.msk vm0, v2  }
0x2d6: {  	v1 =	vld [tilespmem:$0x27A0];
	_ =	sdelay $0x7  }
0x2d7: {  	v1 =	vld.idx.msk [tilespmem:v1+s5+$0x0], $0xffff;
	_ =	sdelay $0x4  }
0x2d8: {  	(xrf1) =	vunique.msk.u32 $0xffff, v1;
	_ =	sdelay $0xd  }
0x2d9: {  	_, v2, vm0 =	vpop (xrf1);
	_ =	sdelay $0x3  }
0x2da: {  	v2 =	vcvt.s32.f32 v2  }
0x2db: {  	[tilespmem:$0x1B6A0] =	vst v1  }
0x2dc: {  	[tilespmem:v1+s20+$0x0] =	vst.idx.add.f32.msk vm0, v2  }
0x2dd: {  	v1 =	vld [tilespmem:$0x27B0];
	_ =	sdelay $0x7  }
0x2de: {  	v1 =	vld.idx.msk [tilespmem:v1+s5+$0x0], $0xffff;
	_ =	sdelay $0x4  }
0x2df: {  	(xrf1) =	vunique.msk.u32 $0xffff, v1;
	_ =	sdelay $0xd  }
0x2e0: {  	_, v2, vm0 =	vpop (xrf1);
	_ =	sdelay $0x3  }
0x2e1: {  	v2 =	vcvt.s32.f32 v2  }
0x2e2: {  	[tilespmem:$0x1B6B0] =	vst v1  }
0x2e3: {  	[tilespmem:v1+s20+$0x0] =	vst.idx.add.f32.msk vm0, v2  }
0x2e4: {  	v1 =	vld [tilespmem:$0x27C0];
	_ =	sdelay $0x7  }
0x2e5: {  	v1 =	vld.idx.msk [tilespmem:v1+s5+$0x0], $0xffff;
	_ =	sdelay $0x4  }
0x2e6: {  	(xrf1) =	vunique.msk.u32 $0xffff, v1;
	_ =	sdelay $0xd  }
0x2e7: {  	_, v2, vm0 =	vpop (xrf1);
	_ =	sdelay $0x3  }
0x2e8: {  	v2 =	vcvt.s32.f32 v2  }
0x2e9: {  	[tilespmem:$0x1B6C0] =	vst v1  }
0x2ea: {  	[tilespmem:v1+s20+$0x0] =	vst.idx.add.f32.msk vm0, v2  }
0x2eb: {  	v1 =	vld [tilespmem:$0x27D0];
	_ =	sdelay $0x7  }
0x2ec: {  	v1 =	vld.idx.msk [tilespmem:v1+s5+$0x0], $0xffff;
	_ =	sdelay $0x4  }
0x2ed: {  	(xrf1) =	vunique.msk.u32 $0xffff, v1;
	_ =	sdelay $0xd  }
0x2ee: {  	_, v2, vm0 =	vpop (xrf1);
	_ =	sdelay $0x3  }
0x2ef: {  	v2 =	vcvt.s32.f32 v2  }
0x2f0: {  	[tilespmem:$0x1B6D0] =	vst v1  }
0x2f1: {  	[tilespmem:v1+s20+$0x0] =	vst.idx.add.f32.msk vm0, v2  }
0x2f2: {  	v1 =	vld [tilespmem:$0x27E0];
	_ =	sdelay $0x7  }
0x2f3: {  	v1 =	vld.idx.msk [tilespmem:v1+s5+$0x0], $0xffff;
	_ =	sdelay $0x4  }
0x2f4: {  	(xrf1) =	vunique.msk.u32 $0xffff, v1;
	_ =	sdelay $0xd  }
0x2f5: {  	_, v2, vm0 =	vpop (xrf1);
	_ =	sdelay $0x3  }
0x2f6: {  	v2 =	vcvt.s32.f32 v2  }
0x2f7: {  	[tilespmem:$0x1B6E0] =	vst v1  }
0x2f8: {  	[tilespmem:v1+s20+$0x0] =	vst.idx.add.f32.msk vm0, v2  }
0x2f9: {  	v1 =	vld [tilespmem:$0x27F0];
	_ =	sdelay $0x7  }
0x2fa: {  	v1 =	vld.idx.msk [tilespmem:v1+s5+$0x0], $0xffff;
	_ =	sdelay $0x4  }
0x2fb: {  	(xrf1) =	vunique.msk.u32 $0xffff, v1;
	_ =	sdelay $0xd  }
0x2fc: {  	_, v2, vm0 =	vpop (xrf1);
	_ =	sdelay $0x3  }
0x2fd: {  	v2 =	vcvt.s32.f32 v2  }
0x2fe: {  	[tilespmem:$0x1B6F0] =	vst v1  }
0x2ff: {  	[tilespmem:v1+s20+$0x0] =	vst.idx.add.f32.msk vm0, v2  }
0x300: {  	v1 =	vld [tilespmem:$0x2800];
	_ =	sdelay $0x7  }
0x301: {  	v1 =	vld.idx.msk [tilespmem:v1+s5+$0x0], $0xffff;
	_ =	sdelay $0x4  }
0x302: {  	(xrf1) =	vunique.msk.u32 $0xffff, v1;
	_ =	sdelay $0xd  }
0x303: {  	_, v2, vm0 =	vpop (xrf1);
	_ =	sdelay $0x3  }
0x304: {  	v2 =	vcvt.s32.f32 v2  }
0x305: {  	[tilespmem:$0x1B700] =	vst v1  }
0x306: {  	[tilespmem:v1+s20+$0x0] =	vst.idx.add.f32.msk vm0, v2  }
0x307: {  	v1 =	vld [tilespmem:$0x2810];
	_ =	sdelay $0x7  }
0x308: {  	v1 =	vld.idx.msk [tilespmem:v1+s5+$0x0], $0xffff;
	_ =	sdelay $0x4  }
0x309: {  	(xrf1) =	vunique.msk.u32 $0xffff, v1;
	_ =	sdelay $0xd  }
0x30a: {  	_, v2, vm0 =	vpop (xrf1);
	_ =	sdelay $0x3  }
0x30b: {  	v2 =	vcvt.s32.f32 v2  }
0x30c: {  	[tilespmem:$0x1B710] =	vst v1  }
0x30d: {  	[tilespmem:v1+s20+$0x0] =	vst.idx.add.f32.msk vm0, v2  }
0x30e: {  	v1 =	vld [tilespmem:$0x2820];
	_ =	sdelay $0x7  }
0x30f: {  	v1 =	vld.idx.msk [tilespmem:v1+s5+$0x0], $0xffff;
	_ =	sdelay $0x4  }
0x310: {  	(xrf1) =	vunique.msk.u32 $0xffff, v1;
	_ =	sdelay $0xd  }
0x311: {  	_, v2, vm0 =	vpop (xrf1);
	_ =	sdelay $0x3  }
0x312: {  	v2 =	vcvt.s32.f32 v2  }
0x313: {  	[tilespmem:$0x1B720] =	vst v1  }
0x314: {  	[tilespmem:v1+s20+$0x0] =	vst.idx.add.f32.msk vm0, v2  }
0x315: {  	v1 =	vld [tilespmem:$0x2830];
	_ =	sdelay $0x7  }
0x316: {  	v1 =	vld.idx.msk [tilespmem:v1+s5+$0x0], $0xffff;
	_ =	sdelay $0x4  }
0x317: {  	(xrf1) =	vunique.msk.u32 $0xffff, v1;
	_ =	sdelay $0xd  }
0x318: {  	_, v2, vm0 =	vpop (xrf1);
	_ =	sdelay $0x3  }
0x319: {  	v2 =	vcvt.s32.f32 v2  }
0x31a: {  	[tilespmem:$0x1B730] =	vst v1  }
0x31b: {  	[tilespmem:v1+s20+$0x0] =	vst.idx.add.f32.msk vm0, v2  }
0x31c: {  	v1 =	vld [tilespmem:$0x2840];
	_ =	sdelay $0x7  }
0x31d: {  	v1 =	vld.idx.msk [tilespmem:v1+s5+$0x0], $0xffff;
	_ =	sdelay $0x4  }
0x31e: {  	(xrf1) =	vunique.msk.u32 $0xffff, v1;
	_ =	sdelay $0xd  }
0x31f: {  	_, v2, vm0 =	vpop (xrf1);
	_ =	sdelay $0x3  }
0x320: {  	v2 =	vcvt.s32.f32 v2  }
0x321: {  	[tilespmem:$0x1B740] =	vst v1  }
0x322: {  	[tilespmem:v1+s20+$0x0] =	vst.idx.add.f32.msk vm0, v2  }
0x323: {  	v1 =	vld [tilespmem:$0x2850];
	_ =	sdelay $0x7  }
0x324: {  	v1 =	vld.idx.msk [tilespmem:v1+s5+$0x0], $0xffff;
	_ =	sdelay $0x4  }
0x325: {  	(xrf1) =	vunique.msk.u32 $0xffff, v1;
	_ =	sdelay $0xd  }
0x326: {  	_, v2, vm0 =	vpop (xrf1);
	_ =	sdelay $0x3  }
0x327: {  	v2 =	vcvt.s32.f32 v2  }
0x328: {  	[tilespmem:$0x1B750] =	vst v1  }
0x329: {  	[tilespmem:v1+s20+$0x0] =	vst.idx.add.f32.msk vm0, v2  }
0x32a: {  	v1 =	vld [tilespmem:$0x2860];
	_ =	sdelay $0x7  }
0x32b: {  	v1 =	vld.idx.msk [tilespmem:v1+s5+$0x0], $0xffff;
	_ =	sdelay $0x4  }
0x32c: {  	(xrf1) =	vunique.msk.u32 $0xffff, v1;
	_ =	sdelay $0xd  }
0x32d: {  	_, v2, vm0 =	vpop (xrf1);
	_ =	sdelay $0x3  }
0x32e: {  	v2 =	vcvt.s32.f32 v2  }
0x32f: {  	[tilespmem:$0x1B760] =	vst v1  }
0x330: {  	[tilespmem:v1+s20+$0x0] =	vst.idx.add.f32.msk vm0, v2  }
0x331: {  	v1 =	vld [tilespmem:$0x2870];
	_ =	sdelay $0x7  }
0x332: {  	v1 =	vld.idx.msk [tilespmem:v1+s5+$0x0], $0xffff;
	_ =	sdelay $0x4  }
0x333: {  	(xrf1) =	vunique.msk.u32 $0xffff, v1;
	_ =	sdelay $0xd  }
0x334: {  	_, v2, vm0 =	vpop (xrf1);
	_ =	sdelay $0x3  }
0x335: {  	v2 =	vcvt.s32.f32 v2  }
0x336: {  	[tilespmem:$0x1B770] =	vst v1  }
0x337: {  	[tilespmem:v1+s20+$0x0] =	vst.idx.add.f32.msk vm0, v2  }
0x338: {  	_ =	swait.ge [sflag:s21], $0x8000  }
0x339: {  	[sflag:s21] =	ssyncset.done $0x0  }
0x33a: {  	[sflag:s21] =	ssyncadd.s32 $0xFFFF8000  }
0x33b: {  	[spmem:s4] =	stream.indirect.scatter.add.f32 [tilespmem:s26], [sflag:$0x4], $0x80, s6, s14, $0xb8;
	[tilespmem:$0x1BF00] =	vst v63  }
0x33c: {  	_ = 	snop  }
0x33d: {  	[spmem:s4] =	stream.indirect.scatter.add.f32 [tilespmem:s30], [sflag:$0x4], $0x80, s7, s14, $0xb8;
	[tilespmem:$0x1BF00] =	vst v63  }
0x33e: {  	_ =	swait.ge [sflag:s18], $0x4000  }
0x33f: {  	[sflag:s18] =	ssyncset.done $0x0  }
0x340: {  	[sflag:s18] =	ssyncadd.s32 $0xFFFFC000  }
0x341: {  	p3 =	sne.s32 s16, $0x21000;
	_ =	swait.ge [sflag:s18], $0x4000  }
.Ltmp2:
0x342: {  	[sflag:s18] =	ssyncset.done $0x0;
	(pc) =	sbr.rel @p3 .LBB2_2-.Ltmp2, $4  }
0x343: {  	s16 =	sadd.s32 $0x3000, s16;
	s19 =	sadd.s32 $0x60, s19;
	[sflag:s18] =	ssyncadd.s32 $0xFFFFC000  }
0x344: {  	[tilespmem:s24], [sflag:$0x9] =	stream.linear.gather [hbm4b:s8+s5], $0x100, $0x38;
	[tilespmem:$0x1BF00] =	vst v63  }
0x345: {  	s17 =	sadd.s32 $0x5000, s17;
	s15 =	sadd.s32 $0x60, s15;
	s8 =	sadd.s32 $0x60, s8  }
0x346: {  	[tilespmem:s12], [sflag:$0x3] =	stream.linear.gather [hbm4b:s17+s5], $0x8000, $0x38;
	[tilespmem:$0x1BF00] =	vst v63  }
0x347: {  	_ =	swait.ge [sflag:s9], $0x100  }
0x348: {  	[sflag:s9] =	ssyncset.done $0x0  }
0x349: {  	[sflag:s9] =	ssyncadd.s32 $0xFFFFFF00  }
0x34a: {  	v1 =	vld [tilespmem:$0x2880];
	_ =	sdelay $0x7  }
0x34b: {  	v1 =	vld.idx.msk [tilespmem:v1+s5+$0x0], $0xffff;
	_ =	sdelay $0x4  }
0x34c: {  	(xrf1) =	vunique.msk.u32 $0xffff, v1;
	_ =	sdelay $0xd  }
0x34d: {  	_, v2, vm0 =	vpop (xrf1);
	_ =	sdelay $0x3  }
0x34e: {  	v2 =	vcvt.s32.f32 v2  }
0x34f: {  	[tilespmem:$0x1B780] =	vst v1  }
0x350: {  	[tilespmem:v1+s20+$0x0] =	vst.idx.add.f32.msk vm0, v2  }
0x351: {  	v1 =	vld [tilespmem:$0x2890];
	_ =	sdelay $0x7  }
0x352: {  	v1 =	vld.idx.msk [tilespmem:v1+s5+$0x0], $0xffff;
	_ =	sdelay $0x4  }
0x353: {  	(xrf1) =	vunique.msk.u32 $0xffff, v1;
	_ =	sdelay $0xd  }
0x354: {  	_, v2, vm0 =	vpop (xrf1);
	_ =	sdelay $0x3  }
0x355: {  	v2 =	vcvt.s32.f32 v2  }
0x356: {  	[tilespmem:$0x1B790] =	vst v1  }
0x357: {  	[tilespmem:v1+s20+$0x0] =	vst.idx.add.f32.msk vm0, v2  }
0x358: {  	v1 =	vld [tilespmem:$0x28A0];
	_ =	sdelay $0x7  }
0x359: {  	v1 =	vld.idx.msk [tilespmem:v1+s5+$0x0], $0xffff;
	_ =	sdelay $0x4  }
0x35a: {  	(xrf1) =	vunique.msk.u32 $0xffff, v1;
	_ =	sdelay $0xd  }
0x35b: {  	_, v2, vm0 =	vpop (xrf1);
	_ =	sdelay $0x3  }
0x35c: {  	v2 =	vcvt.s32.f32 v2  }
0x35d: {  	[tilespmem:$0x1B7A0] =	vst v1  }
0x35e: {  	[tilespmem:v1+s20+$0x0] =	vst.idx.add.f32.msk vm0, v2  }
0x35f: {  	v1 =	vld [tilespmem:$0x28B0];
	_ =	sdelay $0x7  }
0x360: {  	v1 =	vld.idx.msk [tilespmem:v1+s5+$0x0], $0xffff;
	_ =	sdelay $0x4  }
0x361: {  	(xrf1) =	vunique.msk.u32 $0xffff, v1;
	_ =	sdelay $0xd  }
0x362: {  	_, v2, vm0 =	vpop (xrf1);
	_ =	sdelay $0x3  }
0x363: {  	v2 =	vcvt.s32.f32 v2  }
0x364: {  	[tilespmem:$0x1B7B0] =	vst v1  }
0x365: {  	[tilespmem:v1+s20+$0x0] =	vst.idx.add.f32.msk vm0, v2  }
0x366: {  	v1 =	vld [tilespmem:$0x28C0];
	_ =	sdelay $0x7  }
0x367: {  	v1 =	vld.idx.msk [tilespmem:v1+s5+$0x0], $0xffff;
	_ =	sdelay $0x4  }
0x368: {  	(xrf1) =	vunique.msk.u32 $0xffff, v1;
	_ =	sdelay $0xd  }
0x369: {  	_, v2, vm0 =	vpop (xrf1);
	_ =	sdelay $0x3  }
0x36a: {  	v2 =	vcvt.s32.f32 v2  }
0x36b: {  	[tilespmem:$0x1B7C0] =	vst v1  }
0x36c: {  	[tilespmem:v1+s20+$0x0] =	vst.idx.add.f32.msk vm0, v2  }
0x36d: {  	v1 =	vld [tilespmem:$0x28D0];
	_ =	sdelay $0x7  }
0x36e: {  	v1 =	vld.idx.msk [tilespmem:v1+s5+$0x0], $0xffff;
	_ =	sdelay $0x4  }
0x36f: {  	(xrf1) =	vunique.msk.u32 $0xffff, v1;
	_ =	sdelay $0xd  }
0x370: {  	_, v2, vm0 =	vpop (xrf1);
	_ =	sdelay $0x3  }
0x371: {  	v2 =	vcvt.s32.f32 v2  }
0x372: {  	[tilespmem:$0x1B7D0] =	vst v1  }
0x373: {  	[tilespmem:v1+s20+$0x0] =	vst.idx.add.f32.msk vm0, v2  }
0x374: {  	v1 =	vld [tilespmem:$0x28E0];
	_ =	sdelay $0x7  }
0x375: {  	v1 =	vld.idx.msk [tilespmem:v1+s5+$0x0], $0xffff;
	_ =	sdelay $0x4  }
0x376: {  	(xrf1) =	vunique.msk.u32 $0xffff, v1;
	_ =	sdelay $0xd  }
0x377: {  	_, v2, vm0 =	vpop (xrf1);
	_ =	sdelay $0x3  }
0x378: {  	v2 =	vcvt.s32.f32 v2  }
0x379: {  	[tilespmem:$0x1B7E0] =	vst v1  }
0x37a: {  	[tilespmem:v1+s20+$0x0] =	vst.idx.add.f32.msk vm0, v2  }
0x37b: {  	v1 =	vld [tilespmem:$0x28F0];
	_ =	sdelay $0x7  }
0x37c: {  	v1 =	vld.idx.msk [tilespmem:v1+s5+$0x0], $0xffff;
	_ =	sdelay $0x4  }
0x37d: {  	(xrf1) =	vunique.msk.u32 $0xffff, v1;
	_ =	sdelay $0xd  }
0x37e: {  	_, v2, vm0 =	vpop (xrf1);
	_ =	sdelay $0x3  }
0x37f: {  	v2 =	vcvt.s32.f32 v2  }
0x380: {  	[tilespmem:$0x1B7F0] =	vst v1  }
0x381: {  	[tilespmem:v1+s20+$0x0] =	vst.idx.add.f32.msk vm0, v2  }
0x382: {  	v1 =	vld [tilespmem:$0x2900];
	_ =	sdelay $0x7  }
0x383: {  	v1 =	vld.idx.msk [tilespmem:v1+s5+$0x0], $0xffff;
	_ =	sdelay $0x4  }
0x384: {  	(xrf1) =	vunique.msk.u32 $0xffff, v1;
	_ =	sdelay $0xd  }
0x385: {  	_, v2, vm0 =	vpop (xrf1);
	_ =	sdelay $0x3  }
0x386: {  	v2 =	vcvt.s32.f32 v2  }
0x387: {  	[tilespmem:$0x1B800] =	vst v1  }
0x388: {  	[tilespmem:v1+s20+$0x0] =	vst.idx.add.f32.msk vm0, v2  }
0x389: {  	v1 =	vld [tilespmem:$0x2910];
	_ =	sdelay $0x7  }
0x38a: {  	v1 =	vld.idx.msk [tilespmem:v1+s5+$0x0], $0xffff;
	_ =	sdelay $0x4  }
0x38b: {  	(xrf1) =	vunique.msk.u32 $0xffff, v1;
	_ =	sdelay $0xd  }
0x38c: {  	_, v2, vm0 =	vpop (xrf1);
	_ =	sdelay $0x3  }
0x38d: {  	v2 =	vcvt.s32.f32 v2  }
0x38e: {  	[tilespmem:$0x1B810] =	vst v1  }
0x38f: {  	[tilespmem:v1+s20+$0x0] =	vst.idx.add.f32.msk vm0, v2  }
0x390: {  	v1 =	vld [tilespmem:$0x2920];
	_ =	sdelay $0x7  }
0x391: {  	v1 =	vld.idx.msk [tilespmem:v1+s5+$0x0], $0xffff;
	_ =	sdelay $0x4  }
0x392: {  	(xrf1) =	vunique.msk.u32 $0xffff, v1;
	_ =	sdelay $0xd  }
0x393: {  	_, v2, vm0 =	vpop (xrf1);
	_ =	sdelay $0x3  }
0x394: {  	v2 =	vcvt.s32.f32 v2  }
0x395: {  	[tilespmem:$0x1B820] =	vst v1  }
0x396: {  	[tilespmem:v1+s20+$0x0] =	vst.idx.add.f32.msk vm0, v2  }
0x397: {  	v1 =	vld [tilespmem:$0x2930];
	_ =	sdelay $0x7  }
0x398: {  	v1 =	vld.idx.msk [tilespmem:v1+s5+$0x0], $0xffff;
	_ =	sdelay $0x4  }
0x399: {  	(xrf1) =	vunique.msk.u32 $0xffff, v1;
	_ =	sdelay $0xd  }
0x39a: {  	_, v2, vm0 =	vpop (xrf1);
	_ =	sdelay $0x3  }
0x39b: {  	v2 =	vcvt.s32.f32 v2  }
0x39c: {  	[tilespmem:$0x1B830] =	vst v1  }
0x39d: {  	[tilespmem:v1+s20+$0x0] =	vst.idx.add.f32.msk vm0, v2  }
0x39e: {  	v1 =	vld [tilespmem:$0x2940];
	_ =	sdelay $0x7  }
0x39f: {  	v1 =	vld.idx.msk [tilespmem:v1+s5+$0x0], $0xffff;
	_ =	sdelay $0x4  }
0x3a0: {  	(xrf1) =	vunique.msk.u32 $0xffff, v1;
	_ =	sdelay $0xd  }
0x3a1: {  	_, v2, vm0 =	vpop (xrf1);
	_ =	sdelay $0x3  }
0x3a2: {  	v2 =	vcvt.s32.f32 v2  }
0x3a3: {  	[tilespmem:$0x1B840] =	vst v1  }
0x3a4: {  	[tilespmem:v1+s20+$0x0] =	vst.idx.add.f32.msk vm0, v2  }
0x3a5: {  	v1 =	vld [tilespmem:$0x2950];
	_ =	sdelay $0x7  }
0x3a6: {  	v1 =	vld.idx.msk [tilespmem:v1+s5+$0x0], $0xffff;
	_ =	sdelay $0x4  }
0x3a7: {  	(xrf1) =	vunique.msk.u32 $0xffff, v1;
	_ =	sdelay $0xd  }
0x3a8: {  	_, v2, vm0 =	vpop (xrf1);
	_ =	sdelay $0x3  }
0x3a9: {  	v2 =	vcvt.s32.f32 v2  }
0x3aa: {  	[tilespmem:$0x1B850] =	vst v1  }
0x3ab: {  	[tilespmem:v1+s20+$0x0] =	vst.idx.add.f32.msk vm0, v2  }
0x3ac: {  	v1 =	vld [tilespmem:$0x2960];
	_ =	sdelay $0x7  }
0x3ad: {  	v1 =	vld.idx.msk [tilespmem:v1+s5+$0x0], $0xffff;
	_ =	sdelay $0x4  }
0x3ae: {  	(xrf1) =	vunique.msk.u32 $0xffff, v1;
	_ =	sdelay $0xd  }
0x3af: {  	_, v2, vm0 =	vpop (xrf1);
	_ =	sdelay $0x3  }
0x3b0: {  	v2 =	vcvt.s32.f32 v2  }
0x3b1: {  	[tilespmem:$0x1B860] =	vst v1  }
0x3b2: {  	[tilespmem:v1+s20+$0x0] =	vst.idx.add.f32.msk vm0, v2  }
0x3b3: {  	v1 =	vld [tilespmem:$0x2970];
	_ =	sdelay $0x7  }
0x3b4: {  	v1 =	vld.idx.msk [tilespmem:v1+s5+$0x0], $0xffff;
	_ =	sdelay $0x4  }
0x3b5: {  	(xrf1) =	vunique.msk.u32 $0xffff, v1;
	_ =	sdelay $0xd  }
0x3b6: {  	_, v2, vm0 =	vpop (xrf1);
	_ =	sdelay $0x3  }
0x3b7: {  	v2 =	vcvt.s32.f32 v2  }
0x3b8: {  	[tilespmem:$0x1B870] =	vst v1  }
0x3b9: {  	[tilespmem:v1+s20+$0x0] =	vst.idx.add.f32.msk vm0, v2  }
0x3ba: {  	_ =	swait.ge [sflag:s10], $0x8000  }
0x3bb: {  	[sflag:s10] =	ssyncset.done $0x0  }
0x3bc: {  	s6 =	simm.s32 $0x1B780;
	[sflag:s10] =	ssyncadd.s32 $0xFFFF8000  }
0x3bd: {  	[spmem:s4] =	stream.indirect.scatter.add.f32 [tilespmem:s2], [sflag:$0x5], $0x80, s6, s14, $0xb8;
	[tilespmem:$0x1BF00] =	vst v63  }
0x3be: {  	s24 =	simm.s32 $0x1B800  }
0x3bf: {  	[spmem:s4] =	stream.indirect.scatter.add.f32 [tilespmem:s1], [sflag:$0x5], $0x80, s24, s14, $0xb8;
	[tilespmem:$0x1BF00] =	vst v63  }
0x3c0: {  	_ =	swait.ge [sflag:s11], $0x4000  }
0x3c1: {  	[sflag:s11] =	ssyncset.done $0x0  }
0x3c2: {  	[sflag:s11] =	ssyncadd.s32 $0xFFFFC000  }
0x3c3: {  	_ =	swait.ge [sflag:s11], $0x4000  }
0x3c4: {  	[sflag:s11] =	ssyncset.done $0x0  }
0x3c5: {  	[sflag:s11] =	ssyncadd.s32 $0xFFFFC000  }
0x3c6: {  	_ =	swait.ge [sflag:s28], $0x100  }
0x3c7: {  	[sflag:s28] =	ssyncset.done $0x0  }
0x3c8: {  	[sflag:s28] =	ssyncadd.s32 $0xFFFFFF00  }
0x3c9: {  	v1 =	vld [tilespmem:$0x2980];
	_ =	sdelay $0x7  }
0x3ca: {  	v1 =	vld.idx.msk [tilespmem:v1+s5+$0x0], $0xffff;
	_ =	sdelay $0x4  }
0x3cb: {  	(xrf1) =	vunique.msk.u32 $0xffff, v1;
	_ =	sdelay $0xd  }
0x3cc: {  	_, v2, vm0 =	vpop (xrf1);
	_ =	sdelay $0x3  }
0x3cd: {  	v2 =	vcvt.s32.f32 v2  }
0x3ce: {  	[tilespmem:$0x1B880] =	vst v1  }
0x3cf: {  	[tilespmem:v1+s20+$0x0] =	vst.idx.add.f32.msk vm0, v2  }
0x3d0: {  	v1 =	vld [tilespmem:$0x2990];
	_ =	sdelay $0x7  }
0x3d1: {  	v1 =	vld.idx.msk [tilespmem:v1+s5+$0x0], $0xffff;
	_ =	sdelay $0x4  }
0x3d2: {  	(xrf1) =	vunique.msk.u32 $0xffff, v1;
	_ =	sdelay $0xd  }
0x3d3: {  	_, v2, vm0 =	vpop (xrf1);
	_ =	sdelay $0x3  }
0x3d4: {  	v2 =	vcvt.s32.f32 v2  }
0x3d5: {  	[tilespmem:$0x1B890] =	vst v1  }
0x3d6: {  	[tilespmem:v1+s20+$0x0] =	vst.idx.add.f32.msk vm0, v2  }
0x3d7: {  	v1 =	vld [tilespmem:$0x29A0];
	_ =	sdelay $0x7  }
0x3d8: {  	v1 =	vld.idx.msk [tilespmem:v1+s5+$0x0], $0xffff;
	_ =	sdelay $0x4  }
0x3d9: {  	(xrf1) =	vunique.msk.u32 $0xffff, v1;
	_ =	sdelay $0xd  }
0x3da: {  	_, v2, vm0 =	vpop (xrf1);
	_ =	sdelay $0x3  }
0x3db: {  	v2 =	vcvt.s32.f32 v2  }
0x3dc: {  	[tilespmem:$0x1B8A0] =	vst v1  }
0x3dd: {  	[tilespmem:v1+s20+$0x0] =	vst.idx.add.f32.msk vm0, v2  }
0x3de: {  	v1 =	vld [tilespmem:$0x29B0];
	_ =	sdelay $0x7  }
0x3df: {  	v1 =	vld.idx.msk [tilespmem:v1+s5+$0x0], $0xffff;
	_ =	sdelay $0x4  }
0x3e0: {  	(xrf1) =	vunique.msk.u32 $0xffff, v1;
	_ =	sdelay $0xd  }
0x3e1: {  	_, v2, vm0 =	vpop (xrf1);
	_ =	sdelay $0x3  }
0x3e2: {  	v2 =	vcvt.s32.f32 v2  }
0x3e3: {  	[tilespmem:$0x1B8B0] =	vst v1  }
0x3e4: {  	[tilespmem:v1+s20+$0x0] =	vst.idx.add.f32.msk vm0, v2  }
0x3e5: {  	v1 =	vld [tilespmem:$0x29C0];
	_ =	sdelay $0x7  }
0x3e6: {  	v1 =	vld.idx.msk [tilespmem:v1+s5+$0x0], $0xffff;
	_ =	sdelay $0x4  }
0x3e7: {  	(xrf1) =	vunique.msk.u32 $0xffff, v1;
	_ =	sdelay $0xd  }
0x3e8: {  	_, v2, vm0 =	vpop (xrf1);
	_ =	sdelay $0x3  }
0x3e9: {  	v2 =	vcvt.s32.f32 v2  }
0x3ea: {  	[tilespmem:$0x1B8C0] =	vst v1  }
0x3eb: {  	[tilespmem:v1+s20+$0x0] =	vst.idx.add.f32.msk vm0, v2  }
0x3ec: {  	v1 =	vld [tilespmem:$0x29D0];
	_ =	sdelay $0x7  }
0x3ed: {  	v1 =	vld.idx.msk [tilespmem:v1+s5+$0x0], $0xffff;
	_ =	sdelay $0x4  }
0x3ee: {  	(xrf1) =	vunique.msk.u32 $0xffff, v1;
	_ =	sdelay $0xd  }
0x3ef: {  	_, v2, vm0 =	vpop (xrf1);
	_ =	sdelay $0x3  }
0x3f0: {  	v2 =	vcvt.s32.f32 v2  }
0x3f1: {  	[tilespmem:$0x1B8D0] =	vst v1  }
0x3f2: {  	[tilespmem:v1+s20+$0x0] =	vst.idx.add.f32.msk vm0, v2  }
0x3f3: {  	v1 =	vld [tilespmem:$0x29E0];
	_ =	sdelay $0x7  }
0x3f4: {  	v1 =	vld.idx.msk [tilespmem:v1+s5+$0x0], $0xffff;
	_ =	sdelay $0x4  }
0x3f5: {  	(xrf1) =	vunique.msk.u32 $0xffff, v1;
	_ =	sdelay $0xd  }
0x3f6: {  	_, v2, vm0 =	vpop (xrf1);
	_ =	sdelay $0x3  }
0x3f7: {  	v2 =	vcvt.s32.f32 v2  }
0x3f8: {  	[tilespmem:$0x1B8E0] =	vst v1  }
0x3f9: {  	[tilespmem:v1+s20+$0x0] =	vst.idx.add.f32.msk vm0, v2  }
0x3fa: {  	v1 =	vld [tilespmem:$0x29F0];
	_ =	sdelay $0x7  }
0x3fb: {  	v1 =	vld.idx.msk [tilespmem:v1+s5+$0x0], $0xffff;
	_ =	sdelay $0x4  }
0x3fc: {  	(xrf1) =	vunique.msk.u32 $0xffff, v1;
	_ =	sdelay $0xd  }
0x3fd: {  	_, v2, vm0 =	vpop (xrf1);
	_ =	sdelay $0x3  }
0x3fe: {  	v2 =	vcvt.s32.f32 v2  }
0x3ff: {  	[tilespmem:$0x1B8F0] =	vst v1  }
0x400: {  	[tilespmem:v1+s20+$0x0] =	vst.idx.add.f32.msk vm0, v2  }
0x401: {  	v1 =	vld [tilespmem:$0x2A00];
	_ =	sdelay $0x7  }
0x402: {  	v1 =	vld.idx.msk [tilespmem:v1+s5+$0x0], $0xffff;
	_ =	sdelay $0x4  }
0x403: {  	(xrf1) =	vunique.msk.u32 $0xffff, v1;
	_ =	sdelay $0xd  }
0x404: {  	_, v2, vm0 =	vpop (xrf1);
	_ =	sdelay $0x3  }
0x405: {  	v2 =	vcvt.s32.f32 v2  }
0x406: {  	[tilespmem:$0x1B900] =	vst v1  }
0x407: {  	[tilespmem:v1+s20+$0x0] =	vst.idx.add.f32.msk vm0, v2  }
0x408: {  	v1 =	vld [tilespmem:$0x2A10];
	_ =	sdelay $0x7  }
0x409: {  	v1 =	vld.idx.msk [tilespmem:v1+s5+$0x0], $0xffff;
	_ =	sdelay $0x4  }
0x40a: {  	(xrf1) =	vunique.msk.u32 $0xffff, v1;
	_ =	sdelay $0xd  }
0x40b: {  	_, v2, vm0 =	vpop (xrf1);
	_ =	sdelay $0x3  }
0x40c: {  	v2 =	vcvt.s32.f32 v2  }
0x40d: {  	[tilespmem:$0x1B910] =	vst v1  }
0x40e: {  	[tilespmem:v1+s20+$0x0] =	vst.idx.add.f32.msk vm0, v2  }
0x40f: {  	v1 =	vld [tilespmem:$0x2A20];
	_ =	sdelay $0x7  }
0x410: {  	v1 =	vld.idx.msk [tilespmem:v1+s5+$0x0], $0xffff;
	_ =	sdelay $0x4  }
0x411: {  	(xrf1) =	vunique.msk.u32 $0xffff, v1;
	_ =	sdelay $0xd  }
0x412: {  	_, v2, vm0 =	vpop (xrf1);
	_ =	sdelay $0x3  }
0x413: {  	v2 =	vcvt.s32.f32 v2  }
0x414: {  	[tilespmem:$0x1B920] =	vst v1  }
0x415: {  	[tilespmem:v1+s20+$0x0] =	vst.idx.add.f32.msk vm0, v2  }
0x416: {  	v1 =	vld [tilespmem:$0x2A30];
	_ =	sdelay $0x7  }
0x417: {  	v1 =	vld.idx.msk [tilespmem:v1+s5+$0x0], $0xffff;
	_ =	sdelay $0x4  }
0x418: {  	(xrf1) =	vunique.msk.u32 $0xffff, v1;
	_ =	sdelay $0xd  }
0x419: {  	_, v2, vm0 =	vpop (xrf1);
	_ =	sdelay $0x3  }
0x41a: {  	v2 =	vcvt.s32.f32 v2  }
0x41b: {  	[tilespmem:$0x1B930] =	vst v1  }
0x41c: {  	[tilespmem:v1+s20+$0x0] =	vst.idx.add.f32.msk vm0, v2  }
0x41d: {  	v1 =	vld [tilespmem:$0x2A40];
	_ =	sdelay $0x7  }
0x41e: {  	v1 =	vld.idx.msk [tilespmem:v1+s5+$0x0], $0xffff;
	_ =	sdelay $0x4  }
0x41f: {  	(xrf1) =	vunique.msk.u32 $0xffff, v1;
	_ =	sdelay $0xd  }
0x420: {  	_, v2, vm0 =	vpop (xrf1);
	_ =	sdelay $0x3  }
0x421: {  	v2 =	vcvt.s32.f32 v2  }
0x422: {  	[tilespmem:$0x1B940] =	vst v1  }
0x423: {  	[tilespmem:v1+s20+$0x0] =	vst.idx.add.f32.msk vm0, v2  }
0x424: {  	v1 =	vld [tilespmem:$0x2A50];
	_ =	sdelay $0x7  }
0x425: {  	v1 =	vld.idx.msk [tilespmem:v1+s5+$0x0], $0xffff;
	_ =	sdelay $0x4  }
0x426: {  	(xrf1) =	vunique.msk.u32 $0xffff, v1;
	_ =	sdelay $0xd  }
0x427: {  	_, v2, vm0 =	vpop (xrf1);
	_ =	sdelay $0x3  }
0x428: {  	v2 =	vcvt.s32.f32 v2  }
0x429: {  	[tilespmem:$0x1B950] =	vst v1  }
0x42a: {  	[tilespmem:v1+s20+$0x0] =	vst.idx.add.f32.msk vm0, v2  }
0x42b: {  	v1 =	vld [tilespmem:$0x2A60];
	_ =	sdelay $0x7  }
0x42c: {  	v1 =	vld.idx.msk [tilespmem:v1+s5+$0x0], $0xffff;
	_ =	sdelay $0x4  }
0x42d: {  	(xrf1) =	vunique.msk.u32 $0xffff, v1;
	_ =	sdelay $0xd  }
0x42e: {  	_, v2, vm0 =	vpop (xrf1);
	_ =	sdelay $0x3  }
0x42f: {  	v2 =	vcvt.s32.f32 v2  }
0x430: {  	[tilespmem:$0x1B960] =	vst v1  }
0x431: {  	[tilespmem:v1+s20+$0x0] =	vst.idx.add.f32.msk vm0, v2  }
0x432: {  	v1 =	vld [tilespmem:$0x2A70];
	_ =	sdelay $0x7  }
0x433: {  	v1 =	vld.idx.msk [tilespmem:v1+s5+$0x0], $0xffff;
	_ =	sdelay $0x4  }
0x434: {  	(xrf1) =	vunique.msk.u32 $0xffff, v1;
	_ =	sdelay $0xd  }
0x435: {  	_, v2, vm0 =	vpop (xrf1);
	_ =	sdelay $0x3  }
0x436: {  	v2 =	vcvt.s32.f32 v2  }
0x437: {  	[tilespmem:$0x1B970] =	vst v1  }
0x438: {  	[tilespmem:v1+s20+$0x0] =	vst.idx.add.f32.msk vm0, v2  }
0x439: {  	_ =	swait.ge [sflag:s29], $0x8000  }
0x43a: {  	[sflag:s29] =	ssyncset.done $0x0  }
0x43b: {  	s25 =	simm.s32 $0x1B880;
	[sflag:s29] =	ssyncadd.s32 $0xFFFF8000  }
0x43c: {  	[spmem:s4] =	stream.indirect.scatter.add.f32 [tilespmem:s12], [sflag:$0x6], $0x80, s25, s14, $0xb8;
	[tilespmem:$0x1BF00] =	vst v63  }
0x43d: {  	_ = 	snop  }
0x43e: {  	[spmem:s4] =	stream.indirect.scatter.add.f32 [tilespmem:s31], [sflag:$0x6], $0x80, s0, s14, $0xb8;
	[tilespmem:$0x1BF00] =	vst v63  }
0x43f: {  	_ =	swait.ge [sflag:s3], $0x4000  }
0x440: {  	[sflag:s3] =	ssyncset.done $0x0  }
0x441: {  	[sflag:s3] =	ssyncadd.s32 $0xFFFFC000  }
0x442: {  	_ =	swait.ge [sflag:s3], $0x4000  }
0x443: {  	[sflag:s3] =	ssyncset.done $0x0  }
0x444: {  	[sflag:s3] =	ssyncadd.s32 $0xFFFFC000  }
0x445: {  	_ =	swait.ge [sflag:s18], $0x4000  }
.Ltmp3:
0x446: {  	[sflag:s18] =	ssyncset.done $0x0;
	(pc) =	sbr.rel @p2 .LBB2_5-.Ltmp3, $4  }
0x447: {  	[sflag:s18] =	ssyncadd.s32 $0xFFFFC000  }
0x448: {  	s22 =	simm.s32 $0x2780;
	_ =	swait.ge [sflag:s18], $0x4000  }
0x449: {  	s30 =	simm.s32 $0x1B680;
	s1 =	simm.s32 $0xEA80;
	[sflag:s18] =	ssyncset.done $0x0  }
0x44a: {  	s25 =	simm.s32 $0xA;
	s6 =	sld [smem:$0x7FA];
	[sflag:s18] =	ssyncadd.s32 $0xFFFFC000  }
0x44b: {  	s8 =	rddreg [dreg:$0x1c]  }
0x44c: {  	[tilespmem:s22], [sflag:$0xA] =	stream.linear.gather [hbm4b:s8+s5], $0x80, $0x38;
	[tilespmem:$0x1BF00] =	vst v63  }
0x44d: {  	_ =	swait.ge [sflag:s25], $0x80  }
0x44e: {  	[sflag:s25] =	ssyncset.done $0x0  }
0x44f: {  	s24 =	rddreg [dreg:$0x1d];
	[sflag:s25] =	ssyncadd.s32 $0xFFFFFF80  }
0x450: {  	[tilespmem:s26], [sflag:$0xA] =	stream.linear.gather [hbm4b:s24+s5], $0x4000, $0x38;
	[tilespmem:$0x1BF00] =	vst v63  }
0x451: {  	_ =	swait.ge [sflag:s25], $0x4000  }
0x452: {  	[sflag:s25] =	ssyncset.done $0x0  }
0x453: {  	[sflag:s25] =	ssyncadd.s32 $0xFFFFC000  }
0x454: {  	v1 =	vld [tilespmem:$0x2780];
	_ =	sdelay $0x7  }
0x455: {  	v1 =	vld.idx.msk [tilespmem:v1+s5+$0x0], $0xffff;
	_ =	sdelay $0x4  }
0x456: {  	(xrf1) =	vunique.msk.u32 $0xffff, v1;
	_ =	sdelay $0xd  }
0x457: {  	_, v2, vm0 =	vpop (xrf1);
	_ =	sdelay $0x3  }
0x458: {  	v2 =	vcvt.s32.f32 v2  }
0x459: {  	[tilespmem:$0x1B680] =	vst v1  }
0x45a: {  	[tilespmem:v1+s20+$0x0] =	vst.idx.add.f32.msk vm0, v2  }
0x45b: {  	v1 =	vld [tilespmem:$0x2790];
	_ =	sdelay $0x7  }
0x45c: {  	v1 =	vld.idx.msk [tilespmem:v1+s5+$0x0], $0xffff;
	_ =	sdelay $0x4  }
0x45d: {  	(xrf1) =	vunique.msk.u32 $0xffff, v1;
	_ =	sdelay $0xd  }
0x45e: {  	_, v2, vm0 =	vpop (xrf1);
	_ =	sdelay $0x3  }
0x45f: {  	v2 =	vcvt.s32.f32 v2  }
0x460: {  	[tilespmem:$0x1B690] =	vst v1  }
0x461: {  	[tilespmem:v1+s20+$0x0] =	vst.idx.add.f32.msk vm0, v2  }
0x462: {  	v1 =	vld [tilespmem:$0x27A0];
	_ =	sdelay $0x7  }
0x463: {  	v1 =	vld.idx.msk [tilespmem:v1+s5+$0x0], $0xffff;
	_ =	sdelay $0x4  }
0x464: {  	(xrf1) =	vunique.msk.u32 $0xffff, v1;
	_ =	sdelay $0xd  }
0x465: {  	_, v2, vm0 =	vpop (xrf1);
	_ =	sdelay $0x3  }
0x466: {  	v2 =	vcvt.s32.f32 v2  }
0x467: {  	[tilespmem:$0x1B6A0] =	vst v1  }
0x468: {  	[tilespmem:v1+s20+$0x0] =	vst.idx.add.f32.msk vm0, v2  }
0x469: {  	v1 =	vld [tilespmem:$0x27B0];
	_ =	sdelay $0x7  }
0x46a: {  	v1 =	vld.idx.msk [tilespmem:v1+s5+$0x0], $0xffff;
	_ =	sdelay $0x4  }
0x46b: {  	(xrf1) =	vunique.msk.u32 $0xffff, v1;
	_ =	sdelay $0xd  }
0x46c: {  	_, v2, vm0 =	vpop (xrf1);
	_ =	sdelay $0x3  }
0x46d: {  	v2 =	vcvt.s32.f32 v2  }
0x46e: {  	[tilespmem:$0x1B6B0] =	vst v1  }
0x46f: {  	[tilespmem:v1+s20+$0x0] =	vst.idx.add.f32.msk vm0, v2  }
0x470: {  	v1 =	vld [tilespmem:$0x27C0];
	_ =	sdelay $0x7  }
0x471: {  	v1 =	vld.idx.msk [tilespmem:v1+s5+$0x0], $0xffff;
	_ =	sdelay $0x4  }
0x472: {  	(xrf1) =	vunique.msk.u32 $0xffff, v1;
	_ =	sdelay $0xd  }
0x473: {  	_, v2, vm0 =	vpop (xrf1);
	_ =	sdelay $0x3  }
0x474: {  	v2 =	vcvt.s32.f32 v2  }
0x475: {  	[tilespmem:$0x1B6C0] =	vst v1  }
0x476: {  	[tilespmem:v1+s20+$0x0] =	vst.idx.add.f32.msk vm0, v2  }
0x477: {  	v1 =	vld [tilespmem:$0x27D0];
	_ =	sdelay $0x7  }
0x478: {  	v1 =	vld.idx.msk [tilespmem:v1+s5+$0x0], $0xffff;
	_ =	sdelay $0x4  }
0x479: {  	(xrf1) =	vunique.msk.u32 $0xffff, v1;
	_ =	sdelay $0xd  }
0x47a: {  	_, v2, vm0 =	vpop (xrf1);
	_ =	sdelay $0x3  }
0x47b: {  	v2 =	vcvt.s32.f32 v2  }
0x47c: {  	[tilespmem:$0x1B6D0] =	vst v1  }
0x47d: {  	[tilespmem:v1+s20+$0x0] =	vst.idx.add.f32.msk vm0, v2  }
0x47e: {  	v1 =	vld [tilespmem:$0x27E0];
	_ =	sdelay $0x7  }
0x47f: {  	v1 =	vld.idx.msk [tilespmem:v1+s5+$0x0], $0xffff;
	_ =	sdelay $0x4  }
0x480: {  	(xrf1) =	vunique.msk.u32 $0xffff, v1;
	_ =	sdelay $0xd  }
0x481: {  	_, v2, vm0 =	vpop (xrf1);
	_ =	sdelay $0x3  }
0x482: {  	v2 =	vcvt.s32.f32 v2  }
0x483: {  	[tilespmem:$0x1B6E0] =	vst v1  }
0x484: {  	[tilespmem:v1+s20+$0x0] =	vst.idx.add.f32.msk vm0, v2  }
0x485: {  	v1 =	vld [tilespmem:$0x27F0];
	_ =	sdelay $0x7  }
0x486: {  	v1 =	vld.idx.msk [tilespmem:v1+s5+$0x0], $0xffff;
	_ =	sdelay $0x4  }
0x487: {  	(xrf1) =	vunique.msk.u32 $0xffff, v1;
	_ =	sdelay $0xd  }
0x488: {  	_, v2, vm0 =	vpop (xrf1);
	_ =	sdelay $0x3  }
0x489: {  	v2 =	vcvt.s32.f32 v2  }
0x48a: {  	[tilespmem:$0x1B6F0] =	vst v1  }
.Ltmp4:
0x48b: {  	[tilespmem:v1+s20+$0x0] =	vst.idx.add.f32.msk vm0, v2;
	(pc) =	sbr.rel .LBB2_5-.Ltmp4, $4  }
0x48c: {  	[spmem:s4] =	stream.indirect.scatter.add.f32 [tilespmem:s26], [sflag:$0xA], $0x80, s30, s14, $0xb8;
	[tilespmem:$0x1BF00] =	vst v63  }
0x48d: {  	_ =	swait.ge [sflag:s25], $0x4000  }
0x48e: {  	[sflag:s25] =	ssyncset.done $0x0  }
0x48f: {  	[sflag:s25] =	ssyncadd.s32 $0xFFFFC000  }
.LBB2_6:
0x490: {  	_ =	sfence.sel $0x180000  }
0x491: {  	[bflag:$0x0] =	sbarrier.arrive $0xFFFF  }
0x492: {  	_ =	strace $0x90000047  }
0x493: {  	s0 =	stileid.u32;
	[bflag:$0x2] =	sbarrier.arrive $0xFFFF  }
0x494: {  	p0 =	sne.s32 s0, $0x0;
	s0 =	rddreg [dreg:$0x7]  }
0x495: {  	s0 =	sadd.s32 @!p0 $0x100000, s0  }
0x496: {  	[sflag:s0] =	ssyncadd.tile.s32 @!p0 $0x1;
	_ =	shalt  }
.Lfunc_end2:
_tile_overlayer_lowered:
.L_overlay_start_2:
0x497: {  	(tag) =	ssettag $0x2  }
0x498: {  	s0 =	rddreg [dreg:$0x0];
	s2 =	stileid.u32  }
0x499: {  	s1 =	rddreg [dreg:$0x1];
	p0 =	sne.s32 s2, $0x0  }
0x49a: {  	s3 =	rddreg [dreg:$0x2];
	[bflag:$0x3] =	sbarrier.arrive $0xFFFF;
	s2 =	simm.s32 @!p0 $0x1C0A  }
0x49b: {  	[timem:s3], [sflag:s2] =	dma.local @!p0 [hbm:s0], s1  }
0x49c: {  	s0 =	simm.s32 @!p0 $0xA  }
0x49d: {  	_ =	swait.ge @!p0 [sflag:s0], s1  }
0x49e: {  	s1 =	ssub.s32 @!p0 $0x0, s1;
	[sflag:s0] =	ssyncset.done @!p0 $0x0  }
0x49f: {  	[sflag:s0] =	ssyncadd.s32 @!p0 s1  }
0x4a0: {  	[bflag:$0x3] =	sbarrier.arrive $0xFFFF  }
0x4a1: {  	_ =	shalt  }

</sc_bundles>
